<compile_context>
chip_gen: v7x
topology: tpu7x:2x2x1
jax: 0.10.2.dev20260603
libtpu: 0.0.44.dev20260713+nightly
codegen_flags: <defaults>
</compile_context>

<pallas_src>
import functools

import jax
import jax.numpy as jnp
from jax import lax
from jax.experimental import pallas as pl
from jax.experimental.pallas import tpu as pltpu
from jax.experimental.pallas import tpu_sc as plsc

_N = 10000
_E = 320000
_D = 128
_B = 128
_C = 10

_NC = 2
_NS = 16
_NW = _NC * _NS
_EPW = 10368
_EP = _NW * _EPW
_K = 48
_NB = 6
_RPT = 640
_NP = _NS * _RPT
_NCHUNK = _EPW // _K
_NGRP = _NCHUNK // _NB


def _sc_agg_body(h_hbm, src_hbm, dst_hbm, out_hbm, sidx, dring, rows,
                 agg_ref, *sems):
    gsems = sems[:_NB]
    ssems = sems[_NB:2 * _NB]
    isems = sems[2 * _NB:]
    c = lax.axis_index("c")
    s = lax.axis_index("s")
    w = c * _NS + s
    base = w * _EPW

    zv = jnp.zeros((16,), jnp.float32)

    def _zb(i, carry):
        rows[0, i // 8, pl.ds((i % 8) * 16, 16)] = zv
        return carry

    lax.fori_loop(0, 80 * 8, _zb, 0)

    def _zc(t, carry):
        pltpu.sync_copy(rows.at[0, pl.ds(0, 80)],
                        agg_ref.at[pl.ds(s * _RPT + t * 80, 80)])
        return carry

    lax.fori_loop(0, _RPT // 80, _zc, 0)
    plsc.subcore_barrier()

    pltpu.sync_copy(src_hbm.at[pl.ds(base, _EPW)], sidx)

    def _gather(j, b):
        pltpu.async_copy(h_hbm.at[sidx.at[pl.ds(j * _K, _K)]],
                         rows.at[b], gsems[b])

    def _gather_drain(b):
        pltpu.make_async_copy(h_hbm.at[pl.ds(0, _K)], rows.at[b],
                              gsems[b]).wait()

    def _scatter(b):
        pltpu.async_copy(rows.at[b], agg_ref.at[dring.at[b]], ssems[b],
                         add=True)

    def _scatter_drain(b):
        pltpu.make_async_copy(h_hbm.at[pl.ds(0, _K)], rows.at[b],
                              ssems[b]).wait()

    def _idx_load(j, b):
        pltpu.async_copy(dst_hbm.at[pl.ds(base + j * _K, _K)],
                         dring.at[b], isems[b])

    def _idx_drain(b):
        pltpu.make_async_copy(dst_hbm.at[pl.ds(0, _K)], dring.at[b],
                              isems[b]).wait()

    for b in range(_NB):
        _idx_load(b, b)
        _gather(b, b)

    def _grp(u, carry):
        j = _NB * u
        for b in range(_NB):
            _gather_drain(b)
            _idx_drain(b)
            _scatter(b)
        for b in range(_NB):
            _scatter_drain(b)
            _idx_load((j + b + _NB) % _NCHUNK, b)
            _gather((j + b + _NB) % _NCHUNK, b)
        return carry

    lax.fori_loop(0, _NGRP, _grp, 0)
    for b in range(_NB):
        _gather_drain(b)
        _idx_drain(b)
    plsc.subcore_barrier()

    pltpu.sync_copy(agg_ref.at[pl.ds(s * _RPT, _RPT)],
                    out_hbm.at[c, pl.ds(s * _RPT, _RPT)])


_SC_AGG_CACHE = []


def _sc_agg(h, src, dst):
    if not _SC_AGG_CACHE:
        _SC_AGG_CACHE.append(pl.kernel(
            _sc_agg_body,
            mesh=plsc.VectorSubcoreMesh(core_axis_name="c",
                                        subcore_axis_name="s"),
            out_type=jax.ShapeDtypeStruct((_NC, _NP, _D), jnp.float32),
            scratch_types=[
                pltpu.VMEM((_EPW,), jnp.int32),
                pltpu.VMEM((_NB, _K), jnp.int32),
                pltpu.VMEM((_NB, _K, _D), jnp.float32),
                pltpu.VMEM_SHARED((_NP, _D), jnp.float32),
            ] + [pltpu.SemaphoreType.DMA] * (3 * _NB),
        ))
    return _SC_AGG_CACHE[0](h, src, dst)


def _bn(t, g, be):
    m = jnp.mean(t, axis=0, keepdims=True)
    v = jnp.mean((t - m) * (t - m), axis=0, keepdims=True)
    return (t - m) * lax.rsqrt(v + 1e-5) * g + be


def _mlp_body(post_relu, x_ref, p_ref, wa_ref, ba_ref, g_ref, be_ref,
              wb_ref, bb_ref, o_ref):
    h = x_ref[...] + p_ref[0, 0:_N] + p_ref[1, 0:_N]
    t = jnp.dot(h, wa_ref[...], preferred_element_type=jnp.float32)
    t = _bn(t + ba_ref[...], g_ref[...], be_ref[...])
    t = jnp.maximum(t, 0.0)
    o = jnp.dot(t, wb_ref[...], preferred_element_type=jnp.float32)
    o = o + bb_ref[...]
    if post_relu:
        o = jnp.maximum(o, 0.0)
    o_ref[...] = o


def _mlp(x, p, wa, ba, g, be, wb, bb, post_relu):
    return pl.pallas_call(
        functools.partial(_mlp_body, post_relu),
        out_shape=jax.ShapeDtypeStruct((_N, _D), jnp.float32),
    )(x, p, wa, ba.reshape(1, -1), g.reshape(1, -1), be.reshape(1, -1),
      wb, bb.reshape(1, -1))


def _head_body(x_ref, p_ref, wa_ref, ba_ref, g_ref, be_ref, wb_ref, bb_ref,
               batch_ref, wl1_ref, bl1_ref, gl_ref, bel_ref, wl2_ref,
               bl2_ref, o_ref):
    h = x_ref[...] + p_ref[0, 0:_N] + p_ref[1, 0:_N]
    t = jnp.dot(h, wa_ref[...], preferred_element_type=jnp.float32)
    t = _bn(t + ba_ref[...], g_ref[...], be_ref[...])
    t = jnp.maximum(t, 0.0)
    h3 = jnp.dot(t, wb_ref[...], preferred_element_type=jnp.float32)
    h3 = h3 + bb_ref[...]
    ids = lax.broadcasted_iota(jnp.int32, (_B, _N), 0)
    oh = (batch_ref[...] == ids).astype(jnp.float32)
    sums = jnp.dot(oh, h3, preferred_element_type=jnp.float32)
    counts = jnp.sum(oh, axis=1, keepdims=True)
    pooled = sums / jnp.maximum(counts, 1.0)
    z = jnp.dot(pooled, wl1_ref[...], preferred_element_type=jnp.float32)
    z = _bn(z + bl1_ref[...], gl_ref[...], bel_ref[...])
    z = jnp.maximum(z, 0.0)
    z2 = jnp.dot(z, wl2_ref[...], preferred_element_type=jnp.float32)
    z2 = z2 + bl2_ref[...]
    m = jnp.max(z2, axis=1, keepdims=True)
    lse = m + jnp.log(jnp.sum(jnp.exp(z2 - m), axis=1, keepdims=True))
    o_ref[...] = z2 - lse


def _head(x, p, wa, ba, g, be, wb, bb, batch, wl1, bl1, gl, bel, wl2, bl2):
    return pl.pallas_call(
        _head_body,
        out_shape=jax.ShapeDtypeStruct((_B, _C), jnp.float32),
    )(x, p, wa, ba.reshape(1, -1), g.reshape(1, -1), be.reshape(1, -1),
      wb, bb.reshape(1, -1), batch.reshape(1, -1), wl1, bl1.reshape(1, -1),
      gl.reshape(1, -1), bel.reshape(1, -1), wl2, bl2.reshape(1, -1))


def kernel(x, edge_index, batch,
           w1a, b1a, g1, be1, w1b, b1b,
           w2a, b2a, g2, be2, w2b, b2b,
           w3a, b3a, g3, be3, w3b, b3b,
           wl1, bl1, gl, bel, wl2, bl2):
    npad = _EP - _E
    src = jnp.concatenate([edge_index[0], jnp.arange(npad, dtype=jnp.int32) % _N])
    pad_rows = _N + (jnp.arange(npad, dtype=jnp.int32) % (_NP - _N))
    dst = jnp.concatenate([edge_index[1], pad_rows])

    p = _sc_agg(x, src, dst)
    h = _mlp(x, p, w1a, b1a, g1, be1, w1b, b1b, post_relu=True)
    p = _sc_agg(h, src, dst)
    h = _mlp(h, p, w2a, b2a, g2, be2, w2b, b2b, post_relu=True)
    p = _sc_agg(h, src, dst)
    return _head(h, p, w3a, b3a, g3, be3, w3b, b3b, batch,
                 wl1, bl1, gl, bel, wl2, bl2)

# --- scband reference (transcript-rebuilt; emitter-appended) ---
"""Pipeline reference for scband-gin-52956946760185 (READ-ONLY COPY).

The authoritative reference and input builder live on the scoring server;
editing this copy changes nothing except your own understanding.
"""

import jax, jax.numpy as jnp
import numpy as np

N = 10000
E = 320000
D = 128
H = 128
C = 10
B = 128

def _lin(k, fin, fout):
    return (jax.random.normal(k, (fin, fout), dtype=jnp.float32) / np.sqrt(fin)).astype(jnp.float32)

def setup_inputs(seed: int = 0) -> dict:
    key = jax.random.key(seed)
    ks = jax.random.split(key, 32)
    inp = {}
    inp['x'] = jax.random.normal(ks[0], (N, D), dtype=jnp.float32)
    inp['edge_index'] = jax.random.randint(ks[1], (2, E), 0, N, dtype=jnp.int32)
    inp['batch'] = jnp.sort(jax.random.randint(ks[2], (N,), 0, B, dtype=jnp.int32))
    # conv1 MLP params
    inp['w1a'] = _lin(ks[3], D, H); inp['b1a'] = jnp.zeros((H,), jnp.float32)
    inp['g1'] = jnp.ones((H,), jnp.float32); inp['be1'] = jnp.zeros((H,), jnp.float32)
    inp['w1b'] = _lin(ks[4], H, H); inp['b1b'] = jnp.zeros((H,), jnp.float32)
    # conv2 MLP params
    inp['w2a'] = _lin(ks[5], H, H); inp['b2a'] = jnp.zeros((H,), jnp.float32)
    inp['g2'] = jnp.ones((H,), jnp.float32); inp['be2'] = jnp.zeros((H,), jnp.float32)
    inp['w2b'] = _lin(ks[6], H, H); inp['b2b'] = jnp.zeros((H,), jnp.float32)
    # conv3 MLP params
    inp['w3a'] = _lin(ks[7], H, H); inp['b3a'] = jnp.zeros((H,), jnp.float32)
    inp['g3'] = jnp.ones((H,), jnp.float32); inp['be3'] = jnp.zeros((H,), jnp.float32)
    inp['w3b'] = _lin(ks[8], H, H); inp['b3b'] = jnp.zeros((H,), jnp.float32)
    # final lin head
    inp['wl1'] = _lin(ks[9], H, H); inp['bl1'] = jnp.zeros((H,), jnp.float32)
    inp['gl'] = jnp.ones((H,), jnp.float32); inp['bel'] = jnp.zeros((H,), jnp.float32)
    inp['wl2'] = _lin(ks[10], H, C); inp['bl2'] = jnp.zeros((C,), jnp.float32)
    return inp

def _bn(h, g, b):
    m = jnp.mean(h, axis=0)
    v = jnp.var(h, axis=0)
    return (h - m) / jnp.sqrt(v + 1e-5) * g + b

def _gin_mlp(h, wa, ba, g, be, wb, bb):
    h = h @ wa + ba
    h = _bn(h, g, be)
    h = jax.nn.relu(h)
    return h @ wb + bb

def _gin_conv(x, edge_index, wa, ba, g, be, wb, bb):
    src = edge_index[0]
    dst = edge_index[1]
    agg = jnp.zeros_like(x).at[dst].add(x[src])
    h = x + agg  # eps = 0 -> (1+eps)*x + sum_neighbors
    return _gin_mlp(h, wa, ba, g, be, wb, bb)

def reference(x, edge_index, batch,
              w1a, b1a, g1, be1, w1b, b1b,
              w2a, b2a, g2, be2, w2b, b2b,
              w3a, b3a, g3, be3, w3b, b3b,
              wl1, bl1, gl, bel, wl2, bl2):
    h = _gin_conv(x, edge_index, w1a, b1a, g1, be1, w1b, b1b)
    h = jax.nn.relu(h)
    h = _gin_conv(h, edge_index, w2a, b2a, g2, be2, w2b, b2b)
    h = jax.nn.relu(h)
    h = _gin_conv(h, edge_index, w3a, b3a, g3, be3, w3b, b3b)
    # global mean pool
    sums = jax.ops.segment_sum(h, batch, num_segments=B)
    counts = jax.ops.segment_sum(jnp.ones((h.shape[0],), jnp.float32), batch, num_segments=B)
    pooled = sums / jnp.maximum(counts, 1.0)[:, None]
    # lin head (dropout_ratio=0.0 -> identity)
    z = pooled @ wl1 + bl1
    z = _bn(z, gl, bel)
    z = jax.nn.relu(z)
    z = z @ wl2 + bl2
    return jax.nn.log_softmax(z, axis=1)

if __name__ == "__main__":
    import jax
    _d = setup_inputs()
    print(jax.jit(kernel)(*tuple(_d.values())))

</pallas_src>

<mosaic_0001>
#map = affine_map<(d0, d1) -> (0, 0)>
#map1 = affine_map<(d0, d1) -> (0)>
#map2 = affine_map<(d0, d1) -> (0, 0, 0)>
module attributes {stable_mosaic.version = 14 : i64} {
  func.func @_sc_agg_body(%arg0: i32, %arg1: i32, %arg2: memref<10000x128xf32, #tpu.memory_space<hbm>>, %arg3: memref<331776xi32, #tpu.memory_space<hbm>>, %arg4: memref<331776xi32, #tpu.memory_space<hbm>>, %arg5: memref<2x10240x128xf32, #tpu.memory_space<hbm>>, %arg6: memref<10368xi32, #tpu.memory_space<vmem>>, %arg7: memref<6x48xi32, #tpu.memory_space<vmem>>, %arg8: memref<6x48x128xf32, #tpu.memory_space<vmem>>, %arg9: memref<10240x128xf32, #tpu.memory_space<vmem_shared>>, %arg10: memref<!tpu.dma_semaphore, #tpu.memory_space<semaphore_mem>>, %arg11: memref<!tpu.dma_semaphore, #tpu.memory_space<semaphore_mem>>, %arg12: memref<!tpu.dma_semaphore, #tpu.memory_space<semaphore_mem>>, %arg13: memref<!tpu.dma_semaphore, #tpu.memory_space<semaphore_mem>>, %arg14: memref<!tpu.dma_semaphore, #tpu.memory_space<semaphore_mem>>, %arg15: memref<!tpu.dma_semaphore, #tpu.memory_space<semaphore_mem>>, %arg16: memref<!tpu.dma_semaphore, #tpu.memory_space<semaphore_mem>>, %arg17: memref<!tpu.dma_semaphore, #tpu.memory_space<semaphore_mem>>, %arg18: memref<!tpu.dma_semaphore, #tpu.memory_space<semaphore_mem>>, %arg19: memref<!tpu.dma_semaphore, #tpu.memory_space<semaphore_mem>>, %arg20: memref<!tpu.dma_semaphore, #tpu.memory_space<semaphore_mem>>, %arg21: memref<!tpu.dma_semaphore, #tpu.memory_space<semaphore_mem>>, %arg22: memref<!tpu.dma_semaphore, #tpu.memory_space<semaphore_mem>>, %arg23: memref<!tpu.dma_semaphore, #tpu.memory_space<semaphore_mem>>, %arg24: memref<!tpu.dma_semaphore, #tpu.memory_space<semaphore_mem>>, %arg25: memref<!tpu.dma_semaphore, #tpu.memory_space<semaphore_mem>>, %arg26: memref<!tpu.dma_semaphore, #tpu.memory_space<semaphore_mem>>, %arg27: memref<!tpu.dma_semaphore, #tpu.memory_space<semaphore_mem>>) attributes {dimension_semantics = [#tpu.dimension_semantics<core_parallel>, #tpu.dimension_semantics<subcore_parallel>], iteration_bounds = array<i64: 2, 16>, scalar_prefetch = 0 : i64, scratch_operands = 22 : i64, tpu.core_type = #tpu.core_type<sc_vector_subcore>, window_params = [{transform_indices = #map}, {transform_indices = #map1}, {transform_indices = #map1}, {transform_indices = #map2}]} {
    %mul3A = arith.constant 16 : i32
    %mul3A_0 = arith.muli %arg0, %mul3A : i32
    %add3A = arith.addi %mul3A_0, %arg1 : i32
    %mul3A_1 = arith.constant 10368 : i32
    %mul3A_2 = arith.muli %add3A, %mul3A_1 : i32
    %broadcast_in_dim3A = arith.constant 0.000000e+00 : f32
    %broadcast_in_dim3A_3 = vector.broadcast %broadcast_in_dim3A : f32 to vector<16xf32>
    %scan3A = arith.constant 0 : i32
    %scan3A_4 = arith.constant 0 : i32
    %scan3A_5 = arith.constant 640 : i32
    %scan3A_6 = arith.addi %scan3A_4, %scan3A_5 : i32
    %scan3A_7 = arith.constant 1 : i32
    scf.for %scan3A_306 = %scan3A_4 to %scan3A_6 step %scan3A_7  : i32 {
      %jit3A = arith.constant 8 : i32
      %div3A = arith.divsi %scan3A_306, %jit3A : i32
      %sign3A = arith.constant 0 : i32
      %sign3A_307 = arith.cmpi sgt, %scan3A_306, %sign3A : i32
      %sign3A_308 = arith.extui %sign3A_307 : i1 to i32
      %sign3A_309 = arith.constant 0 : i32
      %sign3A_310 = arith.cmpi slt, %scan3A_306, %sign3A_309 : i32
      %sign3A_311 = arith.extui %sign3A_310 : i1 to i32
      %sign3A_312 = arith.subi %sign3A_308, %sign3A_311 : i32
      %sign3A_313 = arith.constant 0 : i32
      %sign3A_314 = arith.cmpi sgt, %jit3A, %sign3A_313 : i32
      %sign3A_315 = arith.extui %sign3A_314 : i1 to i32
      %sign3A_316 = arith.constant 0 : i32
      %sign3A_317 = arith.cmpi slt, %jit3A, %sign3A_316 : i32
      %sign3A_318 = arith.extui %sign3A_317 : i1 to i32
      %sign3A_319 = arith.subi %sign3A_315, %sign3A_318 : i32
      %ne3A = arith.cmpi ne, %sign3A_312, %sign3A_319 : i32
      %rem3A = arith.remsi %scan3A_306, %jit3A : i32
      %ne3A_320 = arith.constant 0 : i32
      %ne3A_321 = arith.cmpi ne, %rem3A, %ne3A_320 : i32
      %and3A = arith.andi %ne3A, %ne3A_321 : i1
      %sub3A = arith.constant 1 : i32
      %sub3A_322 = arith.subi %div3A, %sub3A : i32
      %select_n3A = arith.select %and3A, %sub3A_322, %div3A : i32
      %jit3A_323 = arith.constant 8 : i32
      %eq3A = arith.constant 0 : i32
      %eq3A_324 = arith.cmpi eq, %jit3A_323, %eq3A : i32
      %jit3A_325 = arith.constant 1 : i32
      %select_n3A_326 = arith.select %eq3A_324, %jit3A_325, %jit3A_323 : i32
      %rem3A_327 = arith.remsi %scan3A_306, %select_n3A_326 : i32
      %ne3A_328 = arith.constant 0 : i32
      %ne3A_329 = arith.cmpi ne, %rem3A_327, %ne3A_328 : i32
      %lt3A = arith.constant 0 : i32
      %lt3A_330 = arith.cmpi slt, %rem3A_327, %lt3A : i32
      %lt3A_331 = arith.constant 0 : i32
      %lt3A_332 = arith.cmpi slt, %select_n3A_326, %lt3A_331 : i32
      %ne3A_333 = arith.xori %lt3A_330, %lt3A_332 : i1
      %and3A_334 = arith.andi %ne3A_333, %ne3A_329 : i1
      %add3A_335 = arith.addi %rem3A_327, %select_n3A_326 : i32
      %select_n3A_336 = arith.select %and3A_334, %add3A_335, %rem3A_327 : i32
      %mul3A_337 = arith.constant 16 : i32
      %mul3A_338 = arith.muli %select_n3A_336, %mul3A_337 : i32
      %swap3A = arith.constant 0 : i32
      %swap3A_339 = arith.index_cast %swap3A : i32 to index
      %swap3A_340 = arith.index_cast %select_n3A : i32 to index
      %swap3A_341 = arith.index_cast %mul3A_338 : i32 to index
      %swap3A_342 = tpu.vector_load %arg8[%swap3A_339, %swap3A_340, %swap3A_341] {strides = array<i32>} : memref<6x48x128xf32, #tpu.memory_space<vmem>>, vector<1x1x16xf32>,
      %swap3A_343 = vector.shape_cast %swap3A_342 : vector<1x1x16xf32> to vector<16xf32>
      %swap3A_344 = vector.shape_cast %broadcast_in_dim3A_3 : vector<16xf32> to vector<1x1x16xf32>
      tpu.vector_store %arg8[%swap3A_339, %swap3A_340, %swap3A_341], %swap3A_344 {strides = array<i32>} : memref<6x48x128xf32, #tpu.memory_space<vmem>>, vector<1x1x16xf32>,
    }
    %scan3A_8 = arith.constant 640 : i32
    %scan3A_9 = arith.constant 0 : i32
    %scan3A_10 = arith.constant 0 : i32
    %scan3A_11 = arith.constant 8 : i32
    %scan3A_12 = arith.addi %scan3A_10, %scan3A_11 : i32
    %scan3A_13 = arith.constant 1 : i32
    scf.for %scan3A_306 = %scan3A_10 to %scan3A_12 step %scan3A_13  : i32 {
      %mul3A_307 = arith.constant 640 : i32
      %mul3A_308 = arith.muli %arg1, %mul3A_307 : i32
      %mul3A_309 = arith.constant 80 : i32
      %mul3A_310 = arith.muli %scan3A_306, %mul3A_309 : i32
      %add3A_311 = arith.addi %mul3A_308, %mul3A_310 : i32
      %run_scoped3A = arith.constant 0 : i32
      "tpu.region"() ({
        %run_scoped3A_312 = tpu.sem_alloc : memref<!tpu.dma_semaphore, #tpu.memory_space<semaphore_mem>>
        %dma_start3A_313 = arith.constant 0 : i32
        %dma_start3A_314 = arith.constant 0 : i32
        %dma_start3A_315 = tpu.memref_slice %arg8[%run_scoped3A, %dma_start3A_313, %dma_start3A_314] : memref<6x48x128xf32, #tpu.memory_space<vmem>> -> memref<1x80x128xf32, #tpu.memory_space<vmem>>
        %dma_start3A_316 = tpu.memref_squeeze %dma_start3A_315 : memref<1x80x128xf32, #tpu.memory_space<vmem>> -> memref<80x128xf32, #tpu.memory_space<vmem>>
        %dma_start3A_317 = arith.constant 0 : i32
        %dma_start3A_318 = tpu.memref_slice %arg9[%add3A_311, %dma_start3A_317] : memref<10240x128xf32, #tpu.memory_space<vmem_shared>> -> memref<80x128xf32, #tpu.memory_space<vmem_shared>>
        %dma_start3A_319 = arith.constant 0 : i32
        %dma_start3A_320 = tpu.memref_slice %arg9[%add3A_311, %dma_start3A_319] : memref<10240x128xf32, #tpu.memory_space<vmem_shared>> -> memref<80x128xf32, #tpu.memory_space<vmem_shared>>
        %dma_start3A_321 = arith.constant 0 : i32
        %dma_start3A_322 = arith.constant 0 : i32
        %dma_start3A_323 = tpu.memref_slice %arg8[%run_scoped3A, %dma_start3A_321, %dma_start3A_322] : memref<6x48x128xf32, #tpu.memory_space<vmem>> -> memref<1x80x128xf32, #tpu.memory_space<vmem>>
        %dma_start3A_324 = tpu.memref_squeeze %dma_start3A_323 : memref<1x80x128xf32, #tpu.memory_space<vmem>> -> memref<80x128xf32, #tpu.memory_space<vmem>>
        tpu.enqueue_dma source(%dma_start3A_324 : memref<80x128xf32, #tpu.memory_space<vmem>>) target(%dma_start3A_320 : memref<80x128xf32, #tpu.memory_space<vmem_shared>>) target_semaphore(%run_scoped3A_312 : memref<!tpu.dma_semaphore, #tpu.memory_space<semaphore_mem>>)
        %dma_wait3A_325 = arith.constant 0 : i32
        %dma_wait3A_326 = arith.constant 0 : i32
        %dma_wait3A_327 = tpu.memref_slice %arg8[%run_scoped3A, %dma_wait3A_325, %dma_wait3A_326] : memref<6x48x128xf32, #tpu.memory_space<vmem>> -> memref<1x80x128xf32, #tpu.memory_space<vmem>>
        %dma_wait3A_328 = tpu.memref_squeeze %dma_wait3A_327 : memref<1x80x128xf32, #tpu.memory_space<vmem>> -> memref<80x128xf32, #tpu.memory_space<vmem>>
        %dma_wait3A_329 = arith.constant 0 : i32
        %dma_wait3A_330 = tpu.memref_slice %arg9[%add3A_311, %dma_wait3A_329] : memref<10240x128xf32, #tpu.memory_space<vmem_shared>> -> memref<80x128xf32, #tpu.memory_space<vmem_shared>>
        %dma_wait3A_331 = arith.constant 0 : i32
        %dma_wait3A_332 = tpu.memref_slice %arg9[%add3A_311, %dma_wait3A_331] : memref<10240x128xf32, #tpu.memory_space<vmem_shared>> -> memref<80x128xf32, #tpu.memory_space<vmem_shared>>
        %dma_wait3A_333 = arith.constant 0 : i32
        %dma_wait3A_334 = arith.constant 0 : i32
        %dma_wait3A_335 = tpu.memref_slice %arg8[%run_scoped3A, %dma_wait3A_333, %dma_wait3A_334] : memref<6x48x128xf32, #tpu.memory_space<vmem>> -> memref<1x80x128xf32, #tpu.memory_space<vmem>>
        %dma_wait3A_336 = tpu.memref_squeeze %dma_wait3A_335 : memref<1x80x128xf32, #tpu.memory_space<vmem>> -> memref<80x128xf32, #tpu.memory_space<vmem>>
        tpu.wait_dma2 semaphore(%run_scoped3A_312 : memref<!tpu.dma_semaphore, #tpu.memory_space<semaphore_mem>>) src(%dma_wait3A_336 : memref<80x128xf32, #tpu.memory_space<vmem>>) dst(%dma_wait3A_332 : memref<80x128xf32, #tpu.memory_space<vmem_shared>>)
        tpu.yield
      }) : () -> ()
    }
    %scan3A_14 = arith.constant 8 : i32
    %barrier3A = arith.constant 0 : index
    tpu.barrier barrier_id(%barrier3A)
    "tpu.region"() ({
      %run_scoped3A = tpu.sem_alloc : memref<!tpu.dma_semaphore, #tpu.memory_space<semaphore_mem>>
      %dma_start3A_306 = tpu.memref_slice %arg3[%mul3A_2] : memref<331776xi32, #tpu.memory_space<hbm>> -> memref<10368xi32, #tpu.memory_space<hbm>>
      %dma_start3A_307 = tpu.memref_slice %arg3[%mul3A_2] : memref<331776xi32, #tpu.memory_space<hbm>> -> memref<10368xi32, #tpu.memory_space<hbm>>
      tpu.enqueue_dma source(%dma_start3A_307 : memref<10368xi32, #tpu.memory_space<hbm>>) target(%arg6 : memref<10368xi32, #tpu.memory_space<vmem>>) target_semaphore(%run_scoped3A : memref<!tpu.dma_semaphore, #tpu.memory_space<semaphore_mem>>)
      %dma_wait3A_308 = tpu.memref_slice %arg3[%mul3A_2] : memref<331776xi32, #tpu.memory_space<hbm>> -> memref<10368xi32, #tpu.memory_space<hbm>>
      %dma_wait3A_309 = tpu.memref_slice %arg3[%mul3A_2] : memref<331776xi32, #tpu.memory_space<hbm>> -> memref<10368xi32, #tpu.memory_space<hbm>>
      tpu.wait_dma2 semaphore(%run_scoped3A : memref<!tpu.dma_semaphore, #tpu.memory_space<semaphore_mem>>) src(%dma_wait3A_309 : memref<10368xi32, #tpu.memory_space<hbm>>) dst(%arg6 : memref<10368xi32, #tpu.memory_space<vmem>>)
      tpu.yield
    }) : () -> ()
    %add3A_15 = arith.constant 0 : i32
    %add3A_16 = arith.addi %mul3A_2, %add3A_15 : i32
    %dma_start3A = arith.constant 0 : i32
    %dma_start3A_17 = arith.constant 0 : i32
    %dma_start3A_18 = tpu.memref_slice %arg7[%dma_start3A, %dma_start3A_17] : memref<6x48xi32, #tpu.memory_space<vmem>> -> memref<1x48xi32, #tpu.memory_space<vmem>>
    %dma_start3A_19 = tpu.memref_squeeze %dma_start3A_18 : memref<1x48xi32, #tpu.memory_space<vmem>> -> memref<48xi32, #tpu.memory_space<vmem>>
    %dma_start3A_20 = tpu.memref_slice %arg4[%add3A_16] : memref<331776xi32, #tpu.memory_space<hbm>> -> memref<48xi32, #tpu.memory_space<hbm>>
    %dma_start3A_21 = arith.constant 0 : i32
    %dma_start3A_22 = tpu.memref_slice %arg7[%dma_start3A, %dma_start3A_21] : memref<6x48xi32, #tpu.memory_space<vmem>> -> memref<1x48xi32, #tpu.memory_space<vmem>>
    %dma_start3A_23 = tpu.memref_squeeze %dma_start3A_22 : memref<1x48xi32, #tpu.memory_space<vmem>> -> memref<48xi32, #tpu.memory_space<vmem>>
    %dma_start3A_24 = tpu.memref_slice %arg4[%add3A_16] : memref<331776xi32, #tpu.memory_space<hbm>> -> memref<48xi32, #tpu.memory_space<hbm>>
    tpu.enqueue_dma source(%dma_start3A_24 : memref<48xi32, #tpu.memory_space<hbm>>) target(%dma_start3A_23 : memref<48xi32, #tpu.memory_space<vmem>>) target_semaphore(%arg22 : memref<!tpu.dma_semaphore, #tpu.memory_space<semaphore_mem>>)
    %dma_start3A_25 = arith.constant 0 : i32
    %dma_start3A_26 = arith.constant 0 : i32
    %dma_start3A_27 = arith.constant 0 : i32
    %dma_start3A_28 = tpu.memref_slice %arg8[%dma_start3A_25, %dma_start3A_26, %dma_start3A_27] : memref<6x48x128xf32, #tpu.memory_space<vmem>> -> memref<1x48x128xf32, #tpu.memory_space<vmem>>
    %dma_start3A_29 = tpu.memref_squeeze %dma_start3A_28 : memref<1x48x128xf32, #tpu.memory_space<vmem>> -> memref<48x128xf32, #tpu.memory_space<vmem>>
    %dma_start3A_30 = arith.constant 0 : i32
    %dma_start3A_31 = tpu.memref_slice %arg6[%dma_start3A_30] : memref<10368xi32, #tpu.memory_space<vmem>> -> memref<48xi32, #tpu.memory_space<vmem>>
    %dma_start3A_32 = arith.constant 0 : i32
    %dma_start3A_33 = arith.constant 0 : i32
    %dma_start3A_34 = tpu.memref_slice %arg2[%dma_start3A_32, %dma_start3A_33] : memref<10000x128xf32, #tpu.memory_space<hbm>> -> memref<10000x128xf32, #tpu.memory_space<hbm>>
    tpu.enqueue_indirect_dma source(%dma_start3A_34 : memref<10000x128xf32, #tpu.memory_space<hbm>>) target(%dma_start3A_29 : memref<48x128xf32, #tpu.memory_space<vmem>>) offsets(%dma_start3A_31 : memref<48xi32, #tpu.memory_space<vmem>>) semaphore(%arg10 : memref<!tpu.dma_semaphore, #tpu.memory_space<semaphore_mem>>)
    %add3A_35 = arith.constant 48 : i32
    %add3A_36 = arith.addi %mul3A_2, %add3A_35 : i32
    %dma_start3A_37 = arith.constant 1 : i32
    %dma_start3A_38 = arith.constant 0 : i32
    %dma_start3A_39 = tpu.memref_slice %arg7[%dma_start3A_37, %dma_start3A_38] : memref<6x48xi32, #tpu.memory_space<vmem>> -> memref<1x48xi32, #tpu.memory_space<vmem>>
    %dma_start3A_40 = tpu.memref_squeeze %dma_start3A_39 : memref<1x48xi32, #tpu.memory_space<vmem>> -> memref<48xi32, #tpu.memory_space<vmem>>
    %dma_start3A_41 = tpu.memref_slice %arg4[%add3A_36] : memref<331776xi32, #tpu.memory_space<hbm>> -> memref<48xi32, #tpu.memory_space<hbm>>
    %dma_start3A_42 = arith.constant 0 : i32
    %dma_start3A_43 = tpu.memref_slice %arg7[%dma_start3A_37, %dma_start3A_42] : memref<6x48xi32, #tpu.memory_space<vmem>> -> memref<1x48xi32, #tpu.memory_space<vmem>>
    %dma_start3A_44 = tpu.memref_squeeze %dma_start3A_43 : memref<1x48xi32, #tpu.memory_space<vmem>> -> memref<48xi32, #tpu.memory_space<vmem>>
    %dma_start3A_45 = tpu.memref_slice %arg4[%add3A_36] : memref<331776xi32, #tpu.memory_space<hbm>> -> memref<48xi32, #tpu.memory_space<hbm>>
    tpu.enqueue_dma source(%dma_start3A_45 : memref<48xi32, #tpu.memory_space<hbm>>) target(%dma_start3A_44 : memref<48xi32, #tpu.memory_space<vmem>>) target_semaphore(%arg23 : memref<!tpu.dma_semaphore, #tpu.memory_space<semaphore_mem>>)
    %dma_start3A_46 = arith.constant 1 : i32
    %dma_start3A_47 = arith.constant 0 : i32
    %dma_start3A_48 = arith.constant 0 : i32
    %dma_start3A_49 = tpu.memref_slice %arg8[%dma_start3A_46, %dma_start3A_47, %dma_start3A_48] : memref<6x48x128xf32, #tpu.memory_space<vmem>> -> memref<1x48x128xf32, #tpu.memory_space<vmem>>
    %dma_start3A_50 = tpu.memref_squeeze %dma_start3A_49 : memref<1x48x128xf32, #tpu.memory_space<vmem>> -> memref<48x128xf32, #tpu.memory_space<vmem>>
    %dma_start3A_51 = arith.constant 48 : i32
    %dma_start3A_52 = tpu.memref_slice %arg6[%dma_start3A_51] : memref<10368xi32, #tpu.memory_space<vmem>> -> memref<48xi32, #tpu.memory_space<vmem>>
    %dma_start3A_53 = arith.constant 0 : i32
    %dma_start3A_54 = arith.constant 0 : i32
    %dma_start3A_55 = tpu.memref_slice %arg2[%dma_start3A_53, %dma_start3A_54] : memref<10000x128xf32, #tpu.memory_space<hbm>> -> memref<10000x128xf32, #tpu.memory_space<hbm>>
    tpu.enqueue_indirect_dma source(%dma_start3A_55 : memref<10000x128xf32, #tpu.memory_space<hbm>>) target(%dma_start3A_50 : memref<48x128xf32, #tpu.memory_space<vmem>>) offsets(%dma_start3A_52 : memref<48xi32, #tpu.memory_space<vmem>>) semaphore(%arg11 : memref<!tpu.dma_semaphore, #tpu.memory_space<semaphore_mem>>)
    %add3A_56 = arith.constant 96 : i32
    %add3A_57 = arith.addi %mul3A_2, %add3A_56 : i32
    %dma_start3A_58 = arith.constant 2 : i32
    %dma_start3A_59 = arith.constant 0 : i32
    %dma_start3A_60 = tpu.memref_slice %arg7[%dma_start3A_58, %dma_start3A_59] : memref<6x48xi32, #tpu.memory_space<vmem>> -> memref<1x48xi32, #tpu.memory_space<vmem>>
    %dma_start3A_61 = tpu.memref_squeeze %dma_start3A_60 : memref<1x48xi32, #tpu.memory_space<vmem>> -> memref<48xi32, #tpu.memory_space<vmem>>
    %dma_start3A_62 = tpu.memref_slice %arg4[%add3A_57] : memref<331776xi32, #tpu.memory_space<hbm>> -> memref<48xi32, #tpu.memory_space<hbm>>
    %dma_start3A_63 = arith.constant 0 : i32
    %dma_start3A_64 = tpu.memref_slice %arg7[%dma_start3A_58, %dma_start3A_63] : memref<6x48xi32, #tpu.memory_space<vmem>> -> memref<1x48xi32, #tpu.memory_space<vmem>>
    %dma_start3A_65 = tpu.memref_squeeze %dma_start3A_64 : memref<1x48xi32, #tpu.memory_space<vmem>> -> memref<48xi32, #tpu.memory_space<vmem>>
    %dma_start3A_66 = tpu.memref_slice %arg4[%add3A_57] : memref<331776xi32, #tpu.memory_space<hbm>> -> memref<48xi32, #tpu.memory_space<hbm>>
    tpu.enqueue_dma source(%dma_start3A_66 : memref<48xi32, #tpu.memory_space<hbm>>) target(%dma_start3A_65 : memref<48xi32, #tpu.memory_space<vmem>>) target_semaphore(%arg24 : memref<!tpu.dma_semaphore, #tpu.memory_space<semaphore_mem>>)
    %dma_start3A_67 = arith.constant 2 : i32
    %dma_start3A_68 = arith.constant 0 : i32
    %dma_start3A_69 = arith.constant 0 : i32
    %dma_start3A_70 = tpu.memref_slice %arg8[%dma_start3A_67, %dma_start3A_68, %dma_start3A_69] : memref<6x48x128xf32, #tpu.memory_space<vmem>> -> memref<1x48x128xf32, #tpu.memory_space<vmem>>
    %dma_start3A_71 = tpu.memref_squeeze %dma_start3A_70 : memref<1x48x128xf32, #tpu.memory_space<vmem>> -> memref<48x128xf32, #tpu.memory_space<vmem>>
    %dma_start3A_72 = arith.constant 96 : i32
    %dma_start3A_73 = tpu.memref_slice %arg6[%dma_start3A_72] : memref<10368xi32, #tpu.memory_space<vmem>> -> memref<48xi32, #tpu.memory_space<vmem>>
    %dma_start3A_74 = arith.constant 0 : i32
    %dma_start3A_75 = arith.constant 0 : i32
    %dma_start3A_76 = tpu.memref_slice %arg2[%dma_start3A_74, %dma_start3A_75] : memref<10000x128xf32, #tpu.memory_space<hbm>> -> memref<10000x128xf32, #tpu.memory_space<hbm>>
    tpu.enqueue_indirect_dma source(%dma_start3A_76 : memref<10000x128xf32, #tpu.memory_space<hbm>>) target(%dma_start3A_71 : memref<48x128xf32, #tpu.memory_space<vmem>>) offsets(%dma_start3A_73 : memref<48xi32, #tpu.memory_space<vmem>>) semaphore(%arg12 : memref<!tpu.dma_semaphore, #tpu.memory_space<semaphore_mem>>)
    %add3A_77 = arith.constant 144 : i32
    %add3A_78 = arith.addi %mul3A_2, %add3A_77 : i32
    %dma_start3A_79 = arith.constant 3 : i32
    %dma_start3A_80 = arith.constant 0 : i32
    %dma_start3A_81 = tpu.memref_slice %arg7[%dma_start3A_79, %dma_start3A_80] : memref<6x48xi32, #tpu.memory_space<vmem>> -> memref<1x48xi32, #tpu.memory_space<vmem>>
    %dma_start3A_82 = tpu.memref_squeeze %dma_start3A_81 : memref<1x48xi32, #tpu.memory_space<vmem>> -> memref<48xi32, #tpu.memory_space<vmem>>
    %dma_start3A_83 = tpu.memref_slice %arg4[%add3A_78] : memref<331776xi32, #tpu.memory_space<hbm>> -> memref<48xi32, #tpu.memory_space<hbm>>
    %dma_start3A_84 = arith.constant 0 : i32
    %dma_start3A_85 = tpu.memref_slice %arg7[%dma_start3A_79, %dma_start3A_84] : memref<6x48xi32, #tpu.memory_space<vmem>> -> memref<1x48xi32, #tpu.memory_space<vmem>>
    %dma_start3A_86 = tpu.memref_squeeze %dma_start3A_85 : memref<1x48xi32, #tpu.memory_space<vmem>> -> memref<48xi32, #tpu.memory_space<vmem>>
    %dma_start3A_87 = tpu.memref_slice %arg4[%add3A_78] : memref<331776xi32, #tpu.memory_space<hbm>> -> memref<48xi32, #tpu.memory_space<hbm>>
    tpu.enqueue_dma source(%dma_start3A_87 : memref<48xi32, #tpu.memory_space<hbm>>) target(%dma_start3A_86 : memref<48xi32, #tpu.memory_space<vmem>>) target_semaphore(%arg25 : memref<!tpu.dma_semaphore, #tpu.memory_space<semaphore_mem>>)
    %dma_start3A_88 = arith.constant 3 : i32
    %dma_start3A_89 = arith.constant 0 : i32
    %dma_start3A_90 = arith.constant 0 : i32
    %dma_start3A_91 = tpu.memref_slice %arg8[%dma_start3A_88, %dma_start3A_89, %dma_start3A_90] : memref<6x48x128xf32, #tpu.memory_space<vmem>> -> memref<1x48x128xf32, #tpu.memory_space<vmem>>
    %dma_start3A_92 = tpu.memref_squeeze %dma_start3A_91 : memref<1x48x128xf32, #tpu.memory_space<vmem>> -> memref<48x128xf32, #tpu.memory_space<vmem>>
    %dma_start3A_93 = arith.constant 144 : i32
    %dma_start3A_94 = tpu.memref_slice %arg6[%dma_start3A_93] : memref<10368xi32, #tpu.memory_space<vmem>> -> memref<48xi32, #tpu.memory_space<vmem>>
    %dma_start3A_95 = arith.constant 0 : i32
    %dma_start3A_96 = arith.constant 0 : i32
    %dma_start3A_97 = tpu.memref_slice %arg2[%dma_start3A_95, %dma_start3A_96] : memref<10000x128xf32, #tpu.memory_space<hbm>> -> memref<10000x128xf32, #tpu.memory_space<hbm>>
    tpu.enqueue_indirect_dma source(%dma_start3A_97 : memref<10000x128xf32, #tpu.memory_space<hbm>>) target(%dma_start3A_92 : memref<48x128xf32, #tpu.memory_space<vmem>>) offsets(%dma_start3A_94 : memref<48xi32, #tpu.memory_space<vmem>>) semaphore(%arg13 : memref<!tpu.dma_semaphore, #tpu.memory_space<semaphore_mem>>)
    %add3A_98 = arith.constant 192 : i32
    %add3A_99 = arith.addi %mul3A_2, %add3A_98 : i32
    %dma_start3A_100 = arith.constant 4 : i32
    %dma_start3A_101 = arith.constant 0 : i32
    %dma_start3A_102 = tpu.memref_slice %arg7[%dma_start3A_100, %dma_start3A_101] : memref<6x48xi32, #tpu.memory_space<vmem>> -> memref<1x48xi32, #tpu.memory_space<vmem>>
    %dma_start3A_103 = tpu.memref_squeeze %dma_start3A_102 : memref<1x48xi32, #tpu.memory_space<vmem>> -> memref<48xi32, #tpu.memory_space<vmem>>
    %dma_start3A_104 = tpu.memref_slice %arg4[%add3A_99] : memref<331776xi32, #tpu.memory_space<hbm>> -> memref<48xi32, #tpu.memory_space<hbm>>
    %dma_start3A_105 = arith.constant 0 : i32
    %dma_start3A_106 = tpu.memref_slice %arg7[%dma_start3A_100, %dma_start3A_105] : memref<6x48xi32, #tpu.memory_space<vmem>> -> memref<1x48xi32, #tpu.memory_space<vmem>>
    %dma_start3A_107 = tpu.memref_squeeze %dma_start3A_106 : memref<1x48xi32, #tpu.memory_space<vmem>> -> memref<48xi32, #tpu.memory_space<vmem>>
    %dma_start3A_108 = tpu.memref_slice %arg4[%add3A_99] : memref<331776xi32, #tpu.memory_space<hbm>> -> memref<48xi32, #tpu.memory_space<hbm>>
    tpu.enqueue_dma source(%dma_start3A_108 : memref<48xi32, #tpu.memory_space<hbm>>) target(%dma_start3A_107 : memref<48xi32, #tpu.memory_space<vmem>>) target_semaphore(%arg26 : memref<!tpu.dma_semaphore, #tpu.memory_space<semaphore_mem>>)
    %dma_start3A_109 = arith.constant 4 : i32
    %dma_start3A_110 = arith.constant 0 : i32
    %dma_start3A_111 = arith.constant 0 : i32
    %dma_start3A_112 = tpu.memref_slice %arg8[%dma_start3A_109, %dma_start3A_110, %dma_start3A_111] : memref<6x48x128xf32, #tpu.memory_space<vmem>> -> memref<1x48x128xf32, #tpu.memory_space<vmem>>
    %dma_start3A_113 = tpu.memref_squeeze %dma_start3A_112 : memref<1x48x128xf32, #tpu.memory_space<vmem>> -> memref<48x128xf32, #tpu.memory_space<vmem>>
    %dma_start3A_114 = arith.constant 192 : i32
    %dma_start3A_115 = tpu.memref_slice %arg6[%dma_start3A_114] : memref<10368xi32, #tpu.memory_space<vmem>> -> memref<48xi32, #tpu.memory_space<vmem>>
    %dma_start3A_116 = arith.constant 0 : i32
    %dma_start3A_117 = arith.constant 0 : i32
    %dma_start3A_118 = tpu.memref_slice %arg2[%dma_start3A_116, %dma_start3A_117] : memref<10000x128xf32, #tpu.memory_space<hbm>> -> memref<10000x128xf32, #tpu.memory_space<hbm>>
    tpu.enqueue_indirect_dma source(%dma_start3A_118 : memref<10000x128xf32, #tpu.memory_space<hbm>>) target(%dma_start3A_113 : memref<48x128xf32, #tpu.memory_space<vmem>>) offsets(%dma_start3A_115 : memref<48xi32, #tpu.memory_space<vmem>>) semaphore(%arg14 : memref<!tpu.dma_semaphore, #tpu.memory_space<semaphore_mem>>)
    %add3A_119 = arith.constant 240 : i32
    %add3A_120 = arith.addi %mul3A_2, %add3A_119 : i32
    %dma_start3A_121 = arith.constant 5 : i32
    %dma_start3A_122 = arith.constant 0 : i32
    %dma_start3A_123 = tpu.memref_slice %arg7[%dma_start3A_121, %dma_start3A_122] : memref<6x48xi32, #tpu.memory_space<vmem>> -> memref<1x48xi32, #tpu.memory_space<vmem>>
    %dma_start3A_124 = tpu.memref_squeeze %dma_start3A_123 : memref<1x48xi32, #tpu.memory_space<vmem>> -> memref<48xi32, #tpu.memory_space<vmem>>
    %dma_start3A_125 = tpu.memref_slice %arg4[%add3A_120] : memref<331776xi32, #tpu.memory_space<hbm>> -> memref<48xi32, #tpu.memory_space<hbm>>
    %dma_start3A_126 = arith.constant 0 : i32
    %dma_start3A_127 = tpu.memref_slice %arg7[%dma_start3A_121, %dma_start3A_126] : memref<6x48xi32, #tpu.memory_space<vmem>> -> memref<1x48xi32, #tpu.memory_space<vmem>>
    %dma_start3A_128 = tpu.memref_squeeze %dma_start3A_127 : memref<1x48xi32, #tpu.memory_space<vmem>> -> memref<48xi32, #tpu.memory_space<vmem>>
    %dma_start3A_129 = tpu.memref_slice %arg4[%add3A_120] : memref<331776xi32, #tpu.memory_space<hbm>> -> memref<48xi32, #tpu.memory_space<hbm>>
    tpu.enqueue_dma source(%dma_start3A_129 : memref<48xi32, #tpu.memory_space<hbm>>) target(%dma_start3A_128 : memref<48xi32, #tpu.memory_space<vmem>>) target_semaphore(%arg27 : memref<!tpu.dma_semaphore, #tpu.memory_space<semaphore_mem>>)
    %dma_start3A_130 = arith.constant 5 : i32
    %dma_start3A_131 = arith.constant 0 : i32
    %dma_start3A_132 = arith.constant 0 : i32
    %dma_start3A_133 = tpu.memref_slice %arg8[%dma_start3A_130, %dma_start3A_131, %dma_start3A_132] : memref<6x48x128xf32, #tpu.memory_space<vmem>> -> memref<1x48x128xf32, #tpu.memory_space<vmem>>
    %dma_start3A_134 = tpu.memref_squeeze %dma_start3A_133 : memref<1x48x128xf32, #tpu.memory_space<vmem>> -> memref<48x128xf32, #tpu.memory_space<vmem>>
    %dma_start3A_135 = arith.constant 240 : i32
    %dma_start3A_136 = tpu.memref_slice %arg6[%dma_start3A_135] : memref<10368xi32, #tpu.memory_space<vmem>> -> memref<48xi32, #tpu.memory_space<vmem>>
    %dma_start3A_137 = arith.constant 0 : i32
    %dma_start3A_138 = arith.constant 0 : i32
    %dma_start3A_139 = tpu.memref_slice %arg2[%dma_start3A_137, %dma_start3A_138] : memref<10000x128xf32, #tpu.memory_space<hbm>> -> memref<10000x128xf32, #tpu.memory_space<hbm>>
    tpu.enqueue_indirect_dma source(%dma_start3A_139 : memref<10000x128xf32, #tpu.memory_space<hbm>>) target(%dma_start3A_134 : memref<48x128xf32, #tpu.memory_space<vmem>>) offsets(%dma_start3A_136 : memref<48xi32, #tpu.memory_space<vmem>>) semaphore(%arg15 : memref<!tpu.dma_semaphore, #tpu.memory_space<semaphore_mem>>)
    %scan3A_140 = arith.constant 0 : i32
    %scan3A_141 = arith.constant 0 : i32
    %scan3A_142 = arith.constant 36 : i32
    %scan3A_143 = arith.addi %scan3A_141, %scan3A_142 : i32
    %scan3A_144 = arith.constant 1 : i32
    scf.for %scan3A_306 = %scan3A_141 to %scan3A_143 step %scan3A_144  : i32 {
      %mul3A_307 = arith.constant 6 : i32
      %mul3A_308 = arith.muli %mul3A_307, %scan3A_306 : i32
      %dma_wait3A_309 = arith.constant 0 : i32
      %dma_wait3A_310 = arith.constant 0 : i32
      %dma_wait3A_311 = arith.constant 0 : i32
      %dma_wait3A_312 = tpu.memref_slice %arg8[%dma_wait3A_309, %dma_wait3A_310, %dma_wait3A_311] : memref<6x48x128xf32, #tpu.memory_space<vmem>> -> memref<1x48x128xf32, #tpu.memory_space<vmem>>
      %dma_wait3A_313 = tpu.memref_squeeze %dma_wait3A_312 : memref<1x48x128xf32, #tpu.memory_space<vmem>> -> memref<48x128xf32, #tpu.memory_space<vmem>>
      %dma_wait3A_314 = arith.constant 0 : i32
      %dma_wait3A_315 = arith.constant 0 : i32
      %dma_wait3A_316 = tpu.memref_slice %arg2[%dma_wait3A_314, %dma_wait3A_315] : memref<10000x128xf32, #tpu.memory_space<hbm>> -> memref<48x128xf32, #tpu.memory_space<hbm>>
      %dma_wait3A_317 = arith.constant 0 : i32
      %dma_wait3A_318 = arith.constant 0 : i32
      %dma_wait3A_319 = tpu.memref_slice %arg8[%dma_wait3A_309, %dma_wait3A_317, %dma_wait3A_318] : memref<6x48x128xf32, #tpu.memory_space<vmem>> -> memref<1x48x128xf32, #tpu.memory_space<vmem>>
      %dma_wait3A_320 = tpu.memref_squeeze %dma_wait3A_319 : memref<1x48x128xf32, #tpu.memory_space<vmem>> -> memref<48x128xf32, #tpu.memory_space<vmem>>
      %dma_wait3A_321 = arith.constant 0 : i32
      %dma_wait3A_322 = arith.constant 0 : i32
      %dma_wait3A_323 = tpu.memref_slice %arg2[%dma_wait3A_321, %dma_wait3A_322] : memref<10000x128xf32, #tpu.memory_space<hbm>> -> memref<48x128xf32, #tpu.memory_space<hbm>>
      tpu.wait_dma2 semaphore(%arg10 : memref<!tpu.dma_semaphore, #tpu.memory_space<semaphore_mem>>) src(%dma_wait3A_323 : memref<48x128xf32, #tpu.memory_space<hbm>>) dst(%dma_wait3A_320 : memref<48x128xf32, #tpu.memory_space<vmem>>)
      %dma_wait3A_324 = arith.constant 0 : i32
      %dma_wait3A_325 = arith.constant 0 : i32
      %dma_wait3A_326 = tpu.memref_slice %arg7[%dma_wait3A_324, %dma_wait3A_325] : memref<6x48xi32, #tpu.memory_space<vmem>> -> memref<1x48xi32, #tpu.memory_space<vmem>>
      %dma_wait3A_327 = tpu.memref_squeeze %dma_wait3A_326 : memref<1x48xi32, #tpu.memory_space<vmem>> -> memref<48xi32, #tpu.memory_space<vmem>>
      %dma_wait3A_328 = arith.constant 0 : i32
      %dma_wait3A_329 = tpu.memref_slice %arg4[%dma_wait3A_328] : memref<331776xi32, #tpu.memory_space<hbm>> -> memref<48xi32, #tpu.memory_space<hbm>>
      %dma_wait3A_330 = arith.constant 0 : i32
      %dma_wait3A_331 = tpu.memref_slice %arg7[%dma_wait3A_324, %dma_wait3A_330] : memref<6x48xi32, #tpu.memory_space<vmem>> -> memref<1x48xi32, #tpu.memory_space<vmem>>
      %dma_wait3A_332 = tpu.memref_squeeze %dma_wait3A_331 : memref<1x48xi32, #tpu.memory_space<vmem>> -> memref<48xi32, #tpu.memory_space<vmem>>
      %dma_wait3A_333 = arith.constant 0 : i32
      %dma_wait3A_334 = tpu.memref_slice %arg4[%dma_wait3A_333] : memref<331776xi32, #tpu.memory_space<hbm>> -> memref<48xi32, #tpu.memory_space<hbm>>
      tpu.wait_dma2 semaphore(%arg22 : memref<!tpu.dma_semaphore, #tpu.memory_space<semaphore_mem>>) src(%dma_wait3A_334 : memref<48xi32, #tpu.memory_space<hbm>>) dst(%dma_wait3A_332 : memref<48xi32, #tpu.memory_space<vmem>>)
      %dma_start3A_335 = arith.constant 0 : i32
      %dma_start3A_336 = arith.constant 0 : i32
      %dma_start3A_337 = arith.constant 0 : i32
      %dma_start3A_338 = arith.constant 0 : i32
      %dma_start3A_339 = tpu.memref_slice %arg8[%dma_start3A_335, %dma_start3A_337, %dma_start3A_338] : memref<6x48x128xf32, #tpu.memory_space<vmem>> -> memref<1x48x128xf32, #tpu.memory_space<vmem>>
      %dma_start3A_340 = tpu.memref_squeeze %dma_start3A_339 : memref<1x48x128xf32, #tpu.memory_space<vmem>> -> memref<48x128xf32, #tpu.memory_space<vmem>>
      %dma_start3A_341 = arith.constant 0 : i32
      %dma_start3A_342 = tpu.memref_slice %arg7[%dma_start3A_336, %dma_start3A_341] : memref<6x48xi32, #tpu.memory_space<vmem>> -> memref<1x48xi32, #tpu.memory_space<vmem>>
      %dma_start3A_343 = tpu.memref_squeeze %dma_start3A_342 : memref<1x48xi32, #tpu.memory_space<vmem>> -> memref<48xi32, #tpu.memory_space<vmem>>
      %dma_start3A_344 = arith.constant 0 : i32
      %dma_start3A_345 = arith.constant 0 : i32
      %dma_start3A_346 = tpu.memref_slice %arg9[%dma_start3A_344, %dma_start3A_345] : memref<10240x128xf32, #tpu.memory_space<vmem_shared>> -> memref<10240x128xf32, #tpu.memory_space<vmem_shared>>
      tpu.enqueue_indirect_dma source(%dma_start3A_340 : memref<48x128xf32, #tpu.memory_space<vmem>>) target(%dma_start3A_346 : memref<10240x128xf32, #tpu.memory_space<vmem_shared>>) offsets(%dma_start3A_343 : memref<48xi32, #tpu.memory_space<vmem>>) semaphore(%arg16 : memref<!tpu.dma_semaphore, #tpu.memory_space<semaphore_mem>>) {add = true}
      %dma_wait3A_347 = arith.constant 1 : i32
      %dma_wait3A_348 = arith.constant 0 : i32
      %dma_wait3A_349 = arith.constant 0 : i32
      %dma_wait3A_350 = tpu.memref_slice %arg8[%dma_wait3A_347, %dma_wait3A_348, %dma_wait3A_349] : memref<6x48x128xf32, #tpu.memory_space<vmem>> -> memref<1x48x128xf32, #tpu.memory_space<vmem>>
      %dma_wait3A_351 = tpu.memref_squeeze %dma_wait3A_350 : memref<1x48x128xf32, #tpu.memory_space<vmem>> -> memref<48x128xf32, #tpu.memory_space<vmem>>
      %dma_wait3A_352 = arith.constant 0 : i32
      %dma_wait3A_353 = arith.constant 0 : i32
      %dma_wait3A_354 = tpu.memref_slice %arg2[%dma_wait3A_352, %dma_wait3A_353] : memref<10000x128xf32, #tpu.memory_space<hbm>> -> memref<48x128xf32, #tpu.memory_space<hbm>>
      %dma_wait3A_355 = arith.constant 0 : i32
      %dma_wait3A_356 = arith.constant 0 : i32
      %dma_wait3A_357 = tpu.memref_slice %arg8[%dma_wait3A_347, %dma_wait3A_355, %dma_wait3A_356] : memref<6x48x128xf32, #tpu.memory_space<vmem>> -> memref<1x48x128xf32, #tpu.memory_space<vmem>>
      %dma_wait3A_358 = tpu.memref_squeeze %dma_wait3A_357 : memref<1x48x128xf32, #tpu.memory_space<vmem>> -> memref<48x128xf32, #tpu.memory_space<vmem>>
      %dma_wait3A_359 = arith.constant 0 : i32
      %dma_wait3A_360 = arith.constant 0 : i32
      %dma_wait3A_361 = tpu.memref_slice %arg2[%dma_wait3A_359, %dma_wait3A_360] : memref<10000x128xf32, #tpu.memory_space<hbm>> -> memref<48x128xf32, #tpu.memory_space<hbm>>
      tpu.wait_dma2 semaphore(%arg11 : memref<!tpu.dma_semaphore, #tpu.memory_space<semaphore_mem>>) src(%dma_wait3A_361 : memref<48x128xf32, #tpu.memory_space<hbm>>) dst(%dma_wait3A_358 : memref<48x128xf32, #tpu.memory_space<vmem>>)
      %dma_wait3A_362 = arith.constant 1 : i32
      %dma_wait3A_363 = arith.constant 0 : i32
      %dma_wait3A_364 = tpu.memref_slice %arg7[%dma_wait3A_362, %dma_wait3A_363] : memref<6x48xi32, #tpu.memory_space<vmem>> -> memref<1x48xi32, #tpu.memory_space<vmem>>
      %dma_wait3A_365 = tpu.memref_squeeze %dma_wait3A_364 : memref<1x48xi32, #tpu.memory_space<vmem>> -> memref<48xi32, #tpu.memory_space<vmem>>
      %dma_wait3A_366 = arith.constant 0 : i32
      %dma_wait3A_367 = tpu.memref_slice %arg4[%dma_wait3A_366] : memref<331776xi32, #tpu.memory_space<hbm>> -> memref<48xi32, #tpu.memory_space<hbm>>
      %dma_wait3A_368 = arith.constant 0 : i32
      %dma_wait3A_369 = tpu.memref_slice %arg7[%dma_wait3A_362, %dma_wait3A_368] : memref<6x48xi32, #tpu.memory_space<vmem>> -> memref<1x48xi32, #tpu.memory_space<vmem>>
      %dma_wait3A_370 = tpu.memref_squeeze %dma_wait3A_369 : memref<1x48xi32, #tpu.memory_space<vmem>> -> memref<48xi32, #tpu.memory_space<vmem>>
      %dma_wait3A_371 = arith.constant 0 : i32
      %dma_wait3A_372 = tpu.memref_slice %arg4[%dma_wait3A_371] : memref<331776xi32, #tpu.memory_space<hbm>> -> memref<48xi32, #tpu.memory_space<hbm>>
      tpu.wait_dma2 semaphore(%arg23 : memref<!tpu.dma_semaphore, #tpu.memory_space<semaphore_mem>>) src(%dma_wait3A_372 : memref<48xi32, #tpu.memory_space<hbm>>) dst(%dma_wait3A_370 : memref<48xi32, #tpu.memory_space<vmem>>)
      %dma_start3A_373 = arith.constant 1 : i32
      %dma_start3A_374 = arith.constant 1 : i32
      %dma_start3A_375 = arith.constant 0 : i32
      %dma_start3A_376 = arith.constant 0 : i32
      %dma_start3A_377 = tpu.memref_slice %arg8[%dma_start3A_373, %dma_start3A_375, %dma_start3A_376] : memref<6x48x128xf32, #tpu.memory_space<vmem>> -> memref<1x48x128xf32, #tpu.memory_space<vmem>>
      %dma_start3A_378 = tpu.memref_squeeze %dma_start3A_377 : memref<1x48x128xf32, #tpu.memory_space<vmem>> -> memref<48x128xf32, #tpu.memory_space<vmem>>
      %dma_start3A_379 = arith.constant 0 : i32
      %dma_start3A_380 = tpu.memref_slice %arg7[%dma_start3A_374, %dma_start3A_379] : memref<6x48xi32, #tpu.memory_space<vmem>> -> memref<1x48xi32, #tpu.memory_space<vmem>>
      %dma_start3A_381 = tpu.memref_squeeze %dma_start3A_380 : memref<1x48xi32, #tpu.memory_space<vmem>> -> memref<48xi32, #tpu.memory_space<vmem>>
      %dma_start3A_382 = arith.constant 0 : i32
      %dma_start3A_383 = arith.constant 0 : i32
      %dma_start3A_384 = tpu.memref_slice %arg9[%dma_start3A_382, %dma_start3A_383] : memref<10240x128xf32, #tpu.memory_space<vmem_shared>> -> memref<10240x128xf32, #tpu.memory_space<vmem_shared>>
      tpu.enqueue_indirect_dma source(%dma_start3A_378 : memref<48x128xf32, #tpu.memory_space<vmem>>) target(%dma_start3A_384 : memref<10240x128xf32, #tpu.memory_space<vmem_shared>>) offsets(%dma_start3A_381 : memref<48xi32, #tpu.memory_space<vmem>>) semaphore(%arg17 : memref<!tpu.dma_semaphore, #tpu.memory_space<semaphore_mem>>) {add = true}
      %dma_wait3A_385 = arith.constant 2 : i32
      %dma_wait3A_386 = arith.constant 0 : i32
      %dma_wait3A_387 = arith.constant 0 : i32
      %dma_wait3A_388 = tpu.memref_slice %arg8[%dma_wait3A_385, %dma_wait3A_386, %dma_wait3A_387] : memref<6x48x128xf32, #tpu.memory_space<vmem>> -> memref<1x48x128xf32, #tpu.memory_space<vmem>>
      %dma_wait3A_389 = tpu.memref_squeeze %dma_wait3A_388 : memref<1x48x128xf32, #tpu.memory_space<vmem>> -> memref<48x128xf32, #tpu.memory_space<vmem>>
      %dma_wait3A_390 = arith.constant 0 : i32
      %dma_wait3A_391 = arith.constant 0 : i32
      %dma_wait3A_392 = tpu.memref_slice %arg2[%dma_wait3A_390, %dma_wait3A_391] : memref<10000x128xf32, #tpu.memory_space<hbm>> -> memref<48x128xf32, #tpu.memory_space<hbm>>
      %dma_wait3A_393 = arith.constant 0 : i32
      %dma_wait3A_394 = arith.constant 0 : i32
      %dma_wait3A_395 = tpu.memref_slice %arg8[%dma_wait3A_385, %dma_wait3A_393, %dma_wait3A_394] : memref<6x48x128xf32, #tpu.memory_space<vmem>> -> memref<1x48x128xf32, #tpu.memory_space<vmem>>
      %dma_wait3A_396 = tpu.memref_squeeze %dma_wait3A_395 : memref<1x48x128xf32, #tpu.memory_space<vmem>> -> memref<48x128xf32, #tpu.memory_space<vmem>>
      %dma_wait3A_397 = arith.constant 0 : i32
      %dma_wait3A_398 = arith.constant 0 : i32
      %dma_wait3A_399 = tpu.memref_slice %arg2[%dma_wait3A_397, %dma_wait3A_398] : memref<10000x128xf32, #tpu.memory_space<hbm>> -> memref<48x128xf32, #tpu.memory_space<hbm>>
      tpu.wait_dma2 semaphore(%arg12 : memref<!tpu.dma_semaphore, #tpu.memory_space<semaphore_mem>>) src(%dma_wait3A_399 : memref<48x128xf32, #tpu.memory_space<hbm>>) dst(%dma_wait3A_396 : memref<48x128xf32, #tpu.memory_space<vmem>>)
      %dma_wait3A_400 = arith.constant 2 : i32
      %dma_wait3A_401 = arith.constant 0 : i32
      %dma_wait3A_402 = tpu.memref_slice %arg7[%dma_wait3A_400, %dma_wait3A_401] : memref<6x48xi32, #tpu.memory_space<vmem>> -> memref<1x48xi32, #tpu.memory_space<vmem>>
      %dma_wait3A_403 = tpu.memref_squeeze %dma_wait3A_402 : memref<1x48xi32, #tpu.memory_space<vmem>> -> memref<48xi32, #tpu.memory_space<vmem>>
      %dma_wait3A_404 = arith.constant 0 : i32
      %dma_wait3A_405 = tpu.memref_slice %arg4[%dma_wait3A_404] : memref<331776xi32, #tpu.memory_space<hbm>> -> memref<48xi32, #tpu.memory_space<hbm>>
      %dma_wait3A_406 = arith.constant 0 : i32
      %dma_wait3A_407 = tpu.memref_slice %arg7[%dma_wait3A_400, %dma_wait3A_406] : memref<6x48xi32, #tpu.memory_space<vmem>> -> memref<1x48xi32, #tpu.memory_space<vmem>>
      %dma_wait3A_408 = tpu.memref_squeeze %dma_wait3A_407 : memref<1x48xi32, #tpu.memory_space<vmem>> -> memref<48xi32, #tpu.memory_space<vmem>>
      %dma_wait3A_409 = arith.constant 0 : i32
      %dma_wait3A_410 = tpu.memref_slice %arg4[%dma_wait3A_409] : memref<331776xi32, #tpu.memory_space<hbm>> -> memref<48xi32, #tpu.memory_space<hbm>>
      tpu.wait_dma2 semaphore(%arg24 : memref<!tpu.dma_semaphore, #tpu.memory_space<semaphore_mem>>) src(%dma_wait3A_410 : memref<48xi32, #tpu.memory_space<hbm>>) dst(%dma_wait3A_408 : memref<48xi32, #tpu.memory_space<vmem>>)
      %dma_start3A_411 = arith.constant 2 : i32
      %dma_start3A_412 = arith.constant 2 : i32
      %dma_start3A_413 = arith.constant 0 : i32
      %dma_start3A_414 = arith.constant 0 : i32
      %dma_start3A_415 = tpu.memref_slice %arg8[%dma_start3A_411, %dma_start3A_413, %dma_start3A_414] : memref<6x48x128xf32, #tpu.memory_space<vmem>> -> memref<1x48x128xf32, #tpu.memory_space<vmem>>
      %dma_start3A_416 = tpu.memref_squeeze %dma_start3A_415 : memref<1x48x128xf32, #tpu.memory_space<vmem>> -> memref<48x128xf32, #tpu.memory_space<vmem>>
      %dma_start3A_417 = arith.constant 0 : i32
      %dma_start3A_418 = tpu.memref_slice %arg7[%dma_start3A_412, %dma_start3A_417] : memref<6x48xi32, #tpu.memory_space<vmem>> -> memref<1x48xi32, #tpu.memory_space<vmem>>
      %dma_start3A_419 = tpu.memref_squeeze %dma_start3A_418 : memref<1x48xi32, #tpu.memory_space<vmem>> -> memref<48xi32, #tpu.memory_space<vmem>>
      %dma_start3A_420 = arith.constant 0 : i32
      %dma_start3A_421 = arith.constant 0 : i32
      %dma_start3A_422 = tpu.memref_slice %arg9[%dma_start3A_420, %dma_start3A_421] : memref<10240x128xf32, #tpu.memory_space<vmem_shared>> -> memref<10240x128xf32, #tpu.memory_space<vmem_shared>>
      tpu.enqueue_indirect_dma source(%dma_start3A_416 : memref<48x128xf32, #tpu.memory_space<vmem>>) target(%dma_start3A_422 : memref<10240x128xf32, #tpu.memory_space<vmem_shared>>) offsets(%dma_start3A_419 : memref<48xi32, #tpu.memory_space<vmem>>) semaphore(%arg18 : memref<!tpu.dma_semaphore, #tpu.memory_space<semaphore_mem>>) {add = true}
      %dma_wait3A_423 = arith.constant 3 : i32
      %dma_wait3A_424 = arith.constant 0 : i32
      %dma_wait3A_425 = arith.constant 0 : i32
      %dma_wait3A_426 = tpu.memref_slice %arg8[%dma_wait3A_423, %dma_wait3A_424, %dma_wait3A_425] : memref<6x48x128xf32, #tpu.memory_space<vmem>> -> memref<1x48x128xf32, #tpu.memory_space<vmem>>
      %dma_wait3A_427 = tpu.memref_squeeze %dma_wait3A_426 : memref<1x48x128xf32, #tpu.memory_space<vmem>> -> memref<48x128xf32, #tpu.memory_space<vmem>>
      %dma_wait3A_428 = arith.constant 0 : i32
      %dma_wait3A_429 = arith.constant 0 : i32
      %dma_wait3A_430 = tpu.memref_slice %arg2[%dma_wait3A_428, %dma_wait3A_429] : memref<10000x128xf32, #tpu.memory_space<hbm>> -> memref<48x128xf32, #tpu.memory_space<hbm>>
      %dma_wait3A_431 = arith.constant 0 : i32
      %dma_wait3A_432 = arith.constant 0 : i32
      %dma_wait3A_433 = tpu.memref_slice %arg8[%dma_wait3A_423, %dma_wait3A_431, %dma_wait3A_432] : memref<6x48x128xf32, #tpu.memory_space<vmem>> -> memref<1x48x128xf32, #tpu.memory_space<vmem>>
      %dma_wait3A_434 = tpu.memref_squeeze %dma_wait3A_433 : memref<1x48x128xf32, #tpu.memory_space<vmem>> -> memref<48x128xf32, #tpu.memory_space<vmem>>
      %dma_wait3A_435 = arith.constant 0 : i32
      %dma_wait3A_436 = arith.constant 0 : i32
      %dma_wait3A_437 = tpu.memref_slice %arg2[%dma_wait3A_435, %dma_wait3A_436] : memref<10000x128xf32, #tpu.memory_space<hbm>> -> memref<48x128xf32, #tpu.memory_space<hbm>>
      tpu.wait_dma2 semaphore(%arg13 : memref<!tpu.dma_semaphore, #tpu.memory_space<semaphore_mem>>) src(%dma_wait3A_437 : memref<48x128xf32, #tpu.memory_space<hbm>>) dst(%dma_wait3A_434 : memref<48x128xf32, #tpu.memory_space<vmem>>)
      %dma_wait3A_438 = arith.constant 3 : i32
      %dma_wait3A_439 = arith.constant 0 : i32
      %dma_wait3A_440 = tpu.memref_slice %arg7[%dma_wait3A_438, %dma_wait3A_439] : memref<6x48xi32, #tpu.memory_space<vmem>> -> memref<1x48xi32, #tpu.memory_space<vmem>>
      %dma_wait3A_441 = tpu.memref_squeeze %dma_wait3A_440 : memref<1x48xi32, #tpu.memory_space<vmem>> -> memref<48xi32, #tpu.memory_space<vmem>>
      %dma_wait3A_442 = arith.constant 0 : i32
      %dma_wait3A_443 = tpu.memref_slice %arg4[%dma_wait3A_442] : memref<331776xi32, #tpu.memory_space<hbm>> -> memref<48xi32, #tpu.memory_space<hbm>>
      %dma_wait3A_444 = arith.constant 0 : i32
      %dma_wait3A_445 = tpu.memref_slice %arg7[%dma_wait3A_438, %dma_wait3A_444] : memref<6x48xi32, #tpu.memory_space<vmem>> -> memref<1x48xi32, #tpu.memory_space<vmem>>
      %dma_wait3A_446 = tpu.memref_squeeze %dma_wait3A_445 : memref<1x48xi32, #tpu.memory_space<vmem>> -> memref<48xi32, #tpu.memory_space<vmem>>
      %dma_wait3A_447 = arith.constant 0 : i32
      %dma_wait3A_448 = tpu.memref_slice %arg4[%dma_wait3A_447] : memref<331776xi32, #tpu.memory_space<hbm>> -> memref<48xi32, #tpu.memory_space<hbm>>
      tpu.wait_dma2 semaphore(%arg25 : memref<!tpu.dma_semaphore, #tpu.memory_space<semaphore_mem>>) src(%dma_wait3A_448 : memref<48xi32, #tpu.memory_space<hbm>>) dst(%dma_wait3A_446 : memref<48xi32, #tpu.memory_space<vmem>>)
      %dma_start3A_449 = arith.constant 3 : i32
      %dma_start3A_450 = arith.constant 3 : i32
      %dma_start3A_451 = arith.constant 0 : i32
      %dma_start3A_452 = arith.constant 0 : i32
      %dma_start3A_453 = tpu.memref_slice %arg8[%dma_start3A_449, %dma_start3A_451, %dma_start3A_452] : memref<6x48x128xf32, #tpu.memory_space<vmem>> -> memref<1x48x128xf32, #tpu.memory_space<vmem>>
      %dma_start3A_454 = tpu.memref_squeeze %dma_start3A_453 : memref<1x48x128xf32, #tpu.memory_space<vmem>> -> memref<48x128xf32, #tpu.memory_space<vmem>>
      %dma_start3A_455 = arith.constant 0 : i32
      %dma_start3A_456 = tpu.memref_slice %arg7[%dma_start3A_450, %dma_start3A_455] : memref<6x48xi32, #tpu.memory_space<vmem>> -> memref<1x48xi32, #tpu.memory_space<vmem>>
      %dma_start3A_457 = tpu.memref_squeeze %dma_start3A_456 : memref<1x48xi32, #tpu.memory_space<vmem>> -> memref<48xi32, #tpu.memory_space<vmem>>
      %dma_start3A_458 = arith.constant 0 : i32
      %dma_start3A_459 = arith.constant 0 : i32
      %dma_start3A_460 = tpu.memref_slice %arg9[%dma_start3A_458, %dma_start3A_459] : memref<10240x128xf32, #tpu.memory_space<vmem_shared>> -> memref<10240x128xf32, #tpu.memory_space<vmem_shared>>
      tpu.enqueue_indirect_dma source(%dma_start3A_454 : memref<48x128xf32, #tpu.memory_space<vmem>>) target(%dma_start3A_460 : memref<10240x128xf32, #tpu.memory_space<vmem_shared>>) offsets(%dma_start3A_457 : memref<48xi32, #tpu.memory_space<vmem>>) semaphore(%arg19 : memref<!tpu.dma_semaphore, #tpu.memory_space<semaphore_mem>>) {add = true}
      %dma_wait3A_461 = arith.constant 4 : i32
      %dma_wait3A_462 = arith.constant 0 : i32
      %dma_wait3A_463 = arith.constant 0 : i32
      %dma_wait3A_464 = tpu.memref_slice %arg8[%dma_wait3A_461, %dma_wait3A_462, %dma_wait3A_463] : memref<6x48x128xf32, #tpu.memory_space<vmem>> -> memref<1x48x128xf32, #tpu.memory_space<vmem>>
      %dma_wait3A_465 = tpu.memref_squeeze %dma_wait3A_464 : memref<1x48x128xf32, #tpu.memory_space<vmem>> -> memref<48x128xf32, #tpu.memory_space<vmem>>
      %dma_wait3A_466 = arith.constant 0 : i32
      %dma_wait3A_467 = arith.constant 0 : i32
      %dma_wait3A_468 = tpu.memref_slice %arg2[%dma_wait3A_466, %dma_wait3A_467] : memref<10000x128xf32, #tpu.memory_space<hbm>> -> memref<48x128xf32, #tpu.memory_space<hbm>>
      %dma_wait3A_469 = arith.constant 0 : i32
      %dma_wait3A_470 = arith.constant 0 : i32
      %dma_wait3A_471 = tpu.memref_slice %arg8[%dma_wait3A_461, %dma_wait3A_469, %dma_wait3A_470] : memref<6x48x128xf32, #tpu.memory_space<vmem>> -> memref<1x48x128xf32, #tpu.memory_space<vmem>>
      %dma_wait3A_472 = tpu.memref_squeeze %dma_wait3A_471 : memref<1x48x128xf32, #tpu.memory_space<vmem>> -> memref<48x128xf32, #tpu.memory_space<vmem>>
      %dma_wait3A_473 = arith.constant 0 : i32
      %dma_wait3A_474 = arith.constant 0 : i32
      %dma_wait3A_475 = tpu.memref_slice %arg2[%dma_wait3A_473, %dma_wait3A_474] : memref<10000x128xf32, #tpu.memory_space<hbm>> -> memref<48x128xf32, #tpu.memory_space<hbm>>
      tpu.wait_dma2 semaphore(%arg14 : memref<!tpu.dma_semaphore, #tpu.memory_space<semaphore_mem>>) src(%dma_wait3A_475 : memref<48x128xf32, #tpu.memory_space<hbm>>) dst(%dma_wait3A_472 : memref<48x128xf32, #tpu.memory_space<vmem>>)
      %dma_wait3A_476 = arith.constant 4 : i32
      %dma_wait3A_477 = arith.constant 0 : i32
      %dma_wait3A_478 = tpu.memref_slice %arg7[%dma_wait3A_476, %dma_wait3A_477] : memref<6x48xi32, #tpu.memory_space<vmem>> -> memref<1x48xi32, #tpu.memory_space<vmem>>
      %dma_wait3A_479 = tpu.memref_squeeze %dma_wait3A_478 : memref<1x48xi32, #tpu.memory_space<vmem>> -> memref<48xi32, #tpu.memory_space<vmem>>
      %dma_wait3A_480 = arith.constant 0 : i32
      %dma_wait3A_481 = tpu.memref_slice %arg4[%dma_wait3A_480] : memref<331776xi32, #tpu.memory_space<hbm>> -> memref<48xi32, #tpu.memory_space<hbm>>
      %dma_wait3A_482 = arith.constant 0 : i32
      %dma_wait3A_483 = tpu.memref_slice %arg7[%dma_wait3A_476, %dma_wait3A_482] : memref<6x48xi32, #tpu.memory_space<vmem>> -> memref<1x48xi32, #tpu.memory_space<vmem>>
      %dma_wait3A_484 = tpu.memref_squeeze %dma_wait3A_483 : memref<1x48xi32, #tpu.memory_space<vmem>> -> memref<48xi32, #tpu.memory_space<vmem>>
      %dma_wait3A_485 = arith.constant 0 : i32
      %dma_wait3A_486 = tpu.memref_slice %arg4[%dma_wait3A_485] : memref<331776xi32, #tpu.memory_space<hbm>> -> memref<48xi32, #tpu.memory_space<hbm>>
      tpu.wait_dma2 semaphore(%arg26 : memref<!tpu.dma_semaphore, #tpu.memory_space<semaphore_mem>>) src(%dma_wait3A_486 : memref<48xi32, #tpu.memory_space<hbm>>) dst(%dma_wait3A_484 : memref<48xi32, #tpu.memory_space<vmem>>)
      %dma_start3A_487 = arith.constant 4 : i32
      %dma_start3A_488 = arith.constant 4 : i32
      %dma_start3A_489 = arith.constant 0 : i32
      %dma_start3A_490 = arith.constant 0 : i32
      %dma_start3A_491 = tpu.memref_slice %arg8[%dma_start3A_487, %dma_start3A_489, %dma_start3A_490] : memref<6x48x128xf32, #tpu.memory_space<vmem>> -> memref<1x48x128xf32, #tpu.memory_space<vmem>>
      %dma_start3A_492 = tpu.memref_squeeze %dma_start3A_491 : memref<1x48x128xf32, #tpu.memory_space<vmem>> -> memref<48x128xf32, #tpu.memory_space<vmem>>
      %dma_start3A_493 = arith.constant 0 : i32
      %dma_start3A_494 = tpu.memref_slice %arg7[%dma_start3A_488, %dma_start3A_493] : memref<6x48xi32, #tpu.memory_space<vmem>> -> memref<1x48xi32, #tpu.memory_space<vmem>>
      %dma_start3A_495 = tpu.memref_squeeze %dma_start3A_494 : memref<1x48xi32, #tpu.memory_space<vmem>> -> memref<48xi32, #tpu.memory_space<vmem>>
      %dma_start3A_496 = arith.constant 0 : i32
      %dma_start3A_497 = arith.constant 0 : i32
      %dma_start3A_498 = tpu.memref_slice %arg9[%dma_start3A_496, %dma_start3A_497] : memref<10240x128xf32, #tpu.memory_space<vmem_shared>> -> memref<10240x128xf32, #tpu.memory_space<vmem_shared>>
      tpu.enqueue_indirect_dma source(%dma_start3A_492 : memref<48x128xf32, #tpu.memory_space<vmem>>) target(%dma_start3A_498 : memref<10240x128xf32, #tpu.memory_space<vmem_shared>>) offsets(%dma_start3A_495 : memref<48xi32, #tpu.memory_space<vmem>>) semaphore(%arg20 : memref<!tpu.dma_semaphore, #tpu.memory_space<semaphore_mem>>) {add = true}
      %dma_wait3A_499 = arith.constant 5 : i32
      %dma_wait3A_500 = arith.constant 0 : i32
      %dma_wait3A_501 = arith.constant 0 : i32
      %dma_wait3A_502 = tpu.memref_slice %arg8[%dma_wait3A_499, %dma_wait3A_500, %dma_wait3A_501] : memref<6x48x128xf32, #tpu.memory_space<vmem>> -> memref<1x48x128xf32, #tpu.memory_space<vmem>>
      %dma_wait3A_503 = tpu.memref_squeeze %dma_wait3A_502 : memref<1x48x128xf32, #tpu.memory_space<vmem>> -> memref<48x128xf32, #tpu.memory_space<vmem>>
      %dma_wait3A_504 = arith.constant 0 : i32
      %dma_wait3A_505 = arith.constant 0 : i32
      %dma_wait3A_506 = tpu.memref_slice %arg2[%dma_wait3A_504, %dma_wait3A_505] : memref<10000x128xf32, #tpu.memory_space<hbm>> -> memref<48x128xf32, #tpu.memory_space<hbm>>
      %dma_wait3A_507 = arith.constant 0 : i32
      %dma_wait3A_508 = arith.constant 0 : i32
      %dma_wait3A_509 = tpu.memref_slice %arg8[%dma_wait3A_499, %dma_wait3A_507, %dma_wait3A_508] : memref<6x48x128xf32, #tpu.memory_space<vmem>> -> memref<1x48x128xf32, #tpu.memory_space<vmem>>
      %dma_wait3A_510 = tpu.memref_squeeze %dma_wait3A_509 : memref<1x48x128xf32, #tpu.memory_space<vmem>> -> memref<48x128xf32, #tpu.memory_space<vmem>>
      %dma_wait3A_511 = arith.constant 0 : i32
      %dma_wait3A_512 = arith.constant 0 : i32
      %dma_wait3A_513 = tpu.memref_slice %arg2[%dma_wait3A_511, %dma_wait3A_512] : memref<10000x128xf32, #tpu.memory_space<hbm>> -> memref<48x128xf32, #tpu.memory_space<hbm>>
      tpu.wait_dma2 semaphore(%arg15 : memref<!tpu.dma_semaphore, #tpu.memory_space<semaphore_mem>>) src(%dma_wait3A_513 : memref<48x128xf32, #tpu.memory_space<hbm>>) dst(%dma_wait3A_510 : memref<48x128xf32, #tpu.memory_space<vmem>>)
      %dma_wait3A_514 = arith.constant 5 : i32
      %dma_wait3A_515 = arith.constant 0 : i32
      %dma_wait3A_516 = tpu.memref_slice %arg7[%dma_wait3A_514, %dma_wait3A_515] : memref<6x48xi32, #tpu.memory_space<vmem>> -> memref<1x48xi32, #tpu.memory_space<vmem>>
      %dma_wait3A_517 = tpu.memref_squeeze %dma_wait3A_516 : memref<1x48xi32, #tpu.memory_space<vmem>> -> memref<48xi32, #tpu.memory_space<vmem>>
      %dma_wait3A_518 = arith.constant 0 : i32
      %dma_wait3A_519 = tpu.memref_slice %arg4[%dma_wait3A_518] : memref<331776xi32, #tpu.memory_space<hbm>> -> memref<48xi32, #tpu.memory_space<hbm>>
      %dma_wait3A_520 = arith.constant 0 : i32
      %dma_wait3A_521 = tpu.memref_slice %arg7[%dma_wait3A_514, %dma_wait3A_520] : memref<6x48xi32, #tpu.memory_space<vmem>> -> memref<1x48xi32, #tpu.memory_space<vmem>>
      %dma_wait3A_522 = tpu.memref_squeeze %dma_wait3A_521 : memref<1x48xi32, #tpu.memory_space<vmem>> -> memref<48xi32, #tpu.memory_space<vmem>>
      %dma_wait3A_523 = arith.constant 0 : i32
      %dma_wait3A_524 = tpu.memref_slice %arg4[%dma_wait3A_523] : memref<331776xi32, #tpu.memory_space<hbm>> -> memref<48xi32, #tpu.memory_space<hbm>>
      tpu.wait_dma2 semaphore(%arg27 : memref<!tpu.dma_semaphore, #tpu.memory_space<semaphore_mem>>) src(%dma_wait3A_524 : memref<48xi32, #tpu.memory_space<hbm>>) dst(%dma_wait3A_522 : memref<48xi32, #tpu.memory_space<vmem>>)
      %dma_start3A_525 = arith.constant 5 : i32
      %dma_start3A_526 = arith.constant 5 : i32
      %dma_start3A_527 = arith.constant 0 : i32
      %dma_start3A_528 = arith.constant 0 : i32
      %dma_start3A_529 = tpu.memref_slice %arg8[%dma_start3A_525, %dma_start3A_527, %dma_start3A_528] : memref<6x48x128xf32, #tpu.memory_space<vmem>> -> memref<1x48x128xf32, #tpu.memory_space<vmem>>
      %dma_start3A_530 = tpu.memref_squeeze %dma_start3A_529 : memref<1x48x128xf32, #tpu.memory_space<vmem>> -> memref<48x128xf32, #tpu.memory_space<vmem>>
      %dma_start3A_531 = arith.constant 0 : i32
      %dma_start3A_532 = tpu.memref_slice %arg7[%dma_start3A_526, %dma_start3A_531] : memref<6x48xi32, #tpu.memory_space<vmem>> -> memref<1x48xi32, #tpu.memory_space<vmem>>
      %dma_start3A_533 = tpu.memref_squeeze %dma_start3A_532 : memref<1x48xi32, #tpu.memory_space<vmem>> -> memref<48xi32, #tpu.memory_space<vmem>>
      %dma_start3A_534 = arith.constant 0 : i32
      %dma_start3A_535 = arith.constant 0 : i32
      %dma_start3A_536 = tpu.memref_slice %arg9[%dma_start3A_534, %dma_start3A_535] : memref<10240x128xf32, #tpu.memory_space<vmem_shared>> -> memref<10240x128xf32, #tpu.memory_space<vmem_shared>>
      tpu.enqueue_indirect_dma source(%dma_start3A_530 : memref<48x128xf32, #tpu.memory_space<vmem>>) target(%dma_start3A_536 : memref<10240x128xf32, #tpu.memory_space<vmem_shared>>) offsets(%dma_start3A_533 : memref<48xi32, #tpu.memory_space<vmem>>) semaphore(%arg21 : memref<!tpu.dma_semaphore, #tpu.memory_space<semaphore_mem>>) {add = true}
      %dma_wait3A_537 = arith.constant 0 : i32
      %dma_wait3A_538 = arith.constant 0 : i32
      %dma_wait3A_539 = arith.constant 0 : i32
      %dma_wait3A_540 = tpu.memref_slice %arg8[%dma_wait3A_537, %dma_wait3A_538, %dma_wait3A_539] : memref<6x48x128xf32, #tpu.memory_space<vmem>> -> memref<1x48x128xf32, #tpu.memory_space<vmem>>
      %dma_wait3A_541 = tpu.memref_squeeze %dma_wait3A_540 : memref<1x48x128xf32, #tpu.memory_space<vmem>> -> memref<48x128xf32, #tpu.memory_space<vmem>>
      %dma_wait3A_542 = arith.constant 0 : i32
      %dma_wait3A_543 = arith.constant 0 : i32
      %dma_wait3A_544 = tpu.memref_slice %arg2[%dma_wait3A_542, %dma_wait3A_543] : memref<10000x128xf32, #tpu.memory_space<hbm>> -> memref<48x128xf32, #tpu.memory_space<hbm>>
      %dma_wait3A_545 = arith.constant 0 : i32
      %dma_wait3A_546 = arith.constant 0 : i32
      %dma_wait3A_547 = tpu.memref_slice %arg8[%dma_wait3A_537, %dma_wait3A_545, %dma_wait3A_546] : memref<6x48x128xf32, #tpu.memory_space<vmem>> -> memref<1x48x128xf32, #tpu.memory_space<vmem>>
      %dma_wait3A_548 = tpu.memref_squeeze %dma_wait3A_547 : memref<1x48x128xf32, #tpu.memory_space<vmem>> -> memref<48x128xf32, #tpu.memory_space<vmem>>
      %dma_wait3A_549 = arith.constant 0 : i32
      %dma_wait3A_550 = arith.constant 0 : i32
      %dma_wait3A_551 = tpu.memref_slice %arg2[%dma_wait3A_549, %dma_wait3A_550] : memref<10000x128xf32, #tpu.memory_space<hbm>> -> memref<48x128xf32, #tpu.memory_space<hbm>>
      tpu.wait_dma2 semaphore(%arg16 : memref<!tpu.dma_semaphore, #tpu.memory_space<semaphore_mem>>) src(%dma_wait3A_551 : memref<48x128xf32, #tpu.memory_space<hbm>>) dst(%dma_wait3A_548 : memref<48x128xf32, #tpu.memory_space<vmem>>)
      %add3A_552 = arith.constant 0 : i32
      %add3A_553 = arith.addi %mul3A_308, %add3A_552 : i32
      %add3A_554 = arith.constant 6 : i32
      %add3A_555 = arith.addi %add3A_553, %add3A_554 : i32
      %jit3A = arith.constant 216 : i32
      %eq3A = arith.constant 0 : i32
      %eq3A_556 = arith.cmpi eq, %jit3A, %eq3A : i32
      %jit3A_557 = arith.constant 1 : i32
      %select_n3A = arith.select %eq3A_556, %jit3A_557, %jit3A : i32
      %rem3A = arith.remsi %add3A_555, %select_n3A : i32
      %ne3A = arith.constant 0 : i32
      %ne3A_558 = arith.cmpi ne, %rem3A, %ne3A : i32
      %lt3A = arith.constant 0 : i32
      %lt3A_559 = arith.cmpi slt, %rem3A, %lt3A : i32
      %lt3A_560 = arith.constant 0 : i32
      %lt3A_561 = arith.cmpi slt, %select_n3A, %lt3A_560 : i32
      %ne3A_562 = arith.xori %lt3A_559, %lt3A_561 : i1
      %and3A = arith.andi %ne3A_562, %ne3A_558 : i1
      %add3A_563 = arith.addi %rem3A, %select_n3A : i32
      %select_n3A_564 = arith.select %and3A, %add3A_563, %rem3A : i32
      %mul3A_565 = arith.constant 48 : i32
      %mul3A_566 = arith.muli %select_n3A_564, %mul3A_565 : i32
      %add3A_567 = arith.addi %mul3A_2, %mul3A_566 : i32
      %dma_start3A_568 = arith.constant 0 : i32
      %dma_start3A_569 = arith.constant 0 : i32
      %dma_start3A_570 = tpu.memref_slice %arg7[%dma_start3A_568, %dma_start3A_569] : memref<6x48xi32, #tpu.memory_space<vmem>> -> memref<1x48xi32, #tpu.memory_space<vmem>>
      %dma_start3A_571 = tpu.memref_squeeze %dma_start3A_570 : memref<1x48xi32, #tpu.memory_space<vmem>> -> memref<48xi32, #tpu.memory_space<vmem>>
      %dma_start3A_572 = tpu.memref_slice %arg4[%add3A_567] : memref<331776xi32, #tpu.memory_space<hbm>> -> memref<48xi32, #tpu.memory_space<hbm>>
      %dma_start3A_573 = arith.constant 0 : i32
      %dma_start3A_574 = tpu.memref_slice %arg7[%dma_start3A_568, %dma_start3A_573] : memref<6x48xi32, #tpu.memory_space<vmem>> -> memref<1x48xi32, #tpu.memory_space<vmem>>
      %dma_start3A_575 = tpu.memref_squeeze %dma_start3A_574 : memref<1x48xi32, #tpu.memory_space<vmem>> -> memref<48xi32, #tpu.memory_space<vmem>>
      %dma_start3A_576 = tpu.memref_slice %arg4[%add3A_567] : memref<331776xi32, #tpu.memory_space<hbm>> -> memref<48xi32, #tpu.memory_space<hbm>>
      tpu.enqueue_dma source(%dma_start3A_576 : memref<48xi32, #tpu.memory_space<hbm>>) target(%dma_start3A_575 : memref<48xi32, #tpu.memory_space<vmem>>) target_semaphore(%arg22 : memref<!tpu.dma_semaphore, #tpu.memory_space<semaphore_mem>>)
      %add3A_577 = arith.constant 0 : i32
      %add3A_578 = arith.addi %mul3A_308, %add3A_577 : i32
      %add3A_579 = arith.constant 6 : i32
      %add3A_580 = arith.addi %add3A_578, %add3A_579 : i32
      %jit3A_581 = arith.constant 216 : i32
      %eq3A_582 = arith.constant 0 : i32
      %eq3A_583 = arith.cmpi eq, %jit3A_581, %eq3A_582 : i32
      %jit3A_584 = arith.constant 1 : i32
      %select_n3A_585 = arith.select %eq3A_583, %jit3A_584, %jit3A_581 : i32
      %rem3A_586 = arith.remsi %add3A_580, %select_n3A_585 : i32
      %ne3A_587 = arith.constant 0 : i32
      %ne3A_588 = arith.cmpi ne, %rem3A_586, %ne3A_587 : i32
      %lt3A_589 = arith.constant 0 : i32
      %lt3A_590 = arith.cmpi slt, %rem3A_586, %lt3A_589 : i32
      %lt3A_591 = arith.constant 0 : i32
      %lt3A_592 = arith.cmpi slt, %select_n3A_585, %lt3A_591 : i32
      %ne3A_593 = arith.xori %lt3A_590, %lt3A_592 : i1
      %and3A_594 = arith.andi %ne3A_593, %ne3A_588 : i1
      %add3A_595 = arith.addi %rem3A_586, %select_n3A_585 : i32
      %select_n3A_596 = arith.select %and3A_594, %add3A_595, %rem3A_586 : i32
      %mul3A_597 = arith.constant 48 : i32
      %mul3A_598 = arith.muli %select_n3A_596, %mul3A_597 : i32
      %dma_start3A_599 = arith.constant 0 : i32
      %dma_start3A_600 = arith.constant 0 : i32
      %dma_start3A_601 = arith.constant 0 : i32
      %dma_start3A_602 = tpu.memref_slice %arg8[%dma_start3A_599, %dma_start3A_600, %dma_start3A_601] : memref<6x48x128xf32, #tpu.memory_space<vmem>> -> memref<1x48x128xf32, #tpu.memory_space<vmem>>
      %dma_start3A_603 = tpu.memref_squeeze %dma_start3A_602 : memref<1x48x128xf32, #tpu.memory_space<vmem>> -> memref<48x128xf32, #tpu.memory_space<vmem>>
      %dma_start3A_604 = tpu.memref_slice %arg6[%mul3A_598] : memref<10368xi32, #tpu.memory_space<vmem>> -> memref<48xi32, #tpu.memory_space<vmem>>
      %dma_start3A_605 = arith.constant 0 : i32
      %dma_start3A_606 = arith.constant 0 : i32
      %dma_start3A_607 = tpu.memref_slice %arg2[%dma_start3A_605, %dma_start3A_606] : memref<10000x128xf32, #tpu.memory_space<hbm>> -> memref<10000x128xf32, #tpu.memory_space<hbm>>
      tpu.enqueue_indirect_dma source(%dma_start3A_607 : memref<10000x128xf32, #tpu.memory_space<hbm>>) target(%dma_start3A_603 : memref<48x128xf32, #tpu.memory_space<vmem>>) offsets(%dma_start3A_604 : memref<48xi32, #tpu.memory_space<vmem>>) semaphore(%arg10 : memref<!tpu.dma_semaphore, #tpu.memory_space<semaphore_mem>>)
      %dma_wait3A_608 = arith.constant 1 : i32
      %dma_wait3A_609 = arith.constant 0 : i32
      %dma_wait3A_610 = arith.constant 0 : i32
      %dma_wait3A_611 = tpu.memref_slice %arg8[%dma_wait3A_608, %dma_wait3A_609, %dma_wait3A_610] : memref<6x48x128xf32, #tpu.memory_space<vmem>> -> memref<1x48x128xf32, #tpu.memory_space<vmem>>
      %dma_wait3A_612 = tpu.memref_squeeze %dma_wait3A_611 : memref<1x48x128xf32, #tpu.memory_space<vmem>> -> memref<48x128xf32, #tpu.memory_space<vmem>>
      %dma_wait3A_613 = arith.constant 0 : i32
      %dma_wait3A_614 = arith.constant 0 : i32
      %dma_wait3A_615 = tpu.memref_slice %arg2[%dma_wait3A_613, %dma_wait3A_614] : memref<10000x128xf32, #tpu.memory_space<hbm>> -> memref<48x128xf32, #tpu.memory_space<hbm>>
      %dma_wait3A_616 = arith.constant 0 : i32
      %dma_wait3A_617 = arith.constant 0 : i32
      %dma_wait3A_618 = tpu.memref_slice %arg8[%dma_wait3A_608, %dma_wait3A_616, %dma_wait3A_617] : memref<6x48x128xf32, #tpu.memory_space<vmem>> -> memref<1x48x128xf32, #tpu.memory_space<vmem>>
      %dma_wait3A_619 = tpu.memref_squeeze %dma_wait3A_618 : memref<1x48x128xf32, #tpu.memory_space<vmem>> -> memref<48x128xf32, #tpu.memory_space<vmem>>
      %dma_wait3A_620 = arith.constant 0 : i32
      %dma_wait3A_621 = arith.constant 0 : i32
      %dma_wait3A_622 = tpu.memref_slice %arg2[%dma_wait3A_620, %dma_wait3A_621] : memref<10000x128xf32, #tpu.memory_space<hbm>> -> memref<48x128xf32, #tpu.memory_space<hbm>>
      tpu.wait_dma2 semaphore(%arg17 : memref<!tpu.dma_semaphore, #tpu.memory_space<semaphore_mem>>) src(%dma_wait3A_622 : memref<48x128xf32, #tpu.memory_space<hbm>>) dst(%dma_wait3A_619 : memref<48x128xf32, #tpu.memory_space<vmem>>)
      %add3A_623 = arith.constant 1 : i32
      %add3A_624 = arith.addi %mul3A_308, %add3A_623 : i32
      %add3A_625 = arith.constant 6 : i32
      %add3A_626 = arith.addi %add3A_624, %add3A_625 : i32
      %jit3A_627 = arith.constant 216 : i32
      %eq3A_628 = arith.constant 0 : i32
      %eq3A_629 = arith.cmpi eq, %jit3A_627, %eq3A_628 : i32
      %jit3A_630 = arith.constant 1 : i32
      %select_n3A_631 = arith.select %eq3A_629, %jit3A_630, %jit3A_627 : i32
      %rem3A_632 = arith.remsi %add3A_626, %select_n3A_631 : i32
      %ne3A_633 = arith.constant 0 : i32
      %ne3A_634 = arith.cmpi ne, %rem3A_632, %ne3A_633 : i32
      %lt3A_635 = arith.constant 0 : i32
      %lt3A_636 = arith.cmpi slt, %rem3A_632, %lt3A_635 : i32
      %lt3A_637 = arith.constant 0 : i32
      %lt3A_638 = arith.cmpi slt, %select_n3A_631, %lt3A_637 : i32
      %ne3A_639 = arith.xori %lt3A_636, %lt3A_638 : i1
      %and3A_640 = arith.andi %ne3A_639, %ne3A_634 : i1
      %add3A_641 = arith.addi %rem3A_632, %select_n3A_631 : i32
      %select_n3A_642 = arith.select %and3A_640, %add3A_641, %rem3A_632 : i32
      %mul3A_643 = arith.constant 48 : i32
      %mul3A_644 = arith.muli %select_n3A_642, %mul3A_643 : i32
      %add3A_645 = arith.addi %mul3A_2, %mul3A_644 : i32
      %dma_start3A_646 = arith.constant 1 : i32
      %dma_start3A_647 = arith.constant 0 : i32
      %dma_start3A_648 = tpu.memref_slice %arg7[%dma_start3A_646, %dma_start3A_647] : memref<6x48xi32, #tpu.memory_space<vmem>> -> memref<1x48xi32, #tpu.memory_space<vmem>>
      %dma_start3A_649 = tpu.memref_squeeze %dma_start3A_648 : memref<1x48xi32, #tpu.memory_space<vmem>> -> memref<48xi32, #tpu.memory_space<vmem>>
      %dma_start3A_650 = tpu.memref_slice %arg4[%add3A_645] : memref<331776xi32, #tpu.memory_space<hbm>> -> memref<48xi32, #tpu.memory_space<hbm>>
      %dma_start3A_651 = arith.constant 0 : i32
      %dma_start3A_652 = tpu.memref_slice %arg7[%dma_start3A_646, %dma_start3A_651] : memref<6x48xi32, #tpu.memory_space<vmem>> -> memref<1x48xi32, #tpu.memory_space<vmem>>
      %dma_start3A_653 = tpu.memref_squeeze %dma_start3A_652 : memref<1x48xi32, #tpu.memory_space<vmem>> -> memref<48xi32, #tpu.memory_space<vmem>>
      %dma_start3A_654 = tpu.memref_slice %arg4[%add3A_645] : memref<331776xi32, #tpu.memory_space<hbm>> -> memref<48xi32, #tpu.memory_space<hbm>>
      tpu.enqueue_dma source(%dma_start3A_654 : memref<48xi32, #tpu.memory_space<hbm>>) target(%dma_start3A_653 : memref<48xi32, #tpu.memory_space<vmem>>) target_semaphore(%arg23 : memref<!tpu.dma_semaphore, #tpu.memory_space<semaphore_mem>>)
      %add3A_655 = arith.constant 1 : i32
      %add3A_656 = arith.addi %mul3A_308, %add3A_655 : i32
      %add3A_657 = arith.constant 6 : i32
      %add3A_658 = arith.addi %add3A_656, %add3A_657 : i32
      %jit3A_659 = arith.constant 216 : i32
      %eq3A_660 = arith.constant 0 : i32
      %eq3A_661 = arith.cmpi eq, %jit3A_659, %eq3A_660 : i32
      %jit3A_662 = arith.constant 1 : i32
      %select_n3A_663 = arith.select %eq3A_661, %jit3A_662, %jit3A_659 : i32
      %rem3A_664 = arith.remsi %add3A_658, %select_n3A_663 : i32
      %ne3A_665 = arith.constant 0 : i32
      %ne3A_666 = arith.cmpi ne, %rem3A_664, %ne3A_665 : i32
      %lt3A_667 = arith.constant 0 : i32
      %lt3A_668 = arith.cmpi slt, %rem3A_664, %lt3A_667 : i32
      %lt3A_669 = arith.constant 0 : i32
      %lt3A_670 = arith.cmpi slt, %select_n3A_663, %lt3A_669 : i32
      %ne3A_671 = arith.xori %lt3A_668, %lt3A_670 : i1
      %and3A_672 = arith.andi %ne3A_671, %ne3A_666 : i1
      %add3A_673 = arith.addi %rem3A_664, %select_n3A_663 : i32
      %select_n3A_674 = arith.select %and3A_672, %add3A_673, %rem3A_664 : i32
      %mul3A_675 = arith.constant 48 : i32
      %mul3A_676 = arith.muli %select_n3A_674, %mul3A_675 : i32
      %dma_start3A_677 = arith.constant 1 : i32
      %dma_start3A_678 = arith.constant 0 : i32
      %dma_start3A_679 = arith.constant 0 : i32
      %dma_start3A_680 = tpu.memref_slice %arg8[%dma_start3A_677, %dma_start3A_678, %dma_start3A_679] : memref<6x48x128xf32, #tpu.memory_space<vmem>> -> memref<1x48x128xf32, #tpu.memory_space<vmem>>
      %dma_start3A_681 = tpu.memref_squeeze %dma_start3A_680 : memref<1x48x128xf32, #tpu.memory_space<vmem>> -> memref<48x128xf32, #tpu.memory_space<vmem>>
      %dma_start3A_682 = tpu.memref_slice %arg6[%mul3A_676] : memref<10368xi32, #tpu.memory_space<vmem>> -> memref<48xi32, #tpu.memory_space<vmem>>
      %dma_start3A_683 = arith.constant 0 : i32
      %dma_start3A_684 = arith.constant 0 : i32
      %dma_start3A_685 = tpu.memref_slice %arg2[%dma_start3A_683, %dma_start3A_684] : memref<10000x128xf32, #tpu.memory_space<hbm>> -> memref<10000x128xf32, #tpu.memory_space<hbm>>
      tpu.enqueue_indirect_dma source(%dma_start3A_685 : memref<10000x128xf32, #tpu.memory_space<hbm>>) target(%dma_start3A_681 : memref<48x128xf32, #tpu.memory_space<vmem>>) offsets(%dma_start3A_682 : memref<48xi32, #tpu.memory_space<vmem>>) semaphore(%arg11 : memref<!tpu.dma_semaphore, #tpu.memory_space<semaphore_mem>>)
      %dma_wait3A_686 = arith.constant 2 : i32
      %dma_wait3A_687 = arith.constant 0 : i32
      %dma_wait3A_688 = arith.constant 0 : i32
      %dma_wait3A_689 = tpu.memref_slice %arg8[%dma_wait3A_686, %dma_wait3A_687, %dma_wait3A_688] : memref<6x48x128xf32, #tpu.memory_space<vmem>> -> memref<1x48x128xf32, #tpu.memory_space<vmem>>
      %dma_wait3A_690 = tpu.memref_squeeze %dma_wait3A_689 : memref<1x48x128xf32, #tpu.memory_space<vmem>> -> memref<48x128xf32, #tpu.memory_space<vmem>>
      %dma_wait3A_691 = arith.constant 0 : i32
      %dma_wait3A_692 = arith.constant 0 : i32
      %dma_wait3A_693 = tpu.memref_slice %arg2[%dma_wait3A_691, %dma_wait3A_692] : memref<10000x128xf32, #tpu.memory_space<hbm>> -> memref<48x128xf32, #tpu.memory_space<hbm>>
      %dma_wait3A_694 = arith.constant 0 : i32
      %dma_wait3A_695 = arith.constant 0 : i32
      %dma_wait3A_696 = tpu.memref_slice %arg8[%dma_wait3A_686, %dma_wait3A_694, %dma_wait3A_695] : memref<6x48x128xf32, #tpu.memory_space<vmem>> -> memref<1x48x128xf32, #tpu.memory_space<vmem>>
      %dma_wait3A_697 = tpu.memref_squeeze %dma_wait3A_696 : memref<1x48x128xf32, #tpu.memory_space<vmem>> -> memref<48x128xf32, #tpu.memory_space<vmem>>
      %dma_wait3A_698 = arith.constant 0 : i32
      %dma_wait3A_699 = arith.constant 0 : i32
      %dma_wait3A_700 = tpu.memref_slice %arg2[%dma_wait3A_698, %dma_wait3A_699] : memref<10000x128xf32, #tpu.memory_space<hbm>> -> memref<48x128xf32, #tpu.memory_space<hbm>>
      tpu.wait_dma2 semaphore(%arg18 : memref<!tpu.dma_semaphore, #tpu.memory_space<semaphore_mem>>) src(%dma_wait3A_700 : memref<48x128xf32, #tpu.memory_space<hbm>>) dst(%dma_wait3A_697 : memref<48x128xf32, #tpu.memory_space<vmem>>)
      %add3A_701 = arith.constant 2 : i32
      %add3A_702 = arith.addi %mul3A_308, %add3A_701 : i32
      %add3A_703 = arith.constant 6 : i32
      %add3A_704 = arith.addi %add3A_702, %add3A_703 : i32
      %jit3A_705 = arith.constant 216 : i32
      %eq3A_706 = arith.constant 0 : i32
      %eq3A_707 = arith.cmpi eq, %jit3A_705, %eq3A_706 : i32
      %jit3A_708 = arith.constant 1 : i32
      %select_n3A_709 = arith.select %eq3A_707, %jit3A_708, %jit3A_705 : i32
      %rem3A_710 = arith.remsi %add3A_704, %select_n3A_709 : i32
      %ne3A_711 = arith.constant 0 : i32
      %ne3A_712 = arith.cmpi ne, %rem3A_710, %ne3A_711 : i32
      %lt3A_713 = arith.constant 0 : i32
      %lt3A_714 = arith.cmpi slt, %rem3A_710, %lt3A_713 : i32
      %lt3A_715 = arith.constant 0 : i32
      %lt3A_716 = arith.cmpi slt, %select_n3A_709, %lt3A_715 : i32
      %ne3A_717 = arith.xori %lt3A_714, %lt3A_716 : i1
      %and3A_718 = arith.andi %ne3A_717, %ne3A_712 : i1
      %add3A_719 = arith.addi %rem3A_710, %select_n3A_709 : i32
      %select_n3A_720 = arith.select %and3A_718, %add3A_719, %rem3A_710 : i32
      %mul3A_721 = arith.constant 48 : i32
      %mul3A_722 = arith.muli %select_n3A_720, %mul3A_721 : i32
      %add3A_723 = arith.addi %mul3A_2, %mul3A_722 : i32
      %dma_start3A_724 = arith.constant 2 : i32
      %dma_start3A_725 = arith.constant 0 : i32
      %dma_start3A_726 = tpu.memref_slice %arg7[%dma_start3A_724, %dma_start3A_725] : memref<6x48xi32, #tpu.memory_space<vmem>> -> memref<1x48xi32, #tpu.memory_space<vmem>>
      %dma_start3A_727 = tpu.memref_squeeze %dma_start3A_726 : memref<1x48xi32, #tpu.memory_space<vmem>> -> memref<48xi32, #tpu.memory_space<vmem>>
      %dma_start3A_728 = tpu.memref_slice %arg4[%add3A_723] : memref<331776xi32, #tpu.memory_space<hbm>> -> memref<48xi32, #tpu.memory_space<hbm>>
      %dma_start3A_729 = arith.constant 0 : i32
      %dma_start3A_730 = tpu.memref_slice %arg7[%dma_start3A_724, %dma_start3A_729] : memref<6x48xi32, #tpu.memory_space<vmem>> -> memref<1x48xi32, #tpu.memory_space<vmem>>
      %dma_start3A_731 = tpu.memref_squeeze %dma_start3A_730 : memref<1x48xi32, #tpu.memory_space<vmem>> -> memref<48xi32, #tpu.memory_space<vmem>>
      %dma_start3A_732 = tpu.memref_slice %arg4[%add3A_723] : memref<331776xi32, #tpu.memory_space<hbm>> -> memref<48xi32, #tpu.memory_space<hbm>>
      tpu.enqueue_dma source(%dma_start3A_732 : memref<48xi32, #tpu.memory_space<hbm>>) target(%dma_start3A_731 : memref<48xi32, #tpu.memory_space<vmem>>) target_semaphore(%arg24 : memref<!tpu.dma_semaphore, #tpu.memory_space<semaphore_mem>>)
      %add3A_733 = arith.constant 2 : i32
      %add3A_734 = arith.addi %mul3A_308, %add3A_733 : i32
      %add3A_735 = arith.constant 6 : i32
      %add3A_736 = arith.addi %add3A_734, %add3A_735 : i32
      %jit3A_737 = arith.constant 216 : i32
      %eq3A_738 = arith.constant 0 : i32
      %eq3A_739 = arith.cmpi eq, %jit3A_737, %eq3A_738 : i32
      %jit3A_740 = arith.constant 1 : i32
      %select_n3A_741 = arith.select %eq3A_739, %jit3A_740, %jit3A_737 : i32
      %rem3A_742 = arith.remsi %add3A_736, %select_n3A_741 : i32
      %ne3A_743 = arith.constant 0 : i32
      %ne3A_744 = arith.cmpi ne, %rem3A_742, %ne3A_743 : i32
      %lt3A_745 = arith.constant 0 : i32
      %lt3A_746 = arith.cmpi slt, %rem3A_742, %lt3A_745 : i32
      %lt3A_747 = arith.constant 0 : i32
      %lt3A_748 = arith.cmpi slt, %select_n3A_741, %lt3A_747 : i32
      %ne3A_749 = arith.xori %lt3A_746, %lt3A_748 : i1
      %and3A_750 = arith.andi %ne3A_749, %ne3A_744 : i1
      %add3A_751 = arith.addi %rem3A_742, %select_n3A_741 : i32
      %select_n3A_752 = arith.select %and3A_750, %add3A_751, %rem3A_742 : i32
      %mul3A_753 = arith.constant 48 : i32
      %mul3A_754 = arith.muli %select_n3A_752, %mul3A_753 : i32
      %dma_start3A_755 = arith.constant 2 : i32
      %dma_start3A_756 = arith.constant 0 : i32
      %dma_start3A_757 = arith.constant 0 : i32
      %dma_start3A_758 = tpu.memref_slice %arg8[%dma_start3A_755, %dma_start3A_756, %dma_start3A_757] : memref<6x48x128xf32, #tpu.memory_space<vmem>> -> memref<1x48x128xf32, #tpu.memory_space<vmem>>
      %dma_start3A_759 = tpu.memref_squeeze %dma_start3A_758 : memref<1x48x128xf32, #tpu.memory_space<vmem>> -> memref<48x128xf32, #tpu.memory_space<vmem>>
      %dma_start3A_760 = tpu.memref_slice %arg6[%mul3A_754] : memref<10368xi32, #tpu.memory_space<vmem>> -> memref<48xi32, #tpu.memory_space<vmem>>
      %dma_start3A_761 = arith.constant 0 : i32
      %dma_start3A_762 = arith.constant 0 : i32
      %dma_start3A_763 = tpu.memref_slice %arg2[%dma_start3A_761, %dma_start3A_762] : memref<10000x128xf32, #tpu.memory_space<hbm>> -> memref<10000x128xf32, #tpu.memory_space<hbm>>
      tpu.enqueue_indirect_dma source(%dma_start3A_763 : memref<10000x128xf32, #tpu.memory_space<hbm>>) target(%dma_start3A_759 : memref<48x128xf32, #tpu.memory_space<vmem>>) offsets(%dma_start3A_760 : memref<48xi32, #tpu.memory_space<vmem>>) semaphore(%arg12 : memref<!tpu.dma_semaphore, #tpu.memory_space<semaphore_mem>>)
      %dma_wait3A_764 = arith.constant 3 : i32
      %dma_wait3A_765 = arith.constant 0 : i32
      %dma_wait3A_766 = arith.constant 0 : i32
      %dma_wait3A_767 = tpu.memref_slice %arg8[%dma_wait3A_764, %dma_wait3A_765, %dma_wait3A_766] : memref<6x48x128xf32, #tpu.memory_space<vmem>> -> memref<1x48x128xf32, #tpu.memory_space<vmem>>
      %dma_wait3A_768 = tpu.memref_squeeze %dma_wait3A_767 : memref<1x48x128xf32, #tpu.memory_space<vmem>> -> memref<48x128xf32, #tpu.memory_space<vmem>>
      %dma_wait3A_769 = arith.constant 0 : i32
      %dma_wait3A_770 = arith.constant 0 : i32
      %dma_wait3A_771 = tpu.memref_slice %arg2[%dma_wait3A_769, %dma_wait3A_770] : memref<10000x128xf32, #tpu.memory_space<hbm>> -> memref<48x128xf32, #tpu.memory_space<hbm>>
      %dma_wait3A_772 = arith.constant 0 : i32
      %dma_wait3A_773 = arith.constant 0 : i32
      %dma_wait3A_774 = tpu.memref_slice %arg8[%dma_wait3A_764, %dma_wait3A_772, %dma_wait3A_773] : memref<6x48x128xf32, #tpu.memory_space<vmem>> -> memref<1x48x128xf32, #tpu.memory_space<vmem>>
      %dma_wait3A_775 = tpu.memref_squeeze %dma_wait3A_774 : memref<1x48x128xf32, #tpu.memory_space<vmem>> -> memref<48x128xf32, #tpu.memory_space<vmem>>
      %dma_wait3A_776 = arith.constant 0 : i32
      %dma_wait3A_777 = arith.constant 0 : i32
      %dma_wait3A_778 = tpu.memref_slice %arg2[%dma_wait3A_776, %dma_wait3A_777] : memref<10000x128xf32, #tpu.memory_space<hbm>> -> memref<48x128xf32, #tpu.memory_space<hbm>>
      tpu.wait_dma2 semaphore(%arg19 : memref<!tpu.dma_semaphore, #tpu.memory_space<semaphore_mem>>) src(%dma_wait3A_778 : memref<48x128xf32, #tpu.memory_space<hbm>>) dst(%dma_wait3A_775 : memref<48x128xf32, #tpu.memory_space<vmem>>)
      %add3A_779 = arith.constant 3 : i32
      %add3A_780 = arith.addi %mul3A_308, %add3A_779 : i32
      %add3A_781 = arith.constant 6 : i32
      %add3A_782 = arith.addi %add3A_780, %add3A_781 : i32
      %jit3A_783 = arith.constant 216 : i32
      %eq3A_784 = arith.constant 0 : i32
      %eq3A_785 = arith.cmpi eq, %jit3A_783, %eq3A_784 : i32
      %jit3A_786 = arith.constant 1 : i32
      %select_n3A_787 = arith.select %eq3A_785, %jit3A_786, %jit3A_783 : i32
      %rem3A_788 = arith.remsi %add3A_782, %select_n3A_787 : i32
      %ne3A_789 = arith.constant 0 : i32
      %ne3A_790 = arith.cmpi ne, %rem3A_788, %ne3A_789 : i32
      %lt3A_791 = arith.constant 0 : i32
      %lt3A_792 = arith.cmpi slt, %rem3A_788, %lt3A_791 : i32
      %lt3A_793 = arith.constant 0 : i32
      %lt3A_794 = arith.cmpi slt, %select_n3A_787, %lt3A_793 : i32
      %ne3A_795 = arith.xori %lt3A_792, %lt3A_794 : i1
      %and3A_796 = arith.andi %ne3A_795, %ne3A_790 : i1
      %add3A_797 = arith.addi %rem3A_788, %select_n3A_787 : i32
      %select_n3A_798 = arith.select %and3A_796, %add3A_797, %rem3A_788 : i32
      %mul3A_799 = arith.constant 48 : i32
      %mul3A_800 = arith.muli %select_n3A_798, %mul3A_799 : i32
      %add3A_801 = arith.addi %mul3A_2, %mul3A_800 : i32
      %dma_start3A_802 = arith.constant 3 : i32
      %dma_start3A_803 = arith.constant 0 : i32
      %dma_start3A_804 = tpu.memref_slice %arg7[%dma_start3A_802, %dma_start3A_803] : memref<6x48xi32, #tpu.memory_space<vmem>> -> memref<1x48xi32, #tpu.memory_space<vmem>>
      %dma_start3A_805 = tpu.memref_squeeze %dma_start3A_804 : memref<1x48xi32, #tpu.memory_space<vmem>> -> memref<48xi32, #tpu.memory_space<vmem>>
      %dma_start3A_806 = tpu.memref_slice %arg4[%add3A_801] : memref<331776xi32, #tpu.memory_space<hbm>> -> memref<48xi32, #tpu.memory_space<hbm>>
      %dma_start3A_807 = arith.constant 0 : i32
      %dma_start3A_808 = tpu.memref_slice %arg7[%dma_start3A_802, %dma_start3A_807] : memref<6x48xi32, #tpu.memory_space<vmem>> -> memref<1x48xi32, #tpu.memory_space<vmem>>
      %dma_start3A_809 = tpu.memref_squeeze %dma_start3A_808 : memref<1x48xi32, #tpu.memory_space<vmem>> -> memref<48xi32, #tpu.memory_space<vmem>>
      %dma_start3A_810 = tpu.memref_slice %arg4[%add3A_801] : memref<331776xi32, #tpu.memory_space<hbm>> -> memref<48xi32, #tpu.memory_space<hbm>>
      tpu.enqueue_dma source(%dma_start3A_810 : memref<48xi32, #tpu.memory_space<hbm>>) target(%dma_start3A_809 : memref<48xi32, #tpu.memory_space<vmem>>) target_semaphore(%arg25 : memref<!tpu.dma_semaphore, #tpu.memory_space<semaphore_mem>>)
      %add3A_811 = arith.constant 3 : i32
      %add3A_812 = arith.addi %mul3A_308, %add3A_811 : i32
      %add3A_813 = arith.constant 6 : i32
      %add3A_814 = arith.addi %add3A_812, %add3A_813 : i32
      %jit3A_815 = arith.constant 216 : i32
      %eq3A_816 = arith.constant 0 : i32
      %eq3A_817 = arith.cmpi eq, %jit3A_815, %eq3A_816 : i32
      %jit3A_818 = arith.constant 1 : i32
      %select_n3A_819 = arith.select %eq3A_817, %jit3A_818, %jit3A_815 : i32
      %rem3A_820 = arith.remsi %add3A_814, %select_n3A_819 : i32
      %ne3A_821 = arith.constant 0 : i32
      %ne3A_822 = arith.cmpi ne, %rem3A_820, %ne3A_821 : i32
      %lt3A_823 = arith.constant 0 : i32
      %lt3A_824 = arith.cmpi slt, %rem3A_820, %lt3A_823 : i32
      %lt3A_825 = arith.constant 0 : i32
      %lt3A_826 = arith.cmpi slt, %select_n3A_819, %lt3A_825 : i32
      %ne3A_827 = arith.xori %lt3A_824, %lt3A_826 : i1
      %and3A_828 = arith.andi %ne3A_827, %ne3A_822 : i1
      %add3A_829 = arith.addi %rem3A_820, %select_n3A_819 : i32
      %select_n3A_830 = arith.select %and3A_828, %add3A_829, %rem3A_820 : i32
      %mul3A_831 = arith.constant 48 : i32
      %mul3A_832 = arith.muli %select_n3A_830, %mul3A_831 : i32
      %dma_start3A_833 = arith.constant 3 : i32
      %dma_start3A_834 = arith.constant 0 : i32
      %dma_start3A_835 = arith.constant 0 : i32
      %dma_start3A_836 = tpu.memref_slice %arg8[%dma_start3A_833, %dma_start3A_834, %dma_start3A_835] : memref<6x48x128xf32, #tpu.memory_space<vmem>> -> memref<1x48x128xf32, #tpu.memory_space<vmem>>
      %dma_start3A_837 = tpu.memref_squeeze %dma_start3A_836 : memref<1x48x128xf32, #tpu.memory_space<vmem>> -> memref<48x128xf32, #tpu.memory_space<vmem>>
      %dma_start3A_838 = tpu.memref_slice %arg6[%mul3A_832] : memref<10368xi32, #tpu.memory_space<vmem>> -> memref<48xi32, #tpu.memory_space<vmem>>
      %dma_start3A_839 = arith.constant 0 : i32
      %dma_start3A_840 = arith.constant 0 : i32
      %dma_start3A_841 = tpu.memref_slice %arg2[%dma_start3A_839, %dma_start3A_840] : memref<10000x128xf32, #tpu.memory_space<hbm>> -> memref<10000x128xf32, #tpu.memory_space<hbm>>
      tpu.enqueue_indirect_dma source(%dma_start3A_841 : memref<10000x128xf32, #tpu.memory_space<hbm>>) target(%dma_start3A_837 : memref<48x128xf32, #tpu.memory_space<vmem>>) offsets(%dma_start3A_838 : memref<48xi32, #tpu.memory_space<vmem>>) semaphore(%arg13 : memref<!tpu.dma_semaphore, #tpu.memory_space<semaphore_mem>>)
      %dma_wait3A_842 = arith.constant 4 : i32
      %dma_wait3A_843 = arith.constant 0 : i32
      %dma_wait3A_844 = arith.constant 0 : i32
      %dma_wait3A_845 = tpu.memref_slice %arg8[%dma_wait3A_842, %dma_wait3A_843, %dma_wait3A_844] : memref<6x48x128xf32, #tpu.memory_space<vmem>> -> memref<1x48x128xf32, #tpu.memory_space<vmem>>
      %dma_wait3A_846 = tpu.memref_squeeze %dma_wait3A_845 : memref<1x48x128xf32, #tpu.memory_space<vmem>> -> memref<48x128xf32, #tpu.memory_space<vmem>>
      %dma_wait3A_847 = arith.constant 0 : i32
      %dma_wait3A_848 = arith.constant 0 : i32
      %dma_wait3A_849 = tpu.memref_slice %arg2[%dma_wait3A_847, %dma_wait3A_848] : memref<10000x128xf32, #tpu.memory_space<hbm>> -> memref<48x128xf32, #tpu.memory_space<hbm>>
      %dma_wait3A_850 = arith.constant 0 : i32
      %dma_wait3A_851 = arith.constant 0 : i32
      %dma_wait3A_852 = tpu.memref_slice %arg8[%dma_wait3A_842, %dma_wait3A_850, %dma_wait3A_851] : memref<6x48x128xf32, #tpu.memory_space<vmem>> -> memref<1x48x128xf32, #tpu.memory_space<vmem>>
      %dma_wait3A_853 = tpu.memref_squeeze %dma_wait3A_852 : memref<1x48x128xf32, #tpu.memory_space<vmem>> -> memref<48x128xf32, #tpu.memory_space<vmem>>
      %dma_wait3A_854 = arith.constant 0 : i32
      %dma_wait3A_855 = arith.constant 0 : i32
      %dma_wait3A_856 = tpu.memref_slice %arg2[%dma_wait3A_854, %dma_wait3A_855] : memref<10000x128xf32, #tpu.memory_space<hbm>> -> memref<48x128xf32, #tpu.memory_space<hbm>>
      tpu.wait_dma2 semaphore(%arg20 : memref<!tpu.dma_semaphore, #tpu.memory_space<semaphore_mem>>) src(%dma_wait3A_856 : memref<48x128xf32, #tpu.memory_space<hbm>>) dst(%dma_wait3A_853 : memref<48x128xf32, #tpu.memory_space<vmem>>)
      %add3A_857 = arith.constant 4 : i32
      %add3A_858 = arith.addi %mul3A_308, %add3A_857 : i32
      %add3A_859 = arith.constant 6 : i32
      %add3A_860 = arith.addi %add3A_858, %add3A_859 : i32
      %jit3A_861 = arith.constant 216 : i32
      %eq3A_862 = arith.constant 0 : i32
      %eq3A_863 = arith.cmpi eq, %jit3A_861, %eq3A_862 : i32
      %jit3A_864 = arith.constant 1 : i32
      %select_n3A_865 = arith.select %eq3A_863, %jit3A_864, %jit3A_861 : i32
      %rem3A_866 = arith.remsi %add3A_860, %select_n3A_865 : i32
      %ne3A_867 = arith.constant 0 : i32
      %ne3A_868 = arith.cmpi ne, %rem3A_866, %ne3A_867 : i32
      %lt3A_869 = arith.constant 0 : i32
      %lt3A_870 = arith.cmpi slt, %rem3A_866, %lt3A_869 : i32
      %lt3A_871 = arith.constant 0 : i32
      %lt3A_872 = arith.cmpi slt, %select_n3A_865, %lt3A_871 : i32
      %ne3A_873 = arith.xori %lt3A_870, %lt3A_872 : i1
      %and3A_874 = arith.andi %ne3A_873, %ne3A_868 : i1
      %add3A_875 = arith.addi %rem3A_866, %select_n3A_865 : i32
      %select_n3A_876 = arith.select %and3A_874, %add3A_875, %rem3A_866 : i32
      %mul3A_877 = arith.constant 48 : i32
      %mul3A_878 = arith.muli %select_n3A_876, %mul3A_877 : i32
      %add3A_879 = arith.addi %mul3A_2, %mul3A_878 : i32
      %dma_start3A_880 = arith.constant 4 : i32
      %dma_start3A_881 = arith.constant 0 : i32
      %dma_start3A_882 = tpu.memref_slice %arg7[%dma_start3A_880, %dma_start3A_881] : memref<6x48xi32, #tpu.memory_space<vmem>> -> memref<1x48xi32, #tpu.memory_space<vmem>>
      %dma_start3A_883 = tpu.memref_squeeze %dma_start3A_882 : memref<1x48xi32, #tpu.memory_space<vmem>> -> memref<48xi32, #tpu.memory_space<vmem>>
      %dma_start3A_884 = tpu.memref_slice %arg4[%add3A_879] : memref<331776xi32, #tpu.memory_space<hbm>> -> memref<48xi32, #tpu.memory_space<hbm>>
      %dma_start3A_885 = arith.constant 0 : i32
      %dma_start3A_886 = tpu.memref_slice %arg7[%dma_start3A_880, %dma_start3A_885] : memref<6x48xi32, #tpu.memory_space<vmem>> -> memref<1x48xi32, #tpu.memory_space<vmem>>
      %dma_start3A_887 = tpu.memref_squeeze %dma_start3A_886 : memref<1x48xi32, #tpu.memory_space<vmem>> -> memref<48xi32, #tpu.memory_space<vmem>>
      %dma_start3A_888 = tpu.memref_slice %arg4[%add3A_879] : memref<331776xi32, #tpu.memory_space<hbm>> -> memref<48xi32, #tpu.memory_space<hbm>>
      tpu.enqueue_dma source(%dma_start3A_888 : memref<48xi32, #tpu.memory_space<hbm>>) target(%dma_start3A_887 : memref<48xi32, #tpu.memory_space<vmem>>) target_semaphore(%arg26 : memref<!tpu.dma_semaphore, #tpu.memory_space<semaphore_mem>>)
      %add3A_889 = arith.constant 4 : i32
      %add3A_890 = arith.addi %mul3A_308, %add3A_889 : i32
      %add3A_891 = arith.constant 6 : i32
      %add3A_892 = arith.addi %add3A_890, %add3A_891 : i32
      %jit3A_893 = arith.constant 216 : i32
      %eq3A_894 = arith.constant 0 : i32
      %eq3A_895 = arith.cmpi eq, %jit3A_893, %eq3A_894 : i32
      %jit3A_896 = arith.constant 1 : i32
      %select_n3A_897 = arith.select %eq3A_895, %jit3A_896, %jit3A_893 : i32
      %rem3A_898 = arith.remsi %add3A_892, %select_n3A_897 : i32
      %ne3A_899 = arith.constant 0 : i32
      %ne3A_900 = arith.cmpi ne, %rem3A_898, %ne3A_899 : i32
      %lt3A_901 = arith.constant 0 : i32
      %lt3A_902 = arith.cmpi slt, %rem3A_898, %lt3A_901 : i32
      %lt3A_903 = arith.constant 0 : i32
      %lt3A_904 = arith.cmpi slt, %select_n3A_897, %lt3A_903 : i32
      %ne3A_905 = arith.xori %lt3A_902, %lt3A_904 : i1
      %and3A_906 = arith.andi %ne3A_905, %ne3A_900 : i1
      %add3A_907 = arith.addi %rem3A_898, %select_n3A_897 : i32
      %select_n3A_908 = arith.select %and3A_906, %add3A_907, %rem3A_898 : i32
      %mul3A_909 = arith.constant 48 : i32
      %mul3A_910 = arith.muli %select_n3A_908, %mul3A_909 : i32
      %dma_start3A_911 = arith.constant 4 : i32
      %dma_start3A_912 = arith.constant 0 : i32
      %dma_start3A_913 = arith.constant 0 : i32
      %dma_start3A_914 = tpu.memref_slice %arg8[%dma_start3A_911, %dma_start3A_912, %dma_start3A_913] : memref<6x48x128xf32, #tpu.memory_space<vmem>> -> memref<1x48x128xf32, #tpu.memory_space<vmem>>
      %dma_start3A_915 = tpu.memref_squeeze %dma_start3A_914 : memref<1x48x128xf32, #tpu.memory_space<vmem>> -> memref<48x128xf32, #tpu.memory_space<vmem>>
      %dma_start3A_916 = tpu.memref_slice %arg6[%mul3A_910] : memref<10368xi32, #tpu.memory_space<vmem>> -> memref<48xi32, #tpu.memory_space<vmem>>
      %dma_start3A_917 = arith.constant 0 : i32
      %dma_start3A_918 = arith.constant 0 : i32
      %dma_start3A_919 = tpu.memref_slice %arg2[%dma_start3A_917, %dma_start3A_918] : memref<10000x128xf32, #tpu.memory_space<hbm>> -> memref<10000x128xf32, #tpu.memory_space<hbm>>
      tpu.enqueue_indirect_dma source(%dma_start3A_919 : memref<10000x128xf32, #tpu.memory_space<hbm>>) target(%dma_start3A_915 : memref<48x128xf32, #tpu.memory_space<vmem>>) offsets(%dma_start3A_916 : memref<48xi32, #tpu.memory_space<vmem>>) semaphore(%arg14 : memref<!tpu.dma_semaphore, #tpu.memory_space<semaphore_mem>>)
      %dma_wait3A_920 = arith.constant 5 : i32
      %dma_wait3A_921 = arith.constant 0 : i32
      %dma_wait3A_922 = arith.constant 0 : i32
      %dma_wait3A_923 = tpu.memref_slice %arg8[%dma_wait3A_920, %dma_wait3A_921, %dma_wait3A_922] : memref<6x48x128xf32, #tpu.memory_space<vmem>> -> memref<1x48x128xf32, #tpu.memory_space<vmem>>
      %dma_wait3A_924 = tpu.memref_squeeze %dma_wait3A_923 : memref<1x48x128xf32, #tpu.memory_space<vmem>> -> memref<48x128xf32, #tpu.memory_space<vmem>>
      %dma_wait3A_925 = arith.constant 0 : i32
      %dma_wait3A_926 = arith.constant 0 : i32
      %dma_wait3A_927 = tpu.memref_slice %arg2[%dma_wait3A_925, %dma_wait3A_926] : memref<10000x128xf32, #tpu.memory_space<hbm>> -> memref<48x128xf32, #tpu.memory_space<hbm>>
      %dma_wait3A_928 = arith.constant 0 : i32
      %dma_wait3A_929 = arith.constant 0 : i32
      %dma_wait3A_930 = tpu.memref_slice %arg8[%dma_wait3A_920, %dma_wait3A_928, %dma_wait3A_929] : memref<6x48x128xf32, #tpu.memory_space<vmem>> -> memref<1x48x128xf32, #tpu.memory_space<vmem>>
      %dma_wait3A_931 = tpu.memref_squeeze %dma_wait3A_930 : memref<1x48x128xf32, #tpu.memory_space<vmem>> -> memref<48x128xf32, #tpu.memory_space<vmem>>
      %dma_wait3A_932 = arith.constant 0 : i32
      %dma_wait3A_933 = arith.constant 0 : i32
      %dma_wait3A_934 = tpu.memref_slice %arg2[%dma_wait3A_932, %dma_wait3A_933] : memref<10000x128xf32, #tpu.memory_space<hbm>> -> memref<48x128xf32, #tpu.memory_space<hbm>>
      tpu.wait_dma2 semaphore(%arg21 : memref<!tpu.dma_semaphore, #tpu.memory_space<semaphore_mem>>) src(%dma_wait3A_934 : memref<48x128xf32, #tpu.memory_space<hbm>>) dst(%dma_wait3A_931 : memref<48x128xf32, #tpu.memory_space<vmem>>)
      %add3A_935 = arith.constant 5 : i32
      %add3A_936 = arith.addi %mul3A_308, %add3A_935 : i32
      %add3A_937 = arith.constant 6 : i32
      %add3A_938 = arith.addi %add3A_936, %add3A_937 : i32
      %jit3A_939 = arith.constant 216 : i32
      %eq3A_940 = arith.constant 0 : i32
      %eq3A_941 = arith.cmpi eq, %jit3A_939, %eq3A_940 : i32
      %jit3A_942 = arith.constant 1 : i32
      %select_n3A_943 = arith.select %eq3A_941, %jit3A_942, %jit3A_939 : i32
      %rem3A_944 = arith.remsi %add3A_938, %select_n3A_943 : i32
      %ne3A_945 = arith.constant 0 : i32
      %ne3A_946 = arith.cmpi ne, %rem3A_944, %ne3A_945 : i32
      %lt3A_947 = arith.constant 0 : i32
      %lt3A_948 = arith.cmpi slt, %rem3A_944, %lt3A_947 : i32
      %lt3A_949 = arith.constant 0 : i32
      %lt3A_950 = arith.cmpi slt, %select_n3A_943, %lt3A_949 : i32
      %ne3A_951 = arith.xori %lt3A_948, %lt3A_950 : i1
      %and3A_952 = arith.andi %ne3A_951, %ne3A_946 : i1
      %add3A_953 = arith.addi %rem3A_944, %select_n3A_943 : i32
      %select_n3A_954 = arith.select %and3A_952, %add3A_953, %rem3A_944 : i32
      %mul3A_955 = arith.constant 48 : i32
      %mul3A_956 = arith.muli %select_n3A_954, %mul3A_955 : i32
      %add3A_957 = arith.addi %mul3A_2, %mul3A_956 : i32
      %dma_start3A_958 = arith.constant 5 : i32
      %dma_start3A_959 = arith.constant 0 : i32
      %dma_start3A_960 = tpu.memref_slice %arg7[%dma_start3A_958, %dma_start3A_959] : memref<6x48xi32, #tpu.memory_space<vmem>> -> memref<1x48xi32, #tpu.memory_space<vmem>>
      %dma_start3A_961 = tpu.memref_squeeze %dma_start3A_960 : memref<1x48xi32, #tpu.memory_space<vmem>> -> memref<48xi32, #tpu.memory_space<vmem>>
      %dma_start3A_962 = tpu.memref_slice %arg4[%add3A_957] : memref<331776xi32, #tpu.memory_space<hbm>> -> memref<48xi32, #tpu.memory_space<hbm>>
      %dma_start3A_963 = arith.constant 0 : i32
      %dma_start3A_964 = tpu.memref_slice %arg7[%dma_start3A_958, %dma_start3A_963] : memref<6x48xi32, #tpu.memory_space<vmem>> -> memref<1x48xi32, #tpu.memory_space<vmem>>
      %dma_start3A_965 = tpu.memref_squeeze %dma_start3A_964 : memref<1x48xi32, #tpu.memory_space<vmem>> -> memref<48xi32, #tpu.memory_space<vmem>>
      %dma_start3A_966 = tpu.memref_slice %arg4[%add3A_957] : memref<331776xi32, #tpu.memory_space<hbm>> -> memref<48xi32, #tpu.memory_space<hbm>>
      tpu.enqueue_dma source(%dma_start3A_966 : memref<48xi32, #tpu.memory_space<hbm>>) target(%dma_start3A_965 : memref<48xi32, #tpu.memory_space<vmem>>) target_semaphore(%arg27 : memref<!tpu.dma_semaphore, #tpu.memory_space<semaphore_mem>>)
      %add3A_967 = arith.constant 5 : i32
      %add3A_968 = arith.addi %mul3A_308, %add3A_967 : i32
      %add3A_969 = arith.constant 6 : i32
      %add3A_970 = arith.addi %add3A_968, %add3A_969 : i32
      %jit3A_971 = arith.constant 216 : i32
      %eq3A_972 = arith.constant 0 : i32
      %eq3A_973 = arith.cmpi eq, %jit3A_971, %eq3A_972 : i32
      %jit3A_974 = arith.constant 1 : i32
      %select_n3A_975 = arith.select %eq3A_973, %jit3A_974, %jit3A_971 : i32
      %rem3A_976 = arith.remsi %add3A_970, %select_n3A_975 : i32
      %ne3A_977 = arith.constant 0 : i32
      %ne3A_978 = arith.cmpi ne, %rem3A_976, %ne3A_977 : i32
      %lt3A_979 = arith.constant 0 : i32
      %lt3A_980 = arith.cmpi slt, %rem3A_976, %lt3A_979 : i32
      %lt3A_981 = arith.constant 0 : i32
      %lt3A_982 = arith.cmpi slt, %select_n3A_975, %lt3A_981 : i32
      %ne3A_983 = arith.xori %lt3A_980, %lt3A_982 : i1
      %and3A_984 = arith.andi %ne3A_983, %ne3A_978 : i1
      %add3A_985 = arith.addi %rem3A_976, %select_n3A_975 : i32
      %select_n3A_986 = arith.select %and3A_984, %add3A_985, %rem3A_976 : i32
      %mul3A_987 = arith.constant 48 : i32
      %mul3A_988 = arith.muli %select_n3A_986, %mul3A_987 : i32
      %dma_start3A_989 = arith.constant 5 : i32
      %dma_start3A_990 = arith.constant 0 : i32
      %dma_start3A_991 = arith.constant 0 : i32
      %dma_start3A_992 = tpu.memref_slice %arg8[%dma_start3A_989, %dma_start3A_990, %dma_start3A_991] : memref<6x48x128xf32, #tpu.memory_space<vmem>> -> memref<1x48x128xf32, #tpu.memory_space<vmem>>
      %dma_start3A_993 = tpu.memref_squeeze %dma_start3A_992 : memref<1x48x128xf32, #tpu.memory_space<vmem>> -> memref<48x128xf32, #tpu.memory_space<vmem>>
      %dma_start3A_994 = tpu.memref_slice %arg6[%mul3A_988] : memref<10368xi32, #tpu.memory_space<vmem>> -> memref<48xi32, #tpu.memory_space<vmem>>
      %dma_start3A_995 = arith.constant 0 : i32
      %dma_start3A_996 = arith.constant 0 : i32
      %dma_start3A_997 = tpu.memref_slice %arg2[%dma_start3A_995, %dma_start3A_996] : memref<10000x128xf32, #tpu.memory_space<hbm>> -> memref<10000x128xf32, #tpu.memory_space<hbm>>
      tpu.enqueue_indirect_dma source(%dma_start3A_997 : memref<10000x128xf32, #tpu.memory_space<hbm>>) target(%dma_start3A_993 : memref<48x128xf32, #tpu.memory_space<vmem>>) offsets(%dma_start3A_994 : memref<48xi32, #tpu.memory_space<vmem>>) semaphore(%arg15 : memref<!tpu.dma_semaphore, #tpu.memory_space<semaphore_mem>>)
    }
    %scan3A_145 = arith.constant 36 : i32
    %dma_wait3A = arith.constant 0 : i32
    %dma_wait3A_146 = arith.constant 0 : i32
    %dma_wait3A_147 = arith.constant 0 : i32
    %dma_wait3A_148 = tpu.memref_slice %arg8[%dma_wait3A, %dma_wait3A_146, %dma_wait3A_147] : memref<6x48x128xf32, #tpu.memory_space<vmem>> -> memref<1x48x128xf32, #tpu.memory_space<vmem>>
    %dma_wait3A_149 = tpu.memref_squeeze %dma_wait3A_148 : memref<1x48x128xf32, #tpu.memory_space<vmem>> -> memref<48x128xf32, #tpu.memory_space<vmem>>
    %dma_wait3A_150 = arith.constant 0 : i32
    %dma_wait3A_151 = arith.constant 0 : i32
    %dma_wait3A_152 = tpu.memref_slice %arg2[%dma_wait3A_150, %dma_wait3A_151] : memref<10000x128xf32, #tpu.memory_space<hbm>> -> memref<48x128xf32, #tpu.memory_space<hbm>>
    %dma_wait3A_153 = arith.constant 0 : i32
    %dma_wait3A_154 = arith.constant 0 : i32
    %dma_wait3A_155 = tpu.memref_slice %arg8[%dma_wait3A, %dma_wait3A_153, %dma_wait3A_154] : memref<6x48x128xf32, #tpu.memory_space<vmem>> -> memref<1x48x128xf32, #tpu.memory_space<vmem>>
    %dma_wait3A_156 = tpu.memref_squeeze %dma_wait3A_155 : memref<1x48x128xf32, #tpu.memory_space<vmem>> -> memref<48x128xf32, #tpu.memory_space<vmem>>
    %dma_wait3A_157 = arith.constant 0 : i32
    %dma_wait3A_158 = arith.constant 0 : i32
    %dma_wait3A_159 = tpu.memref_slice %arg2[%dma_wait3A_157, %dma_wait3A_158] : memref<10000x128xf32, #tpu.memory_space<hbm>> -> memref<48x128xf32, #tpu.memory_space<hbm>>
    tpu.wait_dma2 semaphore(%arg10 : memref<!tpu.dma_semaphore, #tpu.memory_space<semaphore_mem>>) src(%dma_wait3A_159 : memref<48x128xf32, #tpu.memory_space<hbm>>) dst(%dma_wait3A_156 : memref<48x128xf32, #tpu.memory_space<vmem>>)
    %dma_wait3A_160 = arith.constant 0 : i32
    %dma_wait3A_161 = arith.constant 0 : i32
    %dma_wait3A_162 = tpu.memref_slice %arg7[%dma_wait3A_160, %dma_wait3A_161] : memref<6x48xi32, #tpu.memory_space<vmem>> -> memref<1x48xi32, #tpu.memory_space<vmem>>
    %dma_wait3A_163 = tpu.memref_squeeze %dma_wait3A_162 : memref<1x48xi32, #tpu.memory_space<vmem>> -> memref<48xi32, #tpu.memory_space<vmem>>
    %dma_wait3A_164 = arith.constant 0 : i32
    %dma_wait3A_165 = tpu.memref_slice %arg4[%dma_wait3A_164] : memref<331776xi32, #tpu.memory_space<hbm>> -> memref<48xi32, #tpu.memory_space<hbm>>
    %dma_wait3A_166 = arith.constant 0 : i32
    %dma_wait3A_167 = tpu.memref_slice %arg7[%dma_wait3A_160, %dma_wait3A_166] : memref<6x48xi32, #tpu.memory_space<vmem>> -> memref<1x48xi32, #tpu.memory_space<vmem>>
    %dma_wait3A_168 = tpu.memref_squeeze %dma_wait3A_167 : memref<1x48xi32, #tpu.memory_space<vmem>> -> memref<48xi32, #tpu.memory_space<vmem>>
    %dma_wait3A_169 = arith.constant 0 : i32
    %dma_wait3A_170 = tpu.memref_slice %arg4[%dma_wait3A_169] : memref<331776xi32, #tpu.memory_space<hbm>> -> memref<48xi32, #tpu.memory_space<hbm>>
    tpu.wait_dma2 semaphore(%arg22 : memref<!tpu.dma_semaphore, #tpu.memory_space<semaphore_mem>>) src(%dma_wait3A_170 : memref<48xi32, #tpu.memory_space<hbm>>) dst(%dma_wait3A_168 : memref<48xi32, #tpu.memory_space<vmem>>)
    %dma_wait3A_171 = arith.constant 1 : i32
    %dma_wait3A_172 = arith.constant 0 : i32
    %dma_wait3A_173 = arith.constant 0 : i32
    %dma_wait3A_174 = tpu.memref_slice %arg8[%dma_wait3A_171, %dma_wait3A_172, %dma_wait3A_173] : memref<6x48x128xf32, #tpu.memory_space<vmem>> -> memref<1x48x128xf32, #tpu.memory_space<vmem>>
    %dma_wait3A_175 = tpu.memref_squeeze %dma_wait3A_174 : memref<1x48x128xf32, #tpu.memory_space<vmem>> -> memref<48x128xf32, #tpu.memory_space<vmem>>
    %dma_wait3A_176 = arith.constant 0 : i32
    %dma_wait3A_177 = arith.constant 0 : i32
    %dma_wait3A_178 = tpu.memref_slice %arg2[%dma_wait3A_176, %dma_wait3A_177] : memref<10000x128xf32, #tpu.memory_space<hbm>> -> memref<48x128xf32, #tpu.memory_space<hbm>>
    %dma_wait3A_179 = arith.constant 0 : i32
    %dma_wait3A_180 = arith.constant 0 : i32
    %dma_wait3A_181 = tpu.memref_slice %arg8[%dma_wait3A_171, %dma_wait3A_179, %dma_wait3A_180] : memref<6x48x128xf32, #tpu.memory_space<vmem>> -> memref<1x48x128xf32, #tpu.memory_space<vmem>>
    %dma_wait3A_182 = tpu.memref_squeeze %dma_wait3A_181 : memref<1x48x128xf32, #tpu.memory_space<vmem>> -> memref<48x128xf32, #tpu.memory_space<vmem>>
    %dma_wait3A_183 = arith.constant 0 : i32
    %dma_wait3A_184 = arith.constant 0 : i32
    %dma_wait3A_185 = tpu.memref_slice %arg2[%dma_wait3A_183, %dma_wait3A_184] : memref<10000x128xf32, #tpu.memory_space<hbm>> -> memref<48x128xf32, #tpu.memory_space<hbm>>
    tpu.wait_dma2 semaphore(%arg11 : memref<!tpu.dma_semaphore, #tpu.memory_space<semaphore_mem>>) src(%dma_wait3A_185 : memref<48x128xf32, #tpu.memory_space<hbm>>) dst(%dma_wait3A_182 : memref<48x128xf32, #tpu.memory_space<vmem>>)
    %dma_wait3A_186 = arith.constant 1 : i32
    %dma_wait3A_187 = arith.constant 0 : i32
    %dma_wait3A_188 = tpu.memref_slice %arg7[%dma_wait3A_186, %dma_wait3A_187] : memref<6x48xi32, #tpu.memory_space<vmem>> -> memref<1x48xi32, #tpu.memory_space<vmem>>
    %dma_wait3A_189 = tpu.memref_squeeze %dma_wait3A_188 : memref<1x48xi32, #tpu.memory_space<vmem>> -> memref<48xi32, #tpu.memory_space<vmem>>
    %dma_wait3A_190 = arith.constant 0 : i32
    %dma_wait3A_191 = tpu.memref_slice %arg4[%dma_wait3A_190] : memref<331776xi32, #tpu.memory_space<hbm>> -> memref<48xi32, #tpu.memory_space<hbm>>
    %dma_wait3A_192 = arith.constant 0 : i32
    %dma_wait3A_193 = tpu.memref_slice %arg7[%dma_wait3A_186, %dma_wait3A_192] : memref<6x48xi32, #tpu.memory_space<vmem>> -> memref<1x48xi32, #tpu.memory_space<vmem>>
    %dma_wait3A_194 = tpu.memref_squeeze %dma_wait3A_193 : memref<1x48xi32, #tpu.memory_space<vmem>> -> memref<48xi32, #tpu.memory_space<vmem>>
    %dma_wait3A_195 = arith.constant 0 : i32
    %dma_wait3A_196 = tpu.memref_slice %arg4[%dma_wait3A_195] : memref<331776xi32, #tpu.memory_space<hbm>> -> memref<48xi32, #tpu.memory_space<hbm>>
    tpu.wait_dma2 semaphore(%arg23 : memref<!tpu.dma_semaphore, #tpu.memory_space<semaphore_mem>>) src(%dma_wait3A_196 : memref<48xi32, #tpu.memory_space<hbm>>) dst(%dma_wait3A_194 : memref<48xi32, #tpu.memory_space<vmem>>)
    %dma_wait3A_197 = arith.constant 2 : i32
    %dma_wait3A_198 = arith.constant 0 : i32
    %dma_wait3A_199 = arith.constant 0 : i32
    %dma_wait3A_200 = tpu.memref_slice %arg8[%dma_wait3A_197, %dma_wait3A_198, %dma_wait3A_199] : memref<6x48x128xf32, #tpu.memory_space<vmem>> -> memref<1x48x128xf32, #tpu.memory_space<vmem>>
    %dma_wait3A_201 = tpu.memref_squeeze %dma_wait3A_200 : memref<1x48x128xf32, #tpu.memory_space<vmem>> -> memref<48x128xf32, #tpu.memory_space<vmem>>
    %dma_wait3A_202 = arith.constant 0 : i32
    %dma_wait3A_203 = arith.constant 0 : i32
    %dma_wait3A_204 = tpu.memref_slice %arg2[%dma_wait3A_202, %dma_wait3A_203] : memref<10000x128xf32, #tpu.memory_space<hbm>> -> memref<48x128xf32, #tpu.memory_space<hbm>>
    %dma_wait3A_205 = arith.constant 0 : i32
    %dma_wait3A_206 = arith.constant 0 : i32
    %dma_wait3A_207 = tpu.memref_slice %arg8[%dma_wait3A_197, %dma_wait3A_205, %dma_wait3A_206] : memref<6x48x128xf32, #tpu.memory_space<vmem>> -> memref<1x48x128xf32, #tpu.memory_space<vmem>>
    %dma_wait3A_208 = tpu.memref_squeeze %dma_wait3A_207 : memref<1x48x128xf32, #tpu.memory_space<vmem>> -> memref<48x128xf32, #tpu.memory_space<vmem>>
    %dma_wait3A_209 = arith.constant 0 : i32
    %dma_wait3A_210 = arith.constant 0 : i32
    %dma_wait3A_211 = tpu.memref_slice %arg2[%dma_wait3A_209, %dma_wait3A_210] : memref<10000x128xf32, #tpu.memory_space<hbm>> -> memref<48x128xf32, #tpu.memory_space<hbm>>
    tpu.wait_dma2 semaphore(%arg12 : memref<!tpu.dma_semaphore, #tpu.memory_space<semaphore_mem>>) src(%dma_wait3A_211 : memref<48x128xf32, #tpu.memory_space<hbm>>) dst(%dma_wait3A_208 : memref<48x128xf32, #tpu.memory_space<vmem>>)
    %dma_wait3A_212 = arith.constant 2 : i32
    %dma_wait3A_213 = arith.constant 0 : i32
    %dma_wait3A_214 = tpu.memref_slice %arg7[%dma_wait3A_212, %dma_wait3A_213] : memref<6x48xi32, #tpu.memory_space<vmem>> -> memref<1x48xi32, #tpu.memory_space<vmem>>
    %dma_wait3A_215 = tpu.memref_squeeze %dma_wait3A_214 : memref<1x48xi32, #tpu.memory_space<vmem>> -> memref<48xi32, #tpu.memory_space<vmem>>
    %dma_wait3A_216 = arith.constant 0 : i32
    %dma_wait3A_217 = tpu.memref_slice %arg4[%dma_wait3A_216] : memref<331776xi32, #tpu.memory_space<hbm>> -> memref<48xi32, #tpu.memory_space<hbm>>
    %dma_wait3A_218 = arith.constant 0 : i32
    %dma_wait3A_219 = tpu.memref_slice %arg7[%dma_wait3A_212, %dma_wait3A_218] : memref<6x48xi32, #tpu.memory_space<vmem>> -> memref<1x48xi32, #tpu.memory_space<vmem>>
    %dma_wait3A_220 = tpu.memref_squeeze %dma_wait3A_219 : memref<1x48xi32, #tpu.memory_space<vmem>> -> memref<48xi32, #tpu.memory_space<vmem>>
    %dma_wait3A_221 = arith.constant 0 : i32
    %dma_wait3A_222 = tpu.memref_slice %arg4[%dma_wait3A_221] : memref<331776xi32, #tpu.memory_space<hbm>> -> memref<48xi32, #tpu.memory_space<hbm>>
    tpu.wait_dma2 semaphore(%arg24 : memref<!tpu.dma_semaphore, #tpu.memory_space<semaphore_mem>>) src(%dma_wait3A_222 : memref<48xi32, #tpu.memory_space<hbm>>) dst(%dma_wait3A_220 : memref<48xi32, #tpu.memory_space<vmem>>)
    %dma_wait3A_223 = arith.constant 3 : i32
    %dma_wait3A_224 = arith.constant 0 : i32
    %dma_wait3A_225 = arith.constant 0 : i32
    %dma_wait3A_226 = tpu.memref_slice %arg8[%dma_wait3A_223, %dma_wait3A_224, %dma_wait3A_225] : memref<6x48x128xf32, #tpu.memory_space<vmem>> -> memref<1x48x128xf32, #tpu.memory_space<vmem>>
    %dma_wait3A_227 = tpu.memref_squeeze %dma_wait3A_226 : memref<1x48x128xf32, #tpu.memory_space<vmem>> -> memref<48x128xf32, #tpu.memory_space<vmem>>
    %dma_wait3A_228 = arith.constant 0 : i32
    %dma_wait3A_229 = arith.constant 0 : i32
    %dma_wait3A_230 = tpu.memref_slice %arg2[%dma_wait3A_228, %dma_wait3A_229] : memref<10000x128xf32, #tpu.memory_space<hbm>> -> memref<48x128xf32, #tpu.memory_space<hbm>>
    %dma_wait3A_231 = arith.constant 0 : i32
    %dma_wait3A_232 = arith.constant 0 : i32
    %dma_wait3A_233 = tpu.memref_slice %arg8[%dma_wait3A_223, %dma_wait3A_231, %dma_wait3A_232] : memref<6x48x128xf32, #tpu.memory_space<vmem>> -> memref<1x48x128xf32, #tpu.memory_space<vmem>>
    %dma_wait3A_234 = tpu.memref_squeeze %dma_wait3A_233 : memref<1x48x128xf32, #tpu.memory_space<vmem>> -> memref<48x128xf32, #tpu.memory_space<vmem>>
    %dma_wait3A_235 = arith.constant 0 : i32
    %dma_wait3A_236 = arith.constant 0 : i32
    %dma_wait3A_237 = tpu.memref_slice %arg2[%dma_wait3A_235, %dma_wait3A_236] : memref<10000x128xf32, #tpu.memory_space<hbm>> -> memref<48x128xf32, #tpu.memory_space<hbm>>
    tpu.wait_dma2 semaphore(%arg13 : memref<!tpu.dma_semaphore, #tpu.memory_space<semaphore_mem>>) src(%dma_wait3A_237 : memref<48x128xf32, #tpu.memory_space<hbm>>) dst(%dma_wait3A_234 : memref<48x128xf32, #tpu.memory_space<vmem>>)
    %dma_wait3A_238 = arith.constant 3 : i32
    %dma_wait3A_239 = arith.constant 0 : i32
    %dma_wait3A_240 = tpu.memref_slice %arg7[%dma_wait3A_238, %dma_wait3A_239] : memref<6x48xi32, #tpu.memory_space<vmem>> -> memref<1x48xi32, #tpu.memory_space<vmem>>
    %dma_wait3A_241 = tpu.memref_squeeze %dma_wait3A_240 : memref<1x48xi32, #tpu.memory_space<vmem>> -> memref<48xi32, #tpu.memory_space<vmem>>
    %dma_wait3A_242 = arith.constant 0 : i32
    %dma_wait3A_243 = tpu.memref_slice %arg4[%dma_wait3A_242] : memref<331776xi32, #tpu.memory_space<hbm>> -> memref<48xi32, #tpu.memory_space<hbm>>
    %dma_wait3A_244 = arith.constant 0 : i32
    %dma_wait3A_245 = tpu.memref_slice %arg7[%dma_wait3A_238, %dma_wait3A_244] : memref<6x48xi32, #tpu.memory_space<vmem>> -> memref<1x48xi32, #tpu.memory_space<vmem>>
    %dma_wait3A_246 = tpu.memref_squeeze %dma_wait3A_245 : memref<1x48xi32, #tpu.memory_space<vmem>> -> memref<48xi32, #tpu.memory_space<vmem>>
    %dma_wait3A_247 = arith.constant 0 : i32
    %dma_wait3A_248 = tpu.memref_slice %arg4[%dma_wait3A_247] : memref<331776xi32, #tpu.memory_space<hbm>> -> memref<48xi32, #tpu.memory_space<hbm>>
    tpu.wait_dma2 semaphore(%arg25 : memref<!tpu.dma_semaphore, #tpu.memory_space<semaphore_mem>>) src(%dma_wait3A_248 : memref<48xi32, #tpu.memory_space<hbm>>) dst(%dma_wait3A_246 : memref<48xi32, #tpu.memory_space<vmem>>)
    %dma_wait3A_249 = arith.constant 4 : i32
    %dma_wait3A_250 = arith.constant 0 : i32
    %dma_wait3A_251 = arith.constant 0 : i32
    %dma_wait3A_252 = tpu.memref_slice %arg8[%dma_wait3A_249, %dma_wait3A_250, %dma_wait3A_251] : memref<6x48x128xf32, #tpu.memory_space<vmem>> -> memref<1x48x128xf32, #tpu.memory_space<vmem>>
    %dma_wait3A_253 = tpu.memref_squeeze %dma_wait3A_252 : memref<1x48x128xf32, #tpu.memory_space<vmem>> -> memref<48x128xf32, #tpu.memory_space<vmem>>
    %dma_wait3A_254 = arith.constant 0 : i32
    %dma_wait3A_255 = arith.constant 0 : i32
    %dma_wait3A_256 = tpu.memref_slice %arg2[%dma_wait3A_254, %dma_wait3A_255] : memref<10000x128xf32, #tpu.memory_space<hbm>> -> memref<48x128xf32, #tpu.memory_space<hbm>>
    %dma_wait3A_257 = arith.constant 0 : i32
    %dma_wait3A_258 = arith.constant 0 : i32
    %dma_wait3A_259 = tpu.memref_slice %arg8[%dma_wait3A_249, %dma_wait3A_257, %dma_wait3A_258] : memref<6x48x128xf32, #tpu.memory_space<vmem>> -> memref<1x48x128xf32, #tpu.memory_space<vmem>>
    %dma_wait3A_260 = tpu.memref_squeeze %dma_wait3A_259 : memref<1x48x128xf32, #tpu.memory_space<vmem>> -> memref<48x128xf32, #tpu.memory_space<vmem>>
    %dma_wait3A_261 = arith.constant 0 : i32
    %dma_wait3A_262 = arith.constant 0 : i32
    %dma_wait3A_263 = tpu.memref_slice %arg2[%dma_wait3A_261, %dma_wait3A_262] : memref<10000x128xf32, #tpu.memory_space<hbm>> -> memref<48x128xf32, #tpu.memory_space<hbm>>
    tpu.wait_dma2 semaphore(%arg14 : memref<!tpu.dma_semaphore, #tpu.memory_space<semaphore_mem>>) src(%dma_wait3A_263 : memref<48x128xf32, #tpu.memory_space<hbm>>) dst(%dma_wait3A_260 : memref<48x128xf32, #tpu.memory_space<vmem>>)
    %dma_wait3A_264 = arith.constant 4 : i32
    %dma_wait3A_265 = arith.constant 0 : i32
    %dma_wait3A_266 = tpu.memref_slice %arg7[%dma_wait3A_264, %dma_wait3A_265] : memref<6x48xi32, #tpu.memory_space<vmem>> -> memref<1x48xi32, #tpu.memory_space<vmem>>
    %dma_wait3A_267 = tpu.memref_squeeze %dma_wait3A_266 : memref<1x48xi32, #tpu.memory_space<vmem>> -> memref<48xi32, #tpu.memory_space<vmem>>
    %dma_wait3A_268 = arith.constant 0 : i32
    %dma_wait3A_269 = tpu.memref_slice %arg4[%dma_wait3A_268] : memref<331776xi32, #tpu.memory_space<hbm>> -> memref<48xi32, #tpu.memory_space<hbm>>
    %dma_wait3A_270 = arith.constant 0 : i32
    %dma_wait3A_271 = tpu.memref_slice %arg7[%dma_wait3A_264, %dma_wait3A_270] : memref<6x48xi32, #tpu.memory_space<vmem>> -> memref<1x48xi32, #tpu.memory_space<vmem>>
    %dma_wait3A_272 = tpu.memref_squeeze %dma_wait3A_271 : memref<1x48xi32, #tpu.memory_space<vmem>> -> memref<48xi32, #tpu.memory_space<vmem>>
    %dma_wait3A_273 = arith.constant 0 : i32
    %dma_wait3A_274 = tpu.memref_slice %arg4[%dma_wait3A_273] : memref<331776xi32, #tpu.memory_space<hbm>> -> memref<48xi32, #tpu.memory_space<hbm>>
    tpu.wait_dma2 semaphore(%arg26 : memref<!tpu.dma_semaphore, #tpu.memory_space<semaphore_mem>>) src(%dma_wait3A_274 : memref<48xi32, #tpu.memory_space<hbm>>) dst(%dma_wait3A_272 : memref<48xi32, #tpu.memory_space<vmem>>)
    %dma_wait3A_275 = arith.constant 5 : i32
    %dma_wait3A_276 = arith.constant 0 : i32
    %dma_wait3A_277 = arith.constant 0 : i32
    %dma_wait3A_278 = tpu.memref_slice %arg8[%dma_wait3A_275, %dma_wait3A_276, %dma_wait3A_277] : memref<6x48x128xf32, #tpu.memory_space<vmem>> -> memref<1x48x128xf32, #tpu.memory_space<vmem>>
    %dma_wait3A_279 = tpu.memref_squeeze %dma_wait3A_278 : memref<1x48x128xf32, #tpu.memory_space<vmem>> -> memref<48x128xf32, #tpu.memory_space<vmem>>
    %dma_wait3A_280 = arith.constant 0 : i32
    %dma_wait3A_281 = arith.constant 0 : i32
    %dma_wait3A_282 = tpu.memref_slice %arg2[%dma_wait3A_280, %dma_wait3A_281] : memref<10000x128xf32, #tpu.memory_space<hbm>> -> memref<48x128xf32, #tpu.memory_space<hbm>>
    %dma_wait3A_283 = arith.constant 0 : i32
    %dma_wait3A_284 = arith.constant 0 : i32
    %dma_wait3A_285 = tpu.memref_slice %arg8[%dma_wait3A_275, %dma_wait3A_283, %dma_wait3A_284] : memref<6x48x128xf32, #tpu.memory_space<vmem>> -> memref<1x48x128xf32, #tpu.memory_space<vmem>>
    %dma_wait3A_286 = tpu.memref_squeeze %dma_wait3A_285 : memref<1x48x128xf32, #tpu.memory_space<vmem>> -> memref<48x128xf32, #tpu.memory_space<vmem>>
    %dma_wait3A_287 = arith.constant 0 : i32
    %dma_wait3A_288 = arith.constant 0 : i32
    %dma_wait3A_289 = tpu.memref_slice %arg2[%dma_wait3A_287, %dma_wait3A_288] : memref<10000x128xf32, #tpu.memory_space<hbm>> -> memref<48x128xf32, #tpu.memory_space<hbm>>
    tpu.wait_dma2 semaphore(%arg15 : memref<!tpu.dma_semaphore, #tpu.memory_space<semaphore_mem>>) src(%dma_wait3A_289 : memref<48x128xf32, #tpu.memory_space<hbm>>) dst(%dma_wait3A_286 : memref<48x128xf32, #tpu.memory_space<vmem>>)
    %dma_wait3A_290 = arith.constant 5 : i32
    %dma_wait3A_291 = arith.constant 0 : i32
    %dma_wait3A_292 = tpu.memref_slice %arg7[%dma_wait3A_290, %dma_wait3A_291] : memref<6x48xi32, #tpu.memory_space<vmem>> -> memref<1x48xi32, #tpu.memory_space<vmem>>
    %dma_wait3A_293 = tpu.memref_squeeze %dma_wait3A_292 : memref<1x48xi32, #tpu.memory_space<vmem>> -> memref<48xi32, #tpu.memory_space<vmem>>
    %dma_wait3A_294 = arith.constant 0 : i32
    %dma_wait3A_295 = tpu.memref_slice %arg4[%dma_wait3A_294] : memref<331776xi32, #tpu.memory_space<hbm>> -> memref<48xi32, #tpu.memory_space<hbm>>
    %dma_wait3A_296 = arith.constant 0 : i32
    %dma_wait3A_297 = tpu.memref_slice %arg7[%dma_wait3A_290, %dma_wait3A_296] : memref<6x48xi32, #tpu.memory_space<vmem>> -> memref<1x48xi32, #tpu.memory_space<vmem>>
    %dma_wait3A_298 = tpu.memref_squeeze %dma_wait3A_297 : memref<1x48xi32, #tpu.memory_space<vmem>> -> memref<48xi32, #tpu.memory_space<vmem>>
    %dma_wait3A_299 = arith.constant 0 : i32
    %dma_wait3A_300 = tpu.memref_slice %arg4[%dma_wait3A_299] : memref<331776xi32, #tpu.memory_space<hbm>> -> memref<48xi32, #tpu.memory_space<hbm>>
    tpu.wait_dma2 semaphore(%arg27 : memref<!tpu.dma_semaphore, #tpu.memory_space<semaphore_mem>>) src(%dma_wait3A_300 : memref<48xi32, #tpu.memory_space<hbm>>) dst(%dma_wait3A_298 : memref<48xi32, #tpu.memory_space<vmem>>)
    %barrier3A_301 = arith.constant 0 : index
    tpu.barrier barrier_id(%barrier3A_301)
    %mul3A_302 = arith.constant 640 : i32
    %mul3A_303 = arith.muli %arg1, %mul3A_302 : i32
    %mul3A_304 = arith.constant 640 : i32
    %mul3A_305 = arith.muli %arg1, %mul3A_304 : i32
    "tpu.region"() ({
      %run_scoped3A = tpu.sem_alloc : memref<!tpu.dma_semaphore, #tpu.memory_space<semaphore_mem>>
      %dma_start3A_306 = arith.constant 0 : i32
      %dma_start3A_307 = tpu.memref_slice %arg5[%arg0, %mul3A_305, %dma_start3A_306] : memref<2x10240x128xf32, #tpu.memory_space<hbm>> -> memref<1x640x128xf32, #tpu.memory_space<hbm>>
      %dma_start3A_308 = tpu.memref_squeeze %dma_start3A_307 : memref<1x640x128xf32, #tpu.memory_space<hbm>> -> memref<640x128xf32, #tpu.memory_space<hbm>>
      %dma_start3A_309 = arith.constant 0 : i32
      %dma_start3A_310 = tpu.memref_slice %arg9[%mul3A_303, %dma_start3A_309] : memref<10240x128xf32, #tpu.memory_space<vmem_shared>> -> memref<640x128xf32, #tpu.memory_space<vmem_shared>>
      tpu.enqueue_dma source(%dma_start3A_310 : memref<640x128xf32, #tpu.memory_space<vmem_shared>>) target(%dma_start3A_308 : memref<640x128xf32, #tpu.memory_space<hbm>>) target_semaphore(%run_scoped3A : memref<!tpu.dma_semaphore, #tpu.memory_space<semaphore_mem>>)
      %dma_wait3A_311 = arith.constant 0 : i32
      %dma_wait3A_312 = tpu.memref_slice %arg5[%arg0, %mul3A_305, %dma_wait3A_311] : memref<2x10240x128xf32, #tpu.memory_space<hbm>> -> memref<1x640x128xf32, #tpu.memory_space<hbm>>
      %dma_wait3A_313 = tpu.memref_squeeze %dma_wait3A_312 : memref<1x640x128xf32, #tpu.memory_space<hbm>> -> memref<640x128xf32, #tpu.memory_space<hbm>>
      %dma_wait3A_314 = arith.constant 0 : i32
      %dma_wait3A_315 = tpu.memref_slice %arg9[%mul3A_303, %dma_wait3A_314] : memref<10240x128xf32, #tpu.memory_space<vmem_shared>> -> memref<640x128xf32, #tpu.memory_space<vmem_shared>>
      tpu.wait_dma2 semaphore(%run_scoped3A : memref<!tpu.dma_semaphore, #tpu.memory_space<semaphore_mem>>) src(%dma_wait3A_315 : memref<640x128xf32, #tpu.memory_space<vmem_shared>>) dst(%dma_wait3A_313 : memref<640x128xf32, #tpu.memory_space<hbm>>)
      tpu.yield
    }) : () -> ()
    return
  }
}

#map = affine_map<(d0, d1) -> (0, 0)>
#map1 = affine_map<(d0, d1) -> (0)>
#map2 = affine_map<(d0, d1) -> (0, 0, 0)>
module attributes {stable_mosaic.version = 14 : i64} {
  func.func @_sc_agg_body(%arg0: i32, %arg1: i32, %arg2: memref<10000x128xf32, #tpu.memory_space<hbm>>, %arg3: memref<331776xi32, #tpu.memory_space<hbm>>, %arg4: memref<331776xi32, #tpu.memory_space<hbm>>, %arg5: memref<2x10240x128xf32, #tpu.memory_space<hbm>>, %arg6: memref<10368xi32, #tpu.memory_space<vmem>>, %arg7: memref<6x48xi32, #tpu.memory_space<vmem>>, %arg8: memref<6x48x128xf32, #tpu.memory_space<vmem>>, %arg9: memref<10240x128xf32, #tpu.memory_space<vmem_shared>>, %arg10: memref<!tpu.dma_semaphore, #tpu.memory_space<semaphore_mem>>, %arg11: memref<!tpu.dma_semaphore, #tpu.memory_space<semaphore_mem>>, %arg12: memref<!tpu.dma_semaphore, #tpu.memory_space<semaphore_mem>>, %arg13: memref<!tpu.dma_semaphore, #tpu.memory_space<semaphore_mem>>, %arg14: memref<!tpu.dma_semaphore, #tpu.memory_space<semaphore_mem>>, %arg15: memref<!tpu.dma_semaphore, #tpu.memory_space<semaphore_mem>>, %arg16: memref<!tpu.dma_semaphore, #tpu.memory_space<semaphore_mem>>, %arg17: memref<!tpu.dma_semaphore, #tpu.memory_space<semaphore_mem>>, %arg18: memref<!tpu.dma_semaphore, #tpu.memory_space<semaphore_mem>>, %arg19: memref<!tpu.dma_semaphore, #tpu.memory_space<semaphore_mem>>, %arg20: memref<!tpu.dma_semaphore, #tpu.memory_space<semaphore_mem>>, %arg21: memref<!tpu.dma_semaphore, #tpu.memory_space<semaphore_mem>>, %arg22: memref<!tpu.dma_semaphore, #tpu.memory_space<semaphore_mem>>, %arg23: memref<!tpu.dma_semaphore, #tpu.memory_space<semaphore_mem>>, %arg24: memref<!tpu.dma_semaphore, #tpu.memory_space<semaphore_mem>>, %arg25: memref<!tpu.dma_semaphore, #tpu.memory_space<semaphore_mem>>, %arg26: memref<!tpu.dma_semaphore, #tpu.memory_space<semaphore_mem>>, %arg27: memref<!tpu.dma_semaphore, #tpu.memory_space<semaphore_mem>>) attributes {dimension_semantics = [#tpu.dimension_semantics<core_parallel>, #tpu.dimension_semantics<subcore_parallel>], iteration_bounds = array<i64: 2, 16>, scalar_prefetch = 0 : i64, scratch_operands = 22 : i64, tpu.core_type = #tpu.core_type<sc_vector_subcore>, window_params = [{transform_indices = #map}, {transform_indices = #map1}, {transform_indices = #map1}, {transform_indices = #map2}]} {
    %mul3A = arith.constant 16 : i32
    %mul3A_0 = arith.muli %arg0, %mul3A : i32
    %add3A = arith.addi %mul3A_0, %arg1 : i32
    %mul3A_1 = arith.constant 10368 : i32
    %mul3A_2 = arith.muli %add3A, %mul3A_1 : i32
    %broadcast_in_dim3A = arith.constant 0.000000e+00 : f32
    %broadcast_in_dim3A_3 = vector.broadcast %broadcast_in_dim3A : f32 to vector<16xf32>
    %scan3A = arith.constant 0 : i32
    %scan3A_4 = arith.constant 0 : i32
    %scan3A_5 = arith.constant 640 : i32
    %scan3A_6 = arith.addi %scan3A_4, %scan3A_5 : i32
    %scan3A_7 = arith.constant 1 : i32
    scf.for %scan3A_306 = %scan3A_4 to %scan3A_6 step %scan3A_7  : i32 {
      %jit3A = arith.constant 8 : i32
      %div3A = arith.divsi %scan3A_306, %jit3A : i32
      %sign3A = arith.constant 0 : i32
      %sign3A_307 = arith.cmpi sgt, %scan3A_306, %sign3A : i32
      %sign3A_308 = arith.extui %sign3A_307 : i1 to i32
      %sign3A_309 = arith.constant 0 : i32
      %sign3A_310 = arith.cmpi slt, %scan3A_306, %sign3A_309 : i32
      %sign3A_311 = arith.extui %sign3A_310 : i1 to i32
      %sign3A_312 = arith.subi %sign3A_308, %sign3A_311 : i32
      %sign3A_313 = arith.constant 0 : i32
      %sign3A_314 = arith.cmpi sgt, %jit3A, %sign3A_313 : i32
      %sign3A_315 = arith.extui %sign3A_314 : i1 to i32
      %sign3A_316 = arith.constant 0 : i32
      %sign3A_317 = arith.cmpi slt, %jit3A, %sign3A_316 : i32
      %sign3A_318 = arith.extui %sign3A_317 : i1 to i32
      %sign3A_319 = arith.subi %sign3A_315, %sign3A_318 : i32
      %ne3A = arith.cmpi ne, %sign3A_312, %sign3A_319 : i32
      %rem3A = arith.remsi %scan3A_306, %jit3A : i32
      %ne3A_320 = arith.constant 0 : i32
      %ne3A_321 = arith.cmpi ne, %rem3A, %ne3A_320 : i32
      %and3A = arith.andi %ne3A, %ne3A_321 : i1
      %sub3A = arith.constant 1 : i32
      %sub3A_322 = arith.subi %div3A, %sub3A : i32
      %select_n3A = arith.select %and3A, %sub3A_322, %div3A : i32
      %jit3A_323 = arith.constant 8 : i32
      %eq3A = arith.constant 0 : i32
      %eq3A_324 = arith.cmpi eq, %jit3A_323, %eq3A : i32
      %jit3A_325 = arith.constant 1 : i32
      %select_n3A_326 = arith.select %eq3A_324, %jit3A_325, %jit3A_323 : i32
      %rem3A_327 = arith.remsi %scan3A_306, %select_n3A_326 : i32
      %ne3A_328 = arith.constant 0 : i32
      %ne3A_329 = arith.cmpi ne, %rem3A_327, %ne3A_328 : i32
      %lt3A = arith.constant 0 : i32
      %lt3A_330 = arith.cmpi slt, %rem3A_327, %lt3A : i32
      %lt3A_331 = arith.constant 0 : i32
      %lt3A_332 = arith.cmpi slt, %select_n3A_326, %lt3A_331 : i32
      %ne3A_333 = arith.xori %lt3A_330, %lt3A_332 : i1
      %and3A_334 = arith.andi %ne3A_333, %ne3A_329 : i1
      %add3A_335 = arith.addi %rem3A_327, %select_n3A_326 : i32
      %select_n3A_336 = arith.select %and3A_334, %add3A_335, %rem3A_327 : i32
      %mul3A_337 = arith.constant 16 : i32
      %mul3A_338 = arith.muli %select_n3A_336, %mul3A_337 : i32
      %swap3A = arith.constant 0 : i32
      %swap3A_339 = arith.index_cast %swap3A : i32 to index
      %swap3A_340 = arith.index_cast %select_n3A : i32 to index
      %swap3A_341 = arith.index_cast %mul3A_338 : i32 to index
      %swap3A_342 = tpu.vector_load %arg8[%swap3A_339, %swap3A_340, %swap3A_341] {strides = array<i32>} : memref<6x48x128xf32, #tpu.memory_space<vmem>>, vector<1x1x16xf32>,
      %swap3A_343 = vector.shape_cast %swap3A_342 : vector<1x1x16xf32> to vector<16xf32>
      %swap3A_344 = vector.shape_cast %broadcast_in_dim3A_3 : vector<16xf32> to vector<1x1x16xf32>
      tpu.vector_store %arg8[%swap3A_339, %swap3A_340, %swap3A_341], %swap3A_344 {strides = array<i32>} : memref<6x48x128xf32, #tpu.memory_space<vmem>>, vector<1x1x16xf32>,
    }
    %scan3A_8 = arith.constant 640 : i32
    %scan3A_9 = arith.constant 0 : i32
    %scan3A_10 = arith.constant 0 : i32
    %scan3A_11 = arith.constant 8 : i32
    %scan3A_12 = arith.addi %scan3A_10, %scan3A_11 : i32
    %scan3A_13 = arith.constant 1 : i32
    scf.for %scan3A_306 = %scan3A_10 to %scan3A_12 step %scan3A_13  : i32 {
      %mul3A_307 = arith.constant 640 : i32
      %mul3A_308 = arith.muli %arg1, %mul3A_307 : i32
      %mul3A_309 = arith.constant 80 : i32
      %mul3A_310 = arith.muli %scan3A_306, %mul3A_309 : i32
      %add3A_311 = arith.addi %mul3A_308, %mul3A_310 : i32
      %run_scoped3A = arith.constant 0 : i32
      "tpu.region"() ({
        %run_scoped3A_312 = tpu.sem_alloc : memref<!tpu.dma_semaphore, #tpu.memory_space<semaphore_mem>>
        %dma_start3A_313 = arith.constant 0 : i32
        %dma_start3A_314 = arith.constant 0 : i32
        %dma_start3A_315 = tpu.memref_slice %arg8[%run_scoped3A, %dma_start3A_313, %dma_start3A_314] : memref<6x48x128xf32, #tpu.memory_space<vmem>> -> memref<1x80x128xf32, #tpu.memory_space<vmem>>
        %dma_start3A_316 = tpu.memref_squeeze %dma_start3A_315 : memref<1x80x128xf32, #tpu.memory_space<vmem>> -> memref<80x128xf32, #tpu.memory_space<vmem>>
        %dma_start3A_317 = arith.constant 0 : i32
        %dma_start3A_318 = tpu.memref_slice %arg9[%add3A_311, %dma_start3A_317] : memref<10240x128xf32, #tpu.memory_space<vmem_shared>> -> memref<80x128xf32, #tpu.memory_space<vmem_shared>>
        %dma_start3A_319 = arith.constant 0 : i32
        %dma_start3A_320 = tpu.memref_slice %arg9[%add3A_311, %dma_start3A_319] : memref<10240x128xf32, #tpu.memory_space<vmem_shared>> -> memref<80x128xf32, #tpu.memory_space<vmem_shared>>
        %dma_start3A_321 = arith.constant 0 : i32
        %dma_start3A_322 = arith.constant 0 : i32
        %dma_start3A_323 = tpu.memref_slice %arg8[%run_scoped3A, %dma_start3A_321, %dma_start3A_322] : memref<6x48x128xf32, #tpu.memory_space<vmem>> -> memref<1x80x128xf32, #tpu.memory_space<vmem>>
        %dma_start3A_324 = tpu.memref_squeeze %dma_start3A_323 : memref<1x80x128xf32, #tpu.memory_space<vmem>> -> memref<80x128xf32, #tpu.memory_space<vmem>>
        tpu.enqueue_dma source(%dma_start3A_324 : memref<80x128xf32, #tpu.memory_space<vmem>>) target(%dma_start3A_320 : memref<80x128xf32, #tpu.memory_space<vmem_shared>>) target_semaphore(%run_scoped3A_312 : memref<!tpu.dma_semaphore, #tpu.memory_space<semaphore_mem>>)
        %dma_wait3A_325 = arith.constant 0 : i32
        %dma_wait3A_326 = arith.constant 0 : i32
        %dma_wait3A_327 = tpu.memref_slice %arg8[%run_scoped3A, %dma_wait3A_325, %dma_wait3A_326] : memref<6x48x128xf32, #tpu.memory_space<vmem>> -> memref<1x80x128xf32, #tpu.memory_space<vmem>>
        %dma_wait3A_328 = tpu.memref_squeeze %dma_wait3A_327 : memref<1x80x128xf32, #tpu.memory_space<vmem>> -> memref<80x128xf32, #tpu.memory_space<vmem>>
        %dma_wait3A_329 = arith.constant 0 : i32
        %dma_wait3A_330 = tpu.memref_slice %arg9[%add3A_311, %dma_wait3A_329] : memref<10240x128xf32, #tpu.memory_space<vmem_shared>> -> memref<80x128xf32, #tpu.memory_space<vmem_shared>>
        %dma_wait3A_331 = arith.constant 0 : i32
        %dma_wait3A_332 = tpu.memref_slice %arg9[%add3A_311, %dma_wait3A_331] : memref<10240x128xf32, #tpu.memory_space<vmem_shared>> -> memref<80x128xf32, #tpu.memory_space<vmem_shared>>
        %dma_wait3A_333 = arith.constant 0 : i32
        %dma_wait3A_334 = arith.constant 0 : i32
        %dma_wait3A_335 = tpu.memref_slice %arg8[%run_scoped3A, %dma_wait3A_333, %dma_wait3A_334] : memref<6x48x128xf32, #tpu.memory_space<vmem>> -> memref<1x80x128xf32, #tpu.memory_space<vmem>>
        %dma_wait3A_336 = tpu.memref_squeeze %dma_wait3A_335 : memref<1x80x128xf32, #tpu.memory_space<vmem>> -> memref<80x128xf32, #tpu.memory_space<vmem>>
        tpu.wait_dma2 semaphore(%run_scoped3A_312 : memref<!tpu.dma_semaphore, #tpu.memory_space<semaphore_mem>>) src(%dma_wait3A_336 : memref<80x128xf32, #tpu.memory_space<vmem>>) dst(%dma_wait3A_332 : memref<80x128xf32, #tpu.memory_space<vmem_shared>>)
        tpu.yield
      }) : () -> ()
    }
    %scan3A_14 = arith.constant 8 : i32
    %barrier3A = arith.constant 0 : index
    tpu.barrier barrier_id(%barrier3A)
    "tpu.region"() ({
      %run_scoped3A = tpu.sem_alloc : memref<!tpu.dma_semaphore, #tpu.memory_space<semaphore_mem>>
      %dma_start3A_306 = tpu.memref_slice %arg3[%mul3A_2] : memref<331776xi32, #tpu.memory_space<hbm>> -> memref<10368xi32, #tpu.memory_space<hbm>>
      %dma_start3A_307 = tpu.memref_slice %arg3[%mul3A_2] : memref<331776xi32, #tpu.memory_space<hbm>> -> memref<10368xi32, #tpu.memory_space<hbm>>
      tpu.enqueue_dma source(%dma_start3A_307 : memref<10368xi32, #tpu.memory_space<hbm>>) target(%arg6 : memref<10368xi32, #tpu.memory_space<vmem>>) target_semaphore(%run_scoped3A : memref<!tpu.dma_semaphore, #tpu.memory_space<semaphore_mem>>)
      %dma_wait3A_308 = tpu.memref_slice %arg3[%mul3A_2] : memref<331776xi32, #tpu.memory_space<hbm>> -> memref<10368xi32, #tpu.memory_space<hbm>>
      %dma_wait3A_309 = tpu.memref_slice %arg3[%mul3A_2] : memref<331776xi32, #tpu.memory_space<hbm>> -> memref<10368xi32, #tpu.memory_space<hbm>>
      tpu.wait_dma2 semaphore(%run_scoped3A : memref<!tpu.dma_semaphore, #tpu.memory_space<semaphore_mem>>) src(%dma_wait3A_309 : memref<10368xi32, #tpu.memory_space<hbm>>) dst(%arg6 : memref<10368xi32, #tpu.memory_space<vmem>>)
      tpu.yield
    }) : () -> ()
    %add3A_15 = arith.constant 0 : i32
    %add3A_16 = arith.addi %mul3A_2, %add3A_15 : i32
    %dma_start3A = arith.constant 0 : i32
    %dma_start3A_17 = arith.constant 0 : i32
    %dma_start3A_18 = tpu.memref_slice %arg7[%dma_start3A, %dma_start3A_17] : memref<6x48xi32, #tpu.memory_space<vmem>> -> memref<1x48xi32, #tpu.memory_space<vmem>>
    %dma_start3A_19 = tpu.memref_squeeze %dma_start3A_18 : memref<1x48xi32, #tpu.memory_space<vmem>> -> memref<48xi32, #tpu.memory_space<vmem>>
    %dma_start3A_20 = tpu.memref_slice %arg4[%add3A_16] : memref<331776xi32, #tpu.memory_space<hbm>> -> memref<48xi32, #tpu.memory_space<hbm>>
    %dma_start3A_21 = arith.constant 0 : i32
    %dma_start3A_22 = tpu.memref_slice %arg7[%dma_start3A, %dma_start3A_21] : memref<6x48xi32, #tpu.memory_space<vmem>> -> memref<1x48xi32, #tpu.memory_space<vmem>>
    %dma_start3A_23 = tpu.memref_squeeze %dma_start3A_22 : memref<1x48xi32, #tpu.memory_space<vmem>> -> memref<48xi32, #tpu.memory_space<vmem>>
    %dma_start3A_24 = tpu.memref_slice %arg4[%add3A_16] : memref<331776xi32, #tpu.memory_space<hbm>> -> memref<48xi32, #tpu.memory_space<hbm>>
    tpu.enqueue_dma source(%dma_start3A_24 : memref<48xi32, #tpu.memory_space<hbm>>) target(%dma_start3A_23 : memref<48xi32, #tpu.memory_space<vmem>>) target_semaphore(%arg22 : memref<!tpu.dma_semaphore, #tpu.memory_space<semaphore_mem>>)
    %dma_start3A_25 = arith.constant 0 : i32
    %dma_start3A_26 = arith.constant 0 : i32
    %dma_start3A_27 = arith.constant 0 : i32
    %dma_start3A_28 = tpu.memref_slice %arg8[%dma_start3A_25, %dma_start3A_26, %dma_start3A_27] : memref<6x48x128xf32, #tpu.memory_space<vmem>> -> memref<1x48x128xf32, #tpu.memory_space<vmem>>
    %dma_start3A_29 = tpu.memref_squeeze %dma_start3A_28 : memref<1x48x128xf32, #tpu.memory_space<vmem>> -> memref<48x128xf32, #tpu.memory_space<vmem>>
    %dma_start3A_30 = arith.constant 0 : i32
    %dma_start3A_31 = tpu.memref_slice %arg6[%dma_start3A_30] : memref<10368xi32, #tpu.memory_space<vmem>> -> memref<48xi32, #tpu.memory_space<vmem>>
    %dma_start3A_32 = arith.constant 0 : i32
    %dma_start3A_33 = arith.constant 0 : i32
    %dma_start3A_34 = tpu.memref_slice %arg2[%dma_start3A_32, %dma_start3A_33] : memref<10000x128xf32, #tpu.memory_space<hbm>> -> memref<10000x128xf32, #tpu.memory_space<hbm>>
    tpu.enqueue_indirect_dma source(%dma_start3A_34 : memref<10000x128xf32, #tpu.memory_space<hbm>>) target(%dma_start3A_29 : memref<48x128xf32, #tpu.memory_space<vmem>>) offsets(%dma_start3A_31 : memref<48xi32, #tpu.memory_space<vmem>>) semaphore(%arg10 : memref<!tpu.dma_semaphore, #tpu.memory_space<semaphore_mem>>)
    %add3A_35 = arith.constant 48 : i32
    %add3A_36 = arith.addi %mul3A_2, %add3A_35 : i32
    %dma_start3A_37 = arith.constant 1 : i32
    %dma_start3A_38 = arith.constant 0 : i32
    %dma_start3A_39 = tpu.memref_slice %arg7[%dma_start3A_37, %dma_start3A_38] : memref<6x48xi32, #tpu.memory_space<vmem>> -> memref<1x48xi32, #tpu.memory_space<vmem>>
    %dma_start3A_40 = tpu.memref_squeeze %dma_start3A_39 : memref<1x48xi32, #tpu.memory_space<vmem>> -> memref<48xi32, #tpu.memory_space<vmem>>
    %dma_start3A_41 = tpu.memref_slice %arg4[%add3A_36] : memref<331776xi32, #tpu.memory_space<hbm>> -> memref<48xi32, #tpu.memory_space<hbm>>
    %dma_start3A_42 = arith.constant 0 : i32
    %dma_start3A_43 = tpu.memref_slice %arg7[%dma_start3A_37, %dma_start3A_42] : memref<6x48xi32, #tpu.memory_space<vmem>> -> memref<1x48xi32, #tpu.memory_space<vmem>>
    %dma_start3A_44 = tpu.memref_squeeze %dma_start3A_43 : memref<1x48xi32, #tpu.memory_space<vmem>> -> memref<48xi32, #tpu.memory_space<vmem>>
    %dma_start3A_45 = tpu.memref_slice %arg4[%add3A_36] : memref<331776xi32, #tpu.memory_space<hbm>> -> memref<48xi32, #tpu.memory_space<hbm>>
    tpu.enqueue_dma source(%dma_start3A_45 : memref<48xi32, #tpu.memory_space<hbm>>) target(%dma_start3A_44 : memref<48xi32, #tpu.memory_space<vmem>>) target_semaphore(%arg23 : memref<!tpu.dma_semaphore, #tpu.memory_space<semaphore_mem>>)
    %dma_start3A_46 = arith.constant 1 : i32
    %dma_start3A_47 = arith.constant 0 : i32
    %dma_start3A_48 = arith.constant 0 : i32
    %dma_start3A_49 = tpu.memref_slice %arg8[%dma_start3A_46, %dma_start3A_47, %dma_start3A_48] : memref<6x48x128xf32, #tpu.memory_space<vmem>> -> memref<1x48x128xf32, #tpu.memory_space<vmem>>
    %dma_start3A_50 = tpu.memref_squeeze %dma_start3A_49 : memref<1x48x128xf32, #tpu.memory_space<vmem>> -> memref<48x128xf32, #tpu.memory_space<vmem>>
    %dma_start3A_51 = arith.constant 48 : i32
    %dma_start3A_52 = tpu.memref_slice %arg6[%dma_start3A_51] : memref<10368xi32, #tpu.memory_space<vmem>> -> memref<48xi32, #tpu.memory_space<vmem>>
    %dma_start3A_53 = arith.constant 0 : i32
    %dma_start3A_54 = arith.constant 0 : i32
    %dma_start3A_55 = tpu.memref_slice %arg2[%dma_start3A_53, %dma_start3A_54] : memref<10000x128xf32, #tpu.memory_space<hbm>> -> memref<10000x128xf32, #tpu.memory_space<hbm>>
    tpu.enqueue_indirect_dma source(%dma_start3A_55 : memref<10000x128xf32, #tpu.memory_space<hbm>>) target(%dma_start3A_50 : memref<48x128xf32, #tpu.memory_space<vmem>>) offsets(%dma_start3A_52 : memref<48xi32, #tpu.memory_space<vmem>>) semaphore(%arg11 : memref<!tpu.dma_semaphore, #tpu.memory_space<semaphore_mem>>)
    %add3A_56 = arith.constant 96 : i32
    %add3A_57 = arith.addi %mul3A_2, %add3A_56 : i32
    %dma_start3A_58 = arith.constant 2 : i32
    %dma_start3A_59 = arith.constant 0 : i32
    %dma_start3A_60 = tpu.memref_slice %arg7[%dma_start3A_58, %dma_start3A_59] : memref<6x48xi32, #tpu.memory_space<vmem>> -> memref<1x48xi32, #tpu.memory_space<vmem>>
    %dma_start3A_61 = tpu.memref_squeeze %dma_start3A_60 : memref<1x48xi32, #tpu.memory_space<vmem>> -> memref<48xi32, #tpu.memory_space<vmem>>
    %dma_start3A_62 = tpu.memref_slice %arg4[%add3A_57] : memref<331776xi32, #tpu.memory_space<hbm>> -> memref<48xi32, #tpu.memory_space<hbm>>
    %dma_start3A_63 = arith.constant 0 : i32
    %dma_start3A_64 = tpu.memref_slice %arg7[%dma_start3A_58, %dma_start3A_63] : memref<6x48xi32, #tpu.memory_space<vmem>> -> memref<1x48xi32, #tpu.memory_space<vmem>>
    %dma_start3A_65 = tpu.memref_squeeze %dma_start3A_64 : memref<1x48xi32, #tpu.memory_space<vmem>> -> memref<48xi32, #tpu.memory_space<vmem>>
    %dma_start3A_66 = tpu.memref_slice %arg4[%add3A_57] : memref<331776xi32, #tpu.memory_space<hbm>> -> memref<48xi32, #tpu.memory_space<hbm>>
    tpu.enqueue_dma source(%dma_start3A_66 : memref<48xi32, #tpu.memory_space<hbm>>) target(%dma_start3A_65 : memref<48xi32, #tpu.memory_space<vmem>>) target_semaphore(%arg24 : memref<!tpu.dma_semaphore, #tpu.memory_space<semaphore_mem>>)
    %dma_start3A_67 = arith.constant 2 : i32
    %dma_start3A_68 = arith.constant 0 : i32
    %dma_start3A_69 = arith.constant 0 : i32
    %dma_start3A_70 = tpu.memref_slice %arg8[%dma_start3A_67, %dma_start3A_68, %dma_start3A_69] : memref<6x48x128xf32, #tpu.memory_space<vmem>> -> memref<1x48x128xf32, #tpu.memory_space<vmem>>
    %dma_start3A_71 = tpu.memref_squeeze %dma_start3A_70 : memref<1x48x128xf32, #tpu.memory_space<vmem>> -> memref<48x128xf32, #tpu.memory_space<vmem>>
    %dma_start3A_72 = arith.constant 96 : i32
    %dma_start3A_73 = tpu.memref_slice %arg6[%dma_start3A_72] : memref<10368xi32, #tpu.memory_space<vmem>> -> memref<48xi32, #tpu.memory_space<vmem>>
    %dma_start3A_74 = arith.constant 0 : i32
    %dma_start3A_75 = arith.constant 0 : i32
    %dma_start3A_76 = tpu.memref_slice %arg2[%dma_start3A_74, %dma_start3A_75] : memref<10000x128xf32, #tpu.memory_space<hbm>> -> memref<10000x128xf32, #tpu.memory_space<hbm>>
    tpu.enqueue_indirect_dma source(%dma_start3A_76 : memref<10000x128xf32, #tpu.memory_space<hbm>>) target(%dma_start3A_71 : memref<48x128xf32, #tpu.memory_space<vmem>>) offsets(%dma_start3A_73 : memref<48xi32, #tpu.memory_space<vmem>>) semaphore(%arg12 : memref<!tpu.dma_semaphore, #tpu.memory_space<semaphore_mem>>)
    %add3A_77 = arith.constant 144 : i32
    %add3A_78 = arith.addi %mul3A_2, %add3A_77 : i32
    %dma_start3A_79 = arith.constant 3 : i32
    %dma_start3A_80 = arith.constant 0 : i32
    %dma_start3A_81 = tpu.memref_slice %arg7[%dma_start3A_79, %dma_start3A_80] : memref<6x48xi32, #tpu.memory_space<vmem>> -> memref<1x48xi32, #tpu.memory_space<vmem>>
    %dma_start3A_82 = tpu.memref_squeeze %dma_start3A_81 : memref<1x48xi32, #tpu.memory_space<vmem>> -> memref<48xi32, #tpu.memory_space<vmem>>
    %dma_start3A_83 = tpu.memref_slice %arg4[%add3A_78] : memref<331776xi32, #tpu.memory_space<hbm>> -> memref<48xi32, #tpu.memory_space<hbm>>
    %dma_start3A_84 = arith.constant 0 : i32
    %dma_start3A_85 = tpu.memref_slice %arg7[%dma_start3A_79, %dma_start3A_84] : memref<6x48xi32, #tpu.memory_space<vmem>> -> memref<1x48xi32, #tpu.memory_space<vmem>>
    %dma_start3A_86 = tpu.memref_squeeze %dma_start3A_85 : memref<1x48xi32, #tpu.memory_space<vmem>> -> memref<48xi32, #tpu.memory_space<vmem>>
    %dma_start3A_87 = tpu.memref_slice %arg4[%add3A_78] : memref<331776xi32, #tpu.memory_space<hbm>> -> memref<48xi32, #tpu.memory_space<hbm>>
    tpu.enqueue_dma source(%dma_start3A_87 : memref<48xi32, #tpu.memory_space<hbm>>) target(%dma_start3A_86 : memref<48xi32, #tpu.memory_space<vmem>>) target_semaphore(%arg25 : memref<!tpu.dma_semaphore, #tpu.memory_space<semaphore_mem>>)
    %dma_start3A_88 = arith.constant 3 : i32
    %dma_start3A_89 = arith.constant 0 : i32
    %dma_start3A_90 = arith.constant 0 : i32
    %dma_start3A_91 = tpu.memref_slice %arg8[%dma_start3A_88, %dma_start3A_89, %dma_start3A_90] : memref<6x48x128xf32, #tpu.memory_space<vmem>> -> memref<1x48x128xf32, #tpu.memory_space<vmem>>
    %dma_start3A_92 = tpu.memref_squeeze %dma_start3A_91 : memref<1x48x128xf32, #tpu.memory_space<vmem>> -> memref<48x128xf32, #tpu.memory_space<vmem>>
    %dma_start3A_93 = arith.constant 144 : i32
    %dma_start3A_94 = tpu.memref_slice %arg6[%dma_start3A_93] : memref<10368xi32, #tpu.memory_space<vmem>> -> memref<48xi32, #tpu.memory_space<vmem>>
    %dma_start3A_95 = arith.constant 0 : i32
    %dma_start3A_96 = arith.constant 0 : i32
    %dma_start3A_97 = tpu.memref_slice %arg2[%dma_start3A_95, %dma_start3A_96] : memref<10000x128xf32, #tpu.memory_space<hbm>> -> memref<10000x128xf32, #tpu.memory_space<hbm>>
    tpu.enqueue_indirect_dma source(%dma_start3A_97 : memref<10000x128xf32, #tpu.memory_space<hbm>>) target(%dma_start3A_92 : memref<48x128xf32, #tpu.memory_space<vmem>>) offsets(%dma_start3A_94 : memref<48xi32, #tpu.memory_space<vmem>>) semaphore(%arg13 : memref<!tpu.dma_semaphore, #tpu.memory_space<semaphore_mem>>)
    %add3A_98 = arith.constant 192 : i32
    %add3A_99 = arith.addi %mul3A_2, %add3A_98 : i32
    %dma_start3A_100 = arith.constant 4 : i32
    %dma_start3A_101 = arith.constant 0 : i32
    %dma_start3A_102 = tpu.memref_slice %arg7[%dma_start3A_100, %dma_start3A_101] : memref<6x48xi32, #tpu.memory_space<vmem>> -> memref<1x48xi32, #tpu.memory_space<vmem>>
    %dma_start3A_103 = tpu.memref_squeeze %dma_start3A_102 : memref<1x48xi32, #tpu.memory_space<vmem>> -> memref<48xi32, #tpu.memory_space<vmem>>
    %dma_start3A_104 = tpu.memref_slice %arg4[%add3A_99] : memref<331776xi32, #tpu.memory_space<hbm>> -> memref<48xi32, #tpu.memory_space<hbm>>
    %dma_start3A_105 = arith.constant 0 : i32
    %dma_start3A_106 = tpu.memref_slice %arg7[%dma_start3A_100, %dma_start3A_105] : memref<6x48xi32, #tpu.memory_space<vmem>> -> memref<1x48xi32, #tpu.memory_space<vmem>>
    %dma_start3A_107 = tpu.memref_squeeze %dma_start3A_106 : memref<1x48xi32, #tpu.memory_space<vmem>> -> memref<48xi32, #tpu.memory_space<vmem>>
    %dma_start3A_108 = tpu.memref_slice %arg4[%add3A_99] : memref<331776xi32, #tpu.memory_space<hbm>> -> memref<48xi32, #tpu.memory_space<hbm>>
    tpu.enqueue_dma source(%dma_start3A_108 : memref<48xi32, #tpu.memory_space<hbm>>) target(%dma_start3A_107 : memref<48xi32, #tpu.memory_space<vmem>>) target_semaphore(%arg26 : memref<!tpu.dma_semaphore, #tpu.memory_space<semaphore_mem>>)
    %dma_start3A_109 = arith.constant 4 : i32
    %dma_start3A_110 = arith.constant 0 : i32
    %dma_start3A_111 = arith.constant 0 : i32
    %dma_start3A_112 = tpu.memref_slice %arg8[%dma_start3A_109, %dma_start3A_110, %dma_start3A_111] : memref<6x48x128xf32, #tpu.memory_space<vmem>> -> memref<1x48x128xf32, #tpu.memory_space<vmem>>
    %dma_start3A_113 = tpu.memref_squeeze %dma_start3A_112 : memref<1x48x128xf32, #tpu.memory_space<vmem>> -> memref<48x128xf32, #tpu.memory_space<vmem>>
    %dma_start3A_114 = arith.constant 192 : i32
    %dma_start3A_115 = tpu.memref_slice %arg6[%dma_start3A_114] : memref<10368xi32, #tpu.memory_space<vmem>> -> memref<48xi32, #tpu.memory_space<vmem>>
    %dma_start3A_116 = arith.constant 0 : i32
    %dma_start3A_117 = arith.constant 0 : i32
    %dma_start3A_118 = tpu.memref_slice %arg2[%dma_start3A_116, %dma_start3A_117] : memref<10000x128xf32, #tpu.memory_space<hbm>> -> memref<10000x128xf32, #tpu.memory_space<hbm>>
    tpu.enqueue_indirect_dma source(%dma_start3A_118 : memref<10000x128xf32, #tpu.memory_space<hbm>>) target(%dma_start3A_113 : memref<48x128xf32, #tpu.memory_space<vmem>>) offsets(%dma_start3A_115 : memref<48xi32, #tpu.memory_space<vmem>>) semaphore(%arg14 : memref<!tpu.dma_semaphore, #tpu.memory_space<semaphore_mem>>)
    %add3A_119 = arith.constant 240 : i32
    %add3A_120 = arith.addi %mul3A_2, %add3A_119 : i32
    %dma_start3A_121 = arith.constant 5 : i32
    %dma_start3A_122 = arith.constant 0 : i32
    %dma_start3A_123 = tpu.memref_slice %arg7[%dma_start3A_121, %dma_start3A_122] : memref<6x48xi32, #tpu.memory_space<vmem>> -> memref<1x48xi32, #tpu.memory_space<vmem>>
    %dma_start3A_124 = tpu.memref_squeeze %dma_start3A_123 : memref<1x48xi32, #tpu.memory_space<vmem>> -> memref<48xi32, #tpu.memory_space<vmem>>
    %dma_start3A_125 = tpu.memref_slice %arg4[%add3A_120] : memref<331776xi32, #tpu.memory_space<hbm>> -> memref<48xi32, #tpu.memory_space<hbm>>
    %dma_start3A_126 = arith.constant 0 : i32
    %dma_start3A_127 = tpu.memref_slice %arg7[%dma_start3A_121, %dma_start3A_126] : memref<6x48xi32, #tpu.memory_space<vmem>> -> memref<1x48xi32, #tpu.memory_space<vmem>>
    %dma_start3A_128 = tpu.memref_squeeze %dma_start3A_127 : memref<1x48xi32, #tpu.memory_space<vmem>> -> memref<48xi32, #tpu.memory_space<vmem>>
    %dma_start3A_129 = tpu.memref_slice %arg4[%add3A_120] : memref<331776xi32, #tpu.memory_space<hbm>> -> memref<48xi32, #tpu.memory_space<hbm>>
    tpu.enqueue_dma source(%dma_start3A_129 : memref<48xi32, #tpu.memory_space<hbm>>) target(%dma_start3A_128 : memref<48xi32, #tpu.memory_space<vmem>>) target_semaphore(%arg27 : memref<!tpu.dma_semaphore, #tpu.memory_space<semaphore_mem>>)
    %dma_start3A_130 = arith.constant 5 : i32
    %dma_start3A_131 = arith.constant 0 : i32
    %dma_start3A_132 = arith.constant 0 : i32
    %dma_start3A_133 = tpu.memref_slice %arg8[%dma_start3A_130, %dma_start3A_131, %dma_start3A_132] : memref<6x48x128xf32, #tpu.memory_space<vmem>> -> memref<1x48x128xf32, #tpu.memory_space<vmem>>
    %dma_start3A_134 = tpu.memref_squeeze %dma_start3A_133 : memref<1x48x128xf32, #tpu.memory_space<vmem>> -> memref<48x128xf32, #tpu.memory_space<vmem>>
    %dma_start3A_135 = arith.constant 240 : i32
    %dma_start3A_136 = tpu.memref_slice %arg6[%dma_start3A_135] : memref<10368xi32, #tpu.memory_space<vmem>> -> memref<48xi32, #tpu.memory_space<vmem>>
    %dma_start3A_137 = arith.constant 0 : i32
    %dma_start3A_138 = arith.constant 0 : i32
    %dma_start3A_139 = tpu.memref_slice %arg2[%dma_start3A_137, %dma_start3A_138] : memref<10000x128xf32, #tpu.memory_space<hbm>> -> memref<10000x128xf32, #tpu.memory_space<hbm>>
    tpu.enqueue_indirect_dma source(%dma_start3A_139 : memref<10000x128xf32, #tpu.memory_space<hbm>>) target(%dma_start3A_134 : memref<48x128xf32, #tpu.memory_space<vmem>>) offsets(%dma_start3A_136 : memref<48xi32, #tpu.memory_space<vmem>>) semaphore(%arg15 : memref<!tpu.dma_semaphore, #tpu.memory_space<semaphore_mem>>)
    %scan3A_140 = arith.constant 0 : i32
    %scan3A_141 = arith.constant 0 : i32
    %scan3A_142 = arith.constant 36 : i32
    %scan3A_143 = arith.addi %scan3A_141, %scan3A_142 : i32
    %scan3A_144 = arith.constant 1 : i32
    scf.for %scan3A_306 = %scan3A_141 to %scan3A_143 step %scan3A_144  : i32 {
      %mul3A_307 = arith.constant 6 : i32
      %mul3A_308 = arith.muli %mul3A_307, %scan3A_306 : i32
      %dma_wait3A_309 = arith.constant 0 : i32
      %dma_wait3A_310 = arith.constant 0 : i32
      %dma_wait3A_311 = arith.constant 0 : i32
      %dma_wait3A_312 = tpu.memref_slice %arg8[%dma_wait3A_309, %dma_wait3A_310, %dma_wait3A_311] : memref<6x48x128xf32, #tpu.memory_space<vmem>> -> memref<1x48x128xf32, #tpu.memory_space<vmem>>
      %dma_wait3A_313 = tpu.memref_squeeze %dma_wait3A_312 : memref<1x48x128xf32, #tpu.memory_space<vmem>> -> memref<48x128xf32, #tpu.memory_space<vmem>>
      %dma_wait3A_314 = arith.constant 0 : i32
      %dma_wait3A_315 = arith.constant 0 : i32
      %dma_wait3A_316 = tpu.memref_slice %arg2[%dma_wait3A_314, %dma_wait3A_315] : memref<10000x128xf32, #tpu.memory_space<hbm>> -> memref<48x128xf32, #tpu.memory_space<hbm>>
      %dma_wait3A_317 = arith.constant 0 : i32
      %dma_wait3A_318 = arith.constant 0 : i32
      %dma_wait3A_319 = tpu.memref_slice %arg8[%dma_wait3A_309, %dma_wait3A_317, %dma_wait3A_318] : memref<6x48x128xf32, #tpu.memory_space<vmem>> -> memref<1x48x128xf32, #tpu.memory_space<vmem>>
      %dma_wait3A_320 = tpu.memref_squeeze %dma_wait3A_319 : memref<1x48x128xf32, #tpu.memory_space<vmem>> -> memref<48x128xf32, #tpu.memory_space<vmem>>
      %dma_wait3A_321 = arith.constant 0 : i32
      %dma_wait3A_322 = arith.constant 0 : i32
      %dma_wait3A_323 = tpu.memref_slice %arg2[%dma_wait3A_321, %dma_wait3A_322] : memref<10000x128xf32, #tpu.memory_space<hbm>> -> memref<48x128xf32, #tpu.memory_space<hbm>>
      tpu.wait_dma2 semaphore(%arg10 : memref<!tpu.dma_semaphore, #tpu.memory_space<semaphore_mem>>) src(%dma_wait3A_323 : memref<48x128xf32, #tpu.memory_space<hbm>>) dst(%dma_wait3A_320 : memref<48x128xf32, #tpu.memory_space<vmem>>)
      %dma_wait3A_324 = arith.constant 0 : i32
      %dma_wait3A_325 = arith.constant 0 : i32
      %dma_wait3A_326 = tpu.memref_slice %arg7[%dma_wait3A_324, %dma_wait3A_325] : memref<6x48xi32, #tpu.memory_space<vmem>> -> memref<1x48xi32, #tpu.memory_space<vmem>>
      %dma_wait3A_327 = tpu.memref_squeeze %dma_wait3A_326 : memref<1x48xi32, #tpu.memory_space<vmem>> -> memref<48xi32, #tpu.memory_space<vmem>>
      %dma_wait3A_328 = arith.constant 0 : i32
      %dma_wait3A_329 = tpu.memref_slice %arg4[%dma_wait3A_328] : memref<331776xi32, #tpu.memory_space<hbm>> -> memref<48xi32, #tpu.memory_space<hbm>>
      %dma_wait3A_330 = arith.constant 0 : i32
      %dma_wait3A_331 = tpu.memref_slice %arg7[%dma_wait3A_324, %dma_wait3A_330] : memref<6x48xi32, #tpu.memory_space<vmem>> -> memref<1x48xi32, #tpu.memory_space<vmem>>
      %dma_wait3A_332 = tpu.memref_squeeze %dma_wait3A_331 : memref<1x48xi32, #tpu.memory_space<vmem>> -> memref<48xi32, #tpu.memory_space<vmem>>
      %dma_wait3A_333 = arith.constant 0 : i32
      %dma_wait3A_334 = tpu.memref_slice %arg4[%dma_wait3A_333] : memref<331776xi32, #tpu.memory_space<hbm>> -> memref<48xi32, #tpu.memory_space<hbm>>
      tpu.wait_dma2 semaphore(%arg22 : memref<!tpu.dma_semaphore, #tpu.memory_space<semaphore_mem>>) src(%dma_wait3A_334 : memref<48xi32, #tpu.memory_space<hbm>>) dst(%dma_wait3A_332 : memref<48xi32, #tpu.memory_space<vmem>>)
      %dma_start3A_335 = arith.constant 0 : i32
      %dma_start3A_336 = arith.constant 0 : i32
      %dma_start3A_337 = arith.constant 0 : i32
      %dma_start3A_338 = arith.constant 0 : i32
      %dma_start3A_339 = tpu.memref_slice %arg8[%dma_start3A_335, %dma_start3A_337, %dma_start3A_338] : memref<6x48x128xf32, #tpu.memory_space<vmem>> -> memref<1x48x128xf32, #tpu.memory_space<vmem>>
      %dma_start3A_340 = tpu.memref_squeeze %dma_start3A_339 : memref<1x48x128xf32, #tpu.memory_space<vmem>> -> memref<48x128xf32, #tpu.memory_space<vmem>>
      %dma_start3A_341 = arith.constant 0 : i32
      %dma_start3A_342 = tpu.memref_slice %arg7[%dma_start3A_336, %dma_start3A_341] : memref<6x48xi32, #tpu.memory_space<vmem>> -> memref<1x48xi32, #tpu.memory_space<vmem>>
      %dma_start3A_343 = tpu.memref_squeeze %dma_start3A_342 : memref<1x48xi32, #tpu.memory_space<vmem>> -> memref<48xi32, #tpu.memory_space<vmem>>
      %dma_start3A_344 = arith.constant 0 : i32
      %dma_start3A_345 = arith.constant 0 : i32
      %dma_start3A_346 = tpu.memref_slice %arg9[%dma_start3A_344, %dma_start3A_345] : memref<10240x128xf32, #tpu.memory_space<vmem_shared>> -> memref<10240x128xf32, #tpu.memory_space<vmem_shared>>
      tpu.enqueue_indirect_dma source(%dma_start3A_340 : memref<48x128xf32, #tpu.memory_space<vmem>>) target(%dma_start3A_346 : memref<10240x128xf32, #tpu.memory_space<vmem_shared>>) offsets(%dma_start3A_343 : memref<48xi32, #tpu.memory_space<vmem>>) semaphore(%arg16 : memref<!tpu.dma_semaphore, #tpu.memory_space<semaphore_mem>>) {add = true}
      %dma_wait3A_347 = arith.constant 1 : i32
      %dma_wait3A_348 = arith.constant 0 : i32
      %dma_wait3A_349 = arith.constant 0 : i32
      %dma_wait3A_350 = tpu.memref_slice %arg8[%dma_wait3A_347, %dma_wait3A_348, %dma_wait3A_349] : memref<6x48x128xf32, #tpu.memory_space<vmem>> -> memref<1x48x128xf32, #tpu.memory_space<vmem>>
      %dma_wait3A_351 = tpu.memref_squeeze %dma_wait3A_350 : memref<1x48x128xf32, #tpu.memory_space<vmem>> -> memref<48x128xf32, #tpu.memory_space<vmem>>
      %dma_wait3A_352 = arith.constant 0 : i32
      %dma_wait3A_353 = arith.constant 0 : i32
      %dma_wait3A_354 = tpu.memref_slice %arg2[%dma_wait3A_352, %dma_wait3A_353] : memref<10000x128xf32, #tpu.memory_space<hbm>> -> memref<48x128xf32, #tpu.memory_space<hbm>>
      %dma_wait3A_355 = arith.constant 0 : i32
      %dma_wait3A_356 = arith.constant 0 : i32
      %dma_wait3A_357 = tpu.memref_slice %arg8[%dma_wait3A_347, %dma_wait3A_355, %dma_wait3A_356] : memref<6x48x128xf32, #tpu.memory_space<vmem>> -> memref<1x48x128xf32, #tpu.memory_space<vmem>>
      %dma_wait3A_358 = tpu.memref_squeeze %dma_wait3A_357 : memref<1x48x128xf32, #tpu.memory_space<vmem>> -> memref<48x128xf32, #tpu.memory_space<vmem>>
      %dma_wait3A_359 = arith.constant 0 : i32
      %dma_wait3A_360 = arith.constant 0 : i32
      %dma_wait3A_361 = tpu.memref_slice %arg2[%dma_wait3A_359, %dma_wait3A_360] : memref<10000x128xf32, #tpu.memory_space<hbm>> -> memref<48x128xf32, #tpu.memory_space<hbm>>
      tpu.wait_dma2 semaphore(%arg11 : memref<!tpu.dma_semaphore, #tpu.memory_space<semaphore_mem>>) src(%dma_wait3A_361 : memref<48x128xf32, #tpu.memory_space<hbm>>) dst(%dma_wait3A_358 : memref<48x128xf32, #tpu.memory_space<vmem>>)
      %dma_wait3A_362 = arith.constant 1 : i32
      %dma_wait3A_363 = arith.constant 0 : i32
      %dma_wait3A_364 = tpu.memref_slice %arg7[%dma_wait3A_362, %dma_wait3A_363] : memref<6x48xi32, #tpu.memory_space<vmem>> -> memref<1x48xi32, #tpu.memory_space<vmem>>
      %dma_wait3A_365 = tpu.memref_squeeze %dma_wait3A_364 : memref<1x48xi32, #tpu.memory_space<vmem>> -> memref<48xi32, #tpu.memory_space<vmem>>
      %dma_wait3A_366 = arith.constant 0 : i32
      %dma_wait3A_367 = tpu.memref_slice %arg4[%dma_wait3A_366] : memref<331776xi32, #tpu.memory_space<hbm>> -> memref<48xi32, #tpu.memory_space<hbm>>
      %dma_wait3A_368 = arith.constant 0 : i32
      %dma_wait3A_369 = tpu.memref_slice %arg7[%dma_wait3A_362, %dma_wait3A_368] : memref<6x48xi32, #tpu.memory_space<vmem>> -> memref<1x48xi32, #tpu.memory_space<vmem>>
      %dma_wait3A_370 = tpu.memref_squeeze %dma_wait3A_369 : memref<1x48xi32, #tpu.memory_space<vmem>> -> memref<48xi32, #tpu.memory_space<vmem>>
      %dma_wait3A_371 = arith.constant 0 : i32
      %dma_wait3A_372 = tpu.memref_slice %arg4[%dma_wait3A_371] : memref<331776xi32, #tpu.memory_space<hbm>> -> memref<48xi32, #tpu.memory_space<hbm>>
      tpu.wait_dma2 semaphore(%arg23 : memref<!tpu.dma_semaphore, #tpu.memory_space<semaphore_mem>>) src(%dma_wait3A_372 : memref<48xi32, #tpu.memory_space<hbm>>) dst(%dma_wait3A_370 : memref<48xi32, #tpu.memory_space<vmem>>)
      %dma_start3A_373 = arith.constant 1 : i32
      %dma_start3A_374 = arith.constant 1 : i32
      %dma_start3A_375 = arith.constant 0 : i32
      %dma_start3A_376 = arith.constant 0 : i32
      %dma_start3A_377 = tpu.memref_slice %arg8[%dma_start3A_373, %dma_start3A_375, %dma_start3A_376] : memref<6x48x128xf32, #tpu.memory_space<vmem>> -> memref<1x48x128xf32, #tpu.memory_space<vmem>>
      %dma_start3A_378 = tpu.memref_squeeze %dma_start3A_377 : memref<1x48x128xf32, #tpu.memory_space<vmem>> -> memref<48x128xf32, #tpu.memory_space<vmem>>
      %dma_start3A_379 = arith.constant 0 : i32
      %dma_start3A_380 = tpu.memref_slice %arg7[%dma_start3A_374, %dma_start3A_379] : memref<6x48xi32, #tpu.memory_space<vmem>> -> memref<1x48xi32, #tpu.memory_space<vmem>>
      %dma_start3A_381 = tpu.memref_squeeze %dma_start3A_380 : memref<1x48xi32, #tpu.memory_space<vmem>> -> memref<48xi32, #tpu.memory_space<vmem>>
      %dma_start3A_382 = arith.constant 0 : i32
      %dma_start3A_383 = arith.constant 0 : i32
      %dma_start3A_384 = tpu.memref_slice %arg9[%dma_start3A_382, %dma_start3A_383] : memref<10240x128xf32, #tpu.memory_space<vmem_shared>> -> memref<10240x128xf32, #tpu.memory_space<vmem_shared>>
      tpu.enqueue_indirect_dma source(%dma_start3A_378 : memref<48x128xf32, #tpu.memory_space<vmem>>) target(%dma_start3A_384 : memref<10240x128xf32, #tpu.memory_space<vmem_shared>>) offsets(%dma_start3A_381 : memref<48xi32, #tpu.memory_space<vmem>>) semaphore(%arg17 : memref<!tpu.dma_semaphore, #tpu.memory_space<semaphore_mem>>) {add = true}
      %dma_wait3A_385 = arith.constant 2 : i32
      %dma_wait3A_386 = arith.constant 0 : i32
      %dma_wait3A_387 = arith.constant 0 : i32
      %dma_wait3A_388 = tpu.memref_slice %arg8[%dma_wait3A_385, %dma_wait3A_386, %dma_wait3A_387] : memref<6x48x128xf32, #tpu.memory_space<vmem>> -> memref<1x48x128xf32, #tpu.memory_space<vmem>>
      %dma_wait3A_389 = tpu.memref_squeeze %dma_wait3A_388 : memref<1x48x128xf32, #tpu.memory_space<vmem>> -> memref<48x128xf32, #tpu.memory_space<vmem>>
      %dma_wait3A_390 = arith.constant 0 : i32
      %dma_wait3A_391 = arith.constant 0 : i32
      %dma_wait3A_392 = tpu.memref_slice %arg2[%dma_wait3A_390, %dma_wait3A_391] : memref<10000x128xf32, #tpu.memory_space<hbm>> -> memref<48x128xf32, #tpu.memory_space<hbm>>
      %dma_wait3A_393 = arith.constant 0 : i32
      %dma_wait3A_394 = arith.constant 0 : i32
      %dma_wait3A_395 = tpu.memref_slice %arg8[%dma_wait3A_385, %dma_wait3A_393, %dma_wait3A_394] : memref<6x48x128xf32, #tpu.memory_space<vmem>> -> memref<1x48x128xf32, #tpu.memory_space<vmem>>
      %dma_wait3A_396 = tpu.memref_squeeze %dma_wait3A_395 : memref<1x48x128xf32, #tpu.memory_space<vmem>> -> memref<48x128xf32, #tpu.memory_space<vmem>>
      %dma_wait3A_397 = arith.constant 0 : i32
      %dma_wait3A_398 = arith.constant 0 : i32
      %dma_wait3A_399 = tpu.memref_slice %arg2[%dma_wait3A_397, %dma_wait3A_398] : memref<10000x128xf32, #tpu.memory_space<hbm>> -> memref<48x128xf32, #tpu.memory_space<hbm>>
      tpu.wait_dma2 semaphore(%arg12 : memref<!tpu.dma_semaphore, #tpu.memory_space<semaphore_mem>>) src(%dma_wait3A_399 : memref<48x128xf32, #tpu.memory_space<hbm>>) dst(%dma_wait3A_396 : memref<48x128xf32, #tpu.memory_space<vmem>>)
      %dma_wait3A_400 = arith.constant 2 : i32
      %dma_wait3A_401 = arith.constant 0 : i32
      %dma_wait3A_402 = tpu.memref_slice %arg7[%dma_wait3A_400, %dma_wait3A_401] : memref<6x48xi32, #tpu.memory_space<vmem>> -> memref<1x48xi32, #tpu.memory_space<vmem>>
      %dma_wait3A_403 = tpu.memref_squeeze %dma_wait3A_402 : memref<1x48xi32, #tpu.memory_space<vmem>> -> memref<48xi32, #tpu.memory_space<vmem>>
      %dma_wait3A_404 = arith.constant 0 : i32
      %dma_wait3A_405 = tpu.memref_slice %arg4[%dma_wait3A_404] : memref<331776xi32, #tpu.memory_space<hbm>> -> memref<48xi32, #tpu.memory_space<hbm>>
      %dma_wait3A_406 = arith.constant 0 : i32
      %dma_wait3A_407 = tpu.memref_slice %arg7[%dma_wait3A_400, %dma_wait3A_406] : memref<6x48xi32, #tpu.memory_space<vmem>> -> memref<1x48xi32, #tpu.memory_space<vmem>>
      %dma_wait3A_408 = tpu.memref_squeeze %dma_wait3A_407 : memref<1x48xi32, #tpu.memory_space<vmem>> -> memref<48xi32, #tpu.memory_space<vmem>>
      %dma_wait3A_409 = arith.constant 0 : i32
      %dma_wait3A_410 = tpu.memref_slice %arg4[%dma_wait3A_409] : memref<331776xi32, #tpu.memory_space<hbm>> -> memref<48xi32, #tpu.memory_space<hbm>>
      tpu.wait_dma2 semaphore(%arg24 : memref<!tpu.dma_semaphore, #tpu.memory_space<semaphore_mem>>) src(%dma_wait3A_410 : memref<48xi32, #tpu.memory_space<hbm>>) dst(%dma_wait3A_408 : memref<48xi32, #tpu.memory_space<vmem>>)
      %dma_start3A_411 = arith.constant 2 : i32
      %dma_start3A_412 = arith.constant 2 : i32
      %dma_start3A_413 = arith.constant 0 : i32
      %dma_start3A_414 = arith.constant 0 : i32
      %dma_start3A_415 = tpu.memref_slice %arg8[%dma_start3A_411, %dma_start3A_413, %dma_start3A_414] : memref<6x48x128xf32, #tpu.memory_space<vmem>> -> memref<1x48x128xf32, #tpu.memory_space<vmem>>
      %dma_start3A_416 = tpu.memref_squeeze %dma_start3A_415 : memref<1x48x128xf32, #tpu.memory_space<vmem>> -> memref<48x128xf32, #tpu.memory_space<vmem>>
      %dma_start3A_417 = arith.constant 0 : i32
      %dma_start3A_418 = tpu.memref_slice %arg7[%dma_start3A_412, %dma_start3A_417] : memref<6x48xi32, #tpu.memory_space<vmem>> -> memref<1x48xi32, #tpu.memory_space<vmem>>
      %dma_start3A_419 = tpu.memref_squeeze %dma_start3A_418 : memref<1x48xi32, #tpu.memory_space<vmem>> -> memref<48xi32, #tpu.memory_space<vmem>>
      %dma_start3A_420 = arith.constant 0 : i32
      %dma_start3A_421 = arith.constant 0 : i32
      %dma_start3A_422 = tpu.memref_slice %arg9[%dma_start3A_420, %dma_start3A_421] : memref<10240x128xf32, #tpu.memory_space<vmem_shared>> -> memref<10240x128xf32, #tpu.memory_space<vmem_shared>>
      tpu.enqueue_indirect_dma source(%dma_start3A_416 : memref<48x128xf32, #tpu.memory_space<vmem>>) target(%dma_start3A_422 : memref<10240x128xf32, #tpu.memory_space<vmem_shared>>) offsets(%dma_start3A_419 : memref<48xi32, #tpu.memory_space<vmem>>) semaphore(%arg18 : memref<!tpu.dma_semaphore, #tpu.memory_space<semaphore_mem>>) {add = true}
      %dma_wait3A_423 = arith.constant 3 : i32
      %dma_wait3A_424 = arith.constant 0 : i32
      %dma_wait3A_425 = arith.constant 0 : i32
      %dma_wait3A_426 = tpu.memref_slice %arg8[%dma_wait3A_423, %dma_wait3A_424, %dma_wait3A_425] : memref<6x48x128xf32, #tpu.memory_space<vmem>> -> memref<1x48x128xf32, #tpu.memory_space<vmem>>
      %dma_wait3A_427 = tpu.memref_squeeze %dma_wait3A_426 : memref<1x48x128xf32, #tpu.memory_space<vmem>> -> memref<48x128xf32, #tpu.memory_space<vmem>>
      %dma_wait3A_428 = arith.constant 0 : i32
      %dma_wait3A_429 = arith.constant 0 : i32
      %dma_wait3A_430 = tpu.memref_slice %arg2[%dma_wait3A_428, %dma_wait3A_429] : memref<10000x128xf32, #tpu.memory_space<hbm>> -> memref<48x128xf32, #tpu.memory_space<hbm>>
      %dma_wait3A_431 = arith.constant 0 : i32
      %dma_wait3A_432 = arith.constant 0 : i32
      %dma_wait3A_433 = tpu.memref_slice %arg8[%dma_wait3A_423, %dma_wait3A_431, %dma_wait3A_432] : memref<6x48x128xf32, #tpu.memory_space<vmem>> -> memref<1x48x128xf32, #tpu.memory_space<vmem>>
      %dma_wait3A_434 = tpu.memref_squeeze %dma_wait3A_433 : memref<1x48x128xf32, #tpu.memory_space<vmem>> -> memref<48x128xf32, #tpu.memory_space<vmem>>
      %dma_wait3A_435 = arith.constant 0 : i32
      %dma_wait3A_436 = arith.constant 0 : i32
      %dma_wait3A_437 = tpu.memref_slice %arg2[%dma_wait3A_435, %dma_wait3A_436] : memref<10000x128xf32, #tpu.memory_space<hbm>> -> memref<48x128xf32, #tpu.memory_space<hbm>>
      tpu.wait_dma2 semaphore(%arg13 : memref<!tpu.dma_semaphore, #tpu.memory_space<semaphore_mem>>) src(%dma_wait3A_437 : memref<48x128xf32, #tpu.memory_space<hbm>>) dst(%dma_wait3A_434 : memref<48x128xf32, #tpu.memory_space<vmem>>)
      %dma_wait3A_438 = arith.constant 3 : i32
      %dma_wait3A_439 = arith.constant 0 : i32
      %dma_wait3A_440 = tpu.memref_slice %arg7[%dma_wait3A_438, %dma_wait3A_439] : memref<6x48xi32, #tpu.memory_space<vmem>> -> memref<1x48xi32, #tpu.memory_space<vmem>>
      %dma_wait3A_441 = tpu.memref_squeeze %dma_wait3A_440 : memref<1x48xi32, #tpu.memory_space<vmem>> -> memref<48xi32, #tpu.memory_space<vmem>>
      %dma_wait3A_442 = arith.constant 0 : i32
      %dma_wait3A_443 = tpu.memref_slice %arg4[%dma_wait3A_442] : memref<331776xi32, #tpu.memory_space<hbm>> -> memref<48xi32, #tpu.memory_space<hbm>>
      %dma_wait3A_444 = arith.constant 0 : i32
      %dma_wait3A_445 = tpu.memref_slice %arg7[%dma_wait3A_438, %dma_wait3A_444] : memref<6x48xi32, #tpu.memory_space<vmem>> -> memref<1x48xi32, #tpu.memory_space<vmem>>
      %dma_wait3A_446 = tpu.memref_squeeze %dma_wait3A_445 : memref<1x48xi32, #tpu.memory_space<vmem>> -> memref<48xi32, #tpu.memory_space<vmem>>
      %dma_wait3A_447 = arith.constant 0 : i32
      %dma_wait3A_448 = tpu.memref_slice %arg4[%dma_wait3A_447] : memref<331776xi32, #tpu.memory_space<hbm>> -> memref<48xi32, #tpu.memory_space<hbm>>
      tpu.wait_dma2 semaphore(%arg25 : memref<!tpu.dma_semaphore, #tpu.memory_space<semaphore_mem>>) src(%dma_wait3A_448 : memref<48xi32, #tpu.memory_space<hbm>>) dst(%dma_wait3A_446 : memref<48xi32, #tpu.memory_space<vmem>>)
      %dma_start3A_449 = arith.constant 3 : i32
      %dma_start3A_450 = arith.constant 3 : i32
      %dma_start3A_451 = arith.constant 0 : i32
      %dma_start3A_452 = arith.constant 0 : i32
      %dma_start3A_453 = tpu.memref_slice %arg8[%dma_start3A_449, %dma_start3A_451, %dma_start3A_452] : memref<6x48x128xf32, #tpu.memory_space<vmem>> -> memref<1x48x128xf32, #tpu.memory_space<vmem>>
      %dma_start3A_454 = tpu.memref_squeeze %dma_start3A_453 : memref<1x48x128xf32, #tpu.memory_space<vmem>> -> memref<48x128xf32, #tpu.memory_space<vmem>>
      %dma_start3A_455 = arith.constant 0 : i32
      %dma_start3A_456 = tpu.memref_slice %arg7[%dma_start3A_450, %dma_start3A_455] : memref<6x48xi32, #tpu.memory_space<vmem>> -> memref<1x48xi32, #tpu.memory_space<vmem>>
      %dma_start3A_457 = tpu.memref_squeeze %dma_start3A_456 : memref<1x48xi32, #tpu.memory_space<vmem>> -> memref<48xi32, #tpu.memory_space<vmem>>
      %dma_start3A_458 = arith.constant 0 : i32
      %dma_start3A_459 = arith.constant 0 : i32
      %dma_start3A_460 = tpu.memref_slice %arg9[%dma_start3A_458, %dma_start3A_459] : memref<10240x128xf32, #tpu.memory_space<vmem_shared>> -> memref<10240x128xf32, #tpu.memory_space<vmem_shared>>
      tpu.enqueue_indirect_dma source(%dma_start3A_454 : memref<48x128xf32, #tpu.memory_space<vmem>>) target(%dma_start3A_460 : memref<10240x128xf32, #tpu.memory_space<vmem_shared>>) offsets(%dma_start3A_457 : memref<48xi32, #tpu.memory_space<vmem>>) semaphore(%arg19 : memref<!tpu.dma_semaphore, #tpu.memory_space<semaphore_mem>>) {add = true}
      %dma_wait3A_461 = arith.constant 4 : i32
      %dma_wait3A_462 = arith.constant 0 : i32
      %dma_wait3A_463 = arith.constant 0 : i32
      %dma_wait3A_464 = tpu.memref_slice %arg8[%dma_wait3A_461, %dma_wait3A_462, %dma_wait3A_463] : memref<6x48x128xf32, #tpu.memory_space<vmem>> -> memref<1x48x128xf32, #tpu.memory_space<vmem>>
      %dma_wait3A_465 = tpu.memref_squeeze %dma_wait3A_464 : memref<1x48x128xf32, #tpu.memory_space<vmem>> -> memref<48x128xf32, #tpu.memory_space<vmem>>
      %dma_wait3A_466 = arith.constant 0 : i32
      %dma_wait3A_467 = arith.constant 0 : i32
      %dma_wait3A_468 = tpu.memref_slice %arg2[%dma_wait3A_466, %dma_wait3A_467] : memref<10000x128xf32, #tpu.memory_space<hbm>> -> memref<48x128xf32, #tpu.memory_space<hbm>>
      %dma_wait3A_469 = arith.constant 0 : i32
      %dma_wait3A_470 = arith.constant 0 : i32
      %dma_wait3A_471 = tpu.memref_slice %arg8[%dma_wait3A_461, %dma_wait3A_469, %dma_wait3A_470] : memref<6x48x128xf32, #tpu.memory_space<vmem>> -> memref<1x48x128xf32, #tpu.memory_space<vmem>>
      %dma_wait3A_472 = tpu.memref_squeeze %dma_wait3A_471 : memref<1x48x128xf32, #tpu.memory_space<vmem>> -> memref<48x128xf32, #tpu.memory_space<vmem>>
      %dma_wait3A_473 = arith.constant 0 : i32
      %dma_wait3A_474 = arith.constant 0 : i32
      %dma_wait3A_475 = tpu.memref_slice %arg2[%dma_wait3A_473, %dma_wait3A_474] : memref<10000x128xf32, #tpu.memory_space<hbm>> -> memref<48x128xf32, #tpu.memory_space<hbm>>
      tpu.wait_dma2 semaphore(%arg14 : memref<!tpu.dma_semaphore, #tpu.memory_space<semaphore_mem>>) src(%dma_wait3A_475 : memref<48x128xf32, #tpu.memory_space<hbm>>) dst(%dma_wait3A_472 : memref<48x128xf32, #tpu.memory_space<vmem>>)
      %dma_wait3A_476 = arith.constant 4 : i32
      %dma_wait3A_477 = arith.constant 0 : i32
      %dma_wait3A_478 = tpu.memref_slice %arg7[%dma_wait3A_476, %dma_wait3A_477] : memref<6x48xi32, #tpu.memory_space<vmem>> -> memref<1x48xi32, #tpu.memory_space<vmem>>
      %dma_wait3A_479 = tpu.memref_squeeze %dma_wait3A_478 : memref<1x48xi32, #tpu.memory_space<vmem>> -> memref<48xi32, #tpu.memory_space<vmem>>
      %dma_wait3A_480 = arith.constant 0 : i32
      %dma_wait3A_481 = tpu.memref_slice %arg4[%dma_wait3A_480] : memref<331776xi32, #tpu.memory_space<hbm>> -> memref<48xi32, #tpu.memory_space<hbm>>
      %dma_wait3A_482 = arith.constant 0 : i32
      %dma_wait3A_483 = tpu.memref_slice %arg7[%dma_wait3A_476, %dma_wait3A_482] : memref<6x48xi32, #tpu.memory_space<vmem>> -> memref<1x48xi32, #tpu.memory_space<vmem>>
      %dma_wait3A_484 = tpu.memref_squeeze %dma_wait3A_483 : memref<1x48xi32, #tpu.memory_space<vmem>> -> memref<48xi32, #tpu.memory_space<vmem>>
      %dma_wait3A_485 = arith.constant 0 : i32
      %dma_wait3A_486 = tpu.memref_slice %arg4[%dma_wait3A_485] : memref<331776xi32, #tpu.memory_space<hbm>> -> memref<48xi32, #tpu.memory_space<hbm>>
      tpu.wait_dma2 semaphore(%arg26 : memref<!tpu.dma_semaphore, #tpu.memory_space<semaphore_mem>>) src(%dma_wait3A_486 : memref<48xi32, #tpu.memory_space<hbm>>) dst(%dma_wait3A_484 : memref<48xi32, #tpu.memory_space<vmem>>)
      %dma_start3A_487 = arith.constant 4 : i32
      %dma_start3A_488 = arith.constant 4 : i32
      %dma_start3A_489 = arith.constant 0 : i32
      %dma_start3A_490 = arith.constant 0 : i32
      %dma_start3A_491 = tpu.memref_slice %arg8[%dma_start3A_487, %dma_start3A_489, %dma_start3A_490] : memref<6x48x128xf32, #tpu.memory_space<vmem>> -> memref<1x48x128xf32, #tpu.memory_space<vmem>>
      %dma_start3A_492 = tpu.memref_squeeze %dma_start3A_491 : memref<1x48x128xf32, #tpu.memory_space<vmem>> -> memref<48x128xf32, #tpu.memory_space<vmem>>
      %dma_start3A_493 = arith.constant 0 : i32
      %dma_start3A_494 = tpu.memref_slice %arg7[%dma_start3A_488, %dma_start3A_493] : memref<6x48xi32, #tpu.memory_space<vmem>> -> memref<1x48xi32, #tpu.memory_space<vmem>>
      %dma_start3A_495 = tpu.memref_squeeze %dma_start3A_494 : memref<1x48xi32, #tpu.memory_space<vmem>> -> memref<48xi32, #tpu.memory_space<vmem>>
      %dma_start3A_496 = arith.constant 0 : i32
      %dma_start3A_497 = arith.constant 0 : i32
      %dma_start3A_498 = tpu.memref_slice %arg9[%dma_start3A_496, %dma_start3A_497] : memref<10240x128xf32, #tpu.memory_space<vmem_shared>> -> memref<10240x128xf32, #tpu.memory_space<vmem_shared>>
      tpu.enqueue_indirect_dma source(%dma_start3A_492 : memref<48x128xf32, #tpu.memory_space<vmem>>) target(%dma_start3A_498 : memref<10240x128xf32, #tpu.memory_space<vmem_shared>>) offsets(%dma_start3A_495 : memref<48xi32, #tpu.memory_space<vmem>>) semaphore(%arg20 : memref<!tpu.dma_semaphore, #tpu.memory_space<semaphore_mem>>) {add = true}
      %dma_wait3A_499 = arith.constant 5 : i32
      %dma_wait3A_500 = arith.constant 0 : i32
      %dma_wait3A_501 = arith.constant 0 : i32
      %dma_wait3A_502 = tpu.memref_slice %arg8[%dma_wait3A_499, %dma_wait3A_500, %dma_wait3A_501] : memref<6x48x128xf32, #tpu.memory_space<vmem>> -> memref<1x48x128xf32, #tpu.memory_space<vmem>>
      %dma_wait3A_503 = tpu.memref_squeeze %dma_wait3A_502 : memref<1x48x128xf32, #tpu.memory_space<vmem>> -> memref<48x128xf32, #tpu.memory_space<vmem>>
      %dma_wait3A_504 = arith.constant 0 : i32
      %dma_wait3A_505 = arith.constant 0 : i32
      %dma_wait3A_506 = tpu.memref_slice %arg2[%dma_wait3A_504, %dma_wait3A_505] : memref<10000x128xf32, #tpu.memory_space<hbm>> -> memref<48x128xf32, #tpu.memory_space<hbm>>
      %dma_wait3A_507 = arith.constant 0 : i32
      %dma_wait3A_508 = arith.constant 0 : i32
      %dma_wait3A_509 = tpu.memref_slice %arg8[%dma_wait3A_499, %dma_wait3A_507, %dma_wait3A_508] : memref<6x48x128xf32, #tpu.memory_space<vmem>> -> memref<1x48x128xf32, #tpu.memory_space<vmem>>
      %dma_wait3A_510 = tpu.memref_squeeze %dma_wait3A_509 : memref<1x48x128xf32, #tpu.memory_space<vmem>> -> memref<48x128xf32, #tpu.memory_space<vmem>>
      %dma_wait3A_511 = arith.constant 0 : i32
      %dma_wait3A_512 = arith.constant 0 : i32
      %dma_wait3A_513 = tpu.memref_slice %arg2[%dma_wait3A_511, %dma_wait3A_512] : memref<10000x128xf32, #tpu.memory_space<hbm>> -> memref<48x128xf32, #tpu.memory_space<hbm>>
      tpu.wait_dma2 semaphore(%arg15 : memref<!tpu.dma_semaphore, #tpu.memory_space<semaphore_mem>>) src(%dma_wait3A_513 : memref<48x128xf32, #tpu.memory_space<hbm>>) dst(%dma_wait3A_510 : memref<48x128xf32, #tpu.memory_space<vmem>>)
      %dma_wait3A_514 = arith.constant 5 : i32
      %dma_wait3A_515 = arith.constant 0 : i32
      %dma_wait3A_516 = tpu.memref_slice %arg7[%dma_wait3A_514, %dma_wait3A_515] : memref<6x48xi32, #tpu.memory_space<vmem>> -> memref<1x48xi32, #tpu.memory_space<vmem>>
      %dma_wait3A_517 = tpu.memref_squeeze %dma_wait3A_516 : memref<1x48xi32, #tpu.memory_space<vmem>> -> memref<48xi32, #tpu.memory_space<vmem>>
      %dma_wait3A_518 = arith.constant 0 : i32
      %dma_wait3A_519 = tpu.memref_slice %arg4[%dma_wait3A_518] : memref<331776xi32, #tpu.memory_space<hbm>> -> memref<48xi32, #tpu.memory_space<hbm>>
      %dma_wait3A_520 = arith.constant 0 : i32
      %dma_wait3A_521 = tpu.memref_slice %arg7[%dma_wait3A_514, %dma_wait3A_520] : memref<6x48xi32, #tpu.memory_space<vmem>> -> memref<1x48xi32, #tpu.memory_space<vmem>>
      %dma_wait3A_522 = tpu.memref_squeeze %dma_wait3A_521 : memref<1x48xi32, #tpu.memory_space<vmem>> -> memref<48xi32, #tpu.memory_space<vmem>>
      %dma_wait3A_523 = arith.constant 0 : i32
      %dma_wait3A_524 = tpu.memref_slice %arg4[%dma_wait3A_523] : memref<331776xi32, #tpu.memory_space<hbm>> -> memref<48xi32, #tpu.memory_space<hbm>>
      tpu.wait_dma2 semaphore(%arg27 : memref<!tpu.dma_semaphore, #tpu.memory_space<semaphore_mem>>) src(%dma_wait3A_524 : memref<48xi32, #tpu.memory_space<hbm>>) dst(%dma_wait3A_522 : memref<48xi32, #tpu.memory_space<vmem>>)
      %dma_start3A_525 = arith.constant 5 : i32
      %dma_start3A_526 = arith.constant 5 : i32
      %dma_start3A_527 = arith.constant 0 : i32
      %dma_start3A_528 = arith.constant 0 : i32
      %dma_start3A_529 = tpu.memref_slice %arg8[%dma_start3A_525, %dma_start3A_527, %dma_start3A_528] : memref<6x48x128xf32, #tpu.memory_space<vmem>> -> memref<1x48x128xf32, #tpu.memory_space<vmem>>
      %dma_start3A_530 = tpu.memref_squeeze %dma_start3A_529 : memref<1x48x128xf32, #tpu.memory_space<vmem>> -> memref<48x128xf32, #tpu.memory_space<vmem>>
      %dma_start3A_531 = arith.constant 0 : i32
      %dma_start3A_532 = tpu.memref_slice %arg7[%dma_start3A_526, %dma_start3A_531] : memref<6x48xi32, #tpu.memory_space<vmem>> -> memref<1x48xi32, #tpu.memory_space<vmem>>
      %dma_start3A_533 = tpu.memref_squeeze %dma_start3A_532 : memref<1x48xi32, #tpu.memory_space<vmem>> -> memref<48xi32, #tpu.memory_space<vmem>>
      %dma_start3A_534 = arith.constant 0 : i32
      %dma_start3A_535 = arith.constant 0 : i32
      %dma_start3A_536 = tpu.memref_slice %arg9[%dma_start3A_534, %dma_start3A_535] : memref<10240x128xf32, #tpu.memory_space<vmem_shared>> -> memref<10240x128xf32, #tpu.memory_space<vmem_shared>>
      tpu.enqueue_indirect_dma source(%dma_start3A_530 : memref<48x128xf32, #tpu.memory_space<vmem>>) target(%dma_start3A_536 : memref<10240x128xf32, #tpu.memory_space<vmem_shared>>) offsets(%dma_start3A_533 : memref<48xi32, #tpu.memory_space<vmem>>) semaphore(%arg21 : memref<!tpu.dma_semaphore, #tpu.memory_space<semaphore_mem>>) {add = true}
      %dma_wait3A_537 = arith.constant 0 : i32
      %dma_wait3A_538 = arith.constant 0 : i32
      %dma_wait3A_539 = arith.constant 0 : i32
      %dma_wait3A_540 = tpu.memref_slice %arg8[%dma_wait3A_537, %dma_wait3A_538, %dma_wait3A_539] : memref<6x48x128xf32, #tpu.memory_space<vmem>> -> memref<1x48x128xf32, #tpu.memory_space<vmem>>
      %dma_wait3A_541 = tpu.memref_squeeze %dma_wait3A_540 : memref<1x48x128xf32, #tpu.memory_space<vmem>> -> memref<48x128xf32, #tpu.memory_space<vmem>>
      %dma_wait3A_542 = arith.constant 0 : i32
      %dma_wait3A_543 = arith.constant 0 : i32
      %dma_wait3A_544 = tpu.memref_slice %arg2[%dma_wait3A_542, %dma_wait3A_543] : memref<10000x128xf32, #tpu.memory_space<hbm>> -> memref<48x128xf32, #tpu.memory_space<hbm>>
      %dma_wait3A_545 = arith.constant 0 : i32
      %dma_wait3A_546 = arith.constant 0 : i32
      %dma_wait3A_547 = tpu.memref_slice %arg8[%dma_wait3A_537, %dma_wait3A_545, %dma_wait3A_546] : memref<6x48x128xf32, #tpu.memory_space<vmem>> -> memref<1x48x128xf32, #tpu.memory_space<vmem>>
      %dma_wait3A_548 = tpu.memref_squeeze %dma_wait3A_547 : memref<1x48x128xf32, #tpu.memory_space<vmem>> -> memref<48x128xf32, #tpu.memory_space<vmem>>
      %dma_wait3A_549 = arith.constant 0 : i32
      %dma_wait3A_550 = arith.constant 0 : i32
      %dma_wait3A_551 = tpu.memref_slice %arg2[%dma_wait3A_549, %dma_wait3A_550] : memref<10000x128xf32, #tpu.memory_space<hbm>> -> memref<48x128xf32, #tpu.memory_space<hbm>>
      tpu.wait_dma2 semaphore(%arg16 : memref<!tpu.dma_semaphore, #tpu.memory_space<semaphore_mem>>) src(%dma_wait3A_551 : memref<48x128xf32, #tpu.memory_space<hbm>>) dst(%dma_wait3A_548 : memref<48x128xf32, #tpu.memory_space<vmem>>)
      %add3A_552 = arith.constant 0 : i32
      %add3A_553 = arith.addi %mul3A_308, %add3A_552 : i32
      %add3A_554 = arith.constant 6 : i32
      %add3A_555 = arith.addi %add3A_553, %add3A_554 : i32
      %jit3A = arith.constant 216 : i32
      %eq3A = arith.constant 0 : i32
      %eq3A_556 = arith.cmpi eq, %jit3A, %eq3A : i32
      %jit3A_557 = arith.constant 1 : i32
      %select_n3A = arith.select %eq3A_556, %jit3A_557, %jit3A : i32
      %rem3A = arith.remsi %add3A_555, %select_n3A : i32
      %ne3A = arith.constant 0 : i32
      %ne3A_558 = arith.cmpi ne, %rem3A, %ne3A : i32
      %lt3A = arith.constant 0 : i32
      %lt3A_559 = arith.cmpi slt, %rem3A, %lt3A : i32
      %lt3A_560 = arith.constant 0 : i32
      %lt3A_561 = arith.cmpi slt, %select_n3A, %lt3A_560 : i32
      %ne3A_562 = arith.xori %lt3A_559, %lt3A_561 : i1
      %and3A = arith.andi %ne3A_562, %ne3A_558 : i1
      %add3A_563 = arith.addi %rem3A, %select_n3A : i32
      %select_n3A_564 = arith.select %and3A, %add3A_563, %rem3A : i32
      %mul3A_565 = arith.constant 48 : i32
      %mul3A_566 = arith.muli %select_n3A_564, %mul3A_565 : i32
      %add3A_567 = arith.addi %mul3A_2, %mul3A_566 : i32
      %dma_start3A_568 = arith.constant 0 : i32
      %dma_start3A_569 = arith.constant 0 : i32
      %dma_start3A_570 = tpu.memref_slice %arg7[%dma_start3A_568, %dma_start3A_569] : memref<6x48xi32, #tpu.memory_space<vmem>> -> memref<1x48xi32, #tpu.memory_space<vmem>>
      %dma_start3A_571 = tpu.memref_squeeze %dma_start3A_570 : memref<1x48xi32, #tpu.memory_space<vmem>> -> memref<48xi32, #tpu.memory_space<vmem>>
      %dma_start3A_572 = tpu.memref_slice %arg4[%add3A_567] : memref<331776xi32, #tpu.memory_space<hbm>> -> memref<48xi32, #tpu.memory_space<hbm>>
      %dma_start3A_573 = arith.constant 0 : i32
      %dma_start3A_574 = tpu.memref_slice %arg7[%dma_start3A_568, %dma_start3A_573] : memref<6x48xi32, #tpu.memory_space<vmem>> -> memref<1x48xi32, #tpu.memory_space<vmem>>
      %dma_start3A_575 = tpu.memref_squeeze %dma_start3A_574 : memref<1x48xi32, #tpu.memory_space<vmem>> -> memref<48xi32, #tpu.memory_space<vmem>>
      %dma_start3A_576 = tpu.memref_slice %arg4[%add3A_567] : memref<331776xi32, #tpu.memory_space<hbm>> -> memref<48xi32, #tpu.memory_space<hbm>>
      tpu.enqueue_dma source(%dma_start3A_576 : memref<48xi32, #tpu.memory_space<hbm>>) target(%dma_start3A_575 : memref<48xi32, #tpu.memory_space<vmem>>) target_semaphore(%arg22 : memref<!tpu.dma_semaphore, #tpu.memory_space<semaphore_mem>>)
      %add3A_577 = arith.constant 0 : i32
      %add3A_578 = arith.addi %mul3A_308, %add3A_577 : i32
      %add3A_579 = arith.constant 6 : i32
      %add3A_580 = arith.addi %add3A_578, %add3A_579 : i32
      %jit3A_581 = arith.constant 216 : i32
      %eq3A_582 = arith.constant 0 : i32
      %eq3A_583 = arith.cmpi eq, %jit3A_581, %eq3A_582 : i32
      %jit3A_584 = arith.constant 1 : i32
      %select_n3A_585 = arith.select %eq3A_583, %jit3A_584, %jit3A_581 : i32
      %rem3A_586 = arith.remsi %add3A_580, %select_n3A_585 : i32
      %ne3A_587 = arith.constant 0 : i32
      %ne3A_588 = arith.cmpi ne, %rem3A_586, %ne3A_587 : i32
      %lt3A_589 = arith.constant 0 : i32
      %lt3A_590 = arith.cmpi slt, %rem3A_586, %lt3A_589 : i32
      %lt3A_591 = arith.constant 0 : i32
      %lt3A_592 = arith.cmpi slt, %select_n3A_585, %lt3A_591 : i32
      %ne3A_593 = arith.xori %lt3A_590, %lt3A_592 : i1
      %and3A_594 = arith.andi %ne3A_593, %ne3A_588 : i1
      %add3A_595 = arith.addi %rem3A_586, %select_n3A_585 : i32
      %select_n3A_596 = arith.select %and3A_594, %add3A_595, %rem3A_586 : i32
      %mul3A_597 = arith.constant 48 : i32
      %mul3A_598 = arith.muli %select_n3A_596, %mul3A_597 : i32
      %dma_start3A_599 = arith.constant 0 : i32
      %dma_start3A_600 = arith.constant 0 : i32
      %dma_start3A_601 = arith.constant 0 : i32
      %dma_start3A_602 = tpu.memref_slice %arg8[%dma_start3A_599, %dma_start3A_600, %dma_start3A_601] : memref<6x48x128xf32, #tpu.memory_space<vmem>> -> memref<1x48x128xf32, #tpu.memory_space<vmem>>
      %dma_start3A_603 = tpu.memref_squeeze %dma_start3A_602 : memref<1x48x128xf32, #tpu.memory_space<vmem>> -> memref<48x128xf32, #tpu.memory_space<vmem>>
      %dma_start3A_604 = tpu.memref_slice %arg6[%mul3A_598] : memref<10368xi32, #tpu.memory_space<vmem>> -> memref<48xi32, #tpu.memory_space<vmem>>
      %dma_start3A_605 = arith.constant 0 : i32
      %dma_start3A_606 = arith.constant 0 : i32
      %dma_start3A_607 = tpu.memref_slice %arg2[%dma_start3A_605, %dma_start3A_606] : memref<10000x128xf32, #tpu.memory_space<hbm>> -> memref<10000x128xf32, #tpu.memory_space<hbm>>
      tpu.enqueue_indirect_dma source(%dma_start3A_607 : memref<10000x128xf32, #tpu.memory_space<hbm>>) target(%dma_start3A_603 : memref<48x128xf32, #tpu.memory_space<vmem>>) offsets(%dma_start3A_604 : memref<48xi32, #tpu.memory_space<vmem>>) semaphore(%arg10 : memref<!tpu.dma_semaphore, #tpu.memory_space<semaphore_mem>>)
      %dma_wait3A_608 = arith.constant 1 : i32
      %dma_wait3A_609 = arith.constant 0 : i32
      %dma_wait3A_610 = arith.constant 0 : i32
      %dma_wait3A_611 = tpu.memref_slice %arg8[%dma_wait3A_608, %dma_wait3A_609, %dma_wait3A_610] : memref<6x48x128xf32, #tpu.memory_space<vmem>> -> memref<1x48x128xf32, #tpu.memory_space<vmem>>
      %dma_wait3A_612 = tpu.memref_squeeze %dma_wait3A_611 : memref<1x48x128xf32, #tpu.memory_space<vmem>> -> memref<48x128xf32, #tpu.memory_space<vmem>>
      %dma_wait3A_613 = arith.constant 0 : i32
      %dma_wait3A_614 = arith.constant 0 : i32
      %dma_wait3A_615 = tpu.memref_slice %arg2[%dma_wait3A_613, %dma_wait3A_614] : memref<10000x128xf32, #tpu.memory_space<hbm>> -> memref<48x128xf32, #tpu.memory_space<hbm>>
      %dma_wait3A_616 = arith.constant 0 : i32
      %dma_wait3A_617 = arith.constant 0 : i32
      %dma_wait3A_618 = tpu.memref_slice %arg8[%dma_wait3A_608, %dma_wait3A_616, %dma_wait3A_617] : memref<6x48x128xf32, #tpu.memory_space<vmem>> -> memref<1x48x128xf32, #tpu.memory_space<vmem>>
      %dma_wait3A_619 = tpu.memref_squeeze %dma_wait3A_618 : memref<1x48x128xf32, #tpu.memory_space<vmem>> -> memref<48x128xf32, #tpu.memory_space<vmem>>
      %dma_wait3A_620 = arith.constant 0 : i32
      %dma_wait3A_621 = arith.constant 0 : i32
      %dma_wait3A_622 = tpu.memref_slice %arg2[%dma_wait3A_620, %dma_wait3A_621] : memref<10000x128xf32, #tpu.memory_space<hbm>> -> memref<48x128xf32, #tpu.memory_space<hbm>>
      tpu.wait_dma2 semaphore(%arg17 : memref<!tpu.dma_semaphore, #tpu.memory_space<semaphore_mem>>) src(%dma_wait3A_622 : memref<48x128xf32, #tpu.memory_space<hbm>>) dst(%dma_wait3A_619 : memref<48x128xf32, #tpu.memory_space<vmem>>)
      %add3A_623 = arith.constant 1 : i32
      %add3A_624 = arith.addi %mul3A_308, %add3A_623 : i32
      %add3A_625 = arith.constant 6 : i32
      %add3A_626 = arith.addi %add3A_624, %add3A_625 : i32
      %jit3A_627 = arith.constant 216 : i32
      %eq3A_628 = arith.constant 0 : i32
      %eq3A_629 = arith.cmpi eq, %jit3A_627, %eq3A_628 : i32
      %jit3A_630 = arith.constant 1 : i32
      %select_n3A_631 = arith.select %eq3A_629, %jit3A_630, %jit3A_627 : i32
      %rem3A_632 = arith.remsi %add3A_626, %select_n3A_631 : i32
      %ne3A_633 = arith.constant 0 : i32
      %ne3A_634 = arith.cmpi ne, %rem3A_632, %ne3A_633 : i32
      %lt3A_635 = arith.constant 0 : i32
      %lt3A_636 = arith.cmpi slt, %rem3A_632, %lt3A_635 : i32
      %lt3A_637 = arith.constant 0 : i32
      %lt3A_638 = arith.cmpi slt, %select_n3A_631, %lt3A_637 : i32
      %ne3A_639 = arith.xori %lt3A_636, %lt3A_638 : i1
      %and3A_640 = arith.andi %ne3A_639, %ne3A_634 : i1
      %add3A_641 = arith.addi %rem3A_632, %select_n3A_631 : i32
      %select_n3A_642 = arith.select %and3A_640, %add3A_641, %rem3A_632 : i32
      %mul3A_643 = arith.constant 48 : i32
      %mul3A_644 = arith.muli %select_n3A_642, %mul3A_643 : i32
      %add3A_645 = arith.addi %mul3A_2, %mul3A_644 : i32
      %dma_start3A_646 = arith.constant 1 : i32
      %dma_start3A_647 = arith.constant 0 : i32
      %dma_start3A_648 = tpu.memref_slice %arg7[%dma_start3A_646, %dma_start3A_647] : memref<6x48xi32, #tpu.memory_space<vmem>> -> memref<1x48xi32, #tpu.memory_space<vmem>>
      %dma_start3A_649 = tpu.memref_squeeze %dma_start3A_648 : memref<1x48xi32, #tpu.memory_space<vmem>> -> memref<48xi32, #tpu.memory_space<vmem>>
      %dma_start3A_650 = tpu.memref_slice %arg4[%add3A_645] : memref<331776xi32, #tpu.memory_space<hbm>> -> memref<48xi32, #tpu.memory_space<hbm>>
      %dma_start3A_651 = arith.constant 0 : i32
      %dma_start3A_652 = tpu.memref_slice %arg7[%dma_start3A_646, %dma_start3A_651] : memref<6x48xi32, #tpu.memory_space<vmem>> -> memref<1x48xi32, #tpu.memory_space<vmem>>
      %dma_start3A_653 = tpu.memref_squeeze %dma_start3A_652 : memref<1x48xi32, #tpu.memory_space<vmem>> -> memref<48xi32, #tpu.memory_space<vmem>>
      %dma_start3A_654 = tpu.memref_slice %arg4[%add3A_645] : memref<331776xi32, #tpu.memory_space<hbm>> -> memref<48xi32, #tpu.memory_space<hbm>>
      tpu.enqueue_dma source(%dma_start3A_654 : memref<48xi32, #tpu.memory_space<hbm>>) target(%dma_start3A_653 : memref<48xi32, #tpu.memory_space<vmem>>) target_semaphore(%arg23 : memref<!tpu.dma_semaphore, #tpu.memory_space<semaphore_mem>>)
      %add3A_655 = arith.constant 1 : i32
      %add3A_656 = arith.addi %mul3A_308, %add3A_655 : i32
      %add3A_657 = arith.constant 6 : i32
      %add3A_658 = arith.addi %add3A_656, %add3A_657 : i32
      %jit3A_659 = arith.constant 216 : i32
      %eq3A_660 = arith.constant 0 : i32
      %eq3A_661 = arith.cmpi eq, %jit3A_659, %eq3A_660 : i32
      %jit3A_662 = arith.constant 1 : i32
      %select_n3A_663 = arith.select %eq3A_661, %jit3A_662, %jit3A_659 : i32
      %rem3A_664 = arith.remsi %add3A_658, %select_n3A_663 : i32
      %ne3A_665 = arith.constant 0 : i32
      %ne3A_666 = arith.cmpi ne, %rem3A_664, %ne3A_665 : i32
      %lt3A_667 = arith.constant 0 : i32
      %lt3A_668 = arith.cmpi slt, %rem3A_664, %lt3A_667 : i32
      %lt3A_669 = arith.constant 0 : i32
      %lt3A_670 = arith.cmpi slt, %select_n3A_663, %lt3A_669 : i32
      %ne3A_671 = arith.xori %lt3A_668, %lt3A_670 : i1
      %and3A_672 = arith.andi %ne3A_671, %ne3A_666 : i1
      %add3A_673 = arith.addi %rem3A_664, %select_n3A_663 : i32
      %select_n3A_674 = arith.select %and3A_672, %add3A_673, %rem3A_664 : i32
      %mul3A_675 = arith.constant 48 : i32
      %mul3A_676 = arith.muli %select_n3A_674, %mul3A_675 : i32
      %dma_start3A_677 = arith.constant 1 : i32
      %dma_start3A_678 = arith.constant 0 : i32
      %dma_start3A_679 = arith.constant 0 : i32
      %dma_start3A_680 = tpu.memref_slice %arg8[%dma_start3A_677, %dma_start3A_678, %dma_start3A_679] : memref<6x48x128xf32, #tpu.memory_space<vmem>> -> memref<1x48x128xf32, #tpu.memory_space<vmem>>
      %dma_start3A_681 = tpu.memref_squeeze %dma_start3A_680 : memref<1x48x128xf32, #tpu.memory_space<vmem>> -> memref<48x128xf32, #tpu.memory_space<vmem>>
      %dma_start3A_682 = tpu.memref_slice %arg6[%mul3A_676] : memref<10368xi32, #tpu.memory_space<vmem>> -> memref<48xi32, #tpu.memory_space<vmem>>
      %dma_start3A_683 = arith.constant 0 : i32
      %dma_start3A_684 = arith.constant 0 : i32
      %dma_start3A_685 = tpu.memref_slice %arg2[%dma_start3A_683, %dma_start3A_684] : memref<10000x128xf32, #tpu.memory_space<hbm>> -> memref<10000x128xf32, #tpu.memory_space<hbm>>
      tpu.enqueue_indirect_dma source(%dma_start3A_685 : memref<10000x128xf32, #tpu.memory_space<hbm>>) target(%dma_start3A_681 : memref<48x128xf32, #tpu.memory_space<vmem>>) offsets(%dma_start3A_682 : memref<48xi32, #tpu.memory_space<vmem>>) semaphore(%arg11 : memref<!tpu.dma_semaphore, #tpu.memory_space<semaphore_mem>>)
      %dma_wait3A_686 = arith.constant 2 : i32
      %dma_wait3A_687 = arith.constant 0 : i32
      %dma_wait3A_688 = arith.constant 0 : i32
      %dma_wait3A_689 = tpu.memref_slice %arg8[%dma_wait3A_686, %dma_wait3A_687, %dma_wait3A_688] : memref<6x48x128xf32, #tpu.memory_space<vmem>> -> memref<1x48x128xf32, #tpu.memory_space<vmem>>
      %dma_wait3A_690 = tpu.memref_squeeze %dma_wait3A_689 : memref<1x48x128xf32, #tpu.memory_space<vmem>> -> memref<48x128xf32, #tpu.memory_space<vmem>>
      %dma_wait3A_691 = arith.constant 0 : i32
      %dma_wait3A_692 = arith.constant 0 : i32
      %dma_wait3A_693 = tpu.memref_slice %arg2[%dma_wait3A_691, %dma_wait3A_692] : memref<10000x128xf32, #tpu.memory_space<hbm>> -> memref<48x128xf32, #tpu.memory_space<hbm>>
      %dma_wait3A_694 = arith.constant 0 : i32
      %dma_wait3A_695 = arith.constant 0 : i32
      %dma_wait3A_696 = tpu.memref_slice %arg8[%dma_wait3A_686, %dma_wait3A_694, %dma_wait3A_695] : memref<6x48x128xf32, #tpu.memory_space<vmem>> -> memref<1x48x128xf32, #tpu.memory_space<vmem>>
      %dma_wait3A_697 = tpu.memref_squeeze %dma_wait3A_696 : memref<1x48x128xf32, #tpu.memory_space<vmem>> -> memref<48x128xf32, #tpu.memory_space<vmem>>
      %dma_wait3A_698 = arith.constant 0 : i32
      %dma_wait3A_699 = arith.constant 0 : i32
      %dma_wait3A_700 = tpu.memref_slice %arg2[%dma_wait3A_698, %dma_wait3A_699] : memref<10000x128xf32, #tpu.memory_space<hbm>> -> memref<48x128xf32, #tpu.memory_space<hbm>>
      tpu.wait_dma2 semaphore(%arg18 : memref<!tpu.dma_semaphore, #tpu.memory_space<semaphore_mem>>) src(%dma_wait3A_700 : memref<48x128xf32, #tpu.memory_space<hbm>>) dst(%dma_wait3A_697 : memref<48x128xf32, #tpu.memory_space<vmem>>)
      %add3A_701 = arith.constant 2 : i32
      %add3A_702 = arith.addi %mul3A_308, %add3A_701 : i32
      %add3A_703 = arith.constant 6 : i32
      %add3A_704 = arith.addi %add3A_702, %add3A_703 : i32
      %jit3A_705 = arith.constant 216 : i32
      %eq3A_706 = arith.constant 0 : i32
      %eq3A_707 = arith.cmpi eq, %jit3A_705, %eq3A_706 : i32
      %jit3A_708 = arith.constant 1 : i32
      %select_n3A_709 = arith.select %eq3A_707, %jit3A_708, %jit3A_705 : i32
      %rem3A_710 = arith.remsi %add3A_704, %select_n3A_709 : i32
      %ne3A_711 = arith.constant 0 : i32
      %ne3A_712 = arith.cmpi ne, %rem3A_710, %ne3A_711 : i32
      %lt3A_713 = arith.constant 0 : i32
      %lt3A_714 = arith.cmpi slt, %rem3A_710, %lt3A_713 : i32
      %lt3A_715 = arith.constant 0 : i32
      %lt3A_716 = arith.cmpi slt, %select_n3A_709, %lt3A_715 : i32
      %ne3A_717 = arith.xori %lt3A_714, %lt3A_716 : i1
      %and3A_718 = arith.andi %ne3A_717, %ne3A_712 : i1
      %add3A_719 = arith.addi %rem3A_710, %select_n3A_709 : i32
      %select_n3A_720 = arith.select %and3A_718, %add3A_719, %rem3A_710 : i32
      %mul3A_721 = arith.constant 48 : i32
      %mul3A_722 = arith.muli %select_n3A_720, %mul3A_721 : i32
      %add3A_723 = arith.addi %mul3A_2, %mul3A_722 : i32
      %dma_start3A_724 = arith.constant 2 : i32
      %dma_start3A_725 = arith.constant 0 : i32
      %dma_start3A_726 = tpu.memref_slice %arg7[%dma_start3A_724, %dma_start3A_725] : memref<6x48xi32, #tpu.memory_space<vmem>> -> memref<1x48xi32, #tpu.memory_space<vmem>>
      %dma_start3A_727 = tpu.memref_squeeze %dma_start3A_726 : memref<1x48xi32, #tpu.memory_space<vmem>> -> memref<48xi32, #tpu.memory_space<vmem>>
      %dma_start3A_728 = tpu.memref_slice %arg4[%add3A_723] : memref<331776xi32, #tpu.memory_space<hbm>> -> memref<48xi32, #tpu.memory_space<hbm>>
      %dma_start3A_729 = arith.constant 0 : i32
      %dma_start3A_730 = tpu.memref_slice %arg7[%dma_start3A_724, %dma_start3A_729] : memref<6x48xi32, #tpu.memory_space<vmem>> -> memref<1x48xi32, #tpu.memory_space<vmem>>
      %dma_start3A_731 = tpu.memref_squeeze %dma_start3A_730 : memref<1x48xi32, #tpu.memory_space<vmem>> -> memref<48xi32, #tpu.memory_space<vmem>>
      %dma_start3A_732 = tpu.memref_slice %arg4[%add3A_723] : memref<331776xi32, #tpu.memory_space<hbm>> -> memref<48xi32, #tpu.memory_space<hbm>>
      tpu.enqueue_dma source(%dma_start3A_732 : memref<48xi32, #tpu.memory_space<hbm>>) target(%dma_start3A_731 : memref<48xi32, #tpu.memory_space<vmem>>) target_semaphore(%arg24 : memref<!tpu.dma_semaphore, #tpu.memory_space<semaphore_mem>>)
      %add3A_733 = arith.constant 2 : i32
      %add3A_734 = arith.addi %mul3A_308, %add3A_733 : i32
      %add3A_735 = arith.constant 6 : i32
      %add3A_736 = arith.addi %add3A_734, %add3A_735 : i32
      %jit3A_737 = arith.constant 216 : i32
      %eq3A_738 = arith.constant 0 : i32
      %eq3A_739 = arith.cmpi eq, %jit3A_737, %eq3A_738 : i32
      %jit3A_740 = arith.constant 1 : i32
      %select_n3A_741 = arith.select %eq3A_739, %jit3A_740, %jit3A_737 : i32
      %rem3A_742 = arith.remsi %add3A_736, %select_n3A_741 : i32
      %ne3A_743 = arith.constant 0 : i32
      %ne3A_744 = arith.cmpi ne, %rem3A_742, %ne3A_743 : i32
      %lt3A_745 = arith.constant 0 : i32
      %lt3A_746 = arith.cmpi slt, %rem3A_742, %lt3A_745 : i32
      %lt3A_747 = arith.constant 0 : i32
      %lt3A_748 = arith.cmpi slt, %select_n3A_741, %lt3A_747 : i32
      %ne3A_749 = arith.xori %lt3A_746, %lt3A_748 : i1
      %and3A_750 = arith.andi %ne3A_749, %ne3A_744 : i1
      %add3A_751 = arith.addi %rem3A_742, %select_n3A_741 : i32
      %select_n3A_752 = arith.select %and3A_750, %add3A_751, %rem3A_742 : i32
      %mul3A_753 = arith.constant 48 : i32
      %mul3A_754 = arith.muli %select_n3A_752, %mul3A_753 : i32
      %dma_start3A_755 = arith.constant 2 : i32
      %dma_start3A_756 = arith.constant 0 : i32
      %dma_start3A_757 = arith.constant 0 : i32
      %dma_start3A_758 = tpu.memref_slice %arg8[%dma_start3A_755, %dma_start3A_756, %dma_start3A_757] : memref<6x48x128xf32, #tpu.memory_space<vmem>> -> memref<1x48x128xf32, #tpu.memory_space<vmem>>
      %dma_start3A_759 = tpu.memref_squeeze %dma_start3A_758 : memref<1x48x128xf32, #tpu.memory_space<vmem>> -> memref<48x128xf32, #tpu.memory_space<vmem>>
      %dma_start3A_760 = tpu.memref_slice %arg6[%mul3A_754] : memref<10368xi32, #tpu.memory_space<vmem>> -> memref<48xi32, #tpu.memory_space<vmem>>
      %dma_start3A_761 = arith.constant 0 : i32
      %dma_start3A_762 = arith.constant 0 : i32
      %dma_start3A_763 = tpu.memref_slice %arg2[%dma_start3A_761, %dma_start3A_762] : memref<10000x128xf32, #tpu.memory_space<hbm>> -> memref<10000x128xf32, #tpu.memory_space<hbm>>
      tpu.enqueue_indirect_dma source(%dma_start3A_763 : memref<10000x128xf32, #tpu.memory_space<hbm>>) target(%dma_start3A_759 : memref<48x128xf32, #tpu.memory_space<vmem>>) offsets(%dma_start3A_760 : memref<48xi32, #tpu.memory_space<vmem>>) semaphore(%arg12 : memref<!tpu.dma_semaphore, #tpu.memory_space<semaphore_mem>>)
      %dma_wait3A_764 = arith.constant 3 : i32
      %dma_wait3A_765 = arith.constant 0 : i32
      %dma_wait3A_766 = arith.constant 0 : i32
      %dma_wait3A_767 = tpu.memref_slice %arg8[%dma_wait3A_764, %dma_wait3A_765, %dma_wait3A_766] : memref<6x48x128xf32, #tpu.memory_space<vmem>> -> memref<1x48x128xf32, #tpu.memory_space<vmem>>
      %dma_wait3A_768 = tpu.memref_squeeze %dma_wait3A_767 : memref<1x48x128xf32, #tpu.memory_space<vmem>> -> memref<48x128xf32, #tpu.memory_space<vmem>>
      %dma_wait3A_769 = arith.constant 0 : i32
      %dma_wait3A_770 = arith.constant 0 : i32
      %dma_wait3A_771 = tpu.memref_slice %arg2[%dma_wait3A_769, %dma_wait3A_770] : memref<10000x128xf32, #tpu.memory_space<hbm>> -> memref<48x128xf32, #tpu.memory_space<hbm>>
      %dma_wait3A_772 = arith.constant 0 : i32
      %dma_wait3A_773 = arith.constant 0 : i32
      %dma_wait3A_774 = tpu.memref_slice %arg8[%dma_wait3A_764, %dma_wait3A_772, %dma_wait3A_773] : memref<6x48x128xf32, #tpu.memory_space<vmem>> -> memref<1x48x128xf32, #tpu.memory_space<vmem>>
      %dma_wait3A_775 = tpu.memref_squeeze %dma_wait3A_774 : memref<1x48x128xf32, #tpu.memory_space<vmem>> -> memref<48x128xf32, #tpu.memory_space<vmem>>
      %dma_wait3A_776 = arith.constant 0 : i32
      %dma_wait3A_777 = arith.constant 0 : i32
      %dma_wait3A_778 = tpu.memref_slice %arg2[%dma_wait3A_776, %dma_wait3A_777] : memref<10000x128xf32, #tpu.memory_space<hbm>> -> memref<48x128xf32, #tpu.memory_space<hbm>>
      tpu.wait_dma2 semaphore(%arg19 : memref<!tpu.dma_semaphore, #tpu.memory_space<semaphore_mem>>) src(%dma_wait3A_778 : memref<48x128xf32, #tpu.memory_space<hbm>>) dst(%dma_wait3A_775 : memref<48x128xf32, #tpu.memory_space<vmem>>)
      %add3A_779 = arith.constant 3 : i32
      %add3A_780 = arith.addi %mul3A_308, %add3A_779 : i32
      %add3A_781 = arith.constant 6 : i32
      %add3A_782 = arith.addi %add3A_780, %add3A_781 : i32
      %jit3A_783 = arith.constant 216 : i32
      %eq3A_784 = arith.constant 0 : i32
      %eq3A_785 = arith.cmpi eq, %jit3A_783, %eq3A_784 : i32
      %jit3A_786 = arith.constant 1 : i32
      %select_n3A_787 = arith.select %eq3A_785, %jit3A_786, %jit3A_783 : i32
      %rem3A_788 = arith.remsi %add3A_782, %select_n3A_787 : i32
      %ne3A_789 = arith.constant 0 : i32
      %ne3A_790 = arith.cmpi ne, %rem3A_788, %ne3A_789 : i32
      %lt3A_791 = arith.constant 0 : i32
      %lt3A_792 = arith.cmpi slt, %rem3A_788, %lt3A_791 : i32
      %lt3A_793 = arith.constant 0 : i32
      %lt3A_794 = arith.cmpi slt, %select_n3A_787, %lt3A_793 : i32
      %ne3A_795 = arith.xori %lt3A_792, %lt3A_794 : i1
      %and3A_796 = arith.andi %ne3A_795, %ne3A_790 : i1
      %add3A_797 = arith.addi %rem3A_788, %select_n3A_787 : i32
      %select_n3A_798 = arith.select %and3A_796, %add3A_797, %rem3A_788 : i32
      %mul3A_799 = arith.constant 48 : i32
      %mul3A_800 = arith.muli %select_n3A_798, %mul3A_799 : i32
      %add3A_801 = arith.addi %mul3A_2, %mul3A_800 : i32
      %dma_start3A_802 = arith.constant 3 : i32
      %dma_start3A_803 = arith.constant 0 : i32
      %dma_start3A_804 = tpu.memref_slice %arg7[%dma_start3A_802, %dma_start3A_803] : memref<6x48xi32, #tpu.memory_space<vmem>> -> memref<1x48xi32, #tpu.memory_space<vmem>>
      %dma_start3A_805 = tpu.memref_squeeze %dma_start3A_804 : memref<1x48xi32, #tpu.memory_space<vmem>> -> memref<48xi32, #tpu.memory_space<vmem>>
      %dma_start3A_806 = tpu.memref_slice %arg4[%add3A_801] : memref<331776xi32, #tpu.memory_space<hbm>> -> memref<48xi32, #tpu.memory_space<hbm>>
      %dma_start3A_807 = arith.constant 0 : i32
      %dma_start3A_808 = tpu.memref_slice %arg7[%dma_start3A_802, %dma_start3A_807] : memref<6x48xi32, #tpu.memory_space<vmem>> -> memref<1x48xi32, #tpu.memory_space<vmem>>
      %dma_start3A_809 = tpu.memref_squeeze %dma_start3A_808 : memref<1x48xi32, #tpu.memory_space<vmem>> -> memref<48xi32, #tpu.memory_space<vmem>>
      %dma_start3A_810 = tpu.memref_slice %arg4[%add3A_801] : memref<331776xi32, #tpu.memory_space<hbm>> -> memref<48xi32, #tpu.memory_space<hbm>>
      tpu.enqueue_dma source(%dma_start3A_810 : memref<48xi32, #tpu.memory_space<hbm>>) target(%dma_start3A_809 : memref<48xi32, #tpu.memory_space<vmem>>) target_semaphore(%arg25 : memref<!tpu.dma_semaphore, #tpu.memory_space<semaphore_mem>>)
      %add3A_811 = arith.constant 3 : i32
      %add3A_812 = arith.addi %mul3A_308, %add3A_811 : i32
      %add3A_813 = arith.constant 6 : i32
      %add3A_814 = arith.addi %add3A_812, %add3A_813 : i32
      %jit3A_815 = arith.constant 216 : i32
      %eq3A_816 = arith.constant 0 : i32
      %eq3A_817 = arith.cmpi eq, %jit3A_815, %eq3A_816 : i32
      %jit3A_818 = arith.constant 1 : i32
      %select_n3A_819 = arith.select %eq3A_817, %jit3A_818, %jit3A_815 : i32
      %rem3A_820 = arith.remsi %add3A_814, %select_n3A_819 : i32
      %ne3A_821 = arith.constant 0 : i32
      %ne3A_822 = arith.cmpi ne, %rem3A_820, %ne3A_821 : i32
      %lt3A_823 = arith.constant 0 : i32
      %lt3A_824 = arith.cmpi slt, %rem3A_820, %lt3A_823 : i32
      %lt3A_825 = arith.constant 0 : i32
      %lt3A_826 = arith.cmpi slt, %select_n3A_819, %lt3A_825 : i32
      %ne3A_827 = arith.xori %lt3A_824, %lt3A_826 : i1
      %and3A_828 = arith.andi %ne3A_827, %ne3A_822 : i1
      %add3A_829 = arith.addi %rem3A_820, %select_n3A_819 : i32
      %select_n3A_830 = arith.select %and3A_828, %add3A_829, %rem3A_820 : i32
      %mul3A_831 = arith.constant 48 : i32
      %mul3A_832 = arith.muli %select_n3A_830, %mul3A_831 : i32
      %dma_start3A_833 = arith.constant 3 : i32
      %dma_start3A_834 = arith.constant 0 : i32
      %dma_start3A_835 = arith.constant 0 : i32
      %dma_start3A_836 = tpu.memref_slice %arg8[%dma_start3A_833, %dma_start3A_834, %dma_start3A_835] : memref<6x48x128xf32, #tpu.memory_space<vmem>> -> memref<1x48x128xf32, #tpu.memory_space<vmem>>
      %dma_start3A_837 = tpu.memref_squeeze %dma_start3A_836 : memref<1x48x128xf32, #tpu.memory_space<vmem>> -> memref<48x128xf32, #tpu.memory_space<vmem>>
      %dma_start3A_838 = tpu.memref_slice %arg6[%mul3A_832] : memref<10368xi32, #tpu.memory_space<vmem>> -> memref<48xi32, #tpu.memory_space<vmem>>
      %dma_start3A_839 = arith.constant 0 : i32
      %dma_start3A_840 = arith.constant 0 : i32
      %dma_start3A_841 = tpu.memref_slice %arg2[%dma_start3A_839, %dma_start3A_840] : memref<10000x128xf32, #tpu.memory_space<hbm>> -> memref<10000x128xf32, #tpu.memory_space<hbm>>
      tpu.enqueue_indirect_dma source(%dma_start3A_841 : memref<10000x128xf32, #tpu.memory_space<hbm>>) target(%dma_start3A_837 : memref<48x128xf32, #tpu.memory_space<vmem>>) offsets(%dma_start3A_838 : memref<48xi32, #tpu.memory_space<vmem>>) semaphore(%arg13 : memref<!tpu.dma_semaphore, #tpu.memory_space<semaphore_mem>>)
      %dma_wait3A_842 = arith.constant 4 : i32
      %dma_wait3A_843 = arith.constant 0 : i32
      %dma_wait3A_844 = arith.constant 0 : i32
      %dma_wait3A_845 = tpu.memref_slice %arg8[%dma_wait3A_842, %dma_wait3A_843, %dma_wait3A_844] : memref<6x48x128xf32, #tpu.memory_space<vmem>> -> memref<1x48x128xf32, #tpu.memory_space<vmem>>
      %dma_wait3A_846 = tpu.memref_squeeze %dma_wait3A_845 : memref<1x48x128xf32, #tpu.memory_space<vmem>> -> memref<48x128xf32, #tpu.memory_space<vmem>>
      %dma_wait3A_847 = arith.constant 0 : i32
      %dma_wait3A_848 = arith.constant 0 : i32
      %dma_wait3A_849 = tpu.memref_slice %arg2[%dma_wait3A_847, %dma_wait3A_848] : memref<10000x128xf32, #tpu.memory_space<hbm>> -> memref<48x128xf32, #tpu.memory_space<hbm>>
      %dma_wait3A_850 = arith.constant 0 : i32
      %dma_wait3A_851 = arith.constant 0 : i32
      %dma_wait3A_852 = tpu.memref_slice %arg8[%dma_wait3A_842, %dma_wait3A_850, %dma_wait3A_851] : memref<6x48x128xf32, #tpu.memory_space<vmem>> -> memref<1x48x128xf32, #tpu.memory_space<vmem>>
      %dma_wait3A_853 = tpu.memref_squeeze %dma_wait3A_852 : memref<1x48x128xf32, #tpu.memory_space<vmem>> -> memref<48x128xf32, #tpu.memory_space<vmem>>
      %dma_wait3A_854 = arith.constant 0 : i32
      %dma_wait3A_855 = arith.constant 0 : i32
      %dma_wait3A_856 = tpu.memref_slice %arg2[%dma_wait3A_854, %dma_wait3A_855] : memref<10000x128xf32, #tpu.memory_space<hbm>> -> memref<48x128xf32, #tpu.memory_space<hbm>>
      tpu.wait_dma2 semaphore(%arg20 : memref<!tpu.dma_semaphore, #tpu.memory_space<semaphore_mem>>) src(%dma_wait3A_856 : memref<48x128xf32, #tpu.memory_space<hbm>>) dst(%dma_wait3A_853 : memref<48x128xf32, #tpu.memory_space<vmem>>)
      %add3A_857 = arith.constant 4 : i32
      %add3A_858 = arith.addi %mul3A_308, %add3A_857 : i32
      %add3A_859 = arith.constant 6 : i32
      %add3A_860 = arith.addi %add3A_858, %add3A_859 : i32
      %jit3A_861 = arith.constant 216 : i32
      %eq3A_862 = arith.constant 0 : i32
      %eq3A_863 = arith.cmpi eq, %jit3A_861, %eq3A_862 : i32
      %jit3A_864 = arith.constant 1 : i32
      %select_n3A_865 = arith.select %eq3A_863, %jit3A_864, %jit3A_861 : i32
      %rem3A_866 = arith.remsi %add3A_860, %select_n3A_865 : i32
      %ne3A_867 = arith.constant 0 : i32
      %ne3A_868 = arith.cmpi ne, %rem3A_866, %ne3A_867 : i32
      %lt3A_869 = arith.constant 0 : i32
      %lt3A_870 = arith.cmpi slt, %rem3A_866, %lt3A_869 : i32
      %lt3A_871 = arith.constant 0 : i32
      %lt3A_872 = arith.cmpi slt, %select_n3A_865, %lt3A_871 : i32
      %ne3A_873 = arith.xori %lt3A_870, %lt3A_872 : i1
      %and3A_874 = arith.andi %ne3A_873, %ne3A_868 : i1
      %add3A_875 = arith.addi %rem3A_866, %select_n3A_865 : i32
      %select_n3A_876 = arith.select %and3A_874, %add3A_875, %rem3A_866 : i32
      %mul3A_877 = arith.constant 48 : i32
      %mul3A_878 = arith.muli %select_n3A_876, %mul3A_877 : i32
      %add3A_879 = arith.addi %mul3A_2, %mul3A_878 : i32
      %dma_start3A_880 = arith.constant 4 : i32
      %dma_start3A_881 = arith.constant 0 : i32
      %dma_start3A_882 = tpu.memref_slice %arg7[%dma_start3A_880, %dma_start3A_881] : memref<6x48xi32, #tpu.memory_space<vmem>> -> memref<1x48xi32, #tpu.memory_space<vmem>>
      %dma_start3A_883 = tpu.memref_squeeze %dma_start3A_882 : memref<1x48xi32, #tpu.memory_space<vmem>> -> memref<48xi32, #tpu.memory_space<vmem>>
      %dma_start3A_884 = tpu.memref_slice %arg4[%add3A_879] : memref<331776xi32, #tpu.memory_space<hbm>> -> memref<48xi32, #tpu.memory_space<hbm>>
      %dma_start3A_885 = arith.constant 0 : i32
      %dma_start3A_886 = tpu.memref_slice %arg7[%dma_start3A_880, %dma_start3A_885] : memref<6x48xi32, #tpu.memory_space<vmem>> -> memref<1x48xi32, #tpu.memory_space<vmem>>
      %dma_start3A_887 = tpu.memref_squeeze %dma_start3A_886 : memref<1x48xi32, #tpu.memory_space<vmem>> -> memref<48xi32, #tpu.memory_space<vmem>>
      %dma_start3A_888 = tpu.memref_slice %arg4[%add3A_879] : memref<331776xi32, #tpu.memory_space<hbm>> -> memref<48xi32, #tpu.memory_space<hbm>>
      tpu.enqueue_dma source(%dma_start3A_888 : memref<48xi32, #tpu.memory_space<hbm>>) target(%dma_start3A_887 : memref<48xi32, #tpu.memory_space<vmem>>) target_semaphore(%arg26 : memref<!tpu.dma_semaphore, #tpu.memory_space<semaphore_mem>>)
      %add3A_889 = arith.constant 4 : i32
      %add3A_890 = arith.addi %mul3A_308, %add3A_889 : i32
      %add3A_891 = arith.constant 6 : i32
      %add3A_892 = arith.addi %add3A_890, %add3A_891 : i32
      %jit3A_893 = arith.constant 216 : i32
      %eq3A_894 = arith.constant 0 : i32
      %eq3A_895 = arith.cmpi eq, %jit3A_893, %eq3A_894 : i32
      %jit3A_896 = arith.constant 1 : i32
      %select_n3A_897 = arith.select %eq3A_895, %jit3A_896, %jit3A_893 : i32
      %rem3A_898 = arith.remsi %add3A_892, %select_n3A_897 : i32
      %ne3A_899 = arith.constant 0 : i32
      %ne3A_900 = arith.cmpi ne, %rem3A_898, %ne3A_899 : i32
      %lt3A_901 = arith.constant 0 : i32
      %lt3A_902 = arith.cmpi slt, %rem3A_898, %lt3A_901 : i32
      %lt3A_903 = arith.constant 0 : i32
      %lt3A_904 = arith.cmpi slt, %select_n3A_897, %lt3A_903 : i32
      %ne3A_905 = arith.xori %lt3A_902, %lt3A_904 : i1
      %and3A_906 = arith.andi %ne3A_905, %ne3A_900 : i1
      %add3A_907 = arith.addi %rem3A_898, %select_n3A_897 : i32
      %select_n3A_908 = arith.select %and3A_906, %add3A_907, %rem3A_898 : i32
      %mul3A_909 = arith.constant 48 : i32
      %mul3A_910 = arith.muli %select_n3A_908, %mul3A_909 : i32
      %dma_start3A_911 = arith.constant 4 : i32
      %dma_start3A_912 = arith.constant 0 : i32
      %dma_start3A_913 = arith.constant 0 : i32
      %dma_start3A_914 = tpu.memref_slice %arg8[%dma_start3A_911, %dma_start3A_912, %dma_start3A_913] : memref<6x48x128xf32, #tpu.memory_space<vmem>> -> memref<1x48x128xf32, #tpu.memory_space<vmem>>
      %dma_start3A_915 = tpu.memref_squeeze %dma_start3A_914 : memref<1x48x128xf32, #tpu.memory_space<vmem>> -> memref<48x128xf32, #tpu.memory_space<vmem>>
      %dma_start3A_916 = tpu.memref_slice %arg6[%mul3A_910] : memref<10368xi32, #tpu.memory_space<vmem>> -> memref<48xi32, #tpu.memory_space<vmem>>
      %dma_start3A_917 = arith.constant 0 : i32
      %dma_start3A_918 = arith.constant 0 : i32
      %dma_start3A_919 = tpu.memref_slice %arg2[%dma_start3A_917, %dma_start3A_918] : memref<10000x128xf32, #tpu.memory_space<hbm>> -> memref<10000x128xf32, #tpu.memory_space<hbm>>
      tpu.enqueue_indirect_dma source(%dma_start3A_919 : memref<10000x128xf32, #tpu.memory_space<hbm>>) target(%dma_start3A_915 : memref<48x128xf32, #tpu.memory_space<vmem>>) offsets(%dma_start3A_916 : memref<48xi32, #tpu.memory_space<vmem>>) semaphore(%arg14 : memref<!tpu.dma_semaphore, #tpu.memory_space<semaphore_mem>>)
      %dma_wait3A_920 = arith.constant 5 : i32
      %dma_wait3A_921 = arith.constant 0 : i32
      %dma_wait3A_922 = arith.constant 0 : i32
      %dma_wait3A_923 = tpu.memref_slice %arg8[%dma_wait3A_920, %dma_wait3A_921, %dma_wait3A_922] : memref<6x48x128xf32, #tpu.memory_space<vmem>> -> memref<1x48x128xf32, #tpu.memory_space<vmem>>
      %dma_wait3A_924 = tpu.memref_squeeze %dma_wait3A_923 : memref<1x48x128xf32, #tpu.memory_space<vmem>> -> memref<48x128xf32, #tpu.memory_space<vmem>>
      %dma_wait3A_925 = arith.constant 0 : i32
      %dma_wait3A_926 = arith.constant 0 : i32
      %dma_wait3A_927 = tpu.memref_slice %arg2[%dma_wait3A_925, %dma_wait3A_926] : memref<10000x128xf32, #tpu.memory_space<hbm>> -> memref<48x128xf32, #tpu.memory_space<hbm>>
      %dma_wait3A_928 = arith.constant 0 : i32
      %dma_wait3A_929 = arith.constant 0 : i32
      %dma_wait3A_930 = tpu.memref_slice %arg8[%dma_wait3A_920, %dma_wait3A_928, %dma_wait3A_929] : memref<6x48x128xf32, #tpu.memory_space<vmem>> -> memref<1x48x128xf32, #tpu.memory_space<vmem>>
      %dma_wait3A_931 = tpu.memref_squeeze %dma_wait3A_930 : memref<1x48x128xf32, #tpu.memory_space<vmem>> -> memref<48x128xf32, #tpu.memory_space<vmem>>
      %dma_wait3A_932 = arith.constant 0 : i32
      %dma_wait3A_933 = arith.constant 0 : i32
      %dma_wait3A_934 = tpu.memref_slice %arg2[%dma_wait3A_932, %dma_wait3A_933] : memref<10000x128xf32, #tpu.memory_space<hbm>> -> memref<48x128xf32, #tpu.memory_space<hbm>>
      tpu.wait_dma2 semaphore(%arg21 : memref<!tpu.dma_semaphore, #tpu.memory_space<semaphore_mem>>) src(%dma_wait3A_934 : memref<48x128xf32, #tpu.memory_space<hbm>>) dst(%dma_wait3A_931 : memref<48x128xf32, #tpu.memory_space<vmem>>)
      %add3A_935 = arith.constant 5 : i32
      %add3A_936 = arith.addi %mul3A_308, %add3A_935 : i32
      %add3A_937 = arith.constant 6 : i32
      %add3A_938 = arith.addi %add3A_936, %add3A_937 : i32
      %jit3A_939 = arith.constant 216 : i32
      %eq3A_940 = arith.constant 0 : i32
      %eq3A_941 = arith.cmpi eq, %jit3A_939, %eq3A_940 : i32
      %jit3A_942 = arith.constant 1 : i32
      %select_n3A_943 = arith.select %eq3A_941, %jit3A_942, %jit3A_939 : i32
      %rem3A_944 = arith.remsi %add3A_938, %select_n3A_943 : i32
      %ne3A_945 = arith.constant 0 : i32
      %ne3A_946 = arith.cmpi ne, %rem3A_944, %ne3A_945 : i32
      %lt3A_947 = arith.constant 0 : i32
      %lt3A_948 = arith.cmpi slt, %rem3A_944, %lt3A_947 : i32
      %lt3A_949 = arith.constant 0 : i32
      %lt3A_950 = arith.cmpi slt, %select_n3A_943, %lt3A_949 : i32
      %ne3A_951 = arith.xori %lt3A_948, %lt3A_950 : i1
      %and3A_952 = arith.andi %ne3A_951, %ne3A_946 : i1
      %add3A_953 = arith.addi %rem3A_944, %select_n3A_943 : i32
      %select_n3A_954 = arith.select %and3A_952, %add3A_953, %rem3A_944 : i32
      %mul3A_955 = arith.constant 48 : i32
      %mul3A_956 = arith.muli %select_n3A_954, %mul3A_955 : i32
      %add3A_957 = arith.addi %mul3A_2, %mul3A_956 : i32
      %dma_start3A_958 = arith.constant 5 : i32
      %dma_start3A_959 = arith.constant 0 : i32
      %dma_start3A_960 = tpu.memref_slice %arg7[%dma_start3A_958, %dma_start3A_959] : memref<6x48xi32, #tpu.memory_space<vmem>> -> memref<1x48xi32, #tpu.memory_space<vmem>>
      %dma_start3A_961 = tpu.memref_squeeze %dma_start3A_960 : memref<1x48xi32, #tpu.memory_space<vmem>> -> memref<48xi32, #tpu.memory_space<vmem>>
      %dma_start3A_962 = tpu.memref_slice %arg4[%add3A_957] : memref<331776xi32, #tpu.memory_space<hbm>> -> memref<48xi32, #tpu.memory_space<hbm>>
      %dma_start3A_963 = arith.constant 0 : i32
      %dma_start3A_964 = tpu.memref_slice %arg7[%dma_start3A_958, %dma_start3A_963] : memref<6x48xi32, #tpu.memory_space<vmem>> -> memref<1x48xi32, #tpu.memory_space<vmem>>
      %dma_start3A_965 = tpu.memref_squeeze %dma_start3A_964 : memref<1x48xi32, #tpu.memory_space<vmem>> -> memref<48xi32, #tpu.memory_space<vmem>>
      %dma_start3A_966 = tpu.memref_slice %arg4[%add3A_957] : memref<331776xi32, #tpu.memory_space<hbm>> -> memref<48xi32, #tpu.memory_space<hbm>>
      tpu.enqueue_dma source(%dma_start3A_966 : memref<48xi32, #tpu.memory_space<hbm>>) target(%dma_start3A_965 : memref<48xi32, #tpu.memory_space<vmem>>) target_semaphore(%arg27 : memref<!tpu.dma_semaphore, #tpu.memory_space<semaphore_mem>>)
      %add3A_967 = arith.constant 5 : i32
      %add3A_968 = arith.addi %mul3A_308, %add3A_967 : i32
      %add3A_969 = arith.constant 6 : i32
      %add3A_970 = arith.addi %add3A_968, %add3A_969 : i32
      %jit3A_971 = arith.constant 216 : i32
      %eq3A_972 = arith.constant 0 : i32
      %eq3A_973 = arith.cmpi eq, %jit3A_971, %eq3A_972 : i32
      %jit3A_974 = arith.constant 1 : i32
      %select_n3A_975 = arith.select %eq3A_973, %jit3A_974, %jit3A_971 : i32
      %rem3A_976 = arith.remsi %add3A_970, %select_n3A_975 : i32
      %ne3A_977 = arith.constant 0 : i32
      %ne3A_978 = arith.cmpi ne, %rem3A_976, %ne3A_977 : i32
      %lt3A_979 = arith.constant 0 : i32
      %lt3A_980 = arith.cmpi slt, %rem3A_976, %lt3A_979 : i32
      %lt3A_981 = arith.constant 0 : i32
      %lt3A_982 = arith.cmpi slt, %select_n3A_975, %lt3A_981 : i32
      %ne3A_983 = arith.xori %lt3A_980, %lt3A_982 : i1
      %and3A_984 = arith.andi %ne3A_983, %ne3A_978 : i1
      %add3A_985 = arith.addi %rem3A_976, %select_n3A_975 : i32
      %select_n3A_986 = arith.select %and3A_984, %add3A_985, %rem3A_976 : i32
      %mul3A_987 = arith.constant 48 : i32
      %mul3A_988 = arith.muli %select_n3A_986, %mul3A_987 : i32
      %dma_start3A_989 = arith.constant 5 : i32
      %dma_start3A_990 = arith.constant 0 : i32
      %dma_start3A_991 = arith.constant 0 : i32
      %dma_start3A_992 = tpu.memref_slice %arg8[%dma_start3A_989, %dma_start3A_990, %dma_start3A_991] : memref<6x48x128xf32, #tpu.memory_space<vmem>> -> memref<1x48x128xf32, #tpu.memory_space<vmem>>
      %dma_start3A_993 = tpu.memref_squeeze %dma_start3A_992 : memref<1x48x128xf32, #tpu.memory_space<vmem>> -> memref<48x128xf32, #tpu.memory_space<vmem>>
      %dma_start3A_994 = tpu.memref_slice %arg6[%mul3A_988] : memref<10368xi32, #tpu.memory_space<vmem>> -> memref<48xi32, #tpu.memory_space<vmem>>
      %dma_start3A_995 = arith.constant 0 : i32
      %dma_start3A_996 = arith.constant 0 : i32
      %dma_start3A_997 = tpu.memref_slice %arg2[%dma_start3A_995, %dma_start3A_996] : memref<10000x128xf32, #tpu.memory_space<hbm>> -> memref<10000x128xf32, #tpu.memory_space<hbm>>
      tpu.enqueue_indirect_dma source(%dma_start3A_997 : memref<10000x128xf32, #tpu.memory_space<hbm>>) target(%dma_start3A_993 : memref<48x128xf32, #tpu.memory_space<vmem>>) offsets(%dma_start3A_994 : memref<48xi32, #tpu.memory_space<vmem>>) semaphore(%arg15 : memref<!tpu.dma_semaphore, #tpu.memory_space<semaphore_mem>>)
    }
    %scan3A_145 = arith.constant 36 : i32
    %dma_wait3A = arith.constant 0 : i32
    %dma_wait3A_146 = arith.constant 0 : i32
    %dma_wait3A_147 = arith.constant 0 : i32
    %dma_wait3A_148 = tpu.memref_slice %arg8[%dma_wait3A, %dma_wait3A_146, %dma_wait3A_147] : memref<6x48x128xf32, #tpu.memory_space<vmem>> -> memref<1x48x128xf32, #tpu.memory_space<vmem>>
    %dma_wait3A_149 = tpu.memref_squeeze %dma_wait3A_148 : memref<1x48x128xf32, #tpu.memory_space<vmem>> -> memref<48x128xf32, #tpu.memory_space<vmem>>
    %dma_wait3A_150 = arith.constant 0 : i32
    %dma_wait3A_151 = arith.constant 0 : i32
    %dma_wait3A_152 = tpu.memref_slice %arg2[%dma_wait3A_150, %dma_wait3A_151] : memref<10000x128xf32, #tpu.memory_space<hbm>> -> memref<48x128xf32, #tpu.memory_space<hbm>>
    %dma_wait3A_153 = arith.constant 0 : i32
    %dma_wait3A_154 = arith.constant 0 : i32
    %dma_wait3A_155 = tpu.memref_slice %arg8[%dma_wait3A, %dma_wait3A_153, %dma_wait3A_154] : memref<6x48x128xf32, #tpu.memory_space<vmem>> -> memref<1x48x128xf32, #tpu.memory_space<vmem>>
    %dma_wait3A_156 = tpu.memref_squeeze %dma_wait3A_155 : memref<1x48x128xf32, #tpu.memory_space<vmem>> -> memref<48x128xf32, #tpu.memory_space<vmem>>
    %dma_wait3A_157 = arith.constant 0 : i32
    %dma_wait3A_158 = arith.constant 0 : i32
    %dma_wait3A_159 = tpu.memref_slice %arg2[%dma_wait3A_157, %dma_wait3A_158] : memref<10000x128xf32, #tpu.memory_space<hbm>> -> memref<48x128xf32, #tpu.memory_space<hbm>>
    tpu.wait_dma2 semaphore(%arg10 : memref<!tpu.dma_semaphore, #tpu.memory_space<semaphore_mem>>) src(%dma_wait3A_159 : memref<48x128xf32, #tpu.memory_space<hbm>>) dst(%dma_wait3A_156 : memref<48x128xf32, #tpu.memory_space<vmem>>)
    %dma_wait3A_160 = arith.constant 0 : i32
    %dma_wait3A_161 = arith.constant 0 : i32
    %dma_wait3A_162 = tpu.memref_slice %arg7[%dma_wait3A_160, %dma_wait3A_161] : memref<6x48xi32, #tpu.memory_space<vmem>> -> memref<1x48xi32, #tpu.memory_space<vmem>>
    %dma_wait3A_163 = tpu.memref_squeeze %dma_wait3A_162 : memref<1x48xi32, #tpu.memory_space<vmem>> -> memref<48xi32, #tpu.memory_space<vmem>>
    %dma_wait3A_164 = arith.constant 0 : i32
    %dma_wait3A_165 = tpu.memref_slice %arg4[%dma_wait3A_164] : memref<331776xi32, #tpu.memory_space<hbm>> -> memref<48xi32, #tpu.memory_space<hbm>>
    %dma_wait3A_166 = arith.constant 0 : i32
    %dma_wait3A_167 = tpu.memref_slice %arg7[%dma_wait3A_160, %dma_wait3A_166] : memref<6x48xi32, #tpu.memory_space<vmem>> -> memref<1x48xi32, #tpu.memory_space<vmem>>
    %dma_wait3A_168 = tpu.memref_squeeze %dma_wait3A_167 : memref<1x48xi32, #tpu.memory_space<vmem>> -> memref<48xi32, #tpu.memory_space<vmem>>
    %dma_wait3A_169 = arith.constant 0 : i32
    %dma_wait3A_170 = tpu.memref_slice %arg4[%dma_wait3A_169] : memref<331776xi32, #tpu.memory_space<hbm>> -> memref<48xi32, #tpu.memory_space<hbm>>
    tpu.wait_dma2 semaphore(%arg22 : memref<!tpu.dma_semaphore, #tpu.memory_space<semaphore_mem>>) src(%dma_wait3A_170 : memref<48xi32, #tpu.memory_space<hbm>>) dst(%dma_wait3A_168 : memref<48xi32, #tpu.memory_space<vmem>>)
    %dma_wait3A_171 = arith.constant 1 : i32
    %dma_wait3A_172 = arith.constant 0 : i32
    %dma_wait3A_173 = arith.constant 0 : i32
    %dma_wait3A_174 = tpu.memref_slice %arg8[%dma_wait3A_171, %dma_wait3A_172, %dma_wait3A_173] : memref<6x48x128xf32, #tpu.memory_space<vmem>> -> memref<1x48x128xf32, #tpu.memory_space<vmem>>
    %dma_wait3A_175 = tpu.memref_squeeze %dma_wait3A_174 : memref<1x48x128xf32, #tpu.memory_space<vmem>> -> memref<48x128xf32, #tpu.memory_space<vmem>>
    %dma_wait3A_176 = arith.constant 0 : i32
    %dma_wait3A_177 = arith.constant 0 : i32
    %dma_wait3A_178 = tpu.memref_slice %arg2[%dma_wait3A_176, %dma_wait3A_177] : memref<10000x128xf32, #tpu.memory_space<hbm>> -> memref<48x128xf32, #tpu.memory_space<hbm>>
    %dma_wait3A_179 = arith.constant 0 : i32
    %dma_wait3A_180 = arith.constant 0 : i32
    %dma_wait3A_181 = tpu.memref_slice %arg8[%dma_wait3A_171, %dma_wait3A_179, %dma_wait3A_180] : memref<6x48x128xf32, #tpu.memory_space<vmem>> -> memref<1x48x128xf32, #tpu.memory_space<vmem>>
    %dma_wait3A_182 = tpu.memref_squeeze %dma_wait3A_181 : memref<1x48x128xf32, #tpu.memory_space<vmem>> -> memref<48x128xf32, #tpu.memory_space<vmem>>
    %dma_wait3A_183 = arith.constant 0 : i32
    %dma_wait3A_184 = arith.constant 0 : i32
    %dma_wait3A_185 = tpu.memref_slice %arg2[%dma_wait3A_183, %dma_wait3A_184] : memref<10000x128xf32, #tpu.memory_space<hbm>> -> memref<48x128xf32, #tpu.memory_space<hbm>>
    tpu.wait_dma2 semaphore(%arg11 : memref<!tpu.dma_semaphore, #tpu.memory_space<semaphore_mem>>) src(%dma_wait3A_185 : memref<48x128xf32, #tpu.memory_space<hbm>>) dst(%dma_wait3A_182 : memref<48x128xf32, #tpu.memory_space<vmem>>)
    %dma_wait3A_186 = arith.constant 1 : i32
    %dma_wait3A_187 = arith.constant 0 : i32
    %dma_wait3A_188 = tpu.memref_slice %arg7[%dma_wait3A_186, %dma_wait3A_187] : memref<6x48xi32, #tpu.memory_space<vmem>> -> memref<1x48xi32, #tpu.memory_space<vmem>>
    %dma_wait3A_189 = tpu.memref_squeeze %dma_wait3A_188 : memref<1x48xi32, #tpu.memory_space<vmem>> -> memref<48xi32, #tpu.memory_space<vmem>>
    %dma_wait3A_190 = arith.constant 0 : i32
    %dma_wait3A_191 = tpu.memref_slice %arg4[%dma_wait3A_190] : memref<331776xi32, #tpu.memory_space<hbm>> -> memref<48xi32, #tpu.memory_space<hbm>>
    %dma_wait3A_192 = arith.constant 0 : i32
    %dma_wait3A_193 = tpu.memref_slice %arg7[%dma_wait3A_186, %dma_wait3A_192] : memref<6x48xi32, #tpu.memory_space<vmem>> -> memref<1x48xi32, #tpu.memory_space<vmem>>
    %dma_wait3A_194 = tpu.memref_squeeze %dma_wait3A_193 : memref<1x48xi32, #tpu.memory_space<vmem>> -> memref<48xi32, #tpu.memory_space<vmem>>
    %dma_wait3A_195 = arith.constant 0 : i32
    %dma_wait3A_196 = tpu.memref_slice %arg4[%dma_wait3A_195] : memref<331776xi32, #tpu.memory_space<hbm>> -> memref<48xi32, #tpu.memory_space<hbm>>
    tpu.wait_dma2 semaphore(%arg23 : memref<!tpu.dma_semaphore, #tpu.memory_space<semaphore_mem>>) src(%dma_wait3A_196 : memref<48xi32, #tpu.memory_space<hbm>>) dst(%dma_wait3A_194 : memref<48xi32, #tpu.memory_space<vmem>>)
    %dma_wait3A_197 = arith.constant 2 : i32
    %dma_wait3A_198 = arith.constant 0 : i32
    %dma_wait3A_199 = arith.constant 0 : i32
    %dma_wait3A_200 = tpu.memref_slice %arg8[%dma_wait3A_197, %dma_wait3A_198, %dma_wait3A_199] : memref<6x48x128xf32, #tpu.memory_space<vmem>> -> memref<1x48x128xf32, #tpu.memory_space<vmem>>
    %dma_wait3A_201 = tpu.memref_squeeze %dma_wait3A_200 : memref<1x48x128xf32, #tpu.memory_space<vmem>> -> memref<48x128xf32, #tpu.memory_space<vmem>>
    %dma_wait3A_202 = arith.constant 0 : i32
    %dma_wait3A_203 = arith.constant 0 : i32
    %dma_wait3A_204 = tpu.memref_slice %arg2[%dma_wait3A_202, %dma_wait3A_203] : memref<10000x128xf32, #tpu.memory_space<hbm>> -> memref<48x128xf32, #tpu.memory_space<hbm>>
    %dma_wait3A_205 = arith.constant 0 : i32
    %dma_wait3A_206 = arith.constant 0 : i32
    %dma_wait3A_207 = tpu.memref_slice %arg8[%dma_wait3A_197, %dma_wait3A_205, %dma_wait3A_206] : memref<6x48x128xf32, #tpu.memory_space<vmem>> -> memref<1x48x128xf32, #tpu.memory_space<vmem>>
    %dma_wait3A_208 = tpu.memref_squeeze %dma_wait3A_207 : memref<1x48x128xf32, #tpu.memory_space<vmem>> -> memref<48x128xf32, #tpu.memory_space<vmem>>
    %dma_wait3A_209 = arith.constant 0 : i32
    %dma_wait3A_210 = arith.constant 0 : i32
    %dma_wait3A_211 = tpu.memref_slice %arg2[%dma_wait3A_209, %dma_wait3A_210] : memref<10000x128xf32, #tpu.memory_space<hbm>> -> memref<48x128xf32, #tpu.memory_space<hbm>>
    tpu.wait_dma2 semaphore(%arg12 : memref<!tpu.dma_semaphore, #tpu.memory_space<semaphore_mem>>) src(%dma_wait3A_211 : memref<48x128xf32, #tpu.memory_space<hbm>>) dst(%dma_wait3A_208 : memref<48x128xf32, #tpu.memory_space<vmem>>)
    %dma_wait3A_212 = arith.constant 2 : i32
    %dma_wait3A_213 = arith.constant 0 : i32
    %dma_wait3A_214 = tpu.memref_slice %arg7[%dma_wait3A_212, %dma_wait3A_213] : memref<6x48xi32, #tpu.memory_space<vmem>> -> memref<1x48xi32, #tpu.memory_space<vmem>>
    %dma_wait3A_215 = tpu.memref_squeeze %dma_wait3A_214 : memref<1x48xi32, #tpu.memory_space<vmem>> -> memref<48xi32, #tpu.memory_space<vmem>>
    %dma_wait3A_216 = arith.constant 0 : i32
    %dma_wait3A_217 = tpu.memref_slice %arg4[%dma_wait3A_216] : memref<331776xi32, #tpu.memory_space<hbm>> -> memref<48xi32, #tpu.memory_space<hbm>>
    %dma_wait3A_218 = arith.constant 0 : i32
    %dma_wait3A_219 = tpu.memref_slice %arg7[%dma_wait3A_212, %dma_wait3A_218] : memref<6x48xi32, #tpu.memory_space<vmem>> -> memref<1x48xi32, #tpu.memory_space<vmem>>
    %dma_wait3A_220 = tpu.memref_squeeze %dma_wait3A_219 : memref<1x48xi32, #tpu.memory_space<vmem>> -> memref<48xi32, #tpu.memory_space<vmem>>
    %dma_wait3A_221 = arith.constant 0 : i32
    %dma_wait3A_222 = tpu.memref_slice %arg4[%dma_wait3A_221] : memref<331776xi32, #tpu.memory_space<hbm>> -> memref<48xi32, #tpu.memory_space<hbm>>
    tpu.wait_dma2 semaphore(%arg24 : memref<!tpu.dma_semaphore, #tpu.memory_space<semaphore_mem>>) src(%dma_wait3A_222 : memref<48xi32, #tpu.memory_space<hbm>>) dst(%dma_wait3A_220 : memref<48xi32, #tpu.memory_space<vmem>>)
    %dma_wait3A_223 = arith.constant 3 : i32
    %dma_wait3A_224 = arith.constant 0 : i32
    %dma_wait3A_225 = arith.constant 0 : i32
    %dma_wait3A_226 = tpu.memref_slice %arg8[%dma_wait3A_223, %dma_wait3A_224, %dma_wait3A_225] : memref<6x48x128xf32, #tpu.memory_space<vmem>> -> memref<1x48x128xf32, #tpu.memory_space<vmem>>
    %dma_wait3A_227 = tpu.memref_squeeze %dma_wait3A_226 : memref<1x48x128xf32, #tpu.memory_space<vmem>> -> memref<48x128xf32, #tpu.memory_space<vmem>>
    %dma_wait3A_228 = arith.constant 0 : i32
    %dma_wait3A_229 = arith.constant 0 : i32
    %dma_wait3A_230 = tpu.memref_slice %arg2[%dma_wait3A_228, %dma_wait3A_229] : memref<10000x128xf32, #tpu.memory_space<hbm>> -> memref<48x128xf32, #tpu.memory_space<hbm>>
    %dma_wait3A_231 = arith.constant 0 : i32
    %dma_wait3A_232 = arith.constant 0 : i32
    %dma_wait3A_233 = tpu.memref_slice %arg8[%dma_wait3A_223, %dma_wait3A_231, %dma_wait3A_232] : memref<6x48x128xf32, #tpu.memory_space<vmem>> -> memref<1x48x128xf32, #tpu.memory_space<vmem>>
    %dma_wait3A_234 = tpu.memref_squeeze %dma_wait3A_233 : memref<1x48x128xf32, #tpu.memory_space<vmem>> -> memref<48x128xf32, #tpu.memory_space<vmem>>
    %dma_wait3A_235 = arith.constant 0 : i32
    %dma_wait3A_236 = arith.constant 0 : i32
    %dma_wait3A_237 = tpu.memref_slice %arg2[%dma_wait3A_235, %dma_wait3A_236] : memref<10000x128xf32, #tpu.memory_space<hbm>> -> memref<48x128xf32, #tpu.memory_space<hbm>>
    tpu.wait_dma2 semaphore(%arg13 : memref<!tpu.dma_semaphore, #tpu.memory_space<semaphore_mem>>) src(%dma_wait3A_237 : memref<48x128xf32, #tpu.memory_space<hbm>>) dst(%dma_wait3A_234 : memref<48x128xf32, #tpu.memory_space<vmem>>)
    %dma_wait3A_238 = arith.constant 3 : i32
    %dma_wait3A_239 = arith.constant 0 : i32
    %dma_wait3A_240 = tpu.memref_slice %arg7[%dma_wait3A_238, %dma_wait3A_239] : memref<6x48xi32, #tpu.memory_space<vmem>> -> memref<1x48xi32, #tpu.memory_space<vmem>>
    %dma_wait3A_241 = tpu.memref_squeeze %dma_wait3A_240 : memref<1x48xi32, #tpu.memory_space<vmem>> -> memref<48xi32, #tpu.memory_space<vmem>>
    %dma_wait3A_242 = arith.constant 0 : i32
    %dma_wait3A_243 = tpu.memref_slice %arg4[%dma_wait3A_242] : memref<331776xi32, #tpu.memory_space<hbm>> -> memref<48xi32, #tpu.memory_space<hbm>>
    %dma_wait3A_244 = arith.constant 0 : i32
    %dma_wait3A_245 = tpu.memref_slice %arg7[%dma_wait3A_238, %dma_wait3A_244] : memref<6x48xi32, #tpu.memory_space<vmem>> -> memref<1x48xi32, #tpu.memory_space<vmem>>
    %dma_wait3A_246 = tpu.memref_squeeze %dma_wait3A_245 : memref<1x48xi32, #tpu.memory_space<vmem>> -> memref<48xi32, #tpu.memory_space<vmem>>
    %dma_wait3A_247 = arith.constant 0 : i32
    %dma_wait3A_248 = tpu.memref_slice %arg4[%dma_wait3A_247] : memref<331776xi32, #tpu.memory_space<hbm>> -> memref<48xi32, #tpu.memory_space<hbm>>
    tpu.wait_dma2 semaphore(%arg25 : memref<!tpu.dma_semaphore, #tpu.memory_space<semaphore_mem>>) src(%dma_wait3A_248 : memref<48xi32, #tpu.memory_space<hbm>>) dst(%dma_wait3A_246 : memref<48xi32, #tpu.memory_space<vmem>>)
    %dma_wait3A_249 = arith.constant 4 : i32
    %dma_wait3A_250 = arith.constant 0 : i32
    %dma_wait3A_251 = arith.constant 0 : i32
    %dma_wait3A_252 = tpu.memref_slice %arg8[%dma_wait3A_249, %dma_wait3A_250, %dma_wait3A_251] : memref<6x48x128xf32, #tpu.memory_space<vmem>> -> memref<1x48x128xf32, #tpu.memory_space<vmem>>
    %dma_wait3A_253 = tpu.memref_squeeze %dma_wait3A_252 : memref<1x48x128xf32, #tpu.memory_space<vmem>> -> memref<48x128xf32, #tpu.memory_space<vmem>>
    %dma_wait3A_254 = arith.constant 0 : i32
    %dma_wait3A_255 = arith.constant 0 : i32
    %dma_wait3A_256 = tpu.memref_slice %arg2[%dma_wait3A_254, %dma_wait3A_255] : memref<10000x128xf32, #tpu.memory_space<hbm>> -> memref<48x128xf32, #tpu.memory_space<hbm>>
    %dma_wait3A_257 = arith.constant 0 : i32
    %dma_wait3A_258 = arith.constant 0 : i32
    %dma_wait3A_259 = tpu.memref_slice %arg8[%dma_wait3A_249, %dma_wait3A_257, %dma_wait3A_258] : memref<6x48x128xf32, #tpu.memory_space<vmem>> -> memref<1x48x128xf32, #tpu.memory_space<vmem>>
    %dma_wait3A_260 = tpu.memref_squeeze %dma_wait3A_259 : memref<1x48x128xf32, #tpu.memory_space<vmem>> -> memref<48x128xf32, #tpu.memory_space<vmem>>
    %dma_wait3A_261 = arith.constant 0 : i32
    %dma_wait3A_262 = arith.constant 0 : i32
    %dma_wait3A_263 = tpu.memref_slice %arg2[%dma_wait3A_261, %dma_wait3A_262] : memref<10000x128xf32, #tpu.memory_space<hbm>> -> memref<48x128xf32, #tpu.memory_space<hbm>>
    tpu.wait_dma2 semaphore(%arg14 : memref<!tpu.dma_semaphore, #tpu.memory_space<semaphore_mem>>) src(%dma_wait3A_263 : memref<48x128xf32, #tpu.memory_space<hbm>>) dst(%dma_wait3A_260 : memref<48x128xf32, #tpu.memory_space<vmem>>)
    %dma_wait3A_264 = arith.constant 4 : i32
    %dma_wait3A_265 = arith.constant 0 : i32
    %dma_wait3A_266 = tpu.memref_slice %arg7[%dma_wait3A_264, %dma_wait3A_265] : memref<6x48xi32, #tpu.memory_space<vmem>> -> memref<1x48xi32, #tpu.memory_space<vmem>>
    %dma_wait3A_267 = tpu.memref_squeeze %dma_wait3A_266 : memref<1x48xi32, #tpu.memory_space<vmem>> -> memref<48xi32, #tpu.memory_space<vmem>>
    %dma_wait3A_268 = arith.constant 0 : i32
    %dma_wait3A_269 = tpu.memref_slice %arg4[%dma_wait3A_268] : memref<331776xi32, #tpu.memory_space<hbm>> -> memref<48xi32, #tpu.memory_space<hbm>>
    %dma_wait3A_270 = arith.constant 0 : i32
    %dma_wait3A_271 = tpu.memref_slice %arg7[%dma_wait3A_264, %dma_wait3A_270] : memref<6x48xi32, #tpu.memory_space<vmem>> -> memref<1x48xi32, #tpu.memory_space<vmem>>
    %dma_wait3A_272 = tpu.memref_squeeze %dma_wait3A_271 : memref<1x48xi32, #tpu.memory_space<vmem>> -> memref<48xi32, #tpu.memory_space<vmem>>
    %dma_wait3A_273 = arith.constant 0 : i32
    %dma_wait3A_274 = tpu.memref_slice %arg4[%dma_wait3A_273] : memref<331776xi32, #tpu.memory_space<hbm>> -> memref<48xi32, #tpu.memory_space<hbm>>
    tpu.wait_dma2 semaphore(%arg26 : memref<!tpu.dma_semaphore, #tpu.memory_space<semaphore_mem>>) src(%dma_wait3A_274 : memref<48xi32, #tpu.memory_space<hbm>>) dst(%dma_wait3A_272 : memref<48xi32, #tpu.memory_space<vmem>>)
    %dma_wait3A_275 = arith.constant 5 : i32
    %dma_wait3A_276 = arith.constant 0 : i32
    %dma_wait3A_277 = arith.constant 0 : i32
    %dma_wait3A_278 = tpu.memref_slice %arg8[%dma_wait3A_275, %dma_wait3A_276, %dma_wait3A_277] : memref<6x48x128xf32, #tpu.memory_space<vmem>> -> memref<1x48x128xf32, #tpu.memory_space<vmem>>
    %dma_wait3A_279 = tpu.memref_squeeze %dma_wait3A_278 : memref<1x48x128xf32, #tpu.memory_space<vmem>> -> memref<48x128xf32, #tpu.memory_space<vmem>>
    %dma_wait3A_280 = arith.constant 0 : i32
    %dma_wait3A_281 = arith.constant 0 : i32
    %dma_wait3A_282 = tpu.memref_slice %arg2[%dma_wait3A_280, %dma_wait3A_281] : memref<10000x128xf32, #tpu.memory_space<hbm>> -> memref<48x128xf32, #tpu.memory_space<hbm>>
    %dma_wait3A_283 = arith.constant 0 : i32
    %dma_wait3A_284 = arith.constant 0 : i32
    %dma_wait3A_285 = tpu.memref_slice %arg8[%dma_wait3A_275, %dma_wait3A_283, %dma_wait3A_284] : memref<6x48x128xf32, #tpu.memory_space<vmem>> -> memref<1x48x128xf32, #tpu.memory_space<vmem>>
    %dma_wait3A_286 = tpu.memref_squeeze %dma_wait3A_285 : memref<1x48x128xf32, #tpu.memory_space<vmem>> -> memref<48x128xf32, #tpu.memory_space<vmem>>
    %dma_wait3A_287 = arith.constant 0 : i32
    %dma_wait3A_288 = arith.constant 0 : i32
    %dma_wait3A_289 = tpu.memref_slice %arg2[%dma_wait3A_287, %dma_wait3A_288] : memref<10000x128xf32, #tpu.memory_space<hbm>> -> memref<48x128xf32, #tpu.memory_space<hbm>>
    tpu.wait_dma2 semaphore(%arg15 : memref<!tpu.dma_semaphore, #tpu.memory_space<semaphore_mem>>) src(%dma_wait3A_289 : memref<48x128xf32, #tpu.memory_space<hbm>>) dst(%dma_wait3A_286 : memref<48x128xf32, #tpu.memory_space<vmem>>)
    %dma_wait3A_290 = arith.constant 5 : i32
    %dma_wait3A_291 = arith.constant 0 : i32
    %dma_wait3A_292 = tpu.memref_slice %arg7[%dma_wait3A_290, %dma_wait3A_291] : memref<6x48xi32, #tpu.memory_space<vmem>> -> memref<1x48xi32, #tpu.memory_space<vmem>>
    %dma_wait3A_293 = tpu.memref_squeeze %dma_wait3A_292 : memref<1x48xi32, #tpu.memory_space<vmem>> -> memref<48xi32, #tpu.memory_space<vmem>>
    %dma_wait3A_294 = arith.constant 0 : i32
    %dma_wait3A_295 = tpu.memref_slice %arg4[%dma_wait3A_294] : memref<331776xi32, #tpu.memory_space<hbm>> -> memref<48xi32, #tpu.memory_space<hbm>>
    %dma_wait3A_296 = arith.constant 0 : i32
    %dma_wait3A_297 = tpu.memref_slice %arg7[%dma_wait3A_290, %dma_wait3A_296] : memref<6x48xi32, #tpu.memory_space<vmem>> -> memref<1x48xi32, #tpu.memory_space<vmem>>
    %dma_wait3A_298 = tpu.memref_squeeze %dma_wait3A_297 : memref<1x48xi32, #tpu.memory_space<vmem>> -> memref<48xi32, #tpu.memory_space<vmem>>
    %dma_wait3A_299 = arith.constant 0 : i32
    %dma_wait3A_300 = tpu.memref_slice %arg4[%dma_wait3A_299] : memref<331776xi32, #tpu.memory_space<hbm>> -> memref<48xi32, #tpu.memory_space<hbm>>
    tpu.wait_dma2 semaphore(%arg27 : memref<!tpu.dma_semaphore, #tpu.memory_space<semaphore_mem>>) src(%dma_wait3A_300 : memref<48xi32, #tpu.memory_space<hbm>>) dst(%dma_wait3A_298 : memref<48xi32, #tpu.memory_space<vmem>>)
    %barrier3A_301 = arith.constant 0 : index
    tpu.barrier barrier_id(%barrier3A_301)
    %mul3A_302 = arith.constant 640 : i32
    %mul3A_303 = arith.muli %arg1, %mul3A_302 : i32
    %mul3A_304 = arith.constant 640 : i32
    %mul3A_305 = arith.muli %arg1, %mul3A_304 : i32
    "tpu.region"() ({
      %run_scoped3A = tpu.sem_alloc : memref<!tpu.dma_semaphore, #tpu.memory_space<semaphore_mem>>
      %dma_start3A_306 = arith.constant 0 : i32
      %dma_start3A_307 = tpu.memref_slice %arg5[%arg0, %mul3A_305, %dma_start3A_306] : memref<2x10240x128xf32, #tpu.memory_space<hbm>> -> memref<1x640x128xf32, #tpu.memory_space<hbm>>
      %dma_start3A_308 = tpu.memref_squeeze %dma_start3A_307 : memref<1x640x128xf32, #tpu.memory_space<hbm>> -> memref<640x128xf32, #tpu.memory_space<hbm>>
      %dma_start3A_309 = arith.constant 0 : i32
      %dma_start3A_310 = tpu.memref_slice %arg9[%mul3A_303, %dma_start3A_309] : memref<10240x128xf32, #tpu.memory_space<vmem_shared>> -> memref<640x128xf32, #tpu.memory_space<vmem_shared>>
      tpu.enqueue_dma source(%dma_start3A_310 : memref<640x128xf32, #tpu.memory_space<vmem_shared>>) target(%dma_start3A_308 : memref<640x128xf32, #tpu.memory_space<hbm>>) target_semaphore(%run_scoped3A : memref<!tpu.dma_semaphore, #tpu.memory_space<semaphore_mem>>)
      %dma_wait3A_311 = arith.constant 0 : i32
      %dma_wait3A_312 = tpu.memref_slice %arg5[%arg0, %mul3A_305, %dma_wait3A_311] : memref<2x10240x128xf32, #tpu.memory_space<hbm>> -> memref<1x640x128xf32, #tpu.memory_space<hbm>>
      %dma_wait3A_313 = tpu.memref_squeeze %dma_wait3A_312 : memref<1x640x128xf32, #tpu.memory_space<hbm>> -> memref<640x128xf32, #tpu.memory_space<hbm>>
      %dma_wait3A_314 = arith.constant 0 : i32
      %dma_wait3A_315 = tpu.memref_slice %arg9[%mul3A_303, %dma_wait3A_314] : memref<10240x128xf32, #tpu.memory_space<vmem_shared>> -> memref<640x128xf32, #tpu.memory_space<vmem_shared>>
      tpu.wait_dma2 semaphore(%run_scoped3A : memref<!tpu.dma_semaphore, #tpu.memory_space<semaphore_mem>>) src(%dma_wait3A_315 : memref<640x128xf32, #tpu.memory_space<vmem_shared>>) dst(%dma_wait3A_313 : memref<640x128xf32, #tpu.memory_space<hbm>>)
      tpu.yield
    }) : () -> ()
    return
  }
}

#map = affine_map<(d0, d1) -> (0, 0)>
#map1 = affine_map<(d0, d1) -> (0)>
#map2 = affine_map<(d0, d1) -> (0, 0, 0)>
module attributes {stable_mosaic.version = 14 : i64} {
  func.func @_sc_agg_body(%arg0: i32, %arg1: i32, %arg2: memref<10000x128xf32, #tpu.memory_space<hbm>>, %arg3: memref<331776xi32, #tpu.memory_space<hbm>>, %arg4: memref<331776xi32, #tpu.memory_space<hbm>>, %arg5: memref<2x10240x128xf32, #tpu.memory_space<hbm>>, %arg6: memref<10368xi32, #tpu.memory_space<vmem>>, %arg7: memref<6x48xi32, #tpu.memory_space<vmem>>, %arg8: memref<6x48x128xf32, #tpu.memory_space<vmem>>, %arg9: memref<10240x128xf32, #tpu.memory_space<vmem_shared>>, %arg10: memref<!tpu.dma_semaphore, #tpu.memory_space<semaphore_mem>>, %arg11: memref<!tpu.dma_semaphore, #tpu.memory_space<semaphore_mem>>, %arg12: memref<!tpu.dma_semaphore, #tpu.memory_space<semaphore_mem>>, %arg13: memref<!tpu.dma_semaphore, #tpu.memory_space<semaphore_mem>>, %arg14: memref<!tpu.dma_semaphore, #tpu.memory_space<semaphore_mem>>, %arg15: memref<!tpu.dma_semaphore, #tpu.memory_space<semaphore_mem>>, %arg16: memref<!tpu.dma_semaphore, #tpu.memory_space<semaphore_mem>>, %arg17: memref<!tpu.dma_semaphore, #tpu.memory_space<semaphore_mem>>, %arg18: memref<!tpu.dma_semaphore, #tpu.memory_space<semaphore_mem>>, %arg19: memref<!tpu.dma_semaphore, #tpu.memory_space<semaphore_mem>>, %arg20: memref<!tpu.dma_semaphore, #tpu.memory_space<semaphore_mem>>, %arg21: memref<!tpu.dma_semaphore, #tpu.memory_space<semaphore_mem>>, %arg22: memref<!tpu.dma_semaphore, #tpu.memory_space<semaphore_mem>>, %arg23: memref<!tpu.dma_semaphore, #tpu.memory_space<semaphore_mem>>, %arg24: memref<!tpu.dma_semaphore, #tpu.memory_space<semaphore_mem>>, %arg25: memref<!tpu.dma_semaphore, #tpu.memory_space<semaphore_mem>>, %arg26: memref<!tpu.dma_semaphore, #tpu.memory_space<semaphore_mem>>, %arg27: memref<!tpu.dma_semaphore, #tpu.memory_space<semaphore_mem>>) attributes {dimension_semantics = [#tpu.dimension_semantics<core_parallel>, #tpu.dimension_semantics<subcore_parallel>], iteration_bounds = array<i64: 2, 16>, scalar_prefetch = 0 : i64, scratch_operands = 22 : i64, tpu.core_type = #tpu.core_type<sc_vector_subcore>, window_params = [{transform_indices = #map}, {transform_indices = #map1}, {transform_indices = #map1}, {transform_indices = #map2}]} {
    %mul3A = arith.constant 16 : i32
    %mul3A_0 = arith.muli %arg0, %mul3A : i32
    %add3A = arith.addi %mul3A_0, %arg1 : i32
    %mul3A_1 = arith.constant 10368 : i32
    %mul3A_2 = arith.muli %add3A, %mul3A_1 : i32
    %broadcast_in_dim3A = arith.constant 0.000000e+00 : f32
    %broadcast_in_dim3A_3 = vector.broadcast %broadcast_in_dim3A : f32 to vector<16xf32>
    %scan3A = arith.constant 0 : i32
    %scan3A_4 = arith.constant 0 : i32
    %scan3A_5 = arith.constant 640 : i32
    %scan3A_6 = arith.addi %scan3A_4, %scan3A_5 : i32
    %scan3A_7 = arith.constant 1 : i32
    scf.for %scan3A_306 = %scan3A_4 to %scan3A_6 step %scan3A_7  : i32 {
      %jit3A = arith.constant 8 : i32
      %div3A = arith.divsi %scan3A_306, %jit3A : i32
      %sign3A = arith.constant 0 : i32
      %sign3A_307 = arith.cmpi sgt, %scan3A_306, %sign3A : i32
      %sign3A_308 = arith.extui %sign3A_307 : i1 to i32
      %sign3A_309 = arith.constant 0 : i32
      %sign3A_310 = arith.cmpi slt, %scan3A_306, %sign3A_309 : i32
      %sign3A_311 = arith.extui %sign3A_310 : i1 to i32
      %sign3A_312 = arith.subi %sign3A_308, %sign3A_311 : i32
      %sign3A_313 = arith.constant 0 : i32
      %sign3A_314 = arith.cmpi sgt, %jit3A, %sign3A_313 : i32
      %sign3A_315 = arith.extui %sign3A_314 : i1 to i32
      %sign3A_316 = arith.constant 0 : i32
      %sign3A_317 = arith.cmpi slt, %jit3A, %sign3A_316 : i32
      %sign3A_318 = arith.extui %sign3A_317 : i1 to i32
      %sign3A_319 = arith.subi %sign3A_315, %sign3A_318 : i32
      %ne3A = arith.cmpi ne, %sign3A_312, %sign3A_319 : i32
      %rem3A = arith.remsi %scan3A_306, %jit3A : i32
      %ne3A_320 = arith.constant 0 : i32
      %ne3A_321 = arith.cmpi ne, %rem3A, %ne3A_320 : i32
      %and3A = arith.andi %ne3A, %ne3A_321 : i1
      %sub3A = arith.constant 1 : i32
      %sub3A_322 = arith.subi %div3A, %sub3A : i32
      %select_n3A = arith.select %and3A, %sub3A_322, %div3A : i32
      %jit3A_323 = arith.constant 8 : i32
      %eq3A = arith.constant 0 : i32
      %eq3A_324 = arith.cmpi eq, %jit3A_323, %eq3A : i32
      %jit3A_325 = arith.constant 1 : i32
      %select_n3A_326 = arith.select %eq3A_324, %jit3A_325, %jit3A_323 : i32
      %rem3A_327 = arith.remsi %scan3A_306, %select_n3A_326 : i32
      %ne3A_328 = arith.constant 0 : i32
      %ne3A_329 = arith.cmpi ne, %rem3A_327, %ne3A_328 : i32
      %lt3A = arith.constant 0 : i32
      %lt3A_330 = arith.cmpi slt, %rem3A_327, %lt3A : i32
      %lt3A_331 = arith.constant 0 : i32
      %lt3A_332 = arith.cmpi slt, %select_n3A_326, %lt3A_331 : i32
      %ne3A_333 = arith.xori %lt3A_330, %lt3A_332 : i1
      %and3A_334 = arith.andi %ne3A_333, %ne3A_329 : i1
      %add3A_335 = arith.addi %rem3A_327, %select_n3A_326 : i32
      %select_n3A_336 = arith.select %and3A_334, %add3A_335, %rem3A_327 : i32
      %mul3A_337 = arith.constant 16 : i32
      %mul3A_338 = arith.muli %select_n3A_336, %mul3A_337 : i32
      %swap3A = arith.constant 0 : i32
      %swap3A_339 = arith.index_cast %swap3A : i32 to index
      %swap3A_340 = arith.index_cast %select_n3A : i32 to index
      %swap3A_341 = arith.index_cast %mul3A_338 : i32 to index
      %swap3A_342 = tpu.vector_load %arg8[%swap3A_339, %swap3A_340, %swap3A_341] {strides = array<i32>} : memref<6x48x128xf32, #tpu.memory_space<vmem>>, vector<1x1x16xf32>,
      %swap3A_343 = vector.shape_cast %swap3A_342 : vector<1x1x16xf32> to vector<16xf32>
      %swap3A_344 = vector.shape_cast %broadcast_in_dim3A_3 : vector<16xf32> to vector<1x1x16xf32>
      tpu.vector_store %arg8[%swap3A_339, %swap3A_340, %swap3A_341], %swap3A_344 {strides = array<i32>} : memref<6x48x128xf32, #tpu.memory_space<vmem>>, vector<1x1x16xf32>,
    }
    %scan3A_8 = arith.constant 640 : i32
    %scan3A_9 = arith.constant 0 : i32
    %scan3A_10 = arith.constant 0 : i32
    %scan3A_11 = arith.constant 8 : i32
    %scan3A_12 = arith.addi %scan3A_10, %scan3A_11 : i32
    %scan3A_13 = arith.constant 1 : i32
    scf.for %scan3A_306 = %scan3A_10 to %scan3A_12 step %scan3A_13  : i32 {
      %mul3A_307 = arith.constant 640 : i32
      %mul3A_308 = arith.muli %arg1, %mul3A_307 : i32
      %mul3A_309 = arith.constant 80 : i32
      %mul3A_310 = arith.muli %scan3A_306, %mul3A_309 : i32
      %add3A_311 = arith.addi %mul3A_308, %mul3A_310 : i32
      %run_scoped3A = arith.constant 0 : i32
      "tpu.region"() ({
        %run_scoped3A_312 = tpu.sem_alloc : memref<!tpu.dma_semaphore, #tpu.memory_space<semaphore_mem>>
        %dma_start3A_313 = arith.constant 0 : i32
        %dma_start3A_314 = arith.constant 0 : i32
        %dma_start3A_315 = tpu.memref_slice %arg8[%run_scoped3A, %dma_start3A_313, %dma_start3A_314] : memref<6x48x128xf32, #tpu.memory_space<vmem>> -> memref<1x80x128xf32, #tpu.memory_space<vmem>>
        %dma_start3A_316 = tpu.memref_squeeze %dma_start3A_315 : memref<1x80x128xf32, #tpu.memory_space<vmem>> -> memref<80x128xf32, #tpu.memory_space<vmem>>
        %dma_start3A_317 = arith.constant 0 : i32
        %dma_start3A_318 = tpu.memref_slice %arg9[%add3A_311, %dma_start3A_317] : memref<10240x128xf32, #tpu.memory_space<vmem_shared>> -> memref<80x128xf32, #tpu.memory_space<vmem_shared>>
        %dma_start3A_319 = arith.constant 0 : i32
        %dma_start3A_320 = tpu.memref_slice %arg9[%add3A_311, %dma_start3A_319] : memref<10240x128xf32, #tpu.memory_space<vmem_shared>> -> memref<80x128xf32, #tpu.memory_space<vmem_shared>>
        %dma_start3A_321 = arith.constant 0 : i32
        %dma_start3A_322 = arith.constant 0 : i32
        %dma_start3A_323 = tpu.memref_slice %arg8[%run_scoped3A, %dma_start3A_321, %dma_start3A_322] : memref<6x48x128xf32, #tpu.memory_space<vmem>> -> memref<1x80x128xf32, #tpu.memory_space<vmem>>
        %dma_start3A_324 = tpu.memref_squeeze %dma_start3A_323 : memref<1x80x128xf32, #tpu.memory_space<vmem>> -> memref<80x128xf32, #tpu.memory_space<vmem>>
        tpu.enqueue_dma source(%dma_start3A_324 : memref<80x128xf32, #tpu.memory_space<vmem>>) target(%dma_start3A_320 : memref<80x128xf32, #tpu.memory_space<vmem_shared>>) target_semaphore(%run_scoped3A_312 : memref<!tpu.dma_semaphore, #tpu.memory_space<semaphore_mem>>)
        %dma_wait3A_325 = arith.constant 0 : i32
        %dma_wait3A_326 = arith.constant 0 : i32
        %dma_wait3A_327 = tpu.memref_slice %arg8[%run_scoped3A, %dma_wait3A_325, %dma_wait3A_326] : memref<6x48x128xf32, #tpu.memory_space<vmem>> -> memref<1x80x128xf32, #tpu.memory_space<vmem>>
        %dma_wait3A_328 = tpu.memref_squeeze %dma_wait3A_327 : memref<1x80x128xf32, #tpu.memory_space<vmem>> -> memref<80x128xf32, #tpu.memory_space<vmem>>
        %dma_wait3A_329 = arith.constant 0 : i32
        %dma_wait3A_330 = tpu.memref_slice %arg9[%add3A_311, %dma_wait3A_329] : memref<10240x128xf32, #tpu.memory_space<vmem_shared>> -> memref<80x128xf32, #tpu.memory_space<vmem_shared>>
        %dma_wait3A_331 = arith.constant 0 : i32
        %dma_wait3A_332 = tpu.memref_slice %arg9[%add3A_311, %dma_wait3A_331] : memref<10240x128xf32, #tpu.memory_space<vmem_shared>> -> memref<80x128xf32, #tpu.memory_space<vmem_shared>>
        %dma_wait3A_333 = arith.constant 0 : i32
        %dma_wait3A_334 = arith.constant 0 : i32
        %dma_wait3A_335 = tpu.memref_slice %arg8[%run_scoped3A, %dma_wait3A_333, %dma_wait3A_334] : memref<6x48x128xf32, #tpu.memory_space<vmem>> -> memref<1x80x128xf32, #tpu.memory_space<vmem>>
        %dma_wait3A_336 = tpu.memref_squeeze %dma_wait3A_335 : memref<1x80x128xf32, #tpu.memory_space<vmem>> -> memref<80x128xf32, #tpu.memory_space<vmem>>
        tpu.wait_dma2 semaphore(%run_scoped3A_312 : memref<!tpu.dma_semaphore, #tpu.memory_space<semaphore_mem>>) src(%dma_wait3A_336 : memref<80x128xf32, #tpu.memory_space<vmem>>) dst(%dma_wait3A_332 : memref<80x128xf32, #tpu.memory_space<vmem_shared>>)
        tpu.yield
      }) : () -> ()
    }
    %scan3A_14 = arith.constant 8 : i32
    %barrier3A = arith.constant 0 : index
    tpu.barrier barrier_id(%barrier3A)
    "tpu.region"() ({
      %run_scoped3A = tpu.sem_alloc : memref<!tpu.dma_semaphore, #tpu.memory_space<semaphore_mem>>
      %dma_start3A_306 = tpu.memref_slice %arg3[%mul3A_2] : memref<331776xi32, #tpu.memory_space<hbm>> -> memref<10368xi32, #tpu.memory_space<hbm>>
      %dma_start3A_307 = tpu.memref_slice %arg3[%mul3A_2] : memref<331776xi32, #tpu.memory_space<hbm>> -> memref<10368xi32, #tpu.memory_space<hbm>>
      tpu.enqueue_dma source(%dma_start3A_307 : memref<10368xi32, #tpu.memory_space<hbm>>) target(%arg6 : memref<10368xi32, #tpu.memory_space<vmem>>) target_semaphore(%run_scoped3A : memref<!tpu.dma_semaphore, #tpu.memory_space<semaphore_mem>>)
      %dma_wait3A_308 = tpu.memref_slice %arg3[%mul3A_2] : memref<331776xi32, #tpu.memory_space<hbm>> -> memref<10368xi32, #tpu.memory_space<hbm>>
      %dma_wait3A_309 = tpu.memref_slice %arg3[%mul3A_2] : memref<331776xi32, #tpu.memory_space<hbm>> -> memref<10368xi32, #tpu.memory_space<hbm>>
      tpu.wait_dma2 semaphore(%run_scoped3A : memref<!tpu.dma_semaphore, #tpu.memory_space<semaphore_mem>>) src(%dma_wait3A_309 : memref<10368xi32, #tpu.memory_space<hbm>>) dst(%arg6 : memref<10368xi32, #tpu.memory_space<vmem>>)
      tpu.yield
    }) : () -> ()
    %add3A_15 = arith.constant 0 : i32
    %add3A_16 = arith.addi %mul3A_2, %add3A_15 : i32
    %dma_start3A = arith.constant 0 : i32
    %dma_start3A_17 = arith.constant 0 : i32
    %dma_start3A_18 = tpu.memref_slice %arg7[%dma_start3A, %dma_start3A_17] : memref<6x48xi32, #tpu.memory_space<vmem>> -> memref<1x48xi32, #tpu.memory_space<vmem>>
    %dma_start3A_19 = tpu.memref_squeeze %dma_start3A_18 : memref<1x48xi32, #tpu.memory_space<vmem>> -> memref<48xi32, #tpu.memory_space<vmem>>
    %dma_start3A_20 = tpu.memref_slice %arg4[%add3A_16] : memref<331776xi32, #tpu.memory_space<hbm>> -> memref<48xi32, #tpu.memory_space<hbm>>
    %dma_start3A_21 = arith.constant 0 : i32
    %dma_start3A_22 = tpu.memref_slice %arg7[%dma_start3A, %dma_start3A_21] : memref<6x48xi32, #tpu.memory_space<vmem>> -> memref<1x48xi32, #tpu.memory_space<vmem>>
    %dma_start3A_23 = tpu.memref_squeeze %dma_start3A_22 : memref<1x48xi32, #tpu.memory_space<vmem>> -> memref<48xi32, #tpu.memory_space<vmem>>
    %dma_start3A_24 = tpu.memref_slice %arg4[%add3A_16] : memref<331776xi32, #tpu.memory_space<hbm>> -> memref<48xi32, #tpu.memory_space<hbm>>
    tpu.enqueue_dma source(%dma_start3A_24 : memref<48xi32, #tpu.memory_space<hbm>>) target(%dma_start3A_23 : memref<48xi32, #tpu.memory_space<vmem>>) target_semaphore(%arg22 : memref<!tpu.dma_semaphore, #tpu.memory_space<semaphore_mem>>)
    %dma_start3A_25 = arith.constant 0 : i32
    %dma_start3A_26 = arith.constant 0 : i32
    %dma_start3A_27 = arith.constant 0 : i32
    %dma_start3A_28 = tpu.memref_slice %arg8[%dma_start3A_25, %dma_start3A_26, %dma_start3A_27] : memref<6x48x128xf32, #tpu.memory_space<vmem>> -> memref<1x48x128xf32, #tpu.memory_space<vmem>>
    %dma_start3A_29 = tpu.memref_squeeze %dma_start3A_28 : memref<1x48x128xf32, #tpu.memory_space<vmem>> -> memref<48x128xf32, #tpu.memory_space<vmem>>
    %dma_start3A_30 = arith.constant 0 : i32
    %dma_start3A_31 = tpu.memref_slice %arg6[%dma_start3A_30] : memref<10368xi32, #tpu.memory_space<vmem>> -> memref<48xi32, #tpu.memory_space<vmem>>
    %dma_start3A_32 = arith.constant 0 : i32
    %dma_start3A_33 = arith.constant 0 : i32
    %dma_start3A_34 = tpu.memref_slice %arg2[%dma_start3A_32, %dma_start3A_33] : memref<10000x128xf32, #tpu.memory_space<hbm>> -> memref<10000x128xf32, #tpu.memory_space<hbm>>
    tpu.enqueue_indirect_dma source(%dma_start3A_34 : memref<10000x128xf32, #tpu.memory_space<hbm>>) target(%dma_start3A_29 : memref<48x128xf32, #tpu.memory_space<vmem>>) offsets(%dma_start3A_31 : memref<48xi32, #tpu.memory_space<vmem>>) semaphore(%arg10 : memref<!tpu.dma_semaphore, #tpu.memory_space<semaphore_mem>>)
    %add3A_35 = arith.constant 48 : i32
    %add3A_36 = arith.addi %mul3A_2, %add3A_35 : i32
    %dma_start3A_37 = arith.constant 1 : i32
    %dma_start3A_38 = arith.constant 0 : i32
    %dma_start3A_39 = tpu.memref_slice %arg7[%dma_start3A_37, %dma_start3A_38] : memref<6x48xi32, #tpu.memory_space<vmem>> -> memref<1x48xi32, #tpu.memory_space<vmem>>
    %dma_start3A_40 = tpu.memref_squeeze %dma_start3A_39 : memref<1x48xi32, #tpu.memory_space<vmem>> -> memref<48xi32, #tpu.memory_space<vmem>>
    %dma_start3A_41 = tpu.memref_slice %arg4[%add3A_36] : memref<331776xi32, #tpu.memory_space<hbm>> -> memref<48xi32, #tpu.memory_space<hbm>>
    %dma_start3A_42 = arith.constant 0 : i32
    %dma_start3A_43 = tpu.memref_slice %arg7[%dma_start3A_37, %dma_start3A_42] : memref<6x48xi32, #tpu.memory_space<vmem>> -> memref<1x48xi32, #tpu.memory_space<vmem>>
    %dma_start3A_44 = tpu.memref_squeeze %dma_start3A_43 : memref<1x48xi32, #tpu.memory_space<vmem>> -> memref<48xi32, #tpu.memory_space<vmem>>
    %dma_start3A_45 = tpu.memref_slice %arg4[%add3A_36] : memref<331776xi32, #tpu.memory_space<hbm>> -> memref<48xi32, #tpu.memory_space<hbm>>
    tpu.enqueue_dma source(%dma_start3A_45 : memref<48xi32, #tpu.memory_space<hbm>>) target(%dma_start3A_44 : memref<48xi32, #tpu.memory_space<vmem>>) target_semaphore(%arg23 : memref<!tpu.dma_semaphore, #tpu.memory_space<semaphore_mem>>)
    %dma_start3A_46 = arith.constant 1 : i32
    %dma_start3A_47 = arith.constant 0 : i32
    %dma_start3A_48 = arith.constant 0 : i32
    %dma_start3A_49 = tpu.memref_slice %arg8[%dma_start3A_46, %dma_start3A_47, %dma_start3A_48] : memref<6x48x128xf32, #tpu.memory_space<vmem>> -> memref<1x48x128xf32, #tpu.memory_space<vmem>>
    %dma_start3A_50 = tpu.memref_squeeze %dma_start3A_49 : memref<1x48x128xf32, #tpu.memory_space<vmem>> -> memref<48x128xf32, #tpu.memory_space<vmem>>
    %dma_start3A_51 = arith.constant 48 : i32
    %dma_start3A_52 = tpu.memref_slice %arg6[%dma_start3A_51] : memref<10368xi32, #tpu.memory_space<vmem>> -> memref<48xi32, #tpu.memory_space<vmem>>
    %dma_start3A_53 = arith.constant 0 : i32
    %dma_start3A_54 = arith.constant 0 : i32
    %dma_start3A_55 = tpu.memref_slice %arg2[%dma_start3A_53, %dma_start3A_54] : memref<10000x128xf32, #tpu.memory_space<hbm>> -> memref<10000x128xf32, #tpu.memory_space<hbm>>
    tpu.enqueue_indirect_dma source(%dma_start3A_55 : memref<10000x128xf32, #tpu.memory_space<hbm>>) target(%dma_start3A_50 : memref<48x128xf32, #tpu.memory_space<vmem>>) offsets(%dma_start3A_52 : memref<48xi32, #tpu.memory_space<vmem>>) semaphore(%arg11 : memref<!tpu.dma_semaphore, #tpu.memory_space<semaphore_mem>>)
    %add3A_56 = arith.constant 96 : i32
    %add3A_57 = arith.addi %mul3A_2, %add3A_56 : i32
    %dma_start3A_58 = arith.constant 2 : i32
    %dma_start3A_59 = arith.constant 0 : i32
    %dma_start3A_60 = tpu.memref_slice %arg7[%dma_start3A_58, %dma_start3A_59] : memref<6x48xi32, #tpu.memory_space<vmem>> -> memref<1x48xi32, #tpu.memory_space<vmem>>
    %dma_start3A_61 = tpu.memref_squeeze %dma_start3A_60 : memref<1x48xi32, #tpu.memory_space<vmem>> -> memref<48xi32, #tpu.memory_space<vmem>>
    %dma_start3A_62 = tpu.memref_slice %arg4[%add3A_57] : memref<331776xi32, #tpu.memory_space<hbm>> -> memref<48xi32, #tpu.memory_space<hbm>>
    %dma_start3A_63 = arith.constant 0 : i32
    %dma_start3A_64 = tpu.memref_slice %arg7[%dma_start3A_58, %dma_start3A_63] : memref<6x48xi32, #tpu.memory_space<vmem>> -> memref<1x48xi32, #tpu.memory_space<vmem>>
    %dma_start3A_65 = tpu.memref_squeeze %dma_start3A_64 : memref<1x48xi32, #tpu.memory_space<vmem>> -> memref<48xi32, #tpu.memory_space<vmem>>
    %dma_start3A_66 = tpu.memref_slice %arg4[%add3A_57] : memref<331776xi32, #tpu.memory_space<hbm>> -> memref<48xi32, #tpu.memory_space<hbm>>
    tpu.enqueue_dma source(%dma_start3A_66 : memref<48xi32, #tpu.memory_space<hbm>>) target(%dma_start3A_65 : memref<48xi32, #tpu.memory_space<vmem>>) target_semaphore(%arg24 : memref<!tpu.dma_semaphore, #tpu.memory_space<semaphore_mem>>)
    %dma_start3A_67 = arith.constant 2 : i32
    %dma_start3A_68 = arith.constant 0 : i32
    %dma_start3A_69 = arith.constant 0 : i32
    %dma_start3A_70 = tpu.memref_slice %arg8[%dma_start3A_67, %dma_start3A_68, %dma_start3A_69] : memref<6x48x128xf32, #tpu.memory_space<vmem>> -> memref<1x48x128xf32, #tpu.memory_space<vmem>>
    %dma_start3A_71 = tpu.memref_squeeze %dma_start3A_70 : memref<1x48x128xf32, #tpu.memory_space<vmem>> -> memref<48x128xf32, #tpu.memory_space<vmem>>
    %dma_start3A_72 = arith.constant 96 : i32
    %dma_start3A_73 = tpu.memref_slice %arg6[%dma_start3A_72] : memref<10368xi32, #tpu.memory_space<vmem>> -> memref<48xi32, #tpu.memory_space<vmem>>
    %dma_start3A_74 = arith.constant 0 : i32
    %dma_start3A_75 = arith.constant 0 : i32
    %dma_start3A_76 = tpu.memref_slice %arg2[%dma_start3A_74, %dma_start3A_75] : memref<10000x128xf32, #tpu.memory_space<hbm>> -> memref<10000x128xf32, #tpu.memory_space<hbm>>
    tpu.enqueue_indirect_dma source(%dma_start3A_76 : memref<10000x128xf32, #tpu.memory_space<hbm>>) target(%dma_start3A_71 : memref<48x128xf32, #tpu.memory_space<vmem>>) offsets(%dma_start3A_73 : memref<48xi32, #tpu.memory_space<vmem>>) semaphore(%arg12 : memref<!tpu.dma_semaphore, #tpu.memory_space<semaphore_mem>>)
    %add3A_77 = arith.constant 144 : i32
    %add3A_78 = arith.addi %mul3A_2, %add3A_77 : i32
    %dma_start3A_79 = arith.constant 3 : i32
    %dma_start3A_80 = arith.constant 0 : i32
    %dma_start3A_81 = tpu.memref_slice %arg7[%dma_start3A_79, %dma_start3A_80] : memref<6x48xi32, #tpu.memory_space<vmem>> -> memref<1x48xi32, #tpu.memory_space<vmem>>
    %dma_start3A_82 = tpu.memref_squeeze %dma_start3A_81 : memref<1x48xi32, #tpu.memory_space<vmem>> -> memref<48xi32, #tpu.memory_space<vmem>>
    %dma_start3A_83 = tpu.memref_slice %arg4[%add3A_78] : memref<331776xi32, #tpu.memory_space<hbm>> -> memref<48xi32, #tpu.memory_space<hbm>>
    %dma_start3A_84 = arith.constant 0 : i32
    %dma_start3A_85 = tpu.memref_slice %arg7[%dma_start3A_79, %dma_start3A_84] : memref<6x48xi32, #tpu.memory_space<vmem>> -> memref<1x48xi32, #tpu.memory_space<vmem>>
    %dma_start3A_86 = tpu.memref_squeeze %dma_start3A_85 : memref<1x48xi32, #tpu.memory_space<vmem>> -> memref<48xi32, #tpu.memory_space<vmem>>
    %dma_start3A_87 = tpu.memref_slice %arg4[%add3A_78] : memref<331776xi32, #tpu.memory_space<hbm>> -> memref<48xi32, #tpu.memory_space<hbm>>
    tpu.enqueue_dma source(%dma_start3A_87 : memref<48xi32, #tpu.memory_space<hbm>>) target(%dma_start3A_86 : memref<48xi32, #tpu.memory_space<vmem>>) target_semaphore(%arg25 : memref<!tpu.dma_semaphore, #tpu.memory_space<semaphore_mem>>)
    %dma_start3A_88 = arith.constant 3 : i32
    %dma_start3A_89 = arith.constant 0 : i32
    %dma_start3A_90 = arith.constant 0 : i32
    %dma_start3A_91 = tpu.memref_slice %arg8[%dma_start3A_88, %dma_start3A_89, %dma_start3A_90] : memref<6x48x128xf32, #tpu.memory_space<vmem>> -> memref<1x48x128xf32, #tpu.memory_space<vmem>>
    %dma_start3A_92 = tpu.memref_squeeze %dma_start3A_91 : memref<1x48x128xf32, #tpu.memory_space<vmem>> -> memref<48x128xf32, #tpu.memory_space<vmem>>
    %dma_start3A_93 = arith.constant 144 : i32
    %dma_start3A_94 = tpu.memref_slice %arg6[%dma_start3A_93] : memref<10368xi32, #tpu.memory_space<vmem>> -> memref<48xi32, #tpu.memory_space<vmem>>
    %dma_start3A_95 = arith.constant 0 : i32
    %dma_start3A_96 = arith.constant 0 : i32
    %dma_start3A_97 = tpu.memref_slice %arg2[%dma_start3A_95, %dma_start3A_96] : memref<10000x128xf32, #tpu.memory_space<hbm>> -> memref<10000x128xf32, #tpu.memory_space<hbm>>
    tpu.enqueue_indirect_dma source(%dma_start3A_97 : memref<10000x128xf32, #tpu.memory_space<hbm>>) target(%dma_start3A_92 : memref<48x128xf32, #tpu.memory_space<vmem>>) offsets(%dma_start3A_94 : memref<48xi32, #tpu.memory_space<vmem>>) semaphore(%arg13 : memref<!tpu.dma_semaphore, #tpu.memory_space<semaphore_mem>>)
    %add3A_98 = arith.constant 192 : i32
    %add3A_99 = arith.addi %mul3A_2, %add3A_98 : i32
    %dma_start3A_100 = arith.constant 4 : i32
    %dma_start3A_101 = arith.constant 0 : i32
    %dma_start3A_102 = tpu.memref_slice %arg7[%dma_start3A_100, %dma_start3A_101] : memref<6x48xi32, #tpu.memory_space<vmem>> -> memref<1x48xi32, #tpu.memory_space<vmem>>
    %dma_start3A_103 = tpu.memref_squeeze %dma_start3A_102 : memref<1x48xi32, #tpu.memory_space<vmem>> -> memref<48xi32, #tpu.memory_space<vmem>>
    %dma_start3A_104 = tpu.memref_slice %arg4[%add3A_99] : memref<331776xi32, #tpu.memory_space<hbm>> -> memref<48xi32, #tpu.memory_space<hbm>>
    %dma_start3A_105 = arith.constant 0 : i32
    %dma_start3A_106 = tpu.memref_slice %arg7[%dma_start3A_100, %dma_start3A_105] : memref<6x48xi32, #tpu.memory_space<vmem>> -> memref<1x48xi32, #tpu.memory_space<vmem>>
    %dma_start3A_107 = tpu.memref_squeeze %dma_start3A_106 : memref<1x48xi32, #tpu.memory_space<vmem>> -> memref<48xi32, #tpu.memory_space<vmem>>
    %dma_start3A_108 = tpu.memref_slice %arg4[%add3A_99] : memref<331776xi32, #tpu.memory_space<hbm>> -> memref<48xi32, #tpu.memory_space<hbm>>
    tpu.enqueue_dma source(%dma_start3A_108 : memref<48xi32, #tpu.memory_space<hbm>>) target(%dma_start3A_107 : memref<48xi32, #tpu.memory_space<vmem>>) target_semaphore(%arg26 : memref<!tpu.dma_semaphore, #tpu.memory_space<semaphore_mem>>)
    %dma_start3A_109 = arith.constant 4 : i32
    %dma_start3A_110 = arith.constant 0 : i32
    %dma_start3A_111 = arith.constant 0 : i32
    %dma_start3A_112 = tpu.memref_slice %arg8[%dma_start3A_109, %dma_start3A_110, %dma_start3A_111] : memref<6x48x128xf32, #tpu.memory_space<vmem>> -> memref<1x48x128xf32, #tpu.memory_space<vmem>>
    %dma_start3A_113 = tpu.memref_squeeze %dma_start3A_112 : memref<1x48x128xf32, #tpu.memory_space<vmem>> -> memref<48x128xf32, #tpu.memory_space<vmem>>
    %dma_start3A_114 = arith.constant 192 : i32
    %dma_start3A_115 = tpu.memref_slice %arg6[%dma_start3A_114] : memref<10368xi32, #tpu.memory_space<vmem>> -> memref<48xi32, #tpu.memory_space<vmem>>
    %dma_start3A_116 = arith.constant 0 : i32
    %dma_start3A_117 = arith.constant 0 : i32
    %dma_start3A_118 = tpu.memref_slice %arg2[%dma_start3A_116, %dma_start3A_117] : memref<10000x128xf32, #tpu.memory_space<hbm>> -> memref<10000x128xf32, #tpu.memory_space<hbm>>
    tpu.enqueue_indirect_dma source(%dma_start3A_118 : memref<10000x128xf32, #tpu.memory_space<hbm>>) target(%dma_start3A_113 : memref<48x128xf32, #tpu.memory_space<vmem>>) offsets(%dma_start3A_115 : memref<48xi32, #tpu.memory_space<vmem>>) semaphore(%arg14 : memref<!tpu.dma_semaphore, #tpu.memory_space<semaphore_mem>>)
    %add3A_119 = arith.constant 240 : i32
    %add3A_120 = arith.addi %mul3A_2, %add3A_119 : i32
    %dma_start3A_121 = arith.constant 5 : i32
    %dma_start3A_122 = arith.constant 0 : i32
    %dma_start3A_123 = tpu.memref_slice %arg7[%dma_start3A_121, %dma_start3A_122] : memref<6x48xi32, #tpu.memory_space<vmem>> -> memref<1x48xi32, #tpu.memory_space<vmem>>
    %dma_start3A_124 = tpu.memref_squeeze %dma_start3A_123 : memref<1x48xi32, #tpu.memory_space<vmem>> -> memref<48xi32, #tpu.memory_space<vmem>>
    %dma_start3A_125 = tpu.memref_slice %arg4[%add3A_120] : memref<331776xi32, #tpu.memory_space<hbm>> -> memref<48xi32, #tpu.memory_space<hbm>>
    %dma_start3A_126 = arith.constant 0 : i32
    %dma_start3A_127 = tpu.memref_slice %arg7[%dma_start3A_121, %dma_start3A_126] : memref<6x48xi32, #tpu.memory_space<vmem>> -> memref<1x48xi32, #tpu.memory_space<vmem>>
    %dma_start3A_128 = tpu.memref_squeeze %dma_start3A_127 : memref<1x48xi32, #tpu.memory_space<vmem>> -> memref<48xi32, #tpu.memory_space<vmem>>
    %dma_start3A_129 = tpu.memref_slice %arg4[%add3A_120] : memref<331776xi32, #tpu.memory_space<hbm>> -> memref<48xi32, #tpu.memory_space<hbm>>
    tpu.enqueue_dma source(%dma_start3A_129 : memref<48xi32, #tpu.memory_space<hbm>>) target(%dma_start3A_128 : memref<48xi32, #tpu.memory_space<vmem>>) target_semaphore(%arg27 : memref<!tpu.dma_semaphore, #tpu.memory_space<semaphore_mem>>)
    %dma_start3A_130 = arith.constant 5 : i32
    %dma_start3A_131 = arith.constant 0 : i32
    %dma_start3A_132 = arith.constant 0 : i32
    %dma_start3A_133 = tpu.memref_slice %arg8[%dma_start3A_130, %dma_start3A_131, %dma_start3A_132] : memref<6x48x128xf32, #tpu.memory_space<vmem>> -> memref<1x48x128xf32, #tpu.memory_space<vmem>>
    %dma_start3A_134 = tpu.memref_squeeze %dma_start3A_133 : memref<1x48x128xf32, #tpu.memory_space<vmem>> -> memref<48x128xf32, #tpu.memory_space<vmem>>
    %dma_start3A_135 = arith.constant 240 : i32
    %dma_start3A_136 = tpu.memref_slice %arg6[%dma_start3A_135] : memref<10368xi32, #tpu.memory_space<vmem>> -> memref<48xi32, #tpu.memory_space<vmem>>
    %dma_start3A_137 = arith.constant 0 : i32
    %dma_start3A_138 = arith.constant 0 : i32
    %dma_start3A_139 = tpu.memref_slice %arg2[%dma_start3A_137, %dma_start3A_138] : memref<10000x128xf32, #tpu.memory_space<hbm>> -> memref<10000x128xf32, #tpu.memory_space<hbm>>
    tpu.enqueue_indirect_dma source(%dma_start3A_139 : memref<10000x128xf32, #tpu.memory_space<hbm>>) target(%dma_start3A_134 : memref<48x128xf32, #tpu.memory_space<vmem>>) offsets(%dma_start3A_136 : memref<48xi32, #tpu.memory_space<vmem>>) semaphore(%arg15 : memref<!tpu.dma_semaphore, #tpu.memory_space<semaphore_mem>>)
    %scan3A_140 = arith.constant 0 : i32
    %scan3A_141 = arith.constant 0 : i32
    %scan3A_142 = arith.constant 36 : i32
    %scan3A_143 = arith.addi %scan3A_141, %scan3A_142 : i32
    %scan3A_144 = arith.constant 1 : i32
    scf.for %scan3A_306 = %scan3A_141 to %scan3A_143 step %scan3A_144  : i32 {
      %mul3A_307 = arith.constant 6 : i32
      %mul3A_308 = arith.muli %mul3A_307, %scan3A_306 : i32
      %dma_wait3A_309 = arith.constant 0 : i32
      %dma_wait3A_310 = arith.constant 0 : i32
      %dma_wait3A_311 = arith.constant 0 : i32
      %dma_wait3A_312 = tpu.memref_slice %arg8[%dma_wait3A_309, %dma_wait3A_310, %dma_wait3A_311] : memref<6x48x128xf32, #tpu.memory_space<vmem>> -> memref<1x48x128xf32, #tpu.memory_space<vmem>>
      %dma_wait3A_313 = tpu.memref_squeeze %dma_wait3A_312 : memref<1x48x128xf32, #tpu.memory_space<vmem>> -> memref<48x128xf32, #tpu.memory_space<vmem>>
      %dma_wait3A_314 = arith.constant 0 : i32
      %dma_wait3A_315 = arith.constant 0 : i32
      %dma_wait3A_316 = tpu.memref_slice %arg2[%dma_wait3A_314, %dma_wait3A_315] : memref<10000x128xf32, #tpu.memory_space<hbm>> -> memref<48x128xf32, #tpu.memory_space<hbm>>
      %dma_wait3A_317 = arith.constant 0 : i32
      %dma_wait3A_318 = arith.constant 0 : i32
      %dma_wait3A_319 = tpu.memref_slice %arg8[%dma_wait3A_309, %dma_wait3A_317, %dma_wait3A_318] : memref<6x48x128xf32, #tpu.memory_space<vmem>> -> memref<1x48x128xf32, #tpu.memory_space<vmem>>
      %dma_wait3A_320 = tpu.memref_squeeze %dma_wait3A_319 : memref<1x48x128xf32, #tpu.memory_space<vmem>> -> memref<48x128xf32, #tpu.memory_space<vmem>>
      %dma_wait3A_321 = arith.constant 0 : i32
      %dma_wait3A_322 = arith.constant 0 : i32
      %dma_wait3A_323 = tpu.memref_slice %arg2[%dma_wait3A_321, %dma_wait3A_322] : memref<10000x128xf32, #tpu.memory_space<hbm>> -> memref<48x128xf32, #tpu.memory_space<hbm>>
      tpu.wait_dma2 semaphore(%arg10 : memref<!tpu.dma_semaphore, #tpu.memory_space<semaphore_mem>>) src(%dma_wait3A_323 : memref<48x128xf32, #tpu.memory_space<hbm>>) dst(%dma_wait3A_320 : memref<48x128xf32, #tpu.memory_space<vmem>>)
      %dma_wait3A_324 = arith.constant 0 : i32
      %dma_wait3A_325 = arith.constant 0 : i32
      %dma_wait3A_326 = tpu.memref_slice %arg7[%dma_wait3A_324, %dma_wait3A_325] : memref<6x48xi32, #tpu.memory_space<vmem>> -> memref<1x48xi32, #tpu.memory_space<vmem>>
      %dma_wait3A_327 = tpu.memref_squeeze %dma_wait3A_326 : memref<1x48xi32, #tpu.memory_space<vmem>> -> memref<48xi32, #tpu.memory_space<vmem>>
      %dma_wait3A_328 = arith.constant 0 : i32
      %dma_wait3A_329 = tpu.memref_slice %arg4[%dma_wait3A_328] : memref<331776xi32, #tpu.memory_space<hbm>> -> memref<48xi32, #tpu.memory_space<hbm>>
      %dma_wait3A_330 = arith.constant 0 : i32
      %dma_wait3A_331 = tpu.memref_slice %arg7[%dma_wait3A_324, %dma_wait3A_330] : memref<6x48xi32, #tpu.memory_space<vmem>> -> memref<1x48xi32, #tpu.memory_space<vmem>>
      %dma_wait3A_332 = tpu.memref_squeeze %dma_wait3A_331 : memref<1x48xi32, #tpu.memory_space<vmem>> -> memref<48xi32, #tpu.memory_space<vmem>>
      %dma_wait3A_333 = arith.constant 0 : i32
      %dma_wait3A_334 = tpu.memref_slice %arg4[%dma_wait3A_333] : memref<331776xi32, #tpu.memory_space<hbm>> -> memref<48xi32, #tpu.memory_space<hbm>>
      tpu.wait_dma2 semaphore(%arg22 : memref<!tpu.dma_semaphore, #tpu.memory_space<semaphore_mem>>) src(%dma_wait3A_334 : memref<48xi32, #tpu.memory_space<hbm>>) dst(%dma_wait3A_332 : memref<48xi32, #tpu.memory_space<vmem>>)
      %dma_start3A_335 = arith.constant 0 : i32
      %dma_start3A_336 = arith.constant 0 : i32
      %dma_start3A_337 = arith.constant 0 : i32
      %dma_start3A_338 = arith.constant 0 : i32
      %dma_start3A_339 = tpu.memref_slice %arg8[%dma_start3A_335, %dma_start3A_337, %dma_start3A_338] : memref<6x48x128xf32, #tpu.memory_space<vmem>> -> memref<1x48x128xf32, #tpu.memory_space<vmem>>
      %dma_start3A_340 = tpu.memref_squeeze %dma_start3A_339 : memref<1x48x128xf32, #tpu.memory_space<vmem>> -> memref<48x128xf32, #tpu.memory_space<vmem>>
      %dma_start3A_341 = arith.constant 0 : i32
      %dma_start3A_342 = tpu.memref_slice %arg7[%dma_start3A_336, %dma_start3A_341] : memref<6x48xi32, #tpu.memory_space<vmem>> -> memref<1x48xi32, #tpu.memory_space<vmem>>
      %dma_start3A_343 = tpu.memref_squeeze %dma_start3A_342 : memref<1x48xi32, #tpu.memory_space<vmem>> -> memref<48xi32, #tpu.memory_space<vmem>>
      %dma_start3A_344 = arith.constant 0 : i32
      %dma_start3A_345 = arith.constant 0 : i32
      %dma_start3A_346 = tpu.memref_slice %arg9[%dma_start3A_344, %dma_start3A_345] : memref<10240x128xf32, #tpu.memory_space<vmem_shared>> -> memref<10240x128xf32, #tpu.memory_space<vmem_shared>>
      tpu.enqueue_indirect_dma source(%dma_start3A_340 : memref<48x128xf32, #tpu.memory_space<vmem>>) target(%dma_start3A_346 : memref<10240x128xf32, #tpu.memory_space<vmem_shared>>) offsets(%dma_start3A_343 : memref<48xi32, #tpu.memory_space<vmem>>) semaphore(%arg16 : memref<!tpu.dma_semaphore, #tpu.memory_space<semaphore_mem>>) {add = true}
      %dma_wait3A_347 = arith.constant 1 : i32
      %dma_wait3A_348 = arith.constant 0 : i32
      %dma_wait3A_349 = arith.constant 0 : i32
      %dma_wait3A_350 = tpu.memref_slice %arg8[%dma_wait3A_347, %dma_wait3A_348, %dma_wait3A_349] : memref<6x48x128xf32, #tpu.memory_space<vmem>> -> memref<1x48x128xf32, #tpu.memory_space<vmem>>
      %dma_wait3A_351 = tpu.memref_squeeze %dma_wait3A_350 : memref<1x48x128xf32, #tpu.memory_space<vmem>> -> memref<48x128xf32, #tpu.memory_space<vmem>>
      %dma_wait3A_352 = arith.constant 0 : i32
      %dma_wait3A_353 = arith.constant 0 : i32
      %dma_wait3A_354 = tpu.memref_slice %arg2[%dma_wait3A_352, %dma_wait3A_353] : memref<10000x128xf32, #tpu.memory_space<hbm>> -> memref<48x128xf32, #tpu.memory_space<hbm>>
      %dma_wait3A_355 = arith.constant 0 : i32
      %dma_wait3A_356 = arith.constant 0 : i32
      %dma_wait3A_357 = tpu.memref_slice %arg8[%dma_wait3A_347, %dma_wait3A_355, %dma_wait3A_356] : memref<6x48x128xf32, #tpu.memory_space<vmem>> -> memref<1x48x128xf32, #tpu.memory_space<vmem>>
      %dma_wait3A_358 = tpu.memref_squeeze %dma_wait3A_357 : memref<1x48x128xf32, #tpu.memory_space<vmem>> -> memref<48x128xf32, #tpu.memory_space<vmem>>
      %dma_wait3A_359 = arith.constant 0 : i32
      %dma_wait3A_360 = arith.constant 0 : i32
      %dma_wait3A_361 = tpu.memref_slice %arg2[%dma_wait3A_359, %dma_wait3A_360] : memref<10000x128xf32, #tpu.memory_space<hbm>> -> memref<48x128xf32, #tpu.memory_space<hbm>>
      tpu.wait_dma2 semaphore(%arg11 : memref<!tpu.dma_semaphore, #tpu.memory_space<semaphore_mem>>) src(%dma_wait3A_361 : memref<48x128xf32, #tpu.memory_space<hbm>>) dst(%dma_wait3A_358 : memref<48x128xf32, #tpu.memory_space<vmem>>)
      %dma_wait3A_362 = arith.constant 1 : i32
      %dma_wait3A_363 = arith.constant 0 : i32
      %dma_wait3A_364 = tpu.memref_slice %arg7[%dma_wait3A_362, %dma_wait3A_363] : memref<6x48xi32, #tpu.memory_space<vmem>> -> memref<1x48xi32, #tpu.memory_space<vmem>>
      %dma_wait3A_365 = tpu.memref_squeeze %dma_wait3A_364 : memref<1x48xi32, #tpu.memory_space<vmem>> -> memref<48xi32, #tpu.memory_space<vmem>>
      %dma_wait3A_366 = arith.constant 0 : i32
      %dma_wait3A_367 = tpu.memref_slice %arg4[%dma_wait3A_366] : memref<331776xi32, #tpu.memory_space<hbm>> -> memref<48xi32, #tpu.memory_space<hbm>>
      %dma_wait3A_368 = arith.constant 0 : i32
      %dma_wait3A_369 = tpu.memref_slice %arg7[%dma_wait3A_362, %dma_wait3A_368] : memref<6x48xi32, #tpu.memory_space<vmem>> -> memref<1x48xi32, #tpu.memory_space<vmem>>
      %dma_wait3A_370 = tpu.memref_squeeze %dma_wait3A_369 : memref<1x48xi32, #tpu.memory_space<vmem>> -> memref<48xi32, #tpu.memory_space<vmem>>
      %dma_wait3A_371 = arith.constant 0 : i32
      %dma_wait3A_372 = tpu.memref_slice %arg4[%dma_wait3A_371] : memref<331776xi32, #tpu.memory_space<hbm>> -> memref<48xi32, #tpu.memory_space<hbm>>
      tpu.wait_dma2 semaphore(%arg23 : memref<!tpu.dma_semaphore, #tpu.memory_space<semaphore_mem>>) src(%dma_wait3A_372 : memref<48xi32, #tpu.memory_space<hbm>>) dst(%dma_wait3A_370 : memref<48xi32, #tpu.memory_space<vmem>>)
      %dma_start3A_373 = arith.constant 1 : i32
      %dma_start3A_374 = arith.constant 1 : i32
      %dma_start3A_375 = arith.constant 0 : i32
      %dma_start3A_376 = arith.constant 0 : i32
      %dma_start3A_377 = tpu.memref_slice %arg8[%dma_start3A_373, %dma_start3A_375, %dma_start3A_376] : memref<6x48x128xf32, #tpu.memory_space<vmem>> -> memref<1x48x128xf32, #tpu.memory_space<vmem>>
      %dma_start3A_378 = tpu.memref_squeeze %dma_start3A_377 : memref<1x48x128xf32, #tpu.memory_space<vmem>> -> memref<48x128xf32, #tpu.memory_space<vmem>>
      %dma_start3A_379 = arith.constant 0 : i32
      %dma_start3A_380 = tpu.memref_slice %arg7[%dma_start3A_374, %dma_start3A_379] : memref<6x48xi32, #tpu.memory_space<vmem>> -> memref<1x48xi32, #tpu.memory_space<vmem>>
      %dma_start3A_381 = tpu.memref_squeeze %dma_start3A_380 : memref<1x48xi32, #tpu.memory_space<vmem>> -> memref<48xi32, #tpu.memory_space<vmem>>
      %dma_start3A_382 = arith.constant 0 : i32
      %dma_start3A_383 = arith.constant 0 : i32
      %dma_start3A_384 = tpu.memref_slice %arg9[%dma_start3A_382, %dma_start3A_383] : memref<10240x128xf32, #tpu.memory_space<vmem_shared>> -> memref<10240x128xf32, #tpu.memory_space<vmem_shared>>
      tpu.enqueue_indirect_dma source(%dma_start3A_378 : memref<48x128xf32, #tpu.memory_space<vmem>>) target(%dma_start3A_384 : memref<10240x128xf32, #tpu.memory_space<vmem_shared>>) offsets(%dma_start3A_381 : memref<48xi32, #tpu.memory_space<vmem>>) semaphore(%arg17 : memref<!tpu.dma_semaphore, #tpu.memory_space<semaphore_mem>>) {add = true}
      %dma_wait3A_385 = arith.constant 2 : i32
      %dma_wait3A_386 = arith.constant 0 : i32
      %dma_wait3A_387 = arith.constant 0 : i32
      %dma_wait3A_388 = tpu.memref_slice %arg8[%dma_wait3A_385, %dma_wait3A_386, %dma_wait3A_387] : memref<6x48x128xf32, #tpu.memory_space<vmem>> -> memref<1x48x128xf32, #tpu.memory_space<vmem>>
      %dma_wait3A_389 = tpu.memref_squeeze %dma_wait3A_388 : memref<1x48x128xf32, #tpu.memory_space<vmem>> -> memref<48x128xf32, #tpu.memory_space<vmem>>
      %dma_wait3A_390 = arith.constant 0 : i32
      %dma_wait3A_391 = arith.constant 0 : i32
      %dma_wait3A_392 = tpu.memref_slice %arg2[%dma_wait3A_390, %dma_wait3A_391] : memref<10000x128xf32, #tpu.memory_space<hbm>> -> memref<48x128xf32, #tpu.memory_space<hbm>>
      %dma_wait3A_393 = arith.constant 0 : i32
      %dma_wait3A_394 = arith.constant 0 : i32
      %dma_wait3A_395 = tpu.memref_slice %arg8[%dma_wait3A_385, %dma_wait3A_393, %dma_wait3A_394] : memref<6x48x128xf32, #tpu.memory_space<vmem>> -> memref<1x48x128xf32, #tpu.memory_space<vmem>>
      %dma_wait3A_396 = tpu.memref_squeeze %dma_wait3A_395 : memref<1x48x128xf32, #tpu.memory_space<vmem>> -> memref<48x128xf32, #tpu.memory_space<vmem>>
      %dma_wait3A_397 = arith.constant 0 : i32
      %dma_wait3A_398 = arith.constant 0 : i32
      %dma_wait3A_399 = tpu.memref_slice %arg2[%dma_wait3A_397, %dma_wait3A_398] : memref<10000x128xf32, #tpu.memory_space<hbm>> -> memref<48x128xf32, #tpu.memory_space<hbm>>
      tpu.wait_dma2 semaphore(%arg12 : memref<!tpu.dma_semaphore, #tpu.memory_space<semaphore_mem>>) src(%dma_wait3A_399 : memref<48x128xf32, #tpu.memory_space<hbm>>) dst(%dma_wait3A_396 : memref<48x128xf32, #tpu.memory_space<vmem>>)
      %dma_wait3A_400 = arith.constant 2 : i32
      %dma_wait3A_401 = arith.constant 0 : i32
      %dma_wait3A_402 = tpu.memref_slice %arg7[%dma_wait3A_400, %dma_wait3A_401] : memref<6x48xi32, #tpu.memory_space<vmem>> -> memref<1x48xi32, #tpu.memory_space<vmem>>
      %dma_wait3A_403 = tpu.memref_squeeze %dma_wait3A_402 : memref<1x48xi32, #tpu.memory_space<vmem>> -> memref<48xi32, #tpu.memory_space<vmem>>
      %dma_wait3A_404 = arith.constant 0 : i32
      %dma_wait3A_405 = tpu.memref_slice %arg4[%dma_wait3A_404] : memref<331776xi32, #tpu.memory_space<hbm>> -> memref<48xi32, #tpu.memory_space<hbm>>
      %dma_wait3A_406 = arith.constant 0 : i32
      %dma_wait3A_407 = tpu.memref_slice %arg7[%dma_wait3A_400, %dma_wait3A_406] : memref<6x48xi32, #tpu.memory_space<vmem>> -> memref<1x48xi32, #tpu.memory_space<vmem>>
      %dma_wait3A_408 = tpu.memref_squeeze %dma_wait3A_407 : memref<1x48xi32, #tpu.memory_space<vmem>> -> memref<48xi32, #tpu.memory_space<vmem>>
      %dma_wait3A_409 = arith.constant 0 : i32
      %dma_wait3A_410 = tpu.memref_slice %arg4[%dma_wait3A_409] : memref<331776xi32, #tpu.memory_space<hbm>> -> memref<48xi32, #tpu.memory_space<hbm>>
      tpu.wait_dma2 semaphore(%arg24 : memref<!tpu.dma_semaphore, #tpu.memory_space<semaphore_mem>>) src(%dma_wait3A_410 : memref<48xi32, #tpu.memory_space<hbm>>) dst(%dma_wait3A_408 : memref<48xi32, #tpu.memory_space<vmem>>)
      %dma_start3A_411 = arith.constant 2 : i32
      %dma_start3A_412 = arith.constant 2 : i32
      %dma_start3A_413 = arith.constant 0 : i32
      %dma_start3A_414 = arith.constant 0 : i32
      %dma_start3A_415 = tpu.memref_slice %arg8[%dma_start3A_411, %dma_start3A_413, %dma_start3A_414] : memref<6x48x128xf32, #tpu.memory_space<vmem>> -> memref<1x48x128xf32, #tpu.memory_space<vmem>>
      %dma_start3A_416 = tpu.memref_squeeze %dma_start3A_415 : memref<1x48x128xf32, #tpu.memory_space<vmem>> -> memref<48x128xf32, #tpu.memory_space<vmem>>
      %dma_start3A_417 = arith.constant 0 : i32
      %dma_start3A_418 = tpu.memref_slice %arg7[%dma_start3A_412, %dma_start3A_417] : memref<6x48xi32, #tpu.memory_space<vmem>> -> memref<1x48xi32, #tpu.memory_space<vmem>>
      %dma_start3A_419 = tpu.memref_squeeze %dma_start3A_418 : memref<1x48xi32, #tpu.memory_space<vmem>> -> memref<48xi32, #tpu.memory_space<vmem>>
      %dma_start3A_420 = arith.constant 0 : i32
      %dma_start3A_421 = arith.constant 0 : i32
      %dma_start3A_422 = tpu.memref_slice %arg9[%dma_start3A_420, %dma_start3A_421] : memref<10240x128xf32, #tpu.memory_space<vmem_shared>> -> memref<10240x128xf32, #tpu.memory_space<vmem_shared>>
      tpu.enqueue_indirect_dma source(%dma_start3A_416 : memref<48x128xf32, #tpu.memory_space<vmem>>) target(%dma_start3A_422 : memref<10240x128xf32, #tpu.memory_space<vmem_shared>>) offsets(%dma_start3A_419 : memref<48xi32, #tpu.memory_space<vmem>>) semaphore(%arg18 : memref<!tpu.dma_semaphore, #tpu.memory_space<semaphore_mem>>) {add = true}
      %dma_wait3A_423 = arith.constant 3 : i32
      %dma_wait3A_424 = arith.constant 0 : i32
      %dma_wait3A_425 = arith.constant 0 : i32
      %dma_wait3A_426 = tpu.memref_slice %arg8[%dma_wait3A_423, %dma_wait3A_424, %dma_wait3A_425] : memref<6x48x128xf32, #tpu.memory_space<vmem>> -> memref<1x48x128xf32, #tpu.memory_space<vmem>>
      %dma_wait3A_427 = tpu.memref_squeeze %dma_wait3A_426 : memref<1x48x128xf32, #tpu.memory_space<vmem>> -> memref<48x128xf32, #tpu.memory_space<vmem>>
      %dma_wait3A_428 = arith.constant 0 : i32
      %dma_wait3A_429 = arith.constant 0 : i32
      %dma_wait3A_430 = tpu.memref_slice %arg2[%dma_wait3A_428, %dma_wait3A_429] : memref<10000x128xf32, #tpu.memory_space<hbm>> -> memref<48x128xf32, #tpu.memory_space<hbm>>
      %dma_wait3A_431 = arith.constant 0 : i32
      %dma_wait3A_432 = arith.constant 0 : i32
      %dma_wait3A_433 = tpu.memref_slice %arg8[%dma_wait3A_423, %dma_wait3A_431, %dma_wait3A_432] : memref<6x48x128xf32, #tpu.memory_space<vmem>> -> memref<1x48x128xf32, #tpu.memory_space<vmem>>
      %dma_wait3A_434 = tpu.memref_squeeze %dma_wait3A_433 : memref<1x48x128xf32, #tpu.memory_space<vmem>> -> memref<48x128xf32, #tpu.memory_space<vmem>>
      %dma_wait3A_435 = arith.constant 0 : i32
      %dma_wait3A_436 = arith.constant 0 : i32
      %dma_wait3A_437 = tpu.memref_slice %arg2[%dma_wait3A_435, %dma_wait3A_436] : memref<10000x128xf32, #tpu.memory_space<hbm>> -> memref<48x128xf32, #tpu.memory_space<hbm>>
      tpu.wait_dma2 semaphore(%arg13 : memref<!tpu.dma_semaphore, #tpu.memory_space<semaphore_mem>>) src(%dma_wait3A_437 : memref<48x128xf32, #tpu.memory_space<hbm>>) dst(%dma_wait3A_434 : memref<48x128xf32, #tpu.memory_space<vmem>>)
      %dma_wait3A_438 = arith.constant 3 : i32
      %dma_wait3A_439 = arith.constant 0 : i32
      %dma_wait3A_440 = tpu.memref_slice %arg7[%dma_wait3A_438, %dma_wait3A_439] : memref<6x48xi32, #tpu.memory_space<vmem>> -> memref<1x48xi32, #tpu.memory_space<vmem>>
      %dma_wait3A_441 = tpu.memref_squeeze %dma_wait3A_440 : memref<1x48xi32, #tpu.memory_space<vmem>> -> memref<48xi32, #tpu.memory_space<vmem>>
      %dma_wait3A_442 = arith.constant 0 : i32
      %dma_wait3A_443 = tpu.memref_slice %arg4[%dma_wait3A_442] : memref<331776xi32, #tpu.memory_space<hbm>> -> memref<48xi32, #tpu.memory_space<hbm>>
      %dma_wait3A_444 = arith.constant 0 : i32
      %dma_wait3A_445 = tpu.memref_slice %arg7[%dma_wait3A_438, %dma_wait3A_444] : memref<6x48xi32, #tpu.memory_space<vmem>> -> memref<1x48xi32, #tpu.memory_space<vmem>>
      %dma_wait3A_446 = tpu.memref_squeeze %dma_wait3A_445 : memref<1x48xi32, #tpu.memory_space<vmem>> -> memref<48xi32, #tpu.memory_space<vmem>>
      %dma_wait3A_447 = arith.constant 0 : i32
      %dma_wait3A_448 = tpu.memref_slice %arg4[%dma_wait3A_447] : memref<331776xi32, #tpu.memory_space<hbm>> -> memref<48xi32, #tpu.memory_space<hbm>>
      tpu.wait_dma2 semaphore(%arg25 : memref<!tpu.dma_semaphore, #tpu.memory_space<semaphore_mem>>) src(%dma_wait3A_448 : memref<48xi32, #tpu.memory_space<hbm>>) dst(%dma_wait3A_446 : memref<48xi32, #tpu.memory_space<vmem>>)
      %dma_start3A_449 = arith.constant 3 : i32
      %dma_start3A_450 = arith.constant 3 : i32
      %dma_start3A_451 = arith.constant 0 : i32
      %dma_start3A_452 = arith.constant 0 : i32
      %dma_start3A_453 = tpu.memref_slice %arg8[%dma_start3A_449, %dma_start3A_451, %dma_start3A_452] : memref<6x48x128xf32, #tpu.memory_space<vmem>> -> memref<1x48x128xf32, #tpu.memory_space<vmem>>
      %dma_start3A_454 = tpu.memref_squeeze %dma_start3A_453 : memref<1x48x128xf32, #tpu.memory_space<vmem>> -> memref<48x128xf32, #tpu.memory_space<vmem>>
      %dma_start3A_455 = arith.constant 0 : i32
      %dma_start3A_456 = tpu.memref_slice %arg7[%dma_start3A_450, %dma_start3A_455] : memref<6x48xi32, #tpu.memory_space<vmem>> -> memref<1x48xi32, #tpu.memory_space<vmem>>
      %dma_start3A_457 = tpu.memref_squeeze %dma_start3A_456 : memref<1x48xi32, #tpu.memory_space<vmem>> -> memref<48xi32, #tpu.memory_space<vmem>>
      %dma_start3A_458 = arith.constant 0 : i32
      %dma_start3A_459 = arith.constant 0 : i32
      %dma_start3A_460 = tpu.memref_slice %arg9[%dma_start3A_458, %dma_start3A_459] : memref<10240x128xf32, #tpu.memory_space<vmem_shared>> -> memref<10240x128xf32, #tpu.memory_space<vmem_shared>>
      tpu.enqueue_indirect_dma source(%dma_start3A_454 : memref<48x128xf32, #tpu.memory_space<vmem>>) target(%dma_start3A_460 : memref<10240x128xf32, #tpu.memory_space<vmem_shared>>) offsets(%dma_start3A_457 : memref<48xi32, #tpu.memory_space<vmem>>) semaphore(%arg19 : memref<!tpu.dma_semaphore, #tpu.memory_space<semaphore_mem>>) {add = true}
      %dma_wait3A_461 = arith.constant 4 : i32
      %dma_wait3A_462 = arith.constant 0 : i32
      %dma_wait3A_463 = arith.constant 0 : i32
      %dma_wait3A_464 = tpu.memref_slice %arg8[%dma_wait3A_461, %dma_wait3A_462, %dma_wait3A_463] : memref<6x48x128xf32, #tpu.memory_space<vmem>> -> memref<1x48x128xf32, #tpu.memory_space<vmem>>
      %dma_wait3A_465 = tpu.memref_squeeze %dma_wait3A_464 : memref<1x48x128xf32, #tpu.memory_space<vmem>> -> memref<48x128xf32, #tpu.memory_space<vmem>>
      %dma_wait3A_466 = arith.constant 0 : i32
      %dma_wait3A_467 = arith.constant 0 : i32
      %dma_wait3A_468 = tpu.memref_slice %arg2[%dma_wait3A_466, %dma_wait3A_467] : memref<10000x128xf32, #tpu.memory_space<hbm>> -> memref<48x128xf32, #tpu.memory_space<hbm>>
      %dma_wait3A_469 = arith.constant 0 : i32
      %dma_wait3A_470 = arith.constant 0 : i32
      %dma_wait3A_471 = tpu.memref_slice %arg8[%dma_wait3A_461, %dma_wait3A_469, %dma_wait3A_470] : memref<6x48x128xf32, #tpu.memory_space<vmem>> -> memref<1x48x128xf32, #tpu.memory_space<vmem>>
      %dma_wait3A_472 = tpu.memref_squeeze %dma_wait3A_471 : memref<1x48x128xf32, #tpu.memory_space<vmem>> -> memref<48x128xf32, #tpu.memory_space<vmem>>
      %dma_wait3A_473 = arith.constant 0 : i32
      %dma_wait3A_474 = arith.constant 0 : i32
      %dma_wait3A_475 = tpu.memref_slice %arg2[%dma_wait3A_473, %dma_wait3A_474] : memref<10000x128xf32, #tpu.memory_space<hbm>> -> memref<48x128xf32, #tpu.memory_space<hbm>>
      tpu.wait_dma2 semaphore(%arg14 : memref<!tpu.dma_semaphore, #tpu.memory_space<semaphore_mem>>) src(%dma_wait3A_475 : memref<48x128xf32, #tpu.memory_space<hbm>>) dst(%dma_wait3A_472 : memref<48x128xf32, #tpu.memory_space<vmem>>)
      %dma_wait3A_476 = arith.constant 4 : i32
      %dma_wait3A_477 = arith.constant 0 : i32
      %dma_wait3A_478 = tpu.memref_slice %arg7[%dma_wait3A_476, %dma_wait3A_477] : memref<6x48xi32, #tpu.memory_space<vmem>> -> memref<1x48xi32, #tpu.memory_space<vmem>>
      %dma_wait3A_479 = tpu.memref_squeeze %dma_wait3A_478 : memref<1x48xi32, #tpu.memory_space<vmem>> -> memref<48xi32, #tpu.memory_space<vmem>>
      %dma_wait3A_480 = arith.constant 0 : i32
      %dma_wait3A_481 = tpu.memref_slice %arg4[%dma_wait3A_480] : memref<331776xi32, #tpu.memory_space<hbm>> -> memref<48xi32, #tpu.memory_space<hbm>>
      %dma_wait3A_482 = arith.constant 0 : i32
      %dma_wait3A_483 = tpu.memref_slice %arg7[%dma_wait3A_476, %dma_wait3A_482] : memref<6x48xi32, #tpu.memory_space<vmem>> -> memref<1x48xi32, #tpu.memory_space<vmem>>
      %dma_wait3A_484 = tpu.memref_squeeze %dma_wait3A_483 : memref<1x48xi32, #tpu.memory_space<vmem>> -> memref<48xi32, #tpu.memory_space<vmem>>
      %dma_wait3A_485 = arith.constant 0 : i32
      %dma_wait3A_486 = tpu.memref_slice %arg4[%dma_wait3A_485] : memref<331776xi32, #tpu.memory_space<hbm>> -> memref<48xi32, #tpu.memory_space<hbm>>
      tpu.wait_dma2 semaphore(%arg26 : memref<!tpu.dma_semaphore, #tpu.memory_space<semaphore_mem>>) src(%dma_wait3A_486 : memref<48xi32, #tpu.memory_space<hbm>>) dst(%dma_wait3A_484 : memref<48xi32, #tpu.memory_space<vmem>>)
      %dma_start3A_487 = arith.constant 4 : i32
      %dma_start3A_488 = arith.constant 4 : i32
      %dma_start3A_489 = arith.constant 0 : i32
      %dma_start3A_490 = arith.constant 0 : i32
      %dma_start3A_491 = tpu.memref_slice %arg8[%dma_start3A_487, %dma_start3A_489, %dma_start3A_490] : memref<6x48x128xf32, #tpu.memory_space<vmem>> -> memref<1x48x128xf32, #tpu.memory_space<vmem>>
      %dma_start3A_492 = tpu.memref_squeeze %dma_start3A_491 : memref<1x48x128xf32, #tpu.memory_space<vmem>> -> memref<48x128xf32, #tpu.memory_space<vmem>>
      %dma_start3A_493 = arith.constant 0 : i32
      %dma_start3A_494 = tpu.memref_slice %arg7[%dma_start3A_488, %dma_start3A_493] : memref<6x48xi32, #tpu.memory_space<vmem>> -> memref<1x48xi32, #tpu.memory_space<vmem>>
      %dma_start3A_495 = tpu.memref_squeeze %dma_start3A_494 : memref<1x48xi32, #tpu.memory_space<vmem>> -> memref<48xi32, #tpu.memory_space<vmem>>
      %dma_start3A_496 = arith.constant 0 : i32
      %dma_start3A_497 = arith.constant 0 : i32
      %dma_start3A_498 = tpu.memref_slice %arg9[%dma_start3A_496, %dma_start3A_497] : memref<10240x128xf32, #tpu.memory_space<vmem_shared>> -> memref<10240x128xf32, #tpu.memory_space<vmem_shared>>
      tpu.enqueue_indirect_dma source(%dma_start3A_492 : memref<48x128xf32, #tpu.memory_space<vmem>>) target(%dma_start3A_498 : memref<10240x128xf32, #tpu.memory_space<vmem_shared>>) offsets(%dma_start3A_495 : memref<48xi32, #tpu.memory_space<vmem>>) semaphore(%arg20 : memref<!tpu.dma_semaphore, #tpu.memory_space<semaphore_mem>>) {add = true}
      %dma_wait3A_499 = arith.constant 5 : i32
      %dma_wait3A_500 = arith.constant 0 : i32
      %dma_wait3A_501 = arith.constant 0 : i32
      %dma_wait3A_502 = tpu.memref_slice %arg8[%dma_wait3A_499, %dma_wait3A_500, %dma_wait3A_501] : memref<6x48x128xf32, #tpu.memory_space<vmem>> -> memref<1x48x128xf32, #tpu.memory_space<vmem>>
      %dma_wait3A_503 = tpu.memref_squeeze %dma_wait3A_502 : memref<1x48x128xf32, #tpu.memory_space<vmem>> -> memref<48x128xf32, #tpu.memory_space<vmem>>
      %dma_wait3A_504 = arith.constant 0 : i32
      %dma_wait3A_505 = arith.constant 0 : i32
      %dma_wait3A_506 = tpu.memref_slice %arg2[%dma_wait3A_504, %dma_wait3A_505] : memref<10000x128xf32, #tpu.memory_space<hbm>> -> memref<48x128xf32, #tpu.memory_space<hbm>>
      %dma_wait3A_507 = arith.constant 0 : i32
      %dma_wait3A_508 = arith.constant 0 : i32
      %dma_wait3A_509 = tpu.memref_slice %arg8[%dma_wait3A_499, %dma_wait3A_507, %dma_wait3A_508] : memref<6x48x128xf32, #tpu.memory_space<vmem>> -> memref<1x48x128xf32, #tpu.memory_space<vmem>>
      %dma_wait3A_510 = tpu.memref_squeeze %dma_wait3A_509 : memref<1x48x128xf32, #tpu.memory_space<vmem>> -> memref<48x128xf32, #tpu.memory_space<vmem>>
      %dma_wait3A_511 = arith.constant 0 : i32
      %dma_wait3A_512 = arith.constant 0 : i32
      %dma_wait3A_513 = tpu.memref_slice %arg2[%dma_wait3A_511, %dma_wait3A_512] : memref<10000x128xf32, #tpu.memory_space<hbm>> -> memref<48x128xf32, #tpu.memory_space<hbm>>
      tpu.wait_dma2 semaphore(%arg15 : memref<!tpu.dma_semaphore, #tpu.memory_space<semaphore_mem>>) src(%dma_wait3A_513 : memref<48x128xf32, #tpu.memory_space<hbm>>) dst(%dma_wait3A_510 : memref<48x128xf32, #tpu.memory_space<vmem>>)
      %dma_wait3A_514 = arith.constant 5 : i32
      %dma_wait3A_515 = arith.constant 0 : i32
      %dma_wait3A_516 = tpu.memref_slice %arg7[%dma_wait3A_514, %dma_wait3A_515] : memref<6x48xi32, #tpu.memory_space<vmem>> -> memref<1x48xi32, #tpu.memory_space<vmem>>
      %dma_wait3A_517 = tpu.memref_squeeze %dma_wait3A_516 : memref<1x48xi32, #tpu.memory_space<vmem>> -> memref<48xi32, #tpu.memory_space<vmem>>
      %dma_wait3A_518 = arith.constant 0 : i32
      %dma_wait3A_519 = tpu.memref_slice %arg4[%dma_wait3A_518] : memref<331776xi32, #tpu.memory_space<hbm>> -> memref<48xi32, #tpu.memory_space<hbm>>
      %dma_wait3A_520 = arith.constant 0 : i32
      %dma_wait3A_521 = tpu.memref_slice %arg7[%dma_wait3A_514, %dma_wait3A_520] : memref<6x48xi32, #tpu.memory_space<vmem>> -> memref<1x48xi32, #tpu.memory_space<vmem>>
      %dma_wait3A_522 = tpu.memref_squeeze %dma_wait3A_521 : memref<1x48xi32, #tpu.memory_space<vmem>> -> memref<48xi32, #tpu.memory_space<vmem>>
      %dma_wait3A_523 = arith.constant 0 : i32
      %dma_wait3A_524 = tpu.memref_slice %arg4[%dma_wait3A_523] : memref<331776xi32, #tpu.memory_space<hbm>> -> memref<48xi32, #tpu.memory_space<hbm>>
      tpu.wait_dma2 semaphore(%arg27 : memref<!tpu.dma_semaphore, #tpu.memory_space<semaphore_mem>>) src(%dma_wait3A_524 : memref<48xi32, #tpu.memory_space<hbm>>) dst(%dma_wait3A_522 : memref<48xi32, #tpu.memory_space<vmem>>)
      %dma_start3A_525 = arith.constant 5 : i32
      %dma_start3A_526 = arith.constant 5 : i32
      %dma_start3A_527 = arith.constant 0 : i32
      %dma_start3A_528 = arith.constant 0 : i32
      %dma_start3A_529 = tpu.memref_slice %arg8[%dma_start3A_525, %dma_start3A_527, %dma_start3A_528] : memref<6x48x128xf32, #tpu.memory_space<vmem>> -> memref<1x48x128xf32, #tpu.memory_space<vmem>>
      %dma_start3A_530 = tpu.memref_squeeze %dma_start3A_529 : memref<1x48x128xf32, #tpu.memory_space<vmem>> -> memref<48x128xf32, #tpu.memory_space<vmem>>
      %dma_start3A_531 = arith.constant 0 : i32
      %dma_start3A_532 = tpu.memref_slice %arg7[%dma_start3A_526, %dma_start3A_531] : memref<6x48xi32, #tpu.memory_space<vmem>> -> memref<1x48xi32, #tpu.memory_space<vmem>>
      %dma_start3A_533 = tpu.memref_squeeze %dma_start3A_532 : memref<1x48xi32, #tpu.memory_space<vmem>> -> memref<48xi32, #tpu.memory_space<vmem>>
      %dma_start3A_534 = arith.constant 0 : i32
      %dma_start3A_535 = arith.constant 0 : i32
      %dma_start3A_536 = tpu.memref_slice %arg9[%dma_start3A_534, %dma_start3A_535] : memref<10240x128xf32, #tpu.memory_space<vmem_shared>> -> memref<10240x128xf32, #tpu.memory_space<vmem_shared>>
      tpu.enqueue_indirect_dma source(%dma_start3A_530 : memref<48x128xf32, #tpu.memory_space<vmem>>) target(%dma_start3A_536 : memref<10240x128xf32, #tpu.memory_space<vmem_shared>>) offsets(%dma_start3A_533 : memref<48xi32, #tpu.memory_space<vmem>>) semaphore(%arg21 : memref<!tpu.dma_semaphore, #tpu.memory_space<semaphore_mem>>) {add = true}
      %dma_wait3A_537 = arith.constant 0 : i32
      %dma_wait3A_538 = arith.constant 0 : i32
      %dma_wait3A_539 = arith.constant 0 : i32
      %dma_wait3A_540 = tpu.memref_slice %arg8[%dma_wait3A_537, %dma_wait3A_538, %dma_wait3A_539] : memref<6x48x128xf32, #tpu.memory_space<vmem>> -> memref<1x48x128xf32, #tpu.memory_space<vmem>>
      %dma_wait3A_541 = tpu.memref_squeeze %dma_wait3A_540 : memref<1x48x128xf32, #tpu.memory_space<vmem>> -> memref<48x128xf32, #tpu.memory_space<vmem>>
      %dma_wait3A_542 = arith.constant 0 : i32
      %dma_wait3A_543 = arith.constant 0 : i32
      %dma_wait3A_544 = tpu.memref_slice %arg2[%dma_wait3A_542, %dma_wait3A_543] : memref<10000x128xf32, #tpu.memory_space<hbm>> -> memref<48x128xf32, #tpu.memory_space<hbm>>
      %dma_wait3A_545 = arith.constant 0 : i32
      %dma_wait3A_546 = arith.constant 0 : i32
      %dma_wait3A_547 = tpu.memref_slice %arg8[%dma_wait3A_537, %dma_wait3A_545, %dma_wait3A_546] : memref<6x48x128xf32, #tpu.memory_space<vmem>> -> memref<1x48x128xf32, #tpu.memory_space<vmem>>
      %dma_wait3A_548 = tpu.memref_squeeze %dma_wait3A_547 : memref<1x48x128xf32, #tpu.memory_space<vmem>> -> memref<48x128xf32, #tpu.memory_space<vmem>>
      %dma_wait3A_549 = arith.constant 0 : i32
      %dma_wait3A_550 = arith.constant 0 : i32
      %dma_wait3A_551 = tpu.memref_slice %arg2[%dma_wait3A_549, %dma_wait3A_550] : memref<10000x128xf32, #tpu.memory_space<hbm>> -> memref<48x128xf32, #tpu.memory_space<hbm>>
      tpu.wait_dma2 semaphore(%arg16 : memref<!tpu.dma_semaphore, #tpu.memory_space<semaphore_mem>>) src(%dma_wait3A_551 : memref<48x128xf32, #tpu.memory_space<hbm>>) dst(%dma_wait3A_548 : memref<48x128xf32, #tpu.memory_space<vmem>>)
      %add3A_552 = arith.constant 0 : i32
      %add3A_553 = arith.addi %mul3A_308, %add3A_552 : i32
      %add3A_554 = arith.constant 6 : i32
      %add3A_555 = arith.addi %add3A_553, %add3A_554 : i32
      %jit3A = arith.constant 216 : i32
      %eq3A = arith.constant 0 : i32
      %eq3A_556 = arith.cmpi eq, %jit3A, %eq3A : i32
      %jit3A_557 = arith.constant 1 : i32
      %select_n3A = arith.select %eq3A_556, %jit3A_557, %jit3A : i32
      %rem3A = arith.remsi %add3A_555, %select_n3A : i32
      %ne3A = arith.constant 0 : i32
      %ne3A_558 = arith.cmpi ne, %rem3A, %ne3A : i32
      %lt3A = arith.constant 0 : i32
      %lt3A_559 = arith.cmpi slt, %rem3A, %lt3A : i32
      %lt3A_560 = arith.constant 0 : i32
      %lt3A_561 = arith.cmpi slt, %select_n3A, %lt3A_560 : i32
      %ne3A_562 = arith.xori %lt3A_559, %lt3A_561 : i1
      %and3A = arith.andi %ne3A_562, %ne3A_558 : i1
      %add3A_563 = arith.addi %rem3A, %select_n3A : i32
      %select_n3A_564 = arith.select %and3A, %add3A_563, %rem3A : i32
      %mul3A_565 = arith.constant 48 : i32
      %mul3A_566 = arith.muli %select_n3A_564, %mul3A_565 : i32
      %add3A_567 = arith.addi %mul3A_2, %mul3A_566 : i32
      %dma_start3A_568 = arith.constant 0 : i32
      %dma_start3A_569 = arith.constant 0 : i32
      %dma_start3A_570 = tpu.memref_slice %arg7[%dma_start3A_568, %dma_start3A_569] : memref<6x48xi32, #tpu.memory_space<vmem>> -> memref<1x48xi32, #tpu.memory_space<vmem>>
      %dma_start3A_571 = tpu.memref_squeeze %dma_start3A_570 : memref<1x48xi32, #tpu.memory_space<vmem>> -> memref<48xi32, #tpu.memory_space<vmem>>
      %dma_start3A_572 = tpu.memref_slice %arg4[%add3A_567] : memref<331776xi32, #tpu.memory_space<hbm>> -> memref<48xi32, #tpu.memory_space<hbm>>
      %dma_start3A_573 = arith.constant 0 : i32
      %dma_start3A_574 = tpu.memref_slice %arg7[%dma_start3A_568, %dma_start3A_573] : memref<6x48xi32, #tpu.memory_space<vmem>> -> memref<1x48xi32, #tpu.memory_space<vmem>>
      %dma_start3A_575 = tpu.memref_squeeze %dma_start3A_574 : memref<1x48xi32, #tpu.memory_space<vmem>> -> memref<48xi32, #tpu.memory_space<vmem>>
      %dma_start3A_576 = tpu.memref_slice %arg4[%add3A_567] : memref<331776xi32, #tpu.memory_space<hbm>> -> memref<48xi32, #tpu.memory_space<hbm>>
      tpu.enqueue_dma source(%dma_start3A_576 : memref<48xi32, #tpu.memory_space<hbm>>) target(%dma_start3A_575 : memref<48xi32, #tpu.memory_space<vmem>>) target_semaphore(%arg22 : memref<!tpu.dma_semaphore, #tpu.memory_space<semaphore_mem>>)
      %add3A_577 = arith.constant 0 : i32
      %add3A_578 = arith.addi %mul3A_308, %add3A_577 : i32
      %add3A_579 = arith.constant 6 : i32
      %add3A_580 = arith.addi %add3A_578, %add3A_579 : i32
      %jit3A_581 = arith.constant 216 : i32
      %eq3A_582 = arith.constant 0 : i32
      %eq3A_583 = arith.cmpi eq, %jit3A_581, %eq3A_582 : i32
      %jit3A_584 = arith.constant 1 : i32
      %select_n3A_585 = arith.select %eq3A_583, %jit3A_584, %jit3A_581 : i32
      %rem3A_586 = arith.remsi %add3A_580, %select_n3A_585 : i32
      %ne3A_587 = arith.constant 0 : i32
      %ne3A_588 = arith.cmpi ne, %rem3A_586, %ne3A_587 : i32
      %lt3A_589 = arith.constant 0 : i32
      %lt3A_590 = arith.cmpi slt, %rem3A_586, %lt3A_589 : i32
      %lt3A_591 = arith.constant 0 : i32
      %lt3A_592 = arith.cmpi slt, %select_n3A_585, %lt3A_591 : i32
      %ne3A_593 = arith.xori %lt3A_590, %lt3A_592 : i1
      %and3A_594 = arith.andi %ne3A_593, %ne3A_588 : i1
      %add3A_595 = arith.addi %rem3A_586, %select_n3A_585 : i32
      %select_n3A_596 = arith.select %and3A_594, %add3A_595, %rem3A_586 : i32
      %mul3A_597 = arith.constant 48 : i32
      %mul3A_598 = arith.muli %select_n3A_596, %mul3A_597 : i32
      %dma_start3A_599 = arith.constant 0 : i32
      %dma_start3A_600 = arith.constant 0 : i32
      %dma_start3A_601 = arith.constant 0 : i32
      %dma_start3A_602 = tpu.memref_slice %arg8[%dma_start3A_599, %dma_start3A_600, %dma_start3A_601] : memref<6x48x128xf32, #tpu.memory_space<vmem>> -> memref<1x48x128xf32, #tpu.memory_space<vmem>>
      %dma_start3A_603 = tpu.memref_squeeze %dma_start3A_602 : memref<1x48x128xf32, #tpu.memory_space<vmem>> -> memref<48x128xf32, #tpu.memory_space<vmem>>
      %dma_start3A_604 = tpu.memref_slice %arg6[%mul3A_598] : memref<10368xi32, #tpu.memory_space<vmem>> -> memref<48xi32, #tpu.memory_space<vmem>>
      %dma_start3A_605 = arith.constant 0 : i32
      %dma_start3A_606 = arith.constant 0 : i32
      %dma_start3A_607 = tpu.memref_slice %arg2[%dma_start3A_605, %dma_start3A_606] : memref<10000x128xf32, #tpu.memory_space<hbm>> -> memref<10000x128xf32, #tpu.memory_space<hbm>>
      tpu.enqueue_indirect_dma source(%dma_start3A_607 : memref<10000x128xf32, #tpu.memory_space<hbm>>) target(%dma_start3A_603 : memref<48x128xf32, #tpu.memory_space<vmem>>) offsets(%dma_start3A_604 : memref<48xi32, #tpu.memory_space<vmem>>) semaphore(%arg10 : memref<!tpu.dma_semaphore, #tpu.memory_space<semaphore_mem>>)
      %dma_wait3A_608 = arith.constant 1 : i32
      %dma_wait3A_609 = arith.constant 0 : i32
      %dma_wait3A_610 = arith.constant 0 : i32
      %dma_wait3A_611 = tpu.memref_slice %arg8[%dma_wait3A_608, %dma_wait3A_609, %dma_wait3A_610] : memref<6x48x128xf32, #tpu.memory_space<vmem>> -> memref<1x48x128xf32, #tpu.memory_space<vmem>>
      %dma_wait3A_612 = tpu.memref_squeeze %dma_wait3A_611 : memref<1x48x128xf32, #tpu.memory_space<vmem>> -> memref<48x128xf32, #tpu.memory_space<vmem>>
      %dma_wait3A_613 = arith.constant 0 : i32
      %dma_wait3A_614 = arith.constant 0 : i32
      %dma_wait3A_615 = tpu.memref_slice %arg2[%dma_wait3A_613, %dma_wait3A_614] : memref<10000x128xf32, #tpu.memory_space<hbm>> -> memref<48x128xf32, #tpu.memory_space<hbm>>
      %dma_wait3A_616 = arith.constant 0 : i32
      %dma_wait3A_617 = arith.constant 0 : i32
      %dma_wait3A_618 = tpu.memref_slice %arg8[%dma_wait3A_608, %dma_wait3A_616, %dma_wait3A_617] : memref<6x48x128xf32, #tpu.memory_space<vmem>> -> memref<1x48x128xf32, #tpu.memory_space<vmem>>
      %dma_wait3A_619 = tpu.memref_squeeze %dma_wait3A_618 : memref<1x48x128xf32, #tpu.memory_space<vmem>> -> memref<48x128xf32, #tpu.memory_space<vmem>>
      %dma_wait3A_620 = arith.constant 0 : i32
      %dma_wait3A_621 = arith.constant 0 : i32
      %dma_wait3A_622 = tpu.memref_slice %arg2[%dma_wait3A_620, %dma_wait3A_621] : memref<10000x128xf32, #tpu.memory_space<hbm>> -> memref<48x128xf32, #tpu.memory_space<hbm>>
      tpu.wait_dma2 semaphore(%arg17 : memref<!tpu.dma_semaphore, #tpu.memory_space<semaphore_mem>>) src(%dma_wait3A_622 : memref<48x128xf32, #tpu.memory_space<hbm>>) dst(%dma_wait3A_619 : memref<48x128xf32, #tpu.memory_space<vmem>>)
      %add3A_623 = arith.constant 1 : i32
      %add3A_624 = arith.addi %mul3A_308, %add3A_623 : i32
      %add3A_625 = arith.constant 6 : i32
      %add3A_626 = arith.addi %add3A_624, %add3A_625 : i32
      %jit3A_627 = arith.constant 216 : i32
      %eq3A_628 = arith.constant 0 : i32
      %eq3A_629 = arith.cmpi eq, %jit3A_627, %eq3A_628 : i32
      %jit3A_630 = arith.constant 1 : i32
      %select_n3A_631 = arith.select %eq3A_629, %jit3A_630, %jit3A_627 : i32
      %rem3A_632 = arith.remsi %add3A_626, %select_n3A_631 : i32
      %ne3A_633 = arith.constant 0 : i32
      %ne3A_634 = arith.cmpi ne, %rem3A_632, %ne3A_633 : i32
      %lt3A_635 = arith.constant 0 : i32
      %lt3A_636 = arith.cmpi slt, %rem3A_632, %lt3A_635 : i32
      %lt3A_637 = arith.constant 0 : i32
      %lt3A_638 = arith.cmpi slt, %select_n3A_631, %lt3A_637 : i32
      %ne3A_639 = arith.xori %lt3A_636, %lt3A_638 : i1
      %and3A_640 = arith.andi %ne3A_639, %ne3A_634 : i1
      %add3A_641 = arith.addi %rem3A_632, %select_n3A_631 : i32
      %select_n3A_642 = arith.select %and3A_640, %add3A_641, %rem3A_632 : i32
      %mul3A_643 = arith.constant 48 : i32
      %mul3A_644 = arith.muli %select_n3A_642, %mul3A_643 : i32
      %add3A_645 = arith.addi %mul3A_2, %mul3A_644 : i32
      %dma_start3A_646 = arith.constant 1 : i32
      %dma_start3A_647 = arith.constant 0 : i32
      %dma_start3A_648 = tpu.memref_slice %arg7[%dma_start3A_646, %dma_start3A_647] : memref<6x48xi32, #tpu.memory_space<vmem>> -> memref<1x48xi32, #tpu.memory_space<vmem>>
      %dma_start3A_649 = tpu.memref_squeeze %dma_start3A_648 : memref<1x48xi32, #tpu.memory_space<vmem>> -> memref<48xi32, #tpu.memory_space<vmem>>
      %dma_start3A_650 = tpu.memref_slice %arg4[%add3A_645] : memref<331776xi32, #tpu.memory_space<hbm>> -> memref<48xi32, #tpu.memory_space<hbm>>
      %dma_start3A_651 = arith.constant 0 : i32
      %dma_start3A_652 = tpu.memref_slice %arg7[%dma_start3A_646, %dma_start3A_651] : memref<6x48xi32, #tpu.memory_space<vmem>> -> memref<1x48xi32, #tpu.memory_space<vmem>>
      %dma_start3A_653 = tpu.memref_squeeze %dma_start3A_652 : memref<1x48xi32, #tpu.memory_space<vmem>> -> memref<48xi32, #tpu.memory_space<vmem>>
      %dma_start3A_654 = tpu.memref_slice %arg4[%add3A_645] : memref<331776xi32, #tpu.memory_space<hbm>> -> memref<48xi32, #tpu.memory_space<hbm>>
      tpu.enqueue_dma source(%dma_start3A_654 : memref<48xi32, #tpu.memory_space<hbm>>) target(%dma_start3A_653 : memref<48xi32, #tpu.memory_space<vmem>>) target_semaphore(%arg23 : memref<!tpu.dma_semaphore, #tpu.memory_space<semaphore_mem>>)
      %add3A_655 = arith.constant 1 : i32
      %add3A_656 = arith.addi %mul3A_308, %add3A_655 : i32
      %add3A_657 = arith.constant 6 : i32
      %add3A_658 = arith.addi %add3A_656, %add3A_657 : i32
      %jit3A_659 = arith.constant 216 : i32
      %eq3A_660 = arith.constant 0 : i32
      %eq3A_661 = arith.cmpi eq, %jit3A_659, %eq3A_660 : i32
      %jit3A_662 = arith.constant 1 : i32
      %select_n3A_663 = arith.select %eq3A_661, %jit3A_662, %jit3A_659 : i32
      %rem3A_664 = arith.remsi %add3A_658, %select_n3A_663 : i32
      %ne3A_665 = arith.constant 0 : i32
      %ne3A_666 = arith.cmpi ne, %rem3A_664, %ne3A_665 : i32
      %lt3A_667 = arith.constant 0 : i32
      %lt3A_668 = arith.cmpi slt, %rem3A_664, %lt3A_667 : i32
      %lt3A_669 = arith.constant 0 : i32
      %lt3A_670 = arith.cmpi slt, %select_n3A_663, %lt3A_669 : i32
      %ne3A_671 = arith.xori %lt3A_668, %lt3A_670 : i1
      %and3A_672 = arith.andi %ne3A_671, %ne3A_666 : i1
      %add3A_673 = arith.addi %rem3A_664, %select_n3A_663 : i32
      %select_n3A_674 = arith.select %and3A_672, %add3A_673, %rem3A_664 : i32
      %mul3A_675 = arith.constant 48 : i32
      %mul3A_676 = arith.muli %select_n3A_674, %mul3A_675 : i32
      %dma_start3A_677 = arith.constant 1 : i32
      %dma_start3A_678 = arith.constant 0 : i32
      %dma_start3A_679 = arith.constant 0 : i32
      %dma_start3A_680 = tpu.memref_slice %arg8[%dma_start3A_677, %dma_start3A_678, %dma_start3A_679] : memref<6x48x128xf32, #tpu.memory_space<vmem>> -> memref<1x48x128xf32, #tpu.memory_space<vmem>>
      %dma_start3A_681 = tpu.memref_squeeze %dma_start3A_680 : memref<1x48x128xf32, #tpu.memory_space<vmem>> -> memref<48x128xf32, #tpu.memory_space<vmem>>
      %dma_start3A_682 = tpu.memref_slice %arg6[%mul3A_676] : memref<10368xi32, #tpu.memory_space<vmem>> -> memref<48xi32, #tpu.memory_space<vmem>>
      %dma_start3A_683 = arith.constant 0 : i32
      %dma_start3A_684 = arith.constant 0 : i32
      %dma_start3A_685 = tpu.memref_slice %arg2[%dma_start3A_683, %dma_start3A_684] : memref<10000x128xf32, #tpu.memory_space<hbm>> -> memref<10000x128xf32, #tpu.memory_space<hbm>>
      tpu.enqueue_indirect_dma source(%dma_start3A_685 : memref<10000x128xf32, #tpu.memory_space<hbm>>) target(%dma_start3A_681 : memref<48x128xf32, #tpu.memory_space<vmem>>) offsets(%dma_start3A_682 : memref<48xi32, #tpu.memory_space<vmem>>) semaphore(%arg11 : memref<!tpu.dma_semaphore, #tpu.memory_space<semaphore_mem>>)
      %dma_wait3A_686 = arith.constant 2 : i32
      %dma_wait3A_687 = arith.constant 0 : i32
      %dma_wait3A_688 = arith.constant 0 : i32
      %dma_wait3A_689 = tpu.memref_slice %arg8[%dma_wait3A_686, %dma_wait3A_687, %dma_wait3A_688] : memref<6x48x128xf32, #tpu.memory_space<vmem>> -> memref<1x48x128xf32, #tpu.memory_space<vmem>>
      %dma_wait3A_690 = tpu.memref_squeeze %dma_wait3A_689 : memref<1x48x128xf32, #tpu.memory_space<vmem>> -> memref<48x128xf32, #tpu.memory_space<vmem>>
      %dma_wait3A_691 = arith.constant 0 : i32
      %dma_wait3A_692 = arith.constant 0 : i32
      %dma_wait3A_693 = tpu.memref_slice %arg2[%dma_wait3A_691, %dma_wait3A_692] : memref<10000x128xf32, #tpu.memory_space<hbm>> -> memref<48x128xf32, #tpu.memory_space<hbm>>
      %dma_wait3A_694 = arith.constant 0 : i32
      %dma_wait3A_695 = arith.constant 0 : i32
      %dma_wait3A_696 = tpu.memref_slice %arg8[%dma_wait3A_686, %dma_wait3A_694, %dma_wait3A_695] : memref<6x48x128xf32, #tpu.memory_space<vmem>> -> memref<1x48x128xf32, #tpu.memory_space<vmem>>
      %dma_wait3A_697 = tpu.memref_squeeze %dma_wait3A_696 : memref<1x48x128xf32, #tpu.memory_space<vmem>> -> memref<48x128xf32, #tpu.memory_space<vmem>>
      %dma_wait3A_698 = arith.constant 0 : i32
      %dma_wait3A_699 = arith.constant 0 : i32
      %dma_wait3A_700 = tpu.memref_slice %arg2[%dma_wait3A_698, %dma_wait3A_699] : memref<10000x128xf32, #tpu.memory_space<hbm>> -> memref<48x128xf32, #tpu.memory_space<hbm>>
      tpu.wait_dma2 semaphore(%arg18 : memref<!tpu.dma_semaphore, #tpu.memory_space<semaphore_mem>>) src(%dma_wait3A_700 : memref<48x128xf32, #tpu.memory_space<hbm>>) dst(%dma_wait3A_697 : memref<48x128xf32, #tpu.memory_space<vmem>>)
      %add3A_701 = arith.constant 2 : i32
      %add3A_702 = arith.addi %mul3A_308, %add3A_701 : i32
      %add3A_703 = arith.constant 6 : i32
      %add3A_704 = arith.addi %add3A_702, %add3A_703 : i32
      %jit3A_705 = arith.constant 216 : i32
      %eq3A_706 = arith.constant 0 : i32
      %eq3A_707 = arith.cmpi eq, %jit3A_705, %eq3A_706 : i32
      %jit3A_708 = arith.constant 1 : i32
      %select_n3A_709 = arith.select %eq3A_707, %jit3A_708, %jit3A_705 : i32
      %rem3A_710 = arith.remsi %add3A_704, %select_n3A_709 : i32
      %ne3A_711 = arith.constant 0 : i32
      %ne3A_712 = arith.cmpi ne, %rem3A_710, %ne3A_711 : i32
      %lt3A_713 = arith.constant 0 : i32
      %lt3A_714 = arith.cmpi slt, %rem3A_710, %lt3A_713 : i32
      %lt3A_715 = arith.constant 0 : i32
      %lt3A_716 = arith.cmpi slt, %select_n3A_709, %lt3A_715 : i32
      %ne3A_717 = arith.xori %lt3A_714, %lt3A_716 : i1
      %and3A_718 = arith.andi %ne3A_717, %ne3A_712 : i1
      %add3A_719 = arith.addi %rem3A_710, %select_n3A_709 : i32
      %select_n3A_720 = arith.select %and3A_718, %add3A_719, %rem3A_710 : i32
      %mul3A_721 = arith.constant 48 : i32
      %mul3A_722 = arith.muli %select_n3A_720, %mul3A_721 : i32
      %add3A_723 = arith.addi %mul3A_2, %mul3A_722 : i32
      %dma_start3A_724 = arith.constant 2 : i32
      %dma_start3A_725 = arith.constant 0 : i32
      %dma_start3A_726 = tpu.memref_slice %arg7[%dma_start3A_724, %dma_start3A_725] : memref<6x48xi32, #tpu.memory_space<vmem>> -> memref<1x48xi32, #tpu.memory_space<vmem>>
      %dma_start3A_727 = tpu.memref_squeeze %dma_start3A_726 : memref<1x48xi32, #tpu.memory_space<vmem>> -> memref<48xi32, #tpu.memory_space<vmem>>
      %dma_start3A_728 = tpu.memref_slice %arg4[%add3A_723] : memref<331776xi32, #tpu.memory_space<hbm>> -> memref<48xi32, #tpu.memory_space<hbm>>
      %dma_start3A_729 = arith.constant 0 : i32
      %dma_start3A_730 = tpu.memref_slice %arg7[%dma_start3A_724, %dma_start3A_729] : memref<6x48xi32, #tpu.memory_space<vmem>> -> memref<1x48xi32, #tpu.memory_space<vmem>>
      %dma_start3A_731 = tpu.memref_squeeze %dma_start3A_730 : memref<1x48xi32, #tpu.memory_space<vmem>> -> memref<48xi32, #tpu.memory_space<vmem>>
      %dma_start3A_732 = tpu.memref_slice %arg4[%add3A_723] : memref<331776xi32, #tpu.memory_space<hbm>> -> memref<48xi32, #tpu.memory_space<hbm>>
      tpu.enqueue_dma source(%dma_start3A_732 : memref<48xi32, #tpu.memory_space<hbm>>) target(%dma_start3A_731 : memref<48xi32, #tpu.memory_space<vmem>>) target_semaphore(%arg24 : memref<!tpu.dma_semaphore, #tpu.memory_space<semaphore_mem>>)
      %add3A_733 = arith.constant 2 : i32
      %add3A_734 = arith.addi %mul3A_308, %add3A_733 : i32
      %add3A_735 = arith.constant 6 : i32
      %add3A_736 = arith.addi %add3A_734, %add3A_735 : i32
      %jit3A_737 = arith.constant 216 : i32
      %eq3A_738 = arith.constant 0 : i32
      %eq3A_739 = arith.cmpi eq, %jit3A_737, %eq3A_738 : i32
      %jit3A_740 = arith.constant 1 : i32
      %select_n3A_741 = arith.select %eq3A_739, %jit3A_740, %jit3A_737 : i32
      %rem3A_742 = arith.remsi %add3A_736, %select_n3A_741 : i32
      %ne3A_743 = arith.constant 0 : i32
      %ne3A_744 = arith.cmpi ne, %rem3A_742, %ne3A_743 : i32
      %lt3A_745 = arith.constant 0 : i32
      %lt3A_746 = arith.cmpi slt, %rem3A_742, %lt3A_745 : i32
      %lt3A_747 = arith.constant 0 : i32
      %lt3A_748 = arith.cmpi slt, %select_n3A_741, %lt3A_747 : i32
      %ne3A_749 = arith.xori %lt3A_746, %lt3A_748 : i1
      %and3A_750 = arith.andi %ne3A_749, %ne3A_744 : i1
      %add3A_751 = arith.addi %rem3A_742, %select_n3A_741 : i32
      %select_n3A_752 = arith.select %and3A_750, %add3A_751, %rem3A_742 : i32
      %mul3A_753 = arith.constant 48 : i32
      %mul3A_754 = arith.muli %select_n3A_752, %mul3A_753 : i32
      %dma_start3A_755 = arith.constant 2 : i32
      %dma_start3A_756 = arith.constant 0 : i32
      %dma_start3A_757 = arith.constant 0 : i32
      %dma_start3A_758 = tpu.memref_slice %arg8[%dma_start3A_755, %dma_start3A_756, %dma_start3A_757] : memref<6x48x128xf32, #tpu.memory_space<vmem>> -> memref<1x48x128xf32, #tpu.memory_space<vmem>>
      %dma_start3A_759 = tpu.memref_squeeze %dma_start3A_758 : memref<1x48x128xf32, #tpu.memory_space<vmem>> -> memref<48x128xf32, #tpu.memory_space<vmem>>
      %dma_start3A_760 = tpu.memref_slice %arg6[%mul3A_754] : memref<10368xi32, #tpu.memory_space<vmem>> -> memref<48xi32, #tpu.memory_space<vmem>>
      %dma_start3A_761 = arith.constant 0 : i32
      %dma_start3A_762 = arith.constant 0 : i32
      %dma_start3A_763 = tpu.memref_slice %arg2[%dma_start3A_761, %dma_start3A_762] : memref<10000x128xf32, #tpu.memory_space<hbm>> -> memref<10000x128xf32, #tpu.memory_space<hbm>>
      tpu.enqueue_indirect_dma source(%dma_start3A_763 : memref<10000x128xf32, #tpu.memory_space<hbm>>) target(%dma_start3A_759 : memref<48x128xf32, #tpu.memory_space<vmem>>) offsets(%dma_start3A_760 : memref<48xi32, #tpu.memory_space<vmem>>) semaphore(%arg12 : memref<!tpu.dma_semaphore, #tpu.memory_space<semaphore_mem>>)
      %dma_wait3A_764 = arith.constant 3 : i32
      %dma_wait3A_765 = arith.constant 0 : i32
      %dma_wait3A_766 = arith.constant 0 : i32
      %dma_wait3A_767 = tpu.memref_slice %arg8[%dma_wait3A_764, %dma_wait3A_765, %dma_wait3A_766] : memref<6x48x128xf32, #tpu.memory_space<vmem>> -> memref<1x48x128xf32, #tpu.memory_space<vmem>>
      %dma_wait3A_768 = tpu.memref_squeeze %dma_wait3A_767 : memref<1x48x128xf32, #tpu.memory_space<vmem>> -> memref<48x128xf32, #tpu.memory_space<vmem>>
      %dma_wait3A_769 = arith.constant 0 : i32
      %dma_wait3A_770 = arith.constant 0 : i32
      %dma_wait3A_771 = tpu.memref_slice %arg2[%dma_wait3A_769, %dma_wait3A_770] : memref<10000x128xf32, #tpu.memory_space<hbm>> -> memref<48x128xf32, #tpu.memory_space<hbm>>
      %dma_wait3A_772 = arith.constant 0 : i32
      %dma_wait3A_773 = arith.constant 0 : i32
      %dma_wait3A_774 = tpu.memref_slice %arg8[%dma_wait3A_764, %dma_wait3A_772, %dma_wait3A_773] : memref<6x48x128xf32, #tpu.memory_space<vmem>> -> memref<1x48x128xf32, #tpu.memory_space<vmem>>
      %dma_wait3A_775 = tpu.memref_squeeze %dma_wait3A_774 : memref<1x48x128xf32, #tpu.memory_space<vmem>> -> memref<48x128xf32, #tpu.memory_space<vmem>>
      %dma_wait3A_776 = arith.constant 0 : i32
      %dma_wait3A_777 = arith.constant 0 : i32
      %dma_wait3A_778 = tpu.memref_slice %arg2[%dma_wait3A_776, %dma_wait3A_777] : memref<10000x128xf32, #tpu.memory_space<hbm>> -> memref<48x128xf32, #tpu.memory_space<hbm>>
      tpu.wait_dma2 semaphore(%arg19 : memref<!tpu.dma_semaphore, #tpu.memory_space<semaphore_mem>>) src(%dma_wait3A_778 : memref<48x128xf32, #tpu.memory_space<hbm>>) dst(%dma_wait3A_775 : memref<48x128xf32, #tpu.memory_space<vmem>>)
      %add3A_779 = arith.constant 3 : i32
      %add3A_780 = arith.addi %mul3A_308, %add3A_779 : i32
      %add3A_781 = arith.constant 6 : i32
      %add3A_782 = arith.addi %add3A_780, %add3A_781 : i32
      %jit3A_783 = arith.constant 216 : i32
      %eq3A_784 = arith.constant 0 : i32
      %eq3A_785 = arith.cmpi eq, %jit3A_783, %eq3A_784 : i32
      %jit3A_786 = arith.constant 1 : i32
      %select_n3A_787 = arith.select %eq3A_785, %jit3A_786, %jit3A_783 : i32
      %rem3A_788 = arith.remsi %add3A_782, %select_n3A_787 : i32
      %ne3A_789 = arith.constant 0 : i32
      %ne3A_790 = arith.cmpi ne, %rem3A_788, %ne3A_789 : i32
      %lt3A_791 = arith.constant 0 : i32
      %lt3A_792 = arith.cmpi slt, %rem3A_788, %lt3A_791 : i32
      %lt3A_793 = arith.constant 0 : i32
      %lt3A_794 = arith.cmpi slt, %select_n3A_787, %lt3A_793 : i32
      %ne3A_795 = arith.xori %lt3A_792, %lt3A_794 : i1
      %and3A_796 = arith.andi %ne3A_795, %ne3A_790 : i1
      %add3A_797 = arith.addi %rem3A_788, %select_n3A_787 : i32
      %select_n3A_798 = arith.select %and3A_796, %add3A_797, %rem3A_788 : i32
      %mul3A_799 = arith.constant 48 : i32
      %mul3A_800 = arith.muli %select_n3A_798, %mul3A_799 : i32
      %add3A_801 = arith.addi %mul3A_2, %mul3A_800 : i32
      %dma_start3A_802 = arith.constant 3 : i32
      %dma_start3A_803 = arith.constant 0 : i32
      %dma_start3A_804 = tpu.memref_slice %arg7[%dma_start3A_802, %dma_start3A_803] : memref<6x48xi32, #tpu.memory_space<vmem>> -> memref<1x48xi32, #tpu.memory_space<vmem>>
      %dma_start3A_805 = tpu.memref_squeeze %dma_start3A_804 : memref<1x48xi32, #tpu.memory_space<vmem>> -> memref<48xi32, #tpu.memory_space<vmem>>
      %dma_start3A_806 = tpu.memref_slice %arg4[%add3A_801] : memref<331776xi32, #tpu.memory_space<hbm>> -> memref<48xi32, #tpu.memory_space<hbm>>
      %dma_start3A_807 = arith.constant 0 : i32
      %dma_start3A_808 = tpu.memref_slice %arg7[%dma_start3A_802, %dma_start3A_807] : memref<6x48xi32, #tpu.memory_space<vmem>> -> memref<1x48xi32, #tpu.memory_space<vmem>>
      %dma_start3A_809 = tpu.memref_squeeze %dma_start3A_808 : memref<1x48xi32, #tpu.memory_space<vmem>> -> memref<48xi32, #tpu.memory_space<vmem>>
      %dma_start3A_810 = tpu.memref_slice %arg4[%add3A_801] : memref<331776xi32, #tpu.memory_space<hbm>> -> memref<48xi32, #tpu.memory_space<hbm>>
      tpu.enqueue_dma source(%dma_start3A_810 : memref<48xi32, #tpu.memory_space<hbm>>) target(%dma_start3A_809 : memref<48xi32, #tpu.memory_space<vmem>>) target_semaphore(%arg25 : memref<!tpu.dma_semaphore, #tpu.memory_space<semaphore_mem>>)
      %add3A_811 = arith.constant 3 : i32
      %add3A_812 = arith.addi %mul3A_308, %add3A_811 : i32
      %add3A_813 = arith.constant 6 : i32
      %add3A_814 = arith.addi %add3A_812, %add3A_813 : i32
      %jit3A_815 = arith.constant 216 : i32
      %eq3A_816 = arith.constant 0 : i32
      %eq3A_817 = arith.cmpi eq, %jit3A_815, %eq3A_816 : i32
      %jit3A_818 = arith.constant 1 : i32
      %select_n3A_819 = arith.select %eq3A_817, %jit3A_818, %jit3A_815 : i32
      %rem3A_820 = arith.remsi %add3A_814, %select_n3A_819 : i32
      %ne3A_821 = arith.constant 0 : i32
      %ne3A_822 = arith.cmpi ne, %rem3A_820, %ne3A_821 : i32
      %lt3A_823 = arith.constant 0 : i32
      %lt3A_824 = arith.cmpi slt, %rem3A_820, %lt3A_823 : i32
      %lt3A_825 = arith.constant 0 : i32
      %lt3A_826 = arith.cmpi slt, %select_n3A_819, %lt3A_825 : i32
      %ne3A_827 = arith.xori %lt3A_824, %lt3A_826 : i1
      %and3A_828 = arith.andi %ne3A_827, %ne3A_822 : i1
      %add3A_829 = arith.addi %rem3A_820, %select_n3A_819 : i32
      %select_n3A_830 = arith.select %and3A_828, %add3A_829, %rem3A_820 : i32
      %mul3A_831 = arith.constant 48 : i32
      %mul3A_832 = arith.muli %select_n3A_830, %mul3A_831 : i32
      %dma_start3A_833 = arith.constant 3 : i32
      %dma_start3A_834 = arith.constant 0 : i32
      %dma_start3A_835 = arith.constant 0 : i32
      %dma_start3A_836 = tpu.memref_slice %arg8[%dma_start3A_833, %dma_start3A_834, %dma_start3A_835] : memref<6x48x128xf32, #tpu.memory_space<vmem>> -> memref<1x48x128xf32, #tpu.memory_space<vmem>>
      %dma_start3A_837 = tpu.memref_squeeze %dma_start3A_836 : memref<1x48x128xf32, #tpu.memory_space<vmem>> -> memref<48x128xf32, #tpu.memory_space<vmem>>
      %dma_start3A_838 = tpu.memref_slice %arg6[%mul3A_832] : memref<10368xi32, #tpu.memory_space<vmem>> -> memref<48xi32, #tpu.memory_space<vmem>>
      %dma_start3A_839 = arith.constant 0 : i32
      %dma_start3A_840 = arith.constant 0 : i32
      %dma_start3A_841 = tpu.memref_slice %arg2[%dma_start3A_839, %dma_start3A_840] : memref<10000x128xf32, #tpu.memory_space<hbm>> -> memref<10000x128xf32, #tpu.memory_space<hbm>>
      tpu.enqueue_indirect_dma source(%dma_start3A_841 : memref<10000x128xf32, #tpu.memory_space<hbm>>) target(%dma_start3A_837 : memref<48x128xf32, #tpu.memory_space<vmem>>) offsets(%dma_start3A_838 : memref<48xi32, #tpu.memory_space<vmem>>) semaphore(%arg13 : memref<!tpu.dma_semaphore, #tpu.memory_space<semaphore_mem>>)
      %dma_wait3A_842 = arith.constant 4 : i32
      %dma_wait3A_843 = arith.constant 0 : i32
      %dma_wait3A_844 = arith.constant 0 : i32
      %dma_wait3A_845 = tpu.memref_slice %arg8[%dma_wait3A_842, %dma_wait3A_843, %dma_wait3A_844] : memref<6x48x128xf32, #tpu.memory_space<vmem>> -> memref<1x48x128xf32, #tpu.memory_space<vmem>>
      %dma_wait3A_846 = tpu.memref_squeeze %dma_wait3A_845 : memref<1x48x128xf32, #tpu.memory_space<vmem>> -> memref<48x128xf32, #tpu.memory_space<vmem>>
      %dma_wait3A_847 = arith.constant 0 : i32
      %dma_wait3A_848 = arith.constant 0 : i32
      %dma_wait3A_849 = tpu.memref_slice %arg2[%dma_wait3A_847, %dma_wait3A_848] : memref<10000x128xf32, #tpu.memory_space<hbm>> -> memref<48x128xf32, #tpu.memory_space<hbm>>
      %dma_wait3A_850 = arith.constant 0 : i32
      %dma_wait3A_851 = arith.constant 0 : i32
      %dma_wait3A_852 = tpu.memref_slice %arg8[%dma_wait3A_842, %dma_wait3A_850, %dma_wait3A_851] : memref<6x48x128xf32, #tpu.memory_space<vmem>> -> memref<1x48x128xf32, #tpu.memory_space<vmem>>
      %dma_wait3A_853 = tpu.memref_squeeze %dma_wait3A_852 : memref<1x48x128xf32, #tpu.memory_space<vmem>> -> memref<48x128xf32, #tpu.memory_space<vmem>>
      %dma_wait3A_854 = arith.constant 0 : i32
      %dma_wait3A_855 = arith.constant 0 : i32
      %dma_wait3A_856 = tpu.memref_slice %arg2[%dma_wait3A_854, %dma_wait3A_855] : memref<10000x128xf32, #tpu.memory_space<hbm>> -> memref<48x128xf32, #tpu.memory_space<hbm>>
      tpu.wait_dma2 semaphore(%arg20 : memref<!tpu.dma_semaphore, #tpu.memory_space<semaphore_mem>>) src(%dma_wait3A_856 : memref<48x128xf32, #tpu.memory_space<hbm>>) dst(%dma_wait3A_853 : memref<48x128xf32, #tpu.memory_space<vmem>>)
      %add3A_857 = arith.constant 4 : i32
      %add3A_858 = arith.addi %mul3A_308, %add3A_857 : i32
      %add3A_859 = arith.constant 6 : i32
      %add3A_860 = arith.addi %add3A_858, %add3A_859 : i32
      %jit3A_861 = arith.constant 216 : i32
      %eq3A_862 = arith.constant 0 : i32
      %eq3A_863 = arith.cmpi eq, %jit3A_861, %eq3A_862 : i32
      %jit3A_864 = arith.constant 1 : i32
      %select_n3A_865 = arith.select %eq3A_863, %jit3A_864, %jit3A_861 : i32
      %rem3A_866 = arith.remsi %add3A_860, %select_n3A_865 : i32
      %ne3A_867 = arith.constant 0 : i32
      %ne3A_868 = arith.cmpi ne, %rem3A_866, %ne3A_867 : i32
      %lt3A_869 = arith.constant 0 : i32
      %lt3A_870 = arith.cmpi slt, %rem3A_866, %lt3A_869 : i32
      %lt3A_871 = arith.constant 0 : i32
      %lt3A_872 = arith.cmpi slt, %select_n3A_865, %lt3A_871 : i32
      %ne3A_873 = arith.xori %lt3A_870, %lt3A_872 : i1
      %and3A_874 = arith.andi %ne3A_873, %ne3A_868 : i1
      %add3A_875 = arith.addi %rem3A_866, %select_n3A_865 : i32
      %select_n3A_876 = arith.select %and3A_874, %add3A_875, %rem3A_866 : i32
      %mul3A_877 = arith.constant 48 : i32
      %mul3A_878 = arith.muli %select_n3A_876, %mul3A_877 : i32
      %add3A_879 = arith.addi %mul3A_2, %mul3A_878 : i32
      %dma_start3A_880 = arith.constant 4 : i32
      %dma_start3A_881 = arith.constant 0 : i32
      %dma_start3A_882 = tpu.memref_slice %arg7[%dma_start3A_880, %dma_start3A_881] : memref<6x48xi32, #tpu.memory_space<vmem>> -> memref<1x48xi32, #tpu.memory_space<vmem>>
      %dma_start3A_883 = tpu.memref_squeeze %dma_start3A_882 : memref<1x48xi32, #tpu.memory_space<vmem>> -> memref<48xi32, #tpu.memory_space<vmem>>
      %dma_start3A_884 = tpu.memref_slice %arg4[%add3A_879] : memref<331776xi32, #tpu.memory_space<hbm>> -> memref<48xi32, #tpu.memory_space<hbm>>
      %dma_start3A_885 = arith.constant 0 : i32
      %dma_start3A_886 = tpu.memref_slice %arg7[%dma_start3A_880, %dma_start3A_885] : memref<6x48xi32, #tpu.memory_space<vmem>> -> memref<1x48xi32, #tpu.memory_space<vmem>>
      %dma_start3A_887 = tpu.memref_squeeze %dma_start3A_886 : memref<1x48xi32, #tpu.memory_space<vmem>> -> memref<48xi32, #tpu.memory_space<vmem>>
      %dma_start3A_888 = tpu.memref_slice %arg4[%add3A_879] : memref<331776xi32, #tpu.memory_space<hbm>> -> memref<48xi32, #tpu.memory_space<hbm>>
      tpu.enqueue_dma source(%dma_start3A_888 : memref<48xi32, #tpu.memory_space<hbm>>) target(%dma_start3A_887 : memref<48xi32, #tpu.memory_space<vmem>>) target_semaphore(%arg26 : memref<!tpu.dma_semaphore, #tpu.memory_space<semaphore_mem>>)
      %add3A_889 = arith.constant 4 : i32
      %add3A_890 = arith.addi %mul3A_308, %add3A_889 : i32
      %add3A_891 = arith.constant 6 : i32
      %add3A_892 = arith.addi %add3A_890, %add3A_891 : i32
      %jit3A_893 = arith.constant 216 : i32
      %eq3A_894 = arith.constant 0 : i32
      %eq3A_895 = arith.cmpi eq, %jit3A_893, %eq3A_894 : i32
      %jit3A_896 = arith.constant 1 : i32
      %select_n3A_897 = arith.select %eq3A_895, %jit3A_896, %jit3A_893 : i32
      %rem3A_898 = arith.remsi %add3A_892, %select_n3A_897 : i32
      %ne3A_899 = arith.constant 0 : i32
      %ne3A_900 = arith.cmpi ne, %rem3A_898, %ne3A_899 : i32
      %lt3A_901 = arith.constant 0 : i32
      %lt3A_902 = arith.cmpi slt, %rem3A_898, %lt3A_901 : i32
      %lt3A_903 = arith.constant 0 : i32
      %lt3A_904 = arith.cmpi slt, %select_n3A_897, %lt3A_903 : i32
      %ne3A_905 = arith.xori %lt3A_902, %lt3A_904 : i1
      %and3A_906 = arith.andi %ne3A_905, %ne3A_900 : i1
      %add3A_907 = arith.addi %rem3A_898, %select_n3A_897 : i32
      %select_n3A_908 = arith.select %and3A_906, %add3A_907, %rem3A_898 : i32
      %mul3A_909 = arith.constant 48 : i32
      %mul3A_910 = arith.muli %select_n3A_908, %mul3A_909 : i32
      %dma_start3A_911 = arith.constant 4 : i32
      %dma_start3A_912 = arith.constant 0 : i32
      %dma_start3A_913 = arith.constant 0 : i32
      %dma_start3A_914 = tpu.memref_slice %arg8[%dma_start3A_911, %dma_start3A_912, %dma_start3A_913] : memref<6x48x128xf32, #tpu.memory_space<vmem>> -> memref<1x48x128xf32, #tpu.memory_space<vmem>>
      %dma_start3A_915 = tpu.memref_squeeze %dma_start3A_914 : memref<1x48x128xf32, #tpu.memory_space<vmem>> -> memref<48x128xf32, #tpu.memory_space<vmem>>
      %dma_start3A_916 = tpu.memref_slice %arg6[%mul3A_910] : memref<10368xi32, #tpu.memory_space<vmem>> -> memref<48xi32, #tpu.memory_space<vmem>>
      %dma_start3A_917 = arith.constant 0 : i32
      %dma_start3A_918 = arith.constant 0 : i32
      %dma_start3A_919 = tpu.memref_slice %arg2[%dma_start3A_917, %dma_start3A_918] : memref<10000x128xf32, #tpu.memory_space<hbm>> -> memref<10000x128xf32, #tpu.memory_space<hbm>>
      tpu.enqueue_indirect_dma source(%dma_start3A_919 : memref<10000x128xf32, #tpu.memory_space<hbm>>) target(%dma_start3A_915 : memref<48x128xf32, #tpu.memory_space<vmem>>) offsets(%dma_start3A_916 : memref<48xi32, #tpu.memory_space<vmem>>) semaphore(%arg14 : memref<!tpu.dma_semaphore, #tpu.memory_space<semaphore_mem>>)
      %dma_wait3A_920 = arith.constant 5 : i32
      %dma_wait3A_921 = arith.constant 0 : i32
      %dma_wait3A_922 = arith.constant 0 : i32
      %dma_wait3A_923 = tpu.memref_slice %arg8[%dma_wait3A_920, %dma_wait3A_921, %dma_wait3A_922] : memref<6x48x128xf32, #tpu.memory_space<vmem>> -> memref<1x48x128xf32, #tpu.memory_space<vmem>>
      %dma_wait3A_924 = tpu.memref_squeeze %dma_wait3A_923 : memref<1x48x128xf32, #tpu.memory_space<vmem>> -> memref<48x128xf32, #tpu.memory_space<vmem>>
      %dma_wait3A_925 = arith.constant 0 : i32
      %dma_wait3A_926 = arith.constant 0 : i32
      %dma_wait3A_927 = tpu.memref_slice %arg2[%dma_wait3A_925, %dma_wait3A_926] : memref<10000x128xf32, #tpu.memory_space<hbm>> -> memref<48x128xf32, #tpu.memory_space<hbm>>
      %dma_wait3A_928 = arith.constant 0 : i32
      %dma_wait3A_929 = arith.constant 0 : i32
      %dma_wait3A_930 = tpu.memref_slice %arg8[%dma_wait3A_920, %dma_wait3A_928, %dma_wait3A_929] : memref<6x48x128xf32, #tpu.memory_space<vmem>> -> memref<1x48x128xf32, #tpu.memory_space<vmem>>
      %dma_wait3A_931 = tpu.memref_squeeze %dma_wait3A_930 : memref<1x48x128xf32, #tpu.memory_space<vmem>> -> memref<48x128xf32, #tpu.memory_space<vmem>>
      %dma_wait3A_932 = arith.constant 0 : i32
      %dma_wait3A_933 = arith.constant 0 : i32
      %dma_wait3A_934 = tpu.memref_slice %arg2[%dma_wait3A_932, %dma_wait3A_933] : memref<10000x128xf32, #tpu.memory_space<hbm>> -> memref<48x128xf32, #tpu.memory_space<hbm>>
      tpu.wait_dma2 semaphore(%arg21 : memref<!tpu.dma_semaphore, #tpu.memory_space<semaphore_mem>>) src(%dma_wait3A_934 : memref<48x128xf32, #tpu.memory_space<hbm>>) dst(%dma_wait3A_931 : memref<48x128xf32, #tpu.memory_space<vmem>>)
      %add3A_935 = arith.constant 5 : i32
      %add3A_936 = arith.addi %mul3A_308, %add3A_935 : i32
      %add3A_937 = arith.constant 6 : i32
      %add3A_938 = arith.addi %add3A_936, %add3A_937 : i32
      %jit3A_939 = arith.constant 216 : i32
      %eq3A_940 = arith.constant 0 : i32
      %eq3A_941 = arith.cmpi eq, %jit3A_939, %eq3A_940 : i32
      %jit3A_942 = arith.constant 1 : i32
      %select_n3A_943 = arith.select %eq3A_941, %jit3A_942, %jit3A_939 : i32
      %rem3A_944 = arith.remsi %add3A_938, %select_n3A_943 : i32
      %ne3A_945 = arith.constant 0 : i32
      %ne3A_946 = arith.cmpi ne, %rem3A_944, %ne3A_945 : i32
      %lt3A_947 = arith.constant 0 : i32
      %lt3A_948 = arith.cmpi slt, %rem3A_944, %lt3A_947 : i32
      %lt3A_949 = arith.constant 0 : i32
      %lt3A_950 = arith.cmpi slt, %select_n3A_943, %lt3A_949 : i32
      %ne3A_951 = arith.xori %lt3A_948, %lt3A_950 : i1
      %and3A_952 = arith.andi %ne3A_951, %ne3A_946 : i1
      %add3A_953 = arith.addi %rem3A_944, %select_n3A_943 : i32
      %select_n3A_954 = arith.select %and3A_952, %add3A_953, %rem3A_944 : i32
      %mul3A_955 = arith.constant 48 : i32
      %mul3A_956 = arith.muli %select_n3A_954, %mul3A_955 : i32
      %add3A_957 = arith.addi %mul3A_2, %mul3A_956 : i32
      %dma_start3A_958 = arith.constant 5 : i32
      %dma_start3A_959 = arith.constant 0 : i32
      %dma_start3A_960 = tpu.memref_slice %arg7[%dma_start3A_958, %dma_start3A_959] : memref<6x48xi32, #tpu.memory_space<vmem>> -> memref<1x48xi32, #tpu.memory_space<vmem>>
      %dma_start3A_961 = tpu.memref_squeeze %dma_start3A_960 : memref<1x48xi32, #tpu.memory_space<vmem>> -> memref<48xi32, #tpu.memory_space<vmem>>
      %dma_start3A_962 = tpu.memref_slice %arg4[%add3A_957] : memref<331776xi32, #tpu.memory_space<hbm>> -> memref<48xi32, #tpu.memory_space<hbm>>
      %dma_start3A_963 = arith.constant 0 : i32
      %dma_start3A_964 = tpu.memref_slice %arg7[%dma_start3A_958, %dma_start3A_963] : memref<6x48xi32, #tpu.memory_space<vmem>> -> memref<1x48xi32, #tpu.memory_space<vmem>>
      %dma_start3A_965 = tpu.memref_squeeze %dma_start3A_964 : memref<1x48xi32, #tpu.memory_space<vmem>> -> memref<48xi32, #tpu.memory_space<vmem>>
      %dma_start3A_966 = tpu.memref_slice %arg4[%add3A_957] : memref<331776xi32, #tpu.memory_space<hbm>> -> memref<48xi32, #tpu.memory_space<hbm>>
      tpu.enqueue_dma source(%dma_start3A_966 : memref<48xi32, #tpu.memory_space<hbm>>) target(%dma_start3A_965 : memref<48xi32, #tpu.memory_space<vmem>>) target_semaphore(%arg27 : memref<!tpu.dma_semaphore, #tpu.memory_space<semaphore_mem>>)
      %add3A_967 = arith.constant 5 : i32
      %add3A_968 = arith.addi %mul3A_308, %add3A_967 : i32
      %add3A_969 = arith.constant 6 : i32
      %add3A_970 = arith.addi %add3A_968, %add3A_969 : i32
      %jit3A_971 = arith.constant 216 : i32
      %eq3A_972 = arith.constant 0 : i32
      %eq3A_973 = arith.cmpi eq, %jit3A_971, %eq3A_972 : i32
      %jit3A_974 = arith.constant 1 : i32
      %select_n3A_975 = arith.select %eq3A_973, %jit3A_974, %jit3A_971 : i32
      %rem3A_976 = arith.remsi %add3A_970, %select_n3A_975 : i32
      %ne3A_977 = arith.constant 0 : i32
      %ne3A_978 = arith.cmpi ne, %rem3A_976, %ne3A_977 : i32
      %lt3A_979 = arith.constant 0 : i32
      %lt3A_980 = arith.cmpi slt, %rem3A_976, %lt3A_979 : i32
      %lt3A_981 = arith.constant 0 : i32
      %lt3A_982 = arith.cmpi slt, %select_n3A_975, %lt3A_981 : i32
      %ne3A_983 = arith.xori %lt3A_980, %lt3A_982 : i1
      %and3A_984 = arith.andi %ne3A_983, %ne3A_978 : i1
      %add3A_985 = arith.addi %rem3A_976, %select_n3A_975 : i32
      %select_n3A_986 = arith.select %and3A_984, %add3A_985, %rem3A_976 : i32
      %mul3A_987 = arith.constant 48 : i32
      %mul3A_988 = arith.muli %select_n3A_986, %mul3A_987 : i32
      %dma_start3A_989 = arith.constant 5 : i32
      %dma_start3A_990 = arith.constant 0 : i32
      %dma_start3A_991 = arith.constant 0 : i32
      %dma_start3A_992 = tpu.memref_slice %arg8[%dma_start3A_989, %dma_start3A_990, %dma_start3A_991] : memref<6x48x128xf32, #tpu.memory_space<vmem>> -> memref<1x48x128xf32, #tpu.memory_space<vmem>>
      %dma_start3A_993 = tpu.memref_squeeze %dma_start3A_992 : memref<1x48x128xf32, #tpu.memory_space<vmem>> -> memref<48x128xf32, #tpu.memory_space<vmem>>
      %dma_start3A_994 = tpu.memref_slice %arg6[%mul3A_988] : memref<10368xi32, #tpu.memory_space<vmem>> -> memref<48xi32, #tpu.memory_space<vmem>>
      %dma_start3A_995 = arith.constant 0 : i32
      %dma_start3A_996 = arith.constant 0 : i32
      %dma_start3A_997 = tpu.memref_slice %arg2[%dma_start3A_995, %dma_start3A_996] : memref<10000x128xf32, #tpu.memory_space<hbm>> -> memref<10000x128xf32, #tpu.memory_space<hbm>>
      tpu.enqueue_indirect_dma source(%dma_start3A_997 : memref<10000x128xf32, #tpu.memory_space<hbm>>) target(%dma_start3A_993 : memref<48x128xf32, #tpu.memory_space<vmem>>) offsets(%dma_start3A_994 : memref<48xi32, #tpu.memory_space<vmem>>) semaphore(%arg15 : memref<!tpu.dma_semaphore, #tpu.memory_space<semaphore_mem>>)
    }
    %scan3A_145 = arith.constant 36 : i32
    %dma_wait3A = arith.constant 0 : i32
    %dma_wait3A_146 = arith.constant 0 : i32
    %dma_wait3A_147 = arith.constant 0 : i32
    %dma_wait3A_148 = tpu.memref_slice %arg8[%dma_wait3A, %dma_wait3A_146, %dma_wait3A_147] : memref<6x48x128xf32, #tpu.memory_space<vmem>> -> memref<1x48x128xf32, #tpu.memory_space<vmem>>
    %dma_wait3A_149 = tpu.memref_squeeze %dma_wait3A_148 : memref<1x48x128xf32, #tpu.memory_space<vmem>> -> memref<48x128xf32, #tpu.memory_space<vmem>>
    %dma_wait3A_150 = arith.constant 0 : i32
    %dma_wait3A_151 = arith.constant 0 : i32
    %dma_wait3A_152 = tpu.memref_slice %arg2[%dma_wait3A_150, %dma_wait3A_151] : memref<10000x128xf32, #tpu.memory_space<hbm>> -> memref<48x128xf32, #tpu.memory_space<hbm>>
    %dma_wait3A_153 = arith.constant 0 : i32
    %dma_wait3A_154 = arith.constant 0 : i32
    %dma_wait3A_155 = tpu.memref_slice %arg8[%dma_wait3A, %dma_wait3A_153, %dma_wait3A_154] : memref<6x48x128xf32, #tpu.memory_space<vmem>> -> memref<1x48x128xf32, #tpu.memory_space<vmem>>
    %dma_wait3A_156 = tpu.memref_squeeze %dma_wait3A_155 : memref<1x48x128xf32, #tpu.memory_space<vmem>> -> memref<48x128xf32, #tpu.memory_space<vmem>>
    %dma_wait3A_157 = arith.constant 0 : i32
    %dma_wait3A_158 = arith.constant 0 : i32
    %dma_wait3A_159 = tpu.memref_slice %arg2[%dma_wait3A_157, %dma_wait3A_158] : memref<10000x128xf32, #tpu.memory_space<hbm>> -> memref<48x128xf32, #tpu.memory_space<hbm>>
    tpu.wait_dma2 semaphore(%arg10 : memref<!tpu.dma_semaphore, #tpu.memory_space<semaphore_mem>>) src(%dma_wait3A_159 : memref<48x128xf32, #tpu.memory_space<hbm>>) dst(%dma_wait3A_156 : memref<48x128xf32, #tpu.memory_space<vmem>>)
    %dma_wait3A_160 = arith.constant 0 : i32
    %dma_wait3A_161 = arith.constant 0 : i32
    %dma_wait3A_162 = tpu.memref_slice %arg7[%dma_wait3A_160, %dma_wait3A_161] : memref<6x48xi32, #tpu.memory_space<vmem>> -> memref<1x48xi32, #tpu.memory_space<vmem>>
    %dma_wait3A_163 = tpu.memref_squeeze %dma_wait3A_162 : memref<1x48xi32, #tpu.memory_space<vmem>> -> memref<48xi32, #tpu.memory_space<vmem>>
    %dma_wait3A_164 = arith.constant 0 : i32
    %dma_wait3A_165 = tpu.memref_slice %arg4[%dma_wait3A_164] : memref<331776xi32, #tpu.memory_space<hbm>> -> memref<48xi32, #tpu.memory_space<hbm>>
    %dma_wait3A_166 = arith.constant 0 : i32
    %dma_wait3A_167 = tpu.memref_slice %arg7[%dma_wait3A_160, %dma_wait3A_166] : memref<6x48xi32, #tpu.memory_space<vmem>> -> memref<1x48xi32, #tpu.memory_space<vmem>>
    %dma_wait3A_168 = tpu.memref_squeeze %dma_wait3A_167 : memref<1x48xi32, #tpu.memory_space<vmem>> -> memref<48xi32, #tpu.memory_space<vmem>>
    %dma_wait3A_169 = arith.constant 0 : i32
    %dma_wait3A_170 = tpu.memref_slice %arg4[%dma_wait3A_169] : memref<331776xi32, #tpu.memory_space<hbm>> -> memref<48xi32, #tpu.memory_space<hbm>>
    tpu.wait_dma2 semaphore(%arg22 : memref<!tpu.dma_semaphore, #tpu.memory_space<semaphore_mem>>) src(%dma_wait3A_170 : memref<48xi32, #tpu.memory_space<hbm>>) dst(%dma_wait3A_168 : memref<48xi32, #tpu.memory_space<vmem>>)
    %dma_wait3A_171 = arith.constant 1 : i32
    %dma_wait3A_172 = arith.constant 0 : i32
    %dma_wait3A_173 = arith.constant 0 : i32
    %dma_wait3A_174 = tpu.memref_slice %arg8[%dma_wait3A_171, %dma_wait3A_172, %dma_wait3A_173] : memref<6x48x128xf32, #tpu.memory_space<vmem>> -> memref<1x48x128xf32, #tpu.memory_space<vmem>>
    %dma_wait3A_175 = tpu.memref_squeeze %dma_wait3A_174 : memref<1x48x128xf32, #tpu.memory_space<vmem>> -> memref<48x128xf32, #tpu.memory_space<vmem>>
    %dma_wait3A_176 = arith.constant 0 : i32
    %dma_wait3A_177 = arith.constant 0 : i32
    %dma_wait3A_178 = tpu.memref_slice %arg2[%dma_wait3A_176, %dma_wait3A_177] : memref<10000x128xf32, #tpu.memory_space<hbm>> -> memref<48x128xf32, #tpu.memory_space<hbm>>
    %dma_wait3A_179 = arith.constant 0 : i32
    %dma_wait3A_180 = arith.constant 0 : i32
    %dma_wait3A_181 = tpu.memref_slice %arg8[%dma_wait3A_171, %dma_wait3A_179, %dma_wait3A_180] : memref<6x48x128xf32, #tpu.memory_space<vmem>> -> memref<1x48x128xf32, #tpu.memory_space<vmem>>
    %dma_wait3A_182 = tpu.memref_squeeze %dma_wait3A_181 : memref<1x48x128xf32, #tpu.memory_space<vmem>> -> memref<48x128xf32, #tpu.memory_space<vmem>>
    %dma_wait3A_183 = arith.constant 0 : i32
    %dma_wait3A_184 = arith.constant 0 : i32
    %dma_wait3A_185 = tpu.memref_slice %arg2[%dma_wait3A_183, %dma_wait3A_184] : memref<10000x128xf32, #tpu.memory_space<hbm>> -> memref<48x128xf32, #tpu.memory_space<hbm>>
    tpu.wait_dma2 semaphore(%arg11 : memref<!tpu.dma_semaphore, #tpu.memory_space<semaphore_mem>>) src(%dma_wait3A_185 : memref<48x128xf32, #tpu.memory_space<hbm>>) dst(%dma_wait3A_182 : memref<48x128xf32, #tpu.memory_space<vmem>>)
    %dma_wait3A_186 = arith.constant 1 : i32
    %dma_wait3A_187 = arith.constant 0 : i32
    %dma_wait3A_188 = tpu.memref_slice %arg7[%dma_wait3A_186, %dma_wait3A_187] : memref<6x48xi32, #tpu.memory_space<vmem>> -> memref<1x48xi32, #tpu.memory_space<vmem>>
    %dma_wait3A_189 = tpu.memref_squeeze %dma_wait3A_188 : memref<1x48xi32, #tpu.memory_space<vmem>> -> memref<48xi32, #tpu.memory_space<vmem>>
    %dma_wait3A_190 = arith.constant 0 : i32
    %dma_wait3A_191 = tpu.memref_slice %arg4[%dma_wait3A_190] : memref<331776xi32, #tpu.memory_space<hbm>> -> memref<48xi32, #tpu.memory_space<hbm>>
    %dma_wait3A_192 = arith.constant 0 : i32
    %dma_wait3A_193 = tpu.memref_slice %arg7[%dma_wait3A_186, %dma_wait3A_192] : memref<6x48xi32, #tpu.memory_space<vmem>> -> memref<1x48xi32, #tpu.memory_space<vmem>>
    %dma_wait3A_194 = tpu.memref_squeeze %dma_wait3A_193 : memref<1x48xi32, #tpu.memory_space<vmem>> -> memref<48xi32, #tpu.memory_space<vmem>>
    %dma_wait3A_195 = arith.constant 0 : i32
    %dma_wait3A_196 = tpu.memref_slice %arg4[%dma_wait3A_195] : memref<331776xi32, #tpu.memory_space<hbm>> -> memref<48xi32, #tpu.memory_space<hbm>>
    tpu.wait_dma2 semaphore(%arg23 : memref<!tpu.dma_semaphore, #tpu.memory_space<semaphore_mem>>) src(%dma_wait3A_196 : memref<48xi32, #tpu.memory_space<hbm>>) dst(%dma_wait3A_194 : memref<48xi32, #tpu.memory_space<vmem>>)
    %dma_wait3A_197 = arith.constant 2 : i32
    %dma_wait3A_198 = arith.constant 0 : i32
    %dma_wait3A_199 = arith.constant 0 : i32
    %dma_wait3A_200 = tpu.memref_slice %arg8[%dma_wait3A_197, %dma_wait3A_198, %dma_wait3A_199] : memref<6x48x128xf32, #tpu.memory_space<vmem>> -> memref<1x48x128xf32, #tpu.memory_space<vmem>>
    %dma_wait3A_201 = tpu.memref_squeeze %dma_wait3A_200 : memref<1x48x128xf32, #tpu.memory_space<vmem>> -> memref<48x128xf32, #tpu.memory_space<vmem>>
    %dma_wait3A_202 = arith.constant 0 : i32
    %dma_wait3A_203 = arith.constant 0 : i32
    %dma_wait3A_204 = tpu.memref_slice %arg2[%dma_wait3A_202, %dma_wait3A_203] : memref<10000x128xf32, #tpu.memory_space<hbm>> -> memref<48x128xf32, #tpu.memory_space<hbm>>
    %dma_wait3A_205 = arith.constant 0 : i32
    %dma_wait3A_206 = arith.constant 0 : i32
    %dma_wait3A_207 = tpu.memref_slice %arg8[%dma_wait3A_197, %dma_wait3A_205, %dma_wait3A_206] : memref<6x48x128xf32, #tpu.memory_space<vmem>> -> memref<1x48x128xf32, #tpu.memory_space<vmem>>
    %dma_wait3A_208 = tpu.memref_squeeze %dma_wait3A_207 : memref<1x48x128xf32, #tpu.memory_space<vmem>> -> memref<48x128xf32, #tpu.memory_space<vmem>>
    %dma_wait3A_209 = arith.constant 0 : i32
    %dma_wait3A_210 = arith.constant 0 : i32
    %dma_wait3A_211 = tpu.memref_slice %arg2[%dma_wait3A_209, %dma_wait3A_210] : memref<10000x128xf32, #tpu.memory_space<hbm>> -> memref<48x128xf32, #tpu.memory_space<hbm>>
    tpu.wait_dma2 semaphore(%arg12 : memref<!tpu.dma_semaphore, #tpu.memory_space<semaphore_mem>>) src(%dma_wait3A_211 : memref<48x128xf32, #tpu.memory_space<hbm>>) dst(%dma_wait3A_208 : memref<48x128xf32, #tpu.memory_space<vmem>>)
    %dma_wait3A_212 = arith.constant 2 : i32
    %dma_wait3A_213 = arith.constant 0 : i32
    %dma_wait3A_214 = tpu.memref_slice %arg7[%dma_wait3A_212, %dma_wait3A_213] : memref<6x48xi32, #tpu.memory_space<vmem>> -> memref<1x48xi32, #tpu.memory_space<vmem>>
    %dma_wait3A_215 = tpu.memref_squeeze %dma_wait3A_214 : memref<1x48xi32, #tpu.memory_space<vmem>> -> memref<48xi32, #tpu.memory_space<vmem>>
    %dma_wait3A_216 = arith.constant 0 : i32
    %dma_wait3A_217 = tpu.memref_slice %arg4[%dma_wait3A_216] : memref<331776xi32, #tpu.memory_space<hbm>> -> memref<48xi32, #tpu.memory_space<hbm>>
    %dma_wait3A_218 = arith.constant 0 : i32
    %dma_wait3A_219 = tpu.memref_slice %arg7[%dma_wait3A_212, %dma_wait3A_218] : memref<6x48xi32, #tpu.memory_space<vmem>> -> memref<1x48xi32, #tpu.memory_space<vmem>>
    %dma_wait3A_220 = tpu.memref_squeeze %dma_wait3A_219 : memref<1x48xi32, #tpu.memory_space<vmem>> -> memref<48xi32, #tpu.memory_space<vmem>>
    %dma_wait3A_221 = arith.constant 0 : i32
    %dma_wait3A_222 = tpu.memref_slice %arg4[%dma_wait3A_221] : memref<331776xi32, #tpu.memory_space<hbm>> -> memref<48xi32, #tpu.memory_space<hbm>>
    tpu.wait_dma2 semaphore(%arg24 : memref<!tpu.dma_semaphore, #tpu.memory_space<semaphore_mem>>) src(%dma_wait3A_222 : memref<48xi32, #tpu.memory_space<hbm>>) dst(%dma_wait3A_220 : memref<48xi32, #tpu.memory_space<vmem>>)
    %dma_wait3A_223 = arith.constant 3 : i32
    %dma_wait3A_224 = arith.constant 0 : i32
    %dma_wait3A_225 = arith.constant 0 : i32
    %dma_wait3A_226 = tpu.memref_slice %arg8[%dma_wait3A_223, %dma_wait3A_224, %dma_wait3A_225] : memref<6x48x128xf32, #tpu.memory_space<vmem>> -> memref<1x48x128xf32, #tpu.memory_space<vmem>>
    %dma_wait3A_227 = tpu.memref_squeeze %dma_wait3A_226 : memref<1x48x128xf32, #tpu.memory_space<vmem>> -> memref<48x128xf32, #tpu.memory_space<vmem>>
    %dma_wait3A_228 = arith.constant 0 : i32
    %dma_wait3A_229 = arith.constant 0 : i32
    %dma_wait3A_230 = tpu.memref_slice %arg2[%dma_wait3A_228, %dma_wait3A_229] : memref<10000x128xf32, #tpu.memory_space<hbm>> -> memref<48x128xf32, #tpu.memory_space<hbm>>
    %dma_wait3A_231 = arith.constant 0 : i32
    %dma_wait3A_232 = arith.constant 0 : i32
    %dma_wait3A_233 = tpu.memref_slice %arg8[%dma_wait3A_223, %dma_wait3A_231, %dma_wait3A_232] : memref<6x48x128xf32, #tpu.memory_space<vmem>> -> memref<1x48x128xf32, #tpu.memory_space<vmem>>
    %dma_wait3A_234 = tpu.memref_squeeze %dma_wait3A_233 : memref<1x48x128xf32, #tpu.memory_space<vmem>> -> memref<48x128xf32, #tpu.memory_space<vmem>>
    %dma_wait3A_235 = arith.constant 0 : i32
    %dma_wait3A_236 = arith.constant 0 : i32
    %dma_wait3A_237 = tpu.memref_slice %arg2[%dma_wait3A_235, %dma_wait3A_236] : memref<10000x128xf32, #tpu.memory_space<hbm>> -> memref<48x128xf32, #tpu.memory_space<hbm>>
    tpu.wait_dma2 semaphore(%arg13 : memref<!tpu.dma_semaphore, #tpu.memory_space<semaphore_mem>>) src(%dma_wait3A_237 : memref<48x128xf32, #tpu.memory_space<hbm>>) dst(%dma_wait3A_234 : memref<48x128xf32, #tpu.memory_space<vmem>>)
    %dma_wait3A_238 = arith.constant 3 : i32
    %dma_wait3A_239 = arith.constant 0 : i32
    %dma_wait3A_240 = tpu.memref_slice %arg7[%dma_wait3A_238, %dma_wait3A_239] : memref<6x48xi32, #tpu.memory_space<vmem>> -> memref<1x48xi32, #tpu.memory_space<vmem>>
    %dma_wait3A_241 = tpu.memref_squeeze %dma_wait3A_240 : memref<1x48xi32, #tpu.memory_space<vmem>> -> memref<48xi32, #tpu.memory_space<vmem>>
    %dma_wait3A_242 = arith.constant 0 : i32
    %dma_wait3A_243 = tpu.memref_slice %arg4[%dma_wait3A_242] : memref<331776xi32, #tpu.memory_space<hbm>> -> memref<48xi32, #tpu.memory_space<hbm>>
    %dma_wait3A_244 = arith.constant 0 : i32
    %dma_wait3A_245 = tpu.memref_slice %arg7[%dma_wait3A_238, %dma_wait3A_244] : memref<6x48xi32, #tpu.memory_space<vmem>> -> memref<1x48xi32, #tpu.memory_space<vmem>>
    %dma_wait3A_246 = tpu.memref_squeeze %dma_wait3A_245 : memref<1x48xi32, #tpu.memory_space<vmem>> -> memref<48xi32, #tpu.memory_space<vmem>>
    %dma_wait3A_247 = arith.constant 0 : i32
    %dma_wait3A_248 = tpu.memref_slice %arg4[%dma_wait3A_247] : memref<331776xi32, #tpu.memory_space<hbm>> -> memref<48xi32, #tpu.memory_space<hbm>>
    tpu.wait_dma2 semaphore(%arg25 : memref<!tpu.dma_semaphore, #tpu.memory_space<semaphore_mem>>) src(%dma_wait3A_248 : memref<48xi32, #tpu.memory_space<hbm>>) dst(%dma_wait3A_246 : memref<48xi32, #tpu.memory_space<vmem>>)
    %dma_wait3A_249 = arith.constant 4 : i32
    %dma_wait3A_250 = arith.constant 0 : i32
    %dma_wait3A_251 = arith.constant 0 : i32
    %dma_wait3A_252 = tpu.memref_slice %arg8[%dma_wait3A_249, %dma_wait3A_250, %dma_wait3A_251] : memref<6x48x128xf32, #tpu.memory_space<vmem>> -> memref<1x48x128xf32, #tpu.memory_space<vmem>>
    %dma_wait3A_253 = tpu.memref_squeeze %dma_wait3A_252 : memref<1x48x128xf32, #tpu.memory_space<vmem>> -> memref<48x128xf32, #tpu.memory_space<vmem>>
    %dma_wait3A_254 = arith.constant 0 : i32
    %dma_wait3A_255 = arith.constant 0 : i32
    %dma_wait3A_256 = tpu.memref_slice %arg2[%dma_wait3A_254, %dma_wait3A_255] : memref<10000x128xf32, #tpu.memory_space<hbm>> -> memref<48x128xf32, #tpu.memory_space<hbm>>
    %dma_wait3A_257 = arith.constant 0 : i32
    %dma_wait3A_258 = arith.constant 0 : i32
    %dma_wait3A_259 = tpu.memref_slice %arg8[%dma_wait3A_249, %dma_wait3A_257, %dma_wait3A_258] : memref<6x48x128xf32, #tpu.memory_space<vmem>> -> memref<1x48x128xf32, #tpu.memory_space<vmem>>
    %dma_wait3A_260 = tpu.memref_squeeze %dma_wait3A_259 : memref<1x48x128xf32, #tpu.memory_space<vmem>> -> memref<48x128xf32, #tpu.memory_space<vmem>>
    %dma_wait3A_261 = arith.constant 0 : i32
    %dma_wait3A_262 = arith.constant 0 : i32
    %dma_wait3A_263 = tpu.memref_slice %arg2[%dma_wait3A_261, %dma_wait3A_262] : memref<10000x128xf32, #tpu.memory_space<hbm>> -> memref<48x128xf32, #tpu.memory_space<hbm>>
    tpu.wait_dma2 semaphore(%arg14 : memref<!tpu.dma_semaphore, #tpu.memory_space<semaphore_mem>>) src(%dma_wait3A_263 : memref<48x128xf32, #tpu.memory_space<hbm>>) dst(%dma_wait3A_260 : memref<48x128xf32, #tpu.memory_space<vmem>>)
    %dma_wait3A_264 = arith.constant 4 : i32
    %dma_wait3A_265 = arith.constant 0 : i32
    %dma_wait3A_266 = tpu.memref_slice %arg7[%dma_wait3A_264, %dma_wait3A_265] : memref<6x48xi32, #tpu.memory_space<vmem>> -> memref<1x48xi32, #tpu.memory_space<vmem>>
    %dma_wait3A_267 = tpu.memref_squeeze %dma_wait3A_266 : memref<1x48xi32, #tpu.memory_space<vmem>> -> memref<48xi32, #tpu.memory_space<vmem>>
    %dma_wait3A_268 = arith.constant 0 : i32
    %dma_wait3A_269 = tpu.memref_slice %arg4[%dma_wait3A_268] : memref<331776xi32, #tpu.memory_space<hbm>> -> memref<48xi32, #tpu.memory_space<hbm>>
    %dma_wait3A_270 = arith.constant 0 : i32
    %dma_wait3A_271 = tpu.memref_slice %arg7[%dma_wait3A_264, %dma_wait3A_270] : memref<6x48xi32, #tpu.memory_space<vmem>> -> memref<1x48xi32, #tpu.memory_space<vmem>>
    %dma_wait3A_272 = tpu.memref_squeeze %dma_wait3A_271 : memref<1x48xi32, #tpu.memory_space<vmem>> -> memref<48xi32, #tpu.memory_space<vmem>>
    %dma_wait3A_273 = arith.constant 0 : i32
    %dma_wait3A_274 = tpu.memref_slice %arg4[%dma_wait3A_273] : memref<331776xi32, #tpu.memory_space<hbm>> -> memref<48xi32, #tpu.memory_space<hbm>>
    tpu.wait_dma2 semaphore(%arg26 : memref<!tpu.dma_semaphore, #tpu.memory_space<semaphore_mem>>) src(%dma_wait3A_274 : memref<48xi32, #tpu.memory_space<hbm>>) dst(%dma_wait3A_272 : memref<48xi32, #tpu.memory_space<vmem>>)
    %dma_wait3A_275 = arith.constant 5 : i32
    %dma_wait3A_276 = arith.constant 0 : i32
    %dma_wait3A_277 = arith.constant 0 : i32
    %dma_wait3A_278 = tpu.memref_slice %arg8[%dma_wait3A_275, %dma_wait3A_276, %dma_wait3A_277] : memref<6x48x128xf32, #tpu.memory_space<vmem>> -> memref<1x48x128xf32, #tpu.memory_space<vmem>>
    %dma_wait3A_279 = tpu.memref_squeeze %dma_wait3A_278 : memref<1x48x128xf32, #tpu.memory_space<vmem>> -> memref<48x128xf32, #tpu.memory_space<vmem>>
    %dma_wait3A_280 = arith.constant 0 : i32
    %dma_wait3A_281 = arith.constant 0 : i32
    %dma_wait3A_282 = tpu.memref_slice %arg2[%dma_wait3A_280, %dma_wait3A_281] : memref<10000x128xf32, #tpu.memory_space<hbm>> -> memref<48x128xf32, #tpu.memory_space<hbm>>
    %dma_wait3A_283 = arith.constant 0 : i32
    %dma_wait3A_284 = arith.constant 0 : i32
    %dma_wait3A_285 = tpu.memref_slice %arg8[%dma_wait3A_275, %dma_wait3A_283, %dma_wait3A_284] : memref<6x48x128xf32, #tpu.memory_space<vmem>> -> memref<1x48x128xf32, #tpu.memory_space<vmem>>
    %dma_wait3A_286 = tpu.memref_squeeze %dma_wait3A_285 : memref<1x48x128xf32, #tpu.memory_space<vmem>> -> memref<48x128xf32, #tpu.memory_space<vmem>>
    %dma_wait3A_287 = arith.constant 0 : i32
    %dma_wait3A_288 = arith.constant 0 : i32
    %dma_wait3A_289 = tpu.memref_slice %arg2[%dma_wait3A_287, %dma_wait3A_288] : memref<10000x128xf32, #tpu.memory_space<hbm>> -> memref<48x128xf32, #tpu.memory_space<hbm>>
    tpu.wait_dma2 semaphore(%arg15 : memref<!tpu.dma_semaphore, #tpu.memory_space<semaphore_mem>>) src(%dma_wait3A_289 : memref<48x128xf32, #tpu.memory_space<hbm>>) dst(%dma_wait3A_286 : memref<48x128xf32, #tpu.memory_space<vmem>>)
    %dma_wait3A_290 = arith.constant 5 : i32
    %dma_wait3A_291 = arith.constant 0 : i32
    %dma_wait3A_292 = tpu.memref_slice %arg7[%dma_wait3A_290, %dma_wait3A_291] : memref<6x48xi32, #tpu.memory_space<vmem>> -> memref<1x48xi32, #tpu.memory_space<vmem>>
    %dma_wait3A_293 = tpu.memref_squeeze %dma_wait3A_292 : memref<1x48xi32, #tpu.memory_space<vmem>> -> memref<48xi32, #tpu.memory_space<vmem>>
    %dma_wait3A_294 = arith.constant 0 : i32
    %dma_wait3A_295 = tpu.memref_slice %arg4[%dma_wait3A_294] : memref<331776xi32, #tpu.memory_space<hbm>> -> memref<48xi32, #tpu.memory_space<hbm>>
    %dma_wait3A_296 = arith.constant 0 : i32
    %dma_wait3A_297 = tpu.memref_slice %arg7[%dma_wait3A_290, %dma_wait3A_296] : memref<6x48xi32, #tpu.memory_space<vmem>> -> memref<1x48xi32, #tpu.memory_space<vmem>>
    %dma_wait3A_298 = tpu.memref_squeeze %dma_wait3A_297 : memref<1x48xi32, #tpu.memory_space<vmem>> -> memref<48xi32, #tpu.memory_space<vmem>>
    %dma_wait3A_299 = arith.constant 0 : i32
    %dma_wait3A_300 = tpu.memref_slice %arg4[%dma_wait3A_299] : memref<331776xi32, #tpu.memory_space<hbm>> -> memref<48xi32, #tpu.memory_space<hbm>>
    tpu.wait_dma2 semaphore(%arg27 : memref<!tpu.dma_semaphore, #tpu.memory_space<semaphore_mem>>) src(%dma_wait3A_300 : memref<48xi32, #tpu.memory_space<hbm>>) dst(%dma_wait3A_298 : memref<48xi32, #tpu.memory_space<vmem>>)
    %barrier3A_301 = arith.constant 0 : index
    tpu.barrier barrier_id(%barrier3A_301)
    %mul3A_302 = arith.constant 640 : i32
    %mul3A_303 = arith.muli %arg1, %mul3A_302 : i32
    %mul3A_304 = arith.constant 640 : i32
    %mul3A_305 = arith.muli %arg1, %mul3A_304 : i32
    "tpu.region"() ({
      %run_scoped3A = tpu.sem_alloc : memref<!tpu.dma_semaphore, #tpu.memory_space<semaphore_mem>>
      %dma_start3A_306 = arith.constant 0 : i32
      %dma_start3A_307 = tpu.memref_slice %arg5[%arg0, %mul3A_305, %dma_start3A_306] : memref<2x10240x128xf32, #tpu.memory_space<hbm>> -> memref<1x640x128xf32, #tpu.memory_space<hbm>>
      %dma_start3A_308 = tpu.memref_squeeze %dma_start3A_307 : memref<1x640x128xf32, #tpu.memory_space<hbm>> -> memref<640x128xf32, #tpu.memory_space<hbm>>
      %dma_start3A_309 = arith.constant 0 : i32
      %dma_start3A_310 = tpu.memref_slice %arg9[%mul3A_303, %dma_start3A_309] : memref<10240x128xf32, #tpu.memory_space<vmem_shared>> -> memref<640x128xf32, #tpu.memory_space<vmem_shared>>
      tpu.enqueue_dma source(%dma_start3A_310 : memref<640x128xf32, #tpu.memory_space<vmem_shared>>) target(%dma_start3A_308 : memref<640x128xf32, #tpu.memory_space<hbm>>) target_semaphore(%run_scoped3A : memref<!tpu.dma_semaphore, #tpu.memory_space<semaphore_mem>>)
      %dma_wait3A_311 = arith.constant 0 : i32
      %dma_wait3A_312 = tpu.memref_slice %arg5[%arg0, %mul3A_305, %dma_wait3A_311] : memref<2x10240x128xf32, #tpu.memory_space<hbm>> -> memref<1x640x128xf32, #tpu.memory_space<hbm>>
      %dma_wait3A_313 = tpu.memref_squeeze %dma_wait3A_312 : memref<1x640x128xf32, #tpu.memory_space<hbm>> -> memref<640x128xf32, #tpu.memory_space<hbm>>
      %dma_wait3A_314 = arith.constant 0 : i32
      %dma_wait3A_315 = tpu.memref_slice %arg9[%mul3A_303, %dma_wait3A_314] : memref<10240x128xf32, #tpu.memory_space<vmem_shared>> -> memref<640x128xf32, #tpu.memory_space<vmem_shared>>
      tpu.wait_dma2 semaphore(%run_scoped3A : memref<!tpu.dma_semaphore, #tpu.memory_space<semaphore_mem>>) src(%dma_wait3A_315 : memref<640x128xf32, #tpu.memory_space<vmem_shared>>) dst(%dma_wait3A_313 : memref<640x128xf32, #tpu.memory_space<hbm>>)
      tpu.yield
    }) : () -> ()
    return
  }
}

module attributes {stable_mosaic.version = 14 : i64} {
  func.func @_mlp_body(%arg0: memref<10000x128xf32, #tpu.memory_space<vmem>>, %arg1: memref<2x10240x128xf32, #tpu.memory_space<vmem>>, %arg2: memref<128x128xf32, #tpu.memory_space<vmem>>, %arg3: memref<1x128xf32, #tpu.memory_space<vmem>>, %arg4: memref<1x128xf32, #tpu.memory_space<vmem>>, %arg5: memref<1x128xf32, #tpu.memory_space<vmem>>, %arg6: memref<128x128xf32, #tpu.memory_space<vmem>>, %arg7: memref<1x128xf32, #tpu.memory_space<vmem>>, %arg8: memref<10000x128xf32, #tpu.memory_space<vmem>>) attributes {dimension_semantics = [], scalar_prefetch = 0 : i64, scratch_operands = 0 : i64, tpu.core_type = #tpu.core_type<tc>} {
    %get3A = arith.constant 0 : index
    %get3A_0 = arith.constant 0 : index
    %get3A_1 = vector.load %arg0[%get3A, %get3A_0] : memref<10000x128xf32, #tpu.memory_space<vmem>>, vector<10000x128xf32>
    %get3A_2 = arith.constant 0 : index
    %get3A_3 = arith.constant 0 : index
    %get3A_4 = arith.constant 0 : index
    %get3A_5 = vector.load %arg1[%get3A_2, %get3A_3, %get3A_4] : memref<2x10240x128xf32, #tpu.memory_space<vmem>>, vector<1x10000x128xf32>
    %get3A_6 = vector.shape_cast %get3A_5 : vector<1x10000x128xf32> to vector<10000x128xf32>
    %add3A = arith.addf %get3A_1, %get3A_6 : vector<10000x128xf32>
    %get3A_7 = arith.constant 1 : index
    %get3A_8 = arith.constant 0 : index
    %get3A_9 = arith.constant 0 : index
    %get3A_10 = vector.load %arg1[%get3A_7, %get3A_8, %get3A_9] : memref<2x10240x128xf32, #tpu.memory_space<vmem>>, vector<1x10000x128xf32>
    %get3A_11 = vector.shape_cast %get3A_10 : vector<1x10000x128xf32> to vector<10000x128xf32>
    %add3A_12 = arith.addf %add3A, %get3A_11 : vector<10000x128xf32>
    %get3A_13 = arith.constant 0 : index
    %get3A_14 = arith.constant 0 : index
    %get3A_15 = vector.load %arg2[%get3A_13, %get3A_14] : memref<128x128xf32, #tpu.memory_space<vmem>>, vector<128x128xf32>
    %dot_general3A = arith.constant dense<0.000000e+00> : vector<10000x128xf32>
    %dot_general3A_16 = tpu.matmul %add3A_12, %get3A_15, %dot_general3A {dimension_numbers = #tpu.dot_dimension_numbers<[1], [0], [0], [1], [0, 0, 1, 1], [], []>, transpose_lhs_hint = false} : vector<10000x128xf32>, vector<128x128xf32>, vector<10000x128xf32> -> vector<10000x128xf32>
    %get3A_17 = arith.constant 0 : index
    %get3A_18 = arith.constant 0 : index
    %get3A_19 = vector.load %arg3[%get3A_17, %get3A_18] : memref<1x128xf32, #tpu.memory_space<vmem>>, vector<1x128xf32>
    %add3A_20 = vector.broadcast %get3A_19 : vector<1x128xf32> to vector<10000x128xf32>
    %add3A_21 = arith.addf %dot_general3A_16, %add3A_20 : vector<10000x128xf32>
    %get3A_22 = arith.constant 0 : index
    %get3A_23 = arith.constant 0 : index
    %get3A_24 = vector.load %arg4[%get3A_22, %get3A_23] : memref<1x128xf32, #tpu.memory_space<vmem>>, vector<1x128xf32>
    %get3A_25 = arith.constant 0 : index
    %get3A_26 = arith.constant 0 : index
    %get3A_27 = vector.load %arg5[%get3A_25, %get3A_26] : memref<1x128xf32, #tpu.memory_space<vmem>>, vector<1x128xf32>
    %reduce_sum3A = arith.constant dense<0.000000e+00> : vector<128xf32>
    %reduce_sum3A_28 = vector.multi_reduction <add>, %add3A_21, %reduce_sum3A [0] : vector<10000x128xf32> to vector<128xf32>
    %div3A = arith.constant 1.000000e+04 : f32
    %div3A_29 = vector.broadcast %div3A : f32 to vector<128xf32>
    %div3A_30 = arith.divf %reduce_sum3A_28, %div3A_29 : vector<128xf32>
    %jit3A = arith.constant 0 : i32
    %reduce_sum3A_31 = arith.constant dense<0.000000e+00> : vector<128xf32>
    %reduce_sum3A_32 = vector.multi_reduction <add>, %add3A_21, %reduce_sum3A_31 [0] : vector<10000x128xf32> to vector<128xf32>
    %broadcast_in_dim3A = vector.shape_cast %reduce_sum3A_32 : vector<128xf32> to vector<1x128xf32>
    %div3A_33 = arith.constant 1.000000e+04 : f32
    %div3A_34 = vector.broadcast %div3A_33 : f32 to vector<1x128xf32>
    %div3A_35 = arith.divf %broadcast_in_dim3A, %div3A_34 : vector<1x128xf32>
    %sub3A = vector.broadcast %div3A_35 : vector<1x128xf32> to vector<10000x128xf32>
    %sub3A_36 = arith.subf %add3A_21, %sub3A : vector<10000x128xf32>
    %square3A = arith.mulf %sub3A_36, %sub3A_36 : vector<10000x128xf32>
    %convert_element_type3A = arith.sitofp %jit3A : i32 to f32
    %sub3A_37 = arith.constant 1.000000e+04 : f32
    %sub3A_38 = arith.subf %sub3A_37, %convert_element_type3A : f32
    %reduce_sum3A_39 = arith.constant dense<0.000000e+00> : vector<128xf32>
    %reduce_sum3A_40 = vector.multi_reduction <add>, %square3A, %reduce_sum3A_39 [0] : vector<10000x128xf32> to vector<128xf32>
    %div3A_41 = vector.broadcast %sub3A_38 : f32 to vector<128xf32>
    %div3A_42 = arith.divf %reduce_sum3A_40, %div3A_41 : vector<128xf32>
    %gt3A = arith.constant 0.000000e+00 : f32
    %gt3A_43 = arith.cmpf ogt, %sub3A_38, %gt3A : f32
    %jit3A_44 = arith.constant 0x7FC00000 : f32
    %broadcast_in_dim3A_45 = vector.broadcast %jit3A_44 : f32 to vector<128xf32>
    %select_n3A = arith.select %gt3A_43, %div3A_42, %broadcast_in_dim3A_45 : vector<128xf32>
    %broadcast_in_dim3A_46 = vector.shape_cast %div3A_30 : vector<128xf32> to vector<1x128xf32>
    %sub3A_47 = vector.broadcast %broadcast_in_dim3A_46 : vector<1x128xf32> to vector<10000x128xf32>
    %sub3A_48 = arith.subf %add3A_21, %sub3A_47 : vector<10000x128xf32>
    %add3A_49 = arith.constant 9.99999974E-6 : f32
    %add3A_50 = vector.broadcast %add3A_49 : f32 to vector<128xf32>
    %add3A_51 = arith.addf %select_n3A, %add3A_50 : vector<128xf32>
    %sqrt3A = math.sqrt %add3A_51 : vector<128xf32>
    %broadcast_in_dim3A_52 = vector.shape_cast %sqrt3A : vector<128xf32> to vector<1x128xf32>
    %div3A_53 = vector.broadcast %broadcast_in_dim3A_52 : vector<1x128xf32> to vector<10000x128xf32>
    %div3A_54 = arith.divf %sub3A_48, %div3A_53 : vector<10000x128xf32>
    %mul3A = vector.broadcast %get3A_24 : vector<1x128xf32> to vector<10000x128xf32>
    %mul3A_55 = arith.mulf %div3A_54, %mul3A : vector<10000x128xf32>
    %add3A_56 = vector.broadcast %get3A_27 : vector<1x128xf32> to vector<10000x128xf32>
    %add3A_57 = arith.addf %mul3A_55, %add3A_56 : vector<10000x128xf32>
    %max3A = arith.constant 0.000000e+00 : f32
    %max3A_58 = vector.broadcast %max3A : f32 to vector<10000x128xf32>
    %max3A_59 = arith.maximumf %add3A_57, %max3A_58 : vector<10000x128xf32>
    %get3A_60 = arith.constant 0 : index
    %get3A_61 = arith.constant 0 : index
    %get3A_62 = vector.load %arg6[%get3A_60, %get3A_61] : memref<128x128xf32, #tpu.memory_space<vmem>>, vector<128x128xf32>
    %dot_general3A_63 = arith.constant dense<0.000000e+00> : vector<10000x128xf32>
    %dot_general3A_64 = tpu.matmul %max3A_59, %get3A_62, %dot_general3A_63 {dimension_numbers = #tpu.dot_dimension_numbers<[1], [0], [0], [1], [0, 0, 1, 1], [], []>, transpose_lhs_hint = false} : vector<10000x128xf32>, vector<128x128xf32>, vector<10000x128xf32> -> vector<10000x128xf32>
    %get3A_65 = arith.constant 0 : index
    %get3A_66 = arith.constant 0 : index
    %get3A_67 = vector.load %arg7[%get3A_65, %get3A_66] : memref<1x128xf32, #tpu.memory_space<vmem>>, vector<1x128xf32>
    %add3A_68 = vector.broadcast %get3A_67 : vector<1x128xf32> to vector<10000x128xf32>
    %add3A_69 = arith.addf %dot_general3A_64, %add3A_68 : vector<10000x128xf32>
    %max3A_70 = arith.constant 0.000000e+00 : f32
    %max3A_71 = vector.broadcast %max3A_70 : f32 to vector<10000x128xf32>
    %max3A_72 = arith.maximumf %add3A_69, %max3A_71 : vector<10000x128xf32>
    %swap3A = arith.constant 0 : index
    %swap3A_73 = arith.constant 0 : index
    %swap3A_74 = vector.load %arg8[%swap3A, %swap3A_73] : memref<10000x128xf32, #tpu.memory_space<vmem>>, vector<10000x128xf32>
    tpu.vector_store %arg8[%swap3A, %swap3A_73], %max3A_72 {strides = array<i32>} : memref<10000x128xf32, #tpu.memory_space<vmem>>, vector<10000x128xf32>,
    return
  }
}

module attributes {stable_mosaic.version = 14 : i64} {
  func.func @_head_body(%arg0: memref<10000x128xf32, #tpu.memory_space<vmem>>, %arg1: memref<2x10240x128xf32, #tpu.memory_space<vmem>>, %arg2: memref<128x128xf32, #tpu.memory_space<vmem>>, %arg3: memref<1x128xf32, #tpu.memory_space<vmem>>, %arg4: memref<1x128xf32, #tpu.memory_space<vmem>>, %arg5: memref<1x128xf32, #tpu.memory_space<vmem>>, %arg6: memref<128x128xf32, #tpu.memory_space<vmem>>, %arg7: memref<1x128xf32, #tpu.memory_space<vmem>>, %arg8: memref<1x10000xi32, #tpu.memory_space<vmem>>, %arg9: memref<128x128xf32, #tpu.memory_space<vmem>>, %arg10: memref<1x128xf32, #tpu.memory_space<vmem>>, %arg11: memref<1x128xf32, #tpu.memory_space<vmem>>, %arg12: memref<1x128xf32, #tpu.memory_space<vmem>>, %arg13: memref<128x10xf32, #tpu.memory_space<vmem>>, %arg14: memref<1x10xf32, #tpu.memory_space<vmem>>, %arg15: memref<128x10xf32, #tpu.memory_space<vmem>>) attributes {dimension_semantics = [], scalar_prefetch = 0 : i64, scratch_operands = 0 : i64, tpu.core_type = #tpu.core_type<tc>} {
    %get3A = arith.constant 0 : index
    %get3A_0 = arith.constant 0 : index
    %get3A_1 = vector.load %arg0[%get3A, %get3A_0] : memref<10000x128xf32, #tpu.memory_space<vmem>>, vector<10000x128xf32>
    %get3A_2 = arith.constant 0 : index
    %get3A_3 = arith.constant 0 : index
    %get3A_4 = arith.constant 0 : index
    %get3A_5 = vector.load %arg1[%get3A_2, %get3A_3, %get3A_4] : memref<2x10240x128xf32, #tpu.memory_space<vmem>>, vector<1x10000x128xf32>
    %get3A_6 = vector.shape_cast %get3A_5 : vector<1x10000x128xf32> to vector<10000x128xf32>
    %add3A = arith.addf %get3A_1, %get3A_6 : vector<10000x128xf32>
    %get3A_7 = arith.constant 1 : index
    %get3A_8 = arith.constant 0 : index
    %get3A_9 = arith.constant 0 : index
    %get3A_10 = vector.load %arg1[%get3A_7, %get3A_8, %get3A_9] : memref<2x10240x128xf32, #tpu.memory_space<vmem>>, vector<1x10000x128xf32>
    %get3A_11 = vector.shape_cast %get3A_10 : vector<1x10000x128xf32> to vector<10000x128xf32>
    %add3A_12 = arith.addf %add3A, %get3A_11 : vector<10000x128xf32>
    %get3A_13 = arith.constant 0 : index
    %get3A_14 = arith.constant 0 : index
    %get3A_15 = vector.load %arg2[%get3A_13, %get3A_14] : memref<128x128xf32, #tpu.memory_space<vmem>>, vector<128x128xf32>
    %dot_general3A = arith.constant dense<0.000000e+00> : vector<10000x128xf32>
    %dot_general3A_16 = tpu.matmul %add3A_12, %get3A_15, %dot_general3A {dimension_numbers = #tpu.dot_dimension_numbers<[1], [0], [0], [1], [0, 0, 1, 1], [], []>, transpose_lhs_hint = false} : vector<10000x128xf32>, vector<128x128xf32>, vector<10000x128xf32> -> vector<10000x128xf32>
    %get3A_17 = arith.constant 0 : index
    %get3A_18 = arith.constant 0 : index
    %get3A_19 = vector.load %arg3[%get3A_17, %get3A_18] : memref<1x128xf32, #tpu.memory_space<vmem>>, vector<1x128xf32>
    %add3A_20 = vector.broadcast %get3A_19 : vector<1x128xf32> to vector<10000x128xf32>
    %add3A_21 = arith.addf %dot_general3A_16, %add3A_20 : vector<10000x128xf32>
    %get3A_22 = arith.constant 0 : index
    %get3A_23 = arith.constant 0 : index
    %get3A_24 = vector.load %arg4[%get3A_22, %get3A_23] : memref<1x128xf32, #tpu.memory_space<vmem>>, vector<1x128xf32>
    %get3A_25 = arith.constant 0 : index
    %get3A_26 = arith.constant 0 : index
    %get3A_27 = vector.load %arg5[%get3A_25, %get3A_26] : memref<1x128xf32, #tpu.memory_space<vmem>>, vector<1x128xf32>
    %reduce_sum3A = arith.constant dense<0.000000e+00> : vector<128xf32>
    %reduce_sum3A_28 = vector.multi_reduction <add>, %add3A_21, %reduce_sum3A [0] : vector<10000x128xf32> to vector<128xf32>
    %div3A = arith.constant 1.000000e+04 : f32
    %div3A_29 = vector.broadcast %div3A : f32 to vector<128xf32>
    %div3A_30 = arith.divf %reduce_sum3A_28, %div3A_29 : vector<128xf32>
    %jit3A = arith.constant 0 : i32
    %reduce_sum3A_31 = arith.constant dense<0.000000e+00> : vector<128xf32>
    %reduce_sum3A_32 = vector.multi_reduction <add>, %add3A_21, %reduce_sum3A_31 [0] : vector<10000x128xf32> to vector<128xf32>
    %broadcast_in_dim3A = vector.shape_cast %reduce_sum3A_32 : vector<128xf32> to vector<1x128xf32>
    %div3A_33 = arith.constant 1.000000e+04 : f32
    %div3A_34 = vector.broadcast %div3A_33 : f32 to vector<1x128xf32>
    %div3A_35 = arith.divf %broadcast_in_dim3A, %div3A_34 : vector<1x128xf32>
    %sub3A = vector.broadcast %div3A_35 : vector<1x128xf32> to vector<10000x128xf32>
    %sub3A_36 = arith.subf %add3A_21, %sub3A : vector<10000x128xf32>
    %square3A = arith.mulf %sub3A_36, %sub3A_36 : vector<10000x128xf32>
    %convert_element_type3A = arith.sitofp %jit3A : i32 to f32
    %sub3A_37 = arith.constant 1.000000e+04 : f32
    %sub3A_38 = arith.subf %sub3A_37, %convert_element_type3A : f32
    %reduce_sum3A_39 = arith.constant dense<0.000000e+00> : vector<128xf32>
    %reduce_sum3A_40 = vector.multi_reduction <add>, %square3A, %reduce_sum3A_39 [0] : vector<10000x128xf32> to vector<128xf32>
    %div3A_41 = vector.broadcast %sub3A_38 : f32 to vector<128xf32>
    %div3A_42 = arith.divf %reduce_sum3A_40, %div3A_41 : vector<128xf32>
    %gt3A = arith.constant 0.000000e+00 : f32
    %gt3A_43 = arith.cmpf ogt, %sub3A_38, %gt3A : f32
    %jit3A_44 = arith.constant 0x7FC00000 : f32
    %broadcast_in_dim3A_45 = vector.broadcast %jit3A_44 : f32 to vector<128xf32>
    %select_n3A = arith.select %gt3A_43, %div3A_42, %broadcast_in_dim3A_45 : vector<128xf32>
    %broadcast_in_dim3A_46 = vector.shape_cast %div3A_30 : vector<128xf32> to vector<1x128xf32>
    %sub3A_47 = vector.broadcast %broadcast_in_dim3A_46 : vector<1x128xf32> to vector<10000x128xf32>
    %sub3A_48 = arith.subf %add3A_21, %sub3A_47 : vector<10000x128xf32>
    %add3A_49 = arith.constant 9.99999974E-6 : f32
    %add3A_50 = vector.broadcast %add3A_49 : f32 to vector<128xf32>
    %add3A_51 = arith.addf %select_n3A, %add3A_50 : vector<128xf32>
    %sqrt3A = math.sqrt %add3A_51 : vector<128xf32>
    %broadcast_in_dim3A_52 = vector.shape_cast %sqrt3A : vector<128xf32> to vector<1x128xf32>
    %div3A_53 = vector.broadcast %broadcast_in_dim3A_52 : vector<1x128xf32> to vector<10000x128xf32>
    %div3A_54 = arith.divf %sub3A_48, %div3A_53 : vector<10000x128xf32>
    %mul3A = vector.broadcast %get3A_24 : vector<1x128xf32> to vector<10000x128xf32>
    %mul3A_55 = arith.mulf %div3A_54, %mul3A : vector<10000x128xf32>
    %add3A_56 = vector.broadcast %get3A_27 : vector<1x128xf32> to vector<10000x128xf32>
    %add3A_57 = arith.addf %mul3A_55, %add3A_56 : vector<10000x128xf32>
    %max3A = arith.constant 0.000000e+00 : f32
    %max3A_58 = vector.broadcast %max3A : f32 to vector<10000x128xf32>
    %max3A_59 = arith.maximumf %add3A_57, %max3A_58 : vector<10000x128xf32>
    %get3A_60 = arith.constant 0 : index
    %get3A_61 = arith.constant 0 : index
    %get3A_62 = vector.load %arg6[%get3A_60, %get3A_61] : memref<128x128xf32, #tpu.memory_space<vmem>>, vector<128x128xf32>
    %dot_general3A_63 = arith.constant dense<0.000000e+00> : vector<10000x128xf32>
    %dot_general3A_64 = tpu.matmul %max3A_59, %get3A_62, %dot_general3A_63 {dimension_numbers = #tpu.dot_dimension_numbers<[1], [0], [0], [1], [0, 0, 1, 1], [], []>, transpose_lhs_hint = false} : vector<10000x128xf32>, vector<128x128xf32>, vector<10000x128xf32> -> vector<10000x128xf32>
    %get3A_65 = arith.constant 0 : index
    %get3A_66 = arith.constant 0 : index
    %get3A_67 = vector.load %arg7[%get3A_65, %get3A_66] : memref<1x128xf32, #tpu.memory_space<vmem>>, vector<1x128xf32>
    %add3A_68 = vector.broadcast %get3A_67 : vector<1x128xf32> to vector<10000x128xf32>
    %add3A_69 = arith.addf %dot_general3A_64, %add3A_68 : vector<10000x128xf32>
    %iota3A = tpu.iota {dimensions = array<i32: 0>} : vector<128x10000xi32>
    %get3A_70 = arith.constant 0 : index
    %get3A_71 = arith.constant 0 : index
    %get3A_72 = vector.load %arg8[%get3A_70, %get3A_71] : memref<1x10000xi32, #tpu.memory_space<vmem>>, vector<1x10000xi32>
    %eq3A = vector.broadcast %get3A_72 : vector<1x10000xi32> to vector<128x10000xi32>
    %eq3A_73 = arith.cmpi eq, %eq3A, %iota3A : vector<128x10000xi32>
    %convert_element_type3A_74 = arith.extui %eq3A_73 : vector<128x10000xi1> to vector<128x10000xi32>
    %convert_element_type3A_75 = arith.sitofp %convert_element_type3A_74 : vector<128x10000xi32> to vector<128x10000xf32>
    %dot_general3A_76 = arith.constant dense<0.000000e+00> : vector<128x128xf32>
    %dot_general3A_77 = tpu.matmul %convert_element_type3A_75, %add3A_69, %dot_general3A_76 {dimension_numbers = #tpu.dot_dimension_numbers<[1], [0], [0], [1], [0, 0, 1, 1], [], []>, transpose_lhs_hint = false} : vector<128x10000xf32>, vector<10000x128xf32>, vector<128x128xf32> -> vector<128x128xf32>
    %reduce_sum3A_78 = arith.constant dense<0.000000e+00> : vector<128xf32>
    %reduce_sum3A_79 = vector.multi_reduction <add>, %convert_element_type3A_75, %reduce_sum3A_78 [1] : vector<128x10000xf32> to vector<128xf32>
    %broadcast_in_dim3A_80 = vector.shape_cast %reduce_sum3A_79 : vector<128xf32> to vector<128x1xf32>
    %max3A_81 = arith.constant 1.000000e+00 : f32
    %max3A_82 = vector.broadcast %max3A_81 : f32 to vector<128x1xf32>
    %max3A_83 = arith.maximumf %broadcast_in_dim3A_80, %max3A_82 : vector<128x1xf32>
    %div3A_84 = vector.broadcast %max3A_83 : vector<128x1xf32> to vector<128x128xf32>
    %div3A_85 = arith.divf %dot_general3A_77, %div3A_84 : vector<128x128xf32>
    %get3A_86 = arith.constant 0 : index
    %get3A_87 = arith.constant 0 : index
    %get3A_88 = vector.load %arg9[%get3A_86, %get3A_87] : memref<128x128xf32, #tpu.memory_space<vmem>>, vector<128x128xf32>
    %dot_general3A_89 = arith.constant dense<0.000000e+00> : vector<128x128xf32>
    %dot_general3A_90 = tpu.matmul %div3A_85, %get3A_88, %dot_general3A_89 {dimension_numbers = #tpu.dot_dimension_numbers<[1], [0], [0], [1], [0, 0, 1, 1], [], []>, transpose_lhs_hint = false} : vector<128x128xf32>, vector<128x128xf32>, vector<128x128xf32> -> vector<128x128xf32>
    %get3A_91 = arith.constant 0 : index
    %get3A_92 = arith.constant 0 : index
    %get3A_93 = vector.load %arg10[%get3A_91, %get3A_92] : memref<1x128xf32, #tpu.memory_space<vmem>>, vector<1x128xf32>
    %add3A_94 = vector.broadcast %get3A_93 : vector<1x128xf32> to vector<128x128xf32>
    %add3A_95 = arith.addf %dot_general3A_90, %add3A_94 : vector<128x128xf32>
    %get3A_96 = arith.constant 0 : index
    %get3A_97 = arith.constant 0 : index
    %get3A_98 = vector.load %arg11[%get3A_96, %get3A_97] : memref<1x128xf32, #tpu.memory_space<vmem>>, vector<1x128xf32>
    %get3A_99 = arith.constant 0 : index
    %get3A_100 = arith.constant 0 : index
    %get3A_101 = vector.load %arg12[%get3A_99, %get3A_100] : memref<1x128xf32, #tpu.memory_space<vmem>>, vector<1x128xf32>
    %reduce_sum3A_102 = arith.constant dense<0.000000e+00> : vector<128xf32>
    %reduce_sum3A_103 = vector.multi_reduction <add>, %add3A_95, %reduce_sum3A_102 [0] : vector<128x128xf32> to vector<128xf32>
    %div3A_104 = arith.constant 1.280000e+02 : f32
    %div3A_105 = vector.broadcast %div3A_104 : f32 to vector<128xf32>
    %div3A_106 = arith.divf %reduce_sum3A_103, %div3A_105 : vector<128xf32>
    %jit3A_107 = arith.constant 0 : i32
    %reduce_sum3A_108 = arith.constant dense<0.000000e+00> : vector<128xf32>
    %reduce_sum3A_109 = vector.multi_reduction <add>, %add3A_95, %reduce_sum3A_108 [0] : vector<128x128xf32> to vector<128xf32>
    %broadcast_in_dim3A_110 = vector.shape_cast %reduce_sum3A_109 : vector<128xf32> to vector<1x128xf32>
    %div3A_111 = arith.constant 1.280000e+02 : f32
    %div3A_112 = vector.broadcast %div3A_111 : f32 to vector<1x128xf32>
    %div3A_113 = arith.divf %broadcast_in_dim3A_110, %div3A_112 : vector<1x128xf32>
    %sub3A_114 = vector.broadcast %div3A_113 : vector<1x128xf32> to vector<128x128xf32>
    %sub3A_115 = arith.subf %add3A_95, %sub3A_114 : vector<128x128xf32>
    %square3A_116 = arith.mulf %sub3A_115, %sub3A_115 : vector<128x128xf32>
    %convert_element_type3A_117 = arith.sitofp %jit3A_107 : i32 to f32
    %sub3A_118 = arith.constant 1.280000e+02 : f32
    %sub3A_119 = arith.subf %sub3A_118, %convert_element_type3A_117 : f32
    %reduce_sum3A_120 = arith.constant dense<0.000000e+00> : vector<128xf32>
    %reduce_sum3A_121 = vector.multi_reduction <add>, %square3A_116, %reduce_sum3A_120 [0] : vector<128x128xf32> to vector<128xf32>
    %div3A_122 = vector.broadcast %sub3A_119 : f32 to vector<128xf32>
    %div3A_123 = arith.divf %reduce_sum3A_121, %div3A_122 : vector<128xf32>
    %gt3A_124 = arith.constant 0.000000e+00 : f32
    %gt3A_125 = arith.cmpf ogt, %sub3A_119, %gt3A_124 : f32
    %jit3A_126 = arith.constant 0x7FC00000 : f32
    %broadcast_in_dim3A_127 = vector.broadcast %jit3A_126 : f32 to vector<128xf32>
    %select_n3A_128 = arith.select %gt3A_125, %div3A_123, %broadcast_in_dim3A_127 : vector<128xf32>
    %broadcast_in_dim3A_129 = vector.shape_cast %div3A_106 : vector<128xf32> to vector<1x128xf32>
    %sub3A_130 = vector.broadcast %broadcast_in_dim3A_129 : vector<1x128xf32> to vector<128x128xf32>
    %sub3A_131 = arith.subf %add3A_95, %sub3A_130 : vector<128x128xf32>
    %add3A_132 = arith.constant 9.99999974E-6 : f32
    %add3A_133 = vector.broadcast %add3A_132 : f32 to vector<128xf32>
    %add3A_134 = arith.addf %select_n3A_128, %add3A_133 : vector<128xf32>
    %sqrt3A_135 = math.sqrt %add3A_134 : vector<128xf32>
    %broadcast_in_dim3A_136 = vector.shape_cast %sqrt3A_135 : vector<128xf32> to vector<1x128xf32>
    %div3A_137 = vector.broadcast %broadcast_in_dim3A_136 : vector<1x128xf32> to vector<128x128xf32>
    %div3A_138 = arith.divf %sub3A_131, %div3A_137 : vector<128x128xf32>
    %mul3A_139 = vector.broadcast %get3A_98 : vector<1x128xf32> to vector<128x128xf32>
    %mul3A_140 = arith.mulf %div3A_138, %mul3A_139 : vector<128x128xf32>
    %add3A_141 = vector.broadcast %get3A_101 : vector<1x128xf32> to vector<128x128xf32>
    %add3A_142 = arith.addf %mul3A_140, %add3A_141 : vector<128x128xf32>
    %max3A_143 = arith.constant 0.000000e+00 : f32
    %max3A_144 = vector.broadcast %max3A_143 : f32 to vector<128x128xf32>
    %max3A_145 = arith.maximumf %add3A_142, %max3A_144 : vector<128x128xf32>
    %get3A_146 = arith.constant 0 : index
    %get3A_147 = arith.constant 0 : index
    %get3A_148 = vector.load %arg13[%get3A_146, %get3A_147] : memref<128x10xf32, #tpu.memory_space<vmem>>, vector<128x10xf32>
    %dot_general3A_149 = arith.constant dense<0.000000e+00> : vector<128x10xf32>
    %dot_general3A_150 = tpu.matmul %max3A_145, %get3A_148, %dot_general3A_149 {dimension_numbers = #tpu.dot_dimension_numbers<[1], [0], [0], [1], [0, 0, 1, 1], [], []>, transpose_lhs_hint = false} : vector<128x128xf32>, vector<128x10xf32>, vector<128x10xf32> -> vector<128x10xf32>
    %get3A_151 = arith.constant 0 : index
    %get3A_152 = arith.constant 0 : index
    %get3A_153 = vector.load %arg14[%get3A_151, %get3A_152] : memref<1x10xf32, #tpu.memory_space<vmem>>, vector<1x10xf32>
    %add3A_154 = vector.broadcast %get3A_153 : vector<1x10xf32> to vector<128x10xf32>
    %add3A_155 = arith.addf %dot_general3A_150, %add3A_154 : vector<128x10xf32>
    %reduce_max3A = arith.constant dense<0xFF800000> : vector<128xf32>
    %reduce_max3A_156 = vector.multi_reduction <maximumf>, %add3A_155, %reduce_max3A [1] : vector<128x10xf32> to vector<128xf32>
    %broadcast_in_dim3A_157 = vector.shape_cast %reduce_max3A_156 : vector<128xf32> to vector<128x1xf32>
    %sub3A_158 = vector.broadcast %broadcast_in_dim3A_157 : vector<128x1xf32> to vector<128x10xf32>
    %sub3A_159 = arith.subf %add3A_155, %sub3A_158 : vector<128x10xf32>
    %exp3A = math.exp %sub3A_159 : vector<128x10xf32>
    %reduce_sum3A_160 = arith.constant dense<0.000000e+00> : vector<128xf32>
    %reduce_sum3A_161 = vector.multi_reduction <add>, %exp3A, %reduce_sum3A_160 [1] : vector<128x10xf32> to vector<128xf32>
    %broadcast_in_dim3A_162 = vector.shape_cast %reduce_sum3A_161 : vector<128xf32> to vector<128x1xf32>
    %log3A = math.log %broadcast_in_dim3A_162 : vector<128x1xf32>
    %add3A_163 = arith.addf %broadcast_in_dim3A_157, %log3A : vector<128x1xf32>
    %sub3A_164 = vector.broadcast %add3A_163 : vector<128x1xf32> to vector<128x10xf32>
    %sub3A_165 = arith.subf %add3A_155, %sub3A_164 : vector<128x10xf32>
    %swap3A = arith.constant 0 : index
    %swap3A_166 = arith.constant 0 : index
    %swap3A_167 = vector.load %arg15[%swap3A, %swap3A_166] : memref<128x10xf32, #tpu.memory_space<vmem>>, vector<128x10xf32>
    tpu.vector_store %arg15[%swap3A, %swap3A_166], %sub3A_165 {strides = array<i32>} : memref<128x10xf32, #tpu.memory_space<vmem>>, vector<128x10xf32>,
    return
  }
}

</mosaic_0001>

<sc_bundles>
// kernel: kernel.11.cloned.1.call-start
scs
__scs_entry_jumppad:
0x0: {  	(pc) =	sbr.rel $0x88, $3  }
0x1: {  	(tag) =	ssettag $0x0;
	lr =	simm.s32 $0x1  }
0x2: {  	[smem:$0x3F86] =	sst lr;
	_ =	strace $0xD0000000  }
0x3: {  	_ = 	snop  }
0x4: {  	_ = 	snop  }
0x5: {  	_ = 	snop  }
0x6: {  	_ = 	snop  }
0x7: {  	_ = 	snop  }
__scs_overlays_trampoline_lowered:
0x8: {  	[smem:$0x3F95] =	sst s0  }
0x9: {  	[smem:$0x3F96] =	sst s1  }
0xa: {  	[smem:$0x3F97] =	sst s2  }
0xb: {  	[smem:$0x3F98] =	sst s3  }
0xc: {  	[smem:$0x3F99] =	sst s4  }
0xd: {  	[smem:$0x3F9A] =	sst s5  }
0xe: {  	[smem:$0x3F9B] =	sst s6  }
0xf: {  	[smem:$0x3F9C] =	sst s7  }
0x10: {  	[smem:$0x3F9D] =	sst s8  }
0x11: {  	[smem:$0x3F9E] =	sst s9;
	s0 =	simm.s32 @!p0 $0x0  }
0x12: {  	s1 =	sld [smem:$0x3F84];
	s0 =	simm.s32 @p0 $0x1  }
0x13: {  	[smem:$0x3F9F] =	sst s0;
	s0 =	simm.s32 @!p1 $0x0  }
0x14: {  	s2 =	sld [smem:$0x3F83];
	s0 =	simm.s32 @p1 $0x1  }
0x15: {  	[smem:$0x3FA0] =	sst s0;
	s0 =	simm.s32 @!p2 $0x0  }
0x16: {  	s3 =	sld [smem:$0x3FDB];
	s0 =	simm.s32 @p2 $0x1  }
0x17: {  	s4 =	simm.s32 $0x1BF5;
	[smem:$0x3FA2] =	sst s0  }
0x18: {  	s0 =	sld [smem:$0x3F85];
	_ =	swait.ge [sflag:s4], $0x0  }
0x19: {  	s7 =	sld [smem:$0x3F86]  }
0x1a: {  	s8 =	sadd.s32 $0xFFFFE003, lr  }
0x1b: {  	s9 =	sadd.s32 $0xFFFFFEF7, lr;
	s5 =	simm.s32 $0xFFFFFFFF;
	p2 =	slt.u32 s8, $0xFFFFF086  }
0x1c: {  	p1 =	slt.u32 s9, $0xF7A;
	s5 =	simm.s32 @!p2 $0x0  }
0x1d: {  	s5 =	simm.s32 @p1 $0x1;
	p0 =	seq.s32 s7, s2  }
0x1e: {  	s7 =	smul.u32 @!p0 $0xF7A, s2;
	p2 =	seq.s32 @!p0 s5, $0x0  }
0x1f: {  	s9 =	smul.u32 $0xF7A, s1;
	s8 =	simm.s32 @!p0 $0x1BF5;
	p2 =	por !p2, p0  }
0x20: {  	[sflag:s8] =	ssyncset.s32 @!p0 $0xFFFFF086;
	s6 =	sadd.s32 @!p0 s3, s7;
	s7 =	simm.s32 @!p0 $0x108  }
0x21: {  	s3 =	sadd.s32 s3, s9;
	s6 =	sadd.s32 @!p0 $0x88, s6;
	s7 =	simm.s32 @p2 $0x1082  }
0x22: {  	[simem:s7], [sflag:s8] =	dma.local @!p0 [hbm:s6], $0xF7A  }
0x23: {  	s9 =	sor.u32 $0xD0000000, s2;
	s6 =	simm.s32 $0x108;
	_ =	swait.ge @!p0 [sflag:s8], $0x0  }
0x24: {  	s3 =	sadd.s32 $0x88, s3;
	s6 =	simm.s32 @!p1 $0x1082;
	[sflag:s4] =	ssyncset.s32 $0xFFFFF086  }
0x25: {  	[simem:s6], [sflag:s4] =	dma.local [hbm:s3], $0xF7A  }
0x26: {  	[smem:$0x3F86] =	sst s1;
	(tag) =	ssettag s2;
	_ =	strace s9  }
0x27: {  	s1 =	sld [smem:$0x3F96]  }
0x28: {  	s2 =	sld [smem:$0x3F97]  }
0x29: {  	s4 =	sld [smem:$0x3F99]  }
0x2a: {  	p0 =	seq.s32 s5, $0x0;
	s5 =	sld [smem:$0x3F9A]  }
0x2b: {  	s6 =	sld [smem:$0x3F9B]  }
0x2c: {  	s7 =	sld [smem:$0x3F9C]  }
0x2d: {  	s3 =	simm.s32 $0x108;
	s8 =	sld [smem:$0x3F9D]  }
0x2e: {  	s3 =	simm.s32 @!p0 $0x1082;
	s9 =	sld [smem:$0x3F9E]  }
0x2f: {  	lr =	sadd.s32 s0, s3;
	s0 =	sld [smem:$0x3F95]  }
0x30: {  	s3 =	sld [smem:$0x3F98]  }
0x31: {  	[smem:$0x3FA1] =	sst s10  }
0x32: {  	s10 =	sld [smem:$0x3F9F];
	_ =	sdelay $0x3  }
0x33: {  	p0 =	seq.s32 s10, $0x1;
	s10 =	sld [smem:$0x3FA1];
	_ =	sdelay $0x3  }
0x34: {  	[smem:$0x3FA1] =	sst s10  }
0x35: {  	s10 =	sld [smem:$0x3FA0];
	_ =	sdelay $0x3  }
0x36: {  	p1 =	seq.s32 s10, $0x1;
	s10 =	sld [smem:$0x3FA1];
	_ =	sdelay $0x3  }
0x37: {  	[smem:$0x3FA1] =	sst s10  }
0x38: {  	s10 =	sld [smem:$0x3FA2]  }
0x39: {  	_ = 	snop;
	(pc) =	sbr.ind lr, $3  }
0x3a: {  	_ = 	snop  }
0x3b: {  	_ = 	snop  }
0x3c: {  	p2 =	seq.s32 s10, $0x1;
	s10 =	sld [smem:$0x3FA1]  }
0x3d: {  	_ =	shalt  }
0x3e: {  	_ =	shalt  }
0x3f: {  	_ =	shalt  }
0x40: {  	_ =	shalt  }
0x41: {  	_ =	shalt  }
0x42: {  	_ =	shalt  }
0x43: {  	_ =	shalt  }
0x44: {  	_ =	shalt  }
0x45: {  	_ =	shalt  }
0x46: {  	_ =	shalt  }
0x47: {  	_ =	shalt  }
0x48: {  	_ =	shalt  }
0x49: {  	_ =	shalt  }
0x4a: {  	_ =	shalt  }
0x4b: {  	_ =	shalt  }
0x4c: {  	_ =	shalt  }
0x4d: {  	_ =	shalt  }
0x4e: {  	_ =	shalt  }
0x4f: {  	_ =	shalt  }
0x50: {  	_ =	shalt  }
0x51: {  	_ =	shalt  }
0x52: {  	_ =	shalt  }
0x53: {  	_ =	shalt  }
0x54: {  	_ =	shalt  }
0x55: {  	_ =	shalt  }
0x56: {  	_ =	shalt  }
0x57: {  	_ =	shalt  }
0x58: {  	_ =	shalt  }
0x59: {  	_ =	shalt  }
0x5a: {  	_ =	shalt  }
0x5b: {  	_ =	shalt  }
0x5c: {  	_ =	shalt  }
0x5d: {  	_ =	shalt  }
0x5e: {  	_ =	shalt  }
0x5f: {  	_ =	shalt  }
0x60: {  	_ =	shalt  }
0x61: {  	_ =	shalt  }
0x62: {  	_ =	shalt  }
0x63: {  	_ =	shalt  }
0x64: {  	_ =	shalt  }
0x65: {  	_ =	shalt  }
0x66: {  	_ =	shalt  }
0x67: {  	_ =	shalt  }
0x68: {  	_ =	shalt  }
0x69: {  	_ =	shalt  }
0x6a: {  	_ =	shalt  }
0x6b: {  	_ =	shalt  }
0x6c: {  	_ =	shalt  }
0x6d: {  	_ =	shalt  }
0x6e: {  	_ =	shalt  }
0x6f: {  	_ =	shalt  }
0x70: {  	_ =	shalt  }
0x71: {  	_ =	shalt  }
0x72: {  	_ =	shalt  }
0x73: {  	_ =	shalt  }
0x74: {  	_ =	shalt  }
0x75: {  	_ =	shalt  }
0x76: {  	_ =	shalt  }
0x77: {  	_ =	shalt  }
0x78: {  	_ =	shalt  }
0x79: {  	_ =	shalt  }
0x7a: {  	_ =	shalt  }
0x7b: {  	_ =	shalt  }
0x7c: {  	_ =	shalt  }
0x7d: {  	_ =	shalt  }
0x7e: {  	_ =	shalt  }
0x7f: {  	_ =	shalt  }
0x80: {  	_ =	shalt  }
0x81: {  	_ =	shalt  }
0x82: {  	_ =	shalt  }
0x83: {  	_ =	shalt  }
0x84: {  	_ =	shalt  }
0x85: {  	_ =	shalt  }
0x86: {  	_ =	shalt  }
0x87: {  	_ =	shalt  }
.Lfunc_end0:
.L_simem_size_0:
called_computation.1_lowered:
.L_overlay_start_0:
0x88: {  	s2 =	sld [smem:$0x3FD9]  }
0x89: {  	s3 =	sld [smem:$0x3FFE];
	_ =	sdelay $0x1  }
0x8a: {  	s1 =	srdreg.scid  }
0x8b: {  	s0 =	sand.u32 $0x1, s1  }
0x8c: {  	s16 =	sshll.u32 s0, $0xA;
	s2 =	sadd.s32 s3, s2  }
0x8d: {  	s2 =	sadd.s32 s2, s16  }
0x8e: {  	[smem:$0x3FAD] =	sst s2  }
0x8f: {  	_ = 	snop  }
0x90: {  	(tm) =	ssettm $0x1  }
0x91: {  	s17 =	sld [smem:$0x3FFB];
	_ =	sdelay $0x3  }
0x92: {  	_ =	strace s17  }
0x93: {  	s2 =	sld [smem:$0x3FFC];
	_ =	sdelay $0x3  }
0x94: {  	_ =	strace s2  }
0x95: {  	s2 =	sld [smem:$0x3FFD];
	_ =	sdelay $0x3  }
0x96: {  	_ =	strace s2  }
0x97: {  	_ =	strace $0x8FFFFFFF  }
0x98: {  	s18 =	sld [smem:$0x3FDB];
	_ =	sdelay $0x1  }
0x99: {  	s19 =	simm.s32 $_scs_section_size  }
0x9a: {  	s4 =	simm.s32 $_size__tile_overlayer_lowered;
	s5 =	simm.s32 $_tile_overlayer_lowered  }
0x9b: {  	s22 =	simm.s32 $0x1BFF;
	s21 =	sshll.u32 s5, $0x1;
	s2 =	sadd.s32 s19, s18  }
0x9c: {  	s6 =	simm.s32 $0x0;
	s20 =	sshll.u32 s4, $0x1;
	s4 =	sadd.s32 s21, s2  }
0x9d: {  	[timem:s6], [sflag:s22] =	dma.local [hbm:s4], s20  }
0x9e: {  	_ =	swait.ge [sflag:s22], s20  }
0x9f: {  	s3 =	ssub.s32 $0x0, s20;
	[sflag:s22] =	ssyncset.done $0x0  }
0xa0: {  	[sflag:s22] =	ssyncadd.s32 s3;
	_ =	sdelay $0x1  }
0xa1: {  	s23 =	simm.s32 $0x1B8B  }
0xa2: {  	_ =	swait.ge [sflag:s23], $0x1  }
0xa3: {  	[sflag:s23] =	ssyncset.done $0x0  }
0xa4: {  	s25 =	simm.s32 $0x1B8E;
	s24 =	sld [smem:$0x3FFE];
	[sflag:s23] =	ssyncadd.s32 $0xFFFFFFFF  }
0xa5: {  	s26 =	simm.s32 $execute0_lowered;
	[smem:$0x3FD2] =	sst s25  }
0xa6: {  	s4 =	sshll.u32 s26, $0x1;
	_ =	strace $0x80000049;
	[dreg:$0x1] =	wrdreg $0xFFFFFFFF  }
0xa7: {  	s28 =	simm.s32 $_size_execute0_lowered;
	s2 =	sadd.s32 s2, s4;
	[dreg:$0x0] =	wrdreg $0x0  }
0xa8: {  	s4 =	sshll.u32 s28, $0x1;
	[dreg:$0x2] =	wrdreg s2  }
0xa9: {  	[dreg:$0x3] =	wrdreg s4  }
0xaa: {  	[dreg:$0x4] =	wrdreg $0xC0  }
0xab: {  	_ =	task [dreg:s6], $0x5FFFF  }
0xac: {  	[dreg:$0x1] =	wrdreg $0xFFFFFFFF  }
0xad: {  	[dreg:$0x0] =	wrdreg $0x60  }
0xae: {  	[dreg:$0x2] =	wrdreg s24  }
0xaf: {  	[dreg:$0x3] =	wrdreg $0xBC800  }
0xb0: {  	[dreg:$0x4] =	wrdreg $0x9  }
0xb1: {  	_ =	task.clear_ibuf [dreg:s6], $0x5FFFF;
	_ =	strace $0x90000049  }
0xb2: {  	s29 =	simm.s32 $0x9;
	_ =	strace $0x8000004B  }
0xb3: {  	_ =	swait.ge [sflag:s29], $0x1  }
0xb4: {  	[sflag:s29] =	ssyncadd.s32 $0xFFFFFFFF  }
0xb5: {  	_ =	strace $0x9000004B  }
0xb6: {  	_ =	sfence  }
0xb7: {  	s30 =	sld [smem:$0x0];
	_ =	sdelay $0x2  }
0xb8: {  	s31 =	sshll.u32 s1, $0xD;
	s1 =	sshrl.u32 s1, $0x2  }
0xb9: {  	s3 =	sand.u32 $0x4000, s31;
	s1 =	sadd.s32 s1, s30  }
0xba: {  	s0 =	sor.u32 s3, s0;
	s1 =	sshll.u32 s1, $0x11  }
0xbb: {  	s0 =	sor.u32 s1, s0  }
0xbc: {  	s0 =	sadd.s32 $0x8F2B, s0  }
0xbd: {  	[sflag:s0] =	ssyncadd.remote.s32 $0x1  }
0xbe: {  	_ =	sfence.sel $0xFFFF  }
0xbf: {  	[dreg:$0x0] =	wrdreg $0xFFFFFFFF;
	(pc) =	sbr.abs _section_cstart, $3  }
0xc0: {  	[dreg:$0x1] =	wrdreg $0xFFFFFFFF  }
0xc1: {  	_ =	task.clear_ibuf [dreg:s6], $0x2FFFF;
	_ =	strace $0x9FFFFFFF  }
0xc2: {  	(tm) =	ssettm $0x7FFFFFFF  }
0xc3: {  	_ =	shalt  }
tec
execute0_lowered:
.L_overlay_start_1:
0x0: {  	(tag) =	ssettag $0x1  }
0x1: {  	s0 =	srdreg.scid  }
0x2: {  	s10 =	stileid.u32;
	s7 =	rddreg [dreg:$0x0]  }
0x3: {  	s2 =	rddreg [dreg:$0x1];
	s4 =	simm.s32 $0x0;
	s11 =	simm.s32 $0x13  }
0x4: {  	s12 =	simm.s32 $0x2880;
	s0 =	sand.u32 $0x1, s0;
	s6 =	smul.u32 $0x14000, s10  }
0x5: {  	[smem:$0x7FF] =	sst s4;
	s1 =	sshll.u32 s0, $0x4;
	s13 =	smul.u32 $0x140000, s0  }
0x6: {  	_ =	strace $0x8000004A;
	s0 =	ssub.s32 $0x2, s0;
	s1 =	sor.u32 s10, s1  }
0x7: {  	s14 =	sshrl.u32 s0, $0x1;
	s3 =	smul.u32 $0x2880, s1;
	s1 =	sadd.s32 s6, s13  }
0x8: {  	s6 =	sadd.s32 $0xF000, s7;
	s0 =	ssub.s32 s0, s14;
	s1 =	sshrl.u32 s1, $0x3  }
0x9: {  	s0 =	smax.u32 s0, $0x1;
	s8 =	sshrl.u32 s3, $0x3;
	s1 =	sadd.s32 s1, s7  }
0xa: {  	[dreg:$0xc] =	wrdreg s0;
	s9 =	sadd.s32 s8, s7;
	s8 =	sadd.s32 s6, s8  }
0xb: {  	s28 =	simm.s32 $0x30;
	s1 =	sadd.s32 $0x40400, s1;
	[dreg:$0x3] =	wrdreg s8  }
0xc: {  	s29 =	simm.s32 $0xF;
	s9 =	sadd.s32 $0x4E00, s9;
	[dreg:$0xa] =	wrdreg s1  }
0xd: {  	s30 =	simm.s32 $0x4;
	s16 =	sadd.s32 $0x6, s8;
	[dreg:$0x4] =	wrdreg s9  }
0xe: {  	s31 =	simm.s32 $0x10;
	s17 =	sadd.s32 $0xC, s8;
	[dreg:$0x5] =	wrdreg s16  }
0xf: {  	s15 =	smul.u32 $0x50000, s10;
	s18 =	sadd.s32 $0x12, s8;
	[dreg:$0x6] =	wrdreg s17  }
0x10: {  	s5 =	sadd.s32 $0x19200, s7;
	s19 =	sadd.s32 $0x18, s8;
	[dreg:$0x7] =	wrdreg s18  }
0x11: {  	s7 =	sshrl.u32 s15, $0x2;
	s8 =	sadd.s32 $0x1E, s8;
	[dreg:$0x8] =	wrdreg s19  }
0x12: {  	s13 =	simm.s32 $0x4480;
	s10 =	sadd.s32 s7, s2;
	[dreg:$0x9] =	wrdreg s8  }
0x13: {  	s14 =	simm.s32 $0x5C80;
	s20 =	sadd.s32 $0x2800, s10;
	[dreg:$0xb] =	wrdreg s10  }
0x14: {  	s15 =	simm.s32 $0x2B00;
	s21 =	sadd.s32 $0x5000, s10;
	[dreg:$0xd] =	wrdreg s20  }
0x15: {  	s7 =	simm.s32 $0x2A80;
	s22 =	sadd.s32 $0x7800, s10;
	[dreg:$0xe] =	wrdreg s21  }
0x16: {  	s1 =	simm.s32 $0x0;
	s23 =	sadd.s32 $0xA000, s10;
	[dreg:$0xf] =	wrdreg s22  }
0x17: {  	s24 =	sadd.s32 $0xC800, s10;
	s25 =	sadd.s32 $0xF000, s10;
	[dreg:$0x10] =	wrdreg s23  }
0x18: {  	s26 =	sadd.s32 $0x11800, s10;
	s18 =	simm.s32 $0x2C80;
	[dreg:$0x11] =	wrdreg s24  }
0x19: {  	s17 =	simm.s32 $0x2900;
	s16 =	simm.s32 $0x2980;
	[dreg:$0x12] =	wrdreg s25  }
0x1a: {  	s19 =	simm.s32 $0x8C80;
	[dreg:$0x13] =	wrdreg s26;
	s21 =	simm.s32 $0x2A00  }
0x1b: {  	s20 =	simm.s32 $0x7480;
	s22 =	simm.s32 $0xA480;
	s23 =	simm.s32 $0xD  }
0x1c: {  	v0 =	vimm.f32 $0.0e+00;
	s24 =	simm.s32 $0x2;
	s25 =	simm.s32 $0xE;
	s26 =	simm.s32 $0x3  }
.LBB2_1:
0x1d: {  	s0 =	sand.u32 $0xFE00, s4  }
0x1e: {  	[dreg:$0x14] =	wrdreg s1;
	s9 =	sand.u32 $0x70, s4;
	s8 =	sshrl.u32 s0, $0x2  }
0x1f: {  	s1 =	simm.s32 $0x0;
	s0 =	simm.s32 $0x40;
	s8 =	sor.u32 s9, s8  }
.LBB2_2:
0x20: {  	p0 =	sne.s32 s0, $0x9FC0  }
0x21: {  	[tilespmem:s8+$0x2C80] =	vst v0;
	s1 =	sadd.s32 $0x10, s1;
	s8 =	smov.u32 s0;
	s0 =	sadd.s32 $0x40, s0  }
.Ltmp0:
0x22: {  	(pc) =	sbr.rel @p0 .LBB2_2-.Ltmp0, $4  }
0x23: {  	_ = 	snop  }
0x24: {  	s8 =	sand.u32 $0xFE00, s8  }
0x25: {  	s9 =	sand.u32 $0x70, s1;
	s8 =	sshrl.u32 s8, $0x2  }
0x26: {  	s8 =	sor.u32 s9, s8  }
0x27: {  	[tilespmem:s8+$0x2C80] =	vst v0  }
0x28: {  	[spmem:s10] =	stream.linear.scatter [tilespmem:s18], [sflag:$0x13], $0x2800, $0x38;
	[tilespmem:$0x1FC80] =	vst v63  }
0x29: {  	_ =	swait.ge [sflag:s11], $0x2800  }
0x2a: {  	[sflag:s11] =	ssyncset.done $0x0  }
0x2b: {  	s0 =	rddreg [dreg:$0xd];
	[sflag:s11] =	ssyncadd.s32 $0xFFFFD800  }
0x2c: {  	[spmem:s0] =	stream.linear.scatter [tilespmem:s18], [sflag:$0x13], $0x2800, $0x38;
	[tilespmem:$0x1FC80] =	vst v63  }
0x2d: {  	_ =	swait.ge [sflag:s11], $0x2800  }
0x2e: {  	[sflag:s11] =	ssyncset.done $0x0  }
0x2f: {  	s8 =	rddreg [dreg:$0xe];
	[sflag:s11] =	ssyncadd.s32 $0xFFFFD800  }
0x30: {  	[spmem:s8] =	stream.linear.scatter [tilespmem:s18], [sflag:$0x13], $0x2800, $0x38;
	[tilespmem:$0x1FC80] =	vst v63  }
0x31: {  	_ =	swait.ge [sflag:s11], $0x2800  }
0x32: {  	[sflag:s11] =	ssyncset.done $0x0  }
0x33: {  	s9 =	rddreg [dreg:$0xf];
	[sflag:s11] =	ssyncadd.s32 $0xFFFFD800  }
0x34: {  	[spmem:s9] =	stream.linear.scatter [tilespmem:s18], [sflag:$0x13], $0x2800, $0x38;
	[tilespmem:$0x1FC80] =	vst v63  }
0x35: {  	_ =	swait.ge [sflag:s11], $0x2800  }
0x36: {  	[sflag:s11] =	ssyncset.done $0x0  }
0x37: {  	s10 =	rddreg [dreg:$0x10];
	[sflag:s11] =	ssyncadd.s32 $0xFFFFD800  }
0x38: {  	[spmem:s10] =	stream.linear.scatter [tilespmem:s18], [sflag:$0x13], $0x2800, $0x38;
	[tilespmem:$0x1FC80] =	vst v63  }
0x39: {  	_ =	swait.ge [sflag:s11], $0x2800  }
0x3a: {  	[sflag:s11] =	ssyncset.done $0x0  }
0x3b: {  	s1 =	rddreg [dreg:$0x11];
	[sflag:s11] =	ssyncadd.s32 $0xFFFFD800  }
0x3c: {  	[spmem:s1] =	stream.linear.scatter [tilespmem:s18], [sflag:$0x13], $0x2800, $0x38;
	[tilespmem:$0x1FC80] =	vst v63  }
0x3d: {  	_ =	swait.ge [sflag:s11], $0x2800  }
0x3e: {  	[sflag:s11] =	ssyncset.done $0x0  }
0x3f: {  	s8 =	rddreg [dreg:$0x12];
	[sflag:s11] =	ssyncadd.s32 $0xFFFFD800  }
0x40: {  	[spmem:s8] =	stream.linear.scatter [tilespmem:s18], [sflag:$0x13], $0x2800, $0x38;
	[tilespmem:$0x1FC80] =	vst v63  }
0x41: {  	_ =	swait.ge [sflag:s11], $0x2800  }
0x42: {  	[sflag:s11] =	ssyncset.done $0x0  }
0x43: {  	s9 =	rddreg [dreg:$0x13];
	[sflag:s11] =	ssyncadd.s32 $0xFFFFD800  }
0x44: {  	[spmem:s9] =	stream.linear.scatter [tilespmem:s18], [sflag:$0x13], $0x2800, $0x38;
	[tilespmem:$0x1FC80] =	vst v63  }
0x45: {  	_ =	swait.ge [sflag:s11], $0x2800  }
0x46: {  	[sflag:s11] =	ssyncset.done $0x0  }
0x47: {  	[sflag:s11] =	ssyncadd.s32 $0xFFFFD800  }
0x48: {  	[bflag:$0x0] =	sbarrier.arrive $0xFFFF  }
0x49: {  	s10 =	rddreg [dreg:$0x4]  }
0x4a: {  	[tilespmem:s4], [sflag:$0x13] =	stream.linear.gather [hbm4b:s10+s4], $0x2880, $0x38;
	[tilespmem:$0x1FC80] =	vst v63  }
0x4b: {  	_ =	swait.ge [sflag:s11], $0x2880  }
0x4c: {  	[sflag:s11] =	ssyncset.done $0x0  }
0x4d: {  	s1 =	rddreg [dreg:$0x3];
	[sflag:s11] =	ssyncadd.s32 $0xFFFFD780  }
0x4e: {  	[tilespmem:s12], [sflag:$0xD] =	stream.linear.gather [hbm4b:s1+s4], $0x30, $0x38;
	[tilespmem:$0x1FC80] =	vst v63  }
0x4f: {  	_ = 	snop  }
0x50: {  	[tilespmem:s18], [sflag:$0x1] =	stream.indirect.gather [hbm4b:s5+s28], $0x80, s4, s28, $0xb8;
	[tilespmem:$0x1FC80] =	vst v63  }
0x51: {  	s8 =	rddreg [dreg:$0x5]  }
0x52: {  	[tilespmem:s17], [sflag:$0xE] =	stream.linear.gather [hbm4b:s8+s4], $0x30, $0x38;
	[tilespmem:$0x1FC80] =	vst v63  }
0x53: {  	_ = 	snop  }
0x54: {  	[tilespmem:s13], [sflag:$0x2] =	stream.indirect.gather [hbm4b:s5+s28], $0x80, s28, s28, $0xb8;
	[tilespmem:$0x1FC80] =	vst v63  }
0x55: {  	s9 =	rddreg [dreg:$0x6]  }
0x56: {  	[tilespmem:s16], [sflag:$0xF] =	stream.linear.gather [hbm4b:s9+s4], $0x30, $0x38;
	[tilespmem:$0x1FC80] =	vst v63  }
0x57: {  	s10 =	simm.s32 $0x60  }
0x58: {  	[tilespmem:s14], [sflag:$0x3] =	stream.indirect.gather [hbm4b:s5+s28], $0x80, s10, s28, $0xb8;
	[tilespmem:$0x1FC80] =	vst v63  }
0x59: {  	s11 =	rddreg [dreg:$0x7]  }
0x5a: {  	[tilespmem:s21], [sflag:$0x10] =	stream.linear.gather [hbm4b:s11+s4], $0x30, $0x38;
	[tilespmem:$0x1FC80] =	vst v63  }
0x5b: {  	s1 =	simm.s32 $0x90  }
0x5c: {  	[tilespmem:s20], [sflag:$0x4] =	stream.indirect.gather [hbm4b:s5+s28], $0x80, s1, s28, $0xb8;
	[tilespmem:$0x1FC80] =	vst v63  }
0x5d: {  	s8 =	rddreg [dreg:$0x8]  }
0x5e: {  	[tilespmem:s7], [sflag:$0x11] =	stream.linear.gather [hbm4b:s8+s4], $0x30, $0x38;
	[tilespmem:$0x1FC80] =	vst v63  }
0x5f: {  	s9 =	simm.s32 $0xC0  }
0x60: {  	[tilespmem:s19], [sflag:$0x5] =	stream.indirect.gather [hbm4b:s5+s28], $0x80, s9, s28, $0xb8;
	[tilespmem:$0x1FC80] =	vst v63  }
0x61: {  	s10 =	rddreg [dreg:$0x9]  }
0x62: {  	[tilespmem:s15], [sflag:$0x12] =	stream.linear.gather [hbm4b:s10+s4], $0x30, $0x38;
	[tilespmem:$0x1FC80] =	vst v63  }
0x63: {  	s11 =	simm.s32 $0xF0;
	s9 =	simm.s32 $0x1  }
0x64: {  	[tilespmem:s22], [sflag:$0x6] =	stream.indirect.gather [hbm4b:s5+s28], $0x80, s11, s28, $0xb8;
	[tilespmem:$0x1FC80] =	vst v63  }
0x65: {  	_ =	swait.ge [sflag:s9], $0x1800  }
0x66: {  	[sflag:s9] =	ssyncset.done $0x0  }
0x67: {  	[sflag:s9] =	ssyncadd.s32 $0xFFFFE800  }
0x68: {  	_ =	swait.ge [sflag:s23], $0x30  }
0x69: {  	[sflag:s23] =	ssyncset.done $0x0  }
0x6a: {  	[sflag:s23] =	ssyncadd.s32 $0xFFFFFFD0  }
0x6b: {  	[spmem:s2] =	stream.indirect.scatter.add.f32 [tilespmem:s18], [sflag:$0x7], $0x80, s12, s28, $0xb8;
	[tilespmem:$0x1FC80] =	vst v63  }
0x6c: {  	_ =	swait.ge [sflag:s24], $0x1800  }
0x6d: {  	[sflag:s24] =	ssyncset.done $0x0  }
0x6e: {  	[sflag:s24] =	ssyncadd.s32 $0xFFFFE800  }
0x6f: {  	_ =	swait.ge [sflag:s25], $0x30  }
0x70: {  	[sflag:s25] =	ssyncset.done $0x0  }
0x71: {  	[sflag:s25] =	ssyncadd.s32 $0xFFFFFFD0  }
0x72: {  	[spmem:s2] =	stream.indirect.scatter.add.f32 [tilespmem:s13], [sflag:$0x8], $0x80, s17, s28, $0xb8;
	[tilespmem:$0x1FC80] =	vst v63  }
0x73: {  	_ =	swait.ge [sflag:s26], $0x1800  }
0x74: {  	[sflag:s26] =	ssyncset.done $0x0  }
0x75: {  	[sflag:s26] =	ssyncadd.s32 $0xFFFFE800  }
0x76: {  	_ =	swait.ge [sflag:s29], $0x30  }
0x77: {  	[sflag:s29] =	ssyncset.done $0x0  }
0x78: {  	[sflag:s29] =	ssyncadd.s32 $0xFFFFFFD0  }
0x79: {  	[spmem:s2] =	stream.indirect.scatter.add.f32 [tilespmem:s14], [sflag:$0x9], $0x80, s16, s28, $0xb8;
	[tilespmem:$0x1FC80] =	vst v63  }
0x7a: {  	_ =	swait.ge [sflag:s30], $0x1800  }
0x7b: {  	[sflag:s30] =	ssyncset.done $0x0  }
0x7c: {  	[sflag:s30] =	ssyncadd.s32 $0xFFFFE800  }
0x7d: {  	_ =	swait.ge [sflag:s31], $0x30  }
0x7e: {  	[sflag:s31] =	ssyncset.done $0x0  }
0x7f: {  	s10 =	simm.s32 $0x5;
	[sflag:s31] =	ssyncadd.s32 $0xFFFFFFD0  }
0x80: {  	[spmem:s2] =	stream.indirect.scatter.add.f32 [tilespmem:s20], [sflag:$0xA], $0x80, s21, s28, $0xb8;
	[tilespmem:$0x1FC80] =	vst v63  }
0x81: {  	_ =	swait.ge [sflag:s10], $0x1800  }
0x82: {  	[sflag:s10] =	ssyncset.done $0x0  }
0x83: {  	s11 =	simm.s32 $0x11;
	[sflag:s10] =	ssyncadd.s32 $0xFFFFE800  }
0x84: {  	_ =	swait.ge [sflag:s11], $0x30  }
0x85: {  	[sflag:s11] =	ssyncset.done $0x0  }
0x86: {  	s25 =	simm.s32 $0x6;
	[sflag:s11] =	ssyncadd.s32 $0xFFFFFFD0  }
0x87: {  	[spmem:s2] =	stream.indirect.scatter.add.f32 [tilespmem:s19], [sflag:$0xB], $0x80, s7, s28, $0xb8;
	[tilespmem:$0x1FC80] =	vst v63  }
0x88: {  	_ =	swait.ge [sflag:s25], $0x1800  }
0x89: {  	[sflag:s25] =	ssyncset.done $0x0  }
0x8a: {  	s1 =	simm.s32 $0x12;
	[sflag:s25] =	ssyncadd.s32 $0xFFFFE800  }
0x8b: {  	_ =	swait.ge [sflag:s1], $0x30  }
0x8c: {  	p0 =	por $0x0, $0x0;
	s0 =	simm.s32 $0x120;
	[sflag:s1] =	ssyncset.done $0x0  }
0x8d: {  	s0 =	simm.s32 @p0 $0x0;
	s31 =	simm.s32 $0x7;
	[sflag:s1] =	ssyncadd.s32 $0xFFFFFFD0  }
0x8e: {  	[spmem:s2] =	stream.indirect.scatter.add.f32 [tilespmem:s22], [sflag:$0xC], $0x80, s15, s28, $0xb8;
	[tilespmem:$0x1FC80] =	vst v63  }
0x8f: {  	s26 =	sadd.s32 s3, s0;
	_ =	swait.ge [sflag:s31], $0x1800  }
0x90: {  	s1 =	sshrl.u32 s26, $0x3;
	[sflag:s31] =	ssyncset.done $0x0  }
0x91: {  	s8 =	simm.s32 $0x150;
	s1 =	sadd.s32 s6, s1;
	[sflag:s31] =	ssyncadd.s32 $0xFFFFE800  }
0x92: {  	[tilespmem:s12], [sflag:$0xD] =	stream.linear.gather [hbm4b:s1+s4], $0x30, $0x38;
	[tilespmem:$0x1FC80] =	vst v63  }
0x93: {  	s8 =	simm.s32 @p0 $0x30;
	s12 =	simm.s32 $0x8  }
0x94: {  	[tilespmem:s18], [sflag:$0x1] =	stream.indirect.gather [hbm4b:s5+s28], $0x80, s0, s28, $0xb8;
	[tilespmem:$0x1FC80] =	vst v63  }
0x95: {  	s7 =	sadd.s32 s3, s8;
	_ =	swait.ge [sflag:s12], $0x1800  }
0x96: {  	s0 =	sshrl.u32 s7, $0x3;
	[sflag:s12] =	ssyncset.done $0x0  }
0x97: {  	s1 =	simm.s32 $0x180;
	s0 =	sadd.s32 s6, s0;
	[sflag:s12] =	ssyncadd.s32 $0xFFFFE800  }
0x98: {  	[tilespmem:s17], [sflag:$0xE] =	stream.linear.gather [hbm4b:s0+s4], $0x30, $0x38;
	[tilespmem:$0x1FC80] =	vst v63  }
0x99: {  	s22 =	simm.s32 $0x9;
	s1 =	simm.s32 @p0 $0x60  }
0x9a: {  	[tilespmem:s13], [sflag:$0x2] =	stream.indirect.gather [hbm4b:s5+s28], $0x80, s8, s28, $0xb8;
	[tilespmem:$0x1FC80] =	vst v63  }
0x9b: {  	s15 =	sadd.s32 s3, s1;
	_ =	swait.ge [sflag:s22], $0x1800  }
0x9c: {  	s0 =	sshrl.u32 s15, $0x3;
	[sflag:s22] =	ssyncset.done $0x0  }
0x9d: {  	s0 =	sadd.s32 s6, s0;
	s8 =	simm.s32 $0x1B0;
	[sflag:s22] =	ssyncadd.s32 $0xFFFFE800  }
0x9e: {  	[tilespmem:s16], [sflag:$0xF] =	stream.linear.gather [hbm4b:s0+s4], $0x30, $0x38;
	[tilespmem:$0x1FC80] =	vst v63  }
0x9f: {  	s24 =	simm.s32 $0xA;
	s8 =	simm.s32 @p0 $0x90  }
0xa0: {  	[tilespmem:s14], [sflag:$0x3] =	stream.indirect.gather [hbm4b:s5+s28], $0x80, s1, s28, $0xb8;
	[tilespmem:$0x1FC80] =	vst v63  }
0xa1: {  	s23 =	sadd.s32 s3, s8;
	_ =	swait.ge [sflag:s24], $0x1800  }
0xa2: {  	s30 =	simm.s32 $0x2A00;
	s0 =	sshrl.u32 s23, $0x3;
	[sflag:s24] =	ssyncset.done $0x0  }
0xa3: {  	s0 =	sadd.s32 s6, s0;
	s1 =	simm.s32 $0x1E0;
	[sflag:s24] =	ssyncadd.s32 $0xFFFFE800  }
0xa4: {  	[tilespmem:s30], [sflag:$0x10] =	stream.linear.gather [hbm4b:s0+s4], $0x30, $0x38;
	[tilespmem:$0x1FC80] =	vst v63  }
0xa5: {  	s21 =	simm.s32 $0x2A80;
	s1 =	simm.s32 @p0 $0xC0;
	s30 =	simm.s32 $0xB  }
0xa6: {  	[tilespmem:s20], [sflag:$0x4] =	stream.indirect.gather [hbm4b:s5+s28], $0x80, s8, s28, $0xb8;
	[tilespmem:$0x1FC80] =	vst v63  }
0xa7: {  	s25 =	sadd.s32 s3, s1;
	s0 =	simm.s32 $0x210;
	_ =	swait.ge [sflag:s30], $0x1800  }
0xa8: {  	s0 =	simm.s32 @p0 $0xF0;
	s8 =	sshrl.u32 s25, $0x3;
	[sflag:s30] =	ssyncset.done $0x0  }
0xa9: {  	s31 =	sadd.s32 s3, s0;
	s8 =	sadd.s32 s6, s8;
	[sflag:s30] =	ssyncadd.s32 $0xFFFFE800  }
0xaa: {  	[tilespmem:s21], [sflag:$0x11] =	stream.linear.gather [hbm4b:s8+s4], $0x30, $0x38;
	[tilespmem:$0x1FC80] =	vst v63  }
0xab: {  	s26 =	simm.s32 $0x8C80;
	s13 =	simm.s32 $0xC;
	s8 =	sshrl.u32 s31, $0x3  }
0xac: {  	[tilespmem:s26], [sflag:$0x5] =	stream.indirect.gather [hbm4b:s5+s28], $0x80, s1, s28, $0xb8;
	[tilespmem:$0x1FC80] =	vst v63  }
0xad: {  	s29 =	simm.s32 $0x2;
	s12 =	sadd.s32 s6, s8;
	_ =	swait.ge [sflag:s13], $0x1800  }
0xae: {  	s1 =	simm.s32 $0x330;
	s26 =	simm.s32 $0xD;
	[sflag:s13] =	ssyncset.done $0x0  }
.LBB2_4:
0xaf: {  	p0 =	sne.s32 s1, $0x2970;
	[sflag:s13] =	ssyncadd.s32 $0xFFFFE800  }
0xb0: {  	s8 =	smov.u32 s1;
	s1 =	sadd.s32 $0x120, s1;
	s23 =	simm.s32 $0x2B00  }
0xb1: {  	[tilespmem:s23], [sflag:$0x12] =	stream.linear.gather [hbm4b:s12+s4], $0x30, $0x38;
	[tilespmem:$0x1FC80] =	vst v63  }
0xb2: {  	s20 =	simm.s32 $0xA480  }
0xb3: {  	[tilespmem:s20], [sflag:$0x6] =	stream.indirect.gather [hbm4b:s5+s28], $0x80, s0, s28, $0xb8;
	[tilespmem:$0x1FC80] =	vst v63  }
0xb4: {  	_ =	swait.ge [sflag:s9], $0x1800  }
0xb5: {  	[sflag:s9] =	ssyncset.done $0x0  }
0xb6: {  	[sflag:s9] =	ssyncadd.s32 $0xFFFFE800  }
0xb7: {  	_ =	swait.ge [sflag:s26], $0x30  }
0xb8: {  	[sflag:s26] =	ssyncset.done $0x0  }
0xb9: {  	s19 =	simm.s32 $0x2880;
	[sflag:s26] =	ssyncadd.s32 $0xFFFFFFD0  }
0xba: {  	[spmem:s2] =	stream.indirect.scatter.add.f32 [tilespmem:s18], [sflag:$0x7], $0x80, s19, s28, $0xb8;
	[tilespmem:$0x1FC80] =	vst v63  }
0xbb: {  	_ =	swait.ge [sflag:s29], $0x1800  }
0xbc: {  	[sflag:s29] =	ssyncset.done $0x0  }
0xbd: {  	s0 =	simm.s32 $0xE;
	[sflag:s29] =	ssyncadd.s32 $0xFFFFE800  }
0xbe: {  	_ =	swait.ge [sflag:s0], $0x30  }
0xbf: {  	s7 =	simm.s32 $0x0;
	[sflag:s0] =	ssyncset.done $0x0  }
0xc0: {  	s4 =	simm.s32 $0x4480;
	[sflag:s0] =	ssyncadd.s32 $0xFFFFFFD0;
	s0 =	simm.s32 $0x3  }
0xc1: {  	[spmem:s2] =	stream.indirect.scatter.add.f32 [tilespmem:s4], [sflag:$0x8], $0x80, s17, s28, $0xb8;
	[tilespmem:$0x1FC80] =	vst v63  }
0xc2: {  	_ =	swait.ge [sflag:s0], $0x1800  }
0xc3: {  	[sflag:s0] =	ssyncset.done $0x0  }
0xc4: {  	[sflag:s0] =	ssyncadd.s32 $0xFFFFE800;
	s0 =	simm.s32 $0xF  }
0xc5: {  	_ =	swait.ge [sflag:s0], $0x30  }
0xc6: {  	[sflag:s0] =	ssyncset.done $0x0  }
0xc7: {  	s25 =	simm.s32 $0x5C80;
	[sflag:s0] =	ssyncadd.s32 $0xFFFFFFD0;
	s0 =	simm.s32 $0x4  }
0xc8: {  	[spmem:s2] =	stream.indirect.scatter.add.f32 [tilespmem:s25], [sflag:$0x9], $0x80, s16, s28, $0xb8;
	[tilespmem:$0x1FC80] =	vst v63  }
0xc9: {  	_ =	swait.ge [sflag:s0], $0x1800  }
0xca: {  	[sflag:s0] =	ssyncset.done $0x0  }
0xcb: {  	[sflag:s0] =	ssyncadd.s32 $0xFFFFE800;
	s0 =	simm.s32 $0x10  }
0xcc: {  	_ =	swait.ge [sflag:s0], $0x30  }
0xcd: {  	[sflag:s0] =	ssyncset.done $0x0  }
0xce: {  	s22 =	simm.s32 $0x7480;
	s30 =	simm.s32 $0x2A00;
	[sflag:s0] =	ssyncadd.s32 $0xFFFFFFD0  }
0xcf: {  	[spmem:s2] =	stream.indirect.scatter.add.f32 [tilespmem:s22], [sflag:$0xA], $0x80, s30, s28, $0xb8;
	[tilespmem:$0x1FC80] =	vst v63  }
0xd0: {  	_ =	swait.ge [sflag:s10], $0x1800  }
0xd1: {  	[sflag:s10] =	ssyncset.done $0x0  }
0xd2: {  	s24 =	simm.s32 $0x8C80;
	[sflag:s10] =	ssyncadd.s32 $0xFFFFE800  }
0xd3: {  	s31 =	simm.s32 $0x2A80;
	s14 =	simm.s32 $0x12;
	_ =	swait.ge [sflag:s11], $0x30  }
0xd4: {  	s21 =	simm.s32 $0x2B00;
	s15 =	simm.s32 $0xA480;
	[sflag:s11] =	ssyncset.done $0x0  }
0xd5: {  	s13 =	sadd.s32 $0xFFFFFF40, s8;
	s0 =	simm.s32 $0x6;
	[sflag:s11] =	ssyncadd.s32 $0xFFFFFFD0  }
0xd6: {  	[spmem:s2] =	stream.indirect.scatter.add.f32 [tilespmem:s24], [sflag:$0xB], $0x80, s31, s28, $0xb8;
	[tilespmem:$0x1FC80] =	vst v63  }
0xd7: {  	p1 =	seq.s32 s8, $0x2970;
	s12 =	sadd.s32 $0xFFFFFF10, s8;
	_ =	swait.ge [sflag:s0], $0x1800  }
0xd8: {  	s12 =	simm.s32 @p1 $0x0;
	s11 =	sadd.s32 $0xFFFFFF70, s8;
	[sflag:s0] =	ssyncset.done $0x0  }
0xd9: {  	s9 =	sadd.s32 $0xFFFFFFD0, s8;
	s10 =	sadd.s32 $0xFFFFFFA0, s8;
	[sflag:s0] =	ssyncadd.s32 $0xFFFFE800  }
0xda: {  	s13 =	simm.s32 @p1 $0x30;
	s0 =	smov.u32 s8;
	_ =	swait.ge [sflag:s14], $0x30  }
0xdb: {  	s9 =	simm.s32 @p1 $0xC0;
	s0 =	simm.s32 @p1 $0xF0;
	[sflag:s14] =	ssyncset.done $0x0  }
0xdc: {  	s18 =	simm.s32 $0x7;
	s8 =	sadd.s32 s3, s12;
	[sflag:s14] =	ssyncadd.s32 $0xFFFFFFD0  }
0xdd: {  	s11 =	simm.s32 @p1 $0x60;
	s8 =	sshrl.u32 s8, $0x3;
	s14 =	sadd.s32 s3, s9  }
0xde: {  	[spmem:s2] =	stream.indirect.scatter.add.f32 [tilespmem:s20], [sflag:$0xC], $0x80, s23, s28, $0xb8;
	[tilespmem:$0x1FC80] =	vst v63  }
0xdf: {  	s16 =	sadd.s32 s3, s11;
	s17 =	sadd.s32 s3, s0;
	_ =	swait.ge [sflag:s18], $0x1800  }
0xe0: {  	s16 =	sshrl.u32 s16, $0x3;
	s8 =	sadd.s32 s6, s8;
	[sflag:s18] =	ssyncset.done $0x0  }
0xe1: {  	s17 =	sshrl.u32 s17, $0x3;
	[sflag:s18] =	ssyncadd.s32 $0xFFFFE800;
	s18 =	sadd.s32 s3, s13  }
0xe2: {  	[tilespmem:s19], [sflag:$0xD] =	stream.linear.gather [hbm4b:s8+s7], $0x30, $0x38;
	[tilespmem:$0x1FC80] =	vst v63  }
0xe3: {  	s23 =	simm.s32 $0x8;
	s8 =	sshrl.u32 s18, $0x3;
	s18 =	simm.s32 $0x2C80  }
0xe4: {  	[tilespmem:s18], [sflag:$0x1] =	stream.indirect.gather [hbm4b:s5+s28], $0x80, s12, s28, $0xb8;
	[tilespmem:$0x1FC80] =	vst v63  }
0xe5: {  	s12 =	sadd.s32 s6, s17;
	s17 =	simm.s32 $0x2900;
	_ =	swait.ge [sflag:s23], $0x1800  }
0xe6: {  	[sflag:s23] =	ssyncset.done $0x0  }
0xe7: {  	s8 =	sadd.s32 s6, s8;
	[sflag:s23] =	ssyncadd.s32 $0xFFFFE800  }
0xe8: {  	[tilespmem:s17], [sflag:$0xE] =	stream.linear.gather [hbm4b:s8+s7], $0x30, $0x38;
	[tilespmem:$0x1FC80] =	vst v63  }
0xe9: {  	_ = 	snop  }
0xea: {  	[tilespmem:s4], [sflag:$0x2] =	stream.indirect.gather [hbm4b:s5+s28], $0x80, s13, s28, $0xb8;
	[tilespmem:$0x1FC80] =	vst v63  }
0xeb: {  	s10 =	simm.s32 @p1 $0x90;
	s7 =	simm.s32 $0x9;
	s4 =	simm.s32 $0x0  }
0xec: {  	s8 =	sadd.s32 s3, s10;
	_ =	swait.ge [sflag:s7], $0x1800  }
0xed: {  	s8 =	sshrl.u32 s8, $0x3;
	[sflag:s7] =	ssyncset.done $0x0  }
0xee: {  	s13 =	sadd.s32 s6, s16;
	s16 =	simm.s32 $0x2980;
	[sflag:s7] =	ssyncadd.s32 $0xFFFFE800  }
0xef: {  	[tilespmem:s16], [sflag:$0xF] =	stream.linear.gather [hbm4b:s13+s4], $0x30, $0x38;
	[tilespmem:$0x1FC80] =	vst v63  }
0xf0: {  	s13 =	simm.s32 $0xC  }
0xf1: {  	s8 =	sadd.s32 s6, s8;
	s7 =	simm.s32 $0xA  }
0xf2: {  	[tilespmem:s25], [sflag:$0x3] =	stream.indirect.gather [hbm4b:s5+s28], $0x80, s11, s28, $0xb8;
	[tilespmem:$0x1FC80] =	vst v63  }
0xf3: {  	_ =	swait.ge [sflag:s7], $0x1800  }
0xf4: {  	[sflag:s7] =	ssyncset.done $0x0  }
0xf5: {  	s11 =	sshrl.u32 s14, $0x3;
	[sflag:s7] =	ssyncadd.s32 $0xFFFFE800  }
0xf6: {  	[tilespmem:s30], [sflag:$0x10] =	stream.linear.gather [hbm4b:s8+s4], $0x30, $0x38;
	[tilespmem:$0x1FC80] =	vst v63  }
0xf7: {  	s8 =	sadd.s32 s6, s11;
	s11 =	simm.s32 $0x11  }
0xf8: {  	[tilespmem:s22], [sflag:$0x4] =	stream.indirect.gather [hbm4b:s5+s28], $0x80, s10, s28, $0xb8;
	[tilespmem:$0x1FC80] =	vst v63  }
0xf9: {  	s7 =	simm.s32 $0xB;
	s10 =	simm.s32 $0x5  }
0xfa: {  	_ =	swait.ge [sflag:s7], $0x1800  }
0xfb: {  	[sflag:s7] =	ssyncset.done $0x0  }
0xfc: {  	[sflag:s7] =	ssyncadd.s32 $0xFFFFE800  }
0xfd: {  	[tilespmem:s31], [sflag:$0x11] =	stream.linear.gather [hbm4b:s8+s4], $0x30, $0x38;
	[tilespmem:$0x1FC80] =	vst v63  }
.Ltmp1:
0xfe: {  	(pc) =	sbr.rel @p0 .LBB2_4-.Ltmp1, $4  }
0xff: {  	[tilespmem:s24], [sflag:$0x5] =	stream.indirect.gather [hbm4b:s5+s28], $0x80, s9, s28, $0xb8;
	[tilespmem:$0x1FC80] =	vst v63  }
0x100: {  	s9 =	simm.s32 $0x1  }
0x101: {  	_ =	swait.ge [sflag:s13], $0x1800  }
0x102: {  	[sflag:s13] =	ssyncset.done $0x0  }
0x103: {  	[sflag:s13] =	ssyncadd.s32 $0xFFFFE800  }
0x104: {  	[tilespmem:s21], [sflag:$0x12] =	stream.linear.gather [hbm4b:s12+s4], $0x30, $0x38;
	[tilespmem:$0x1FC80] =	vst v63  }
0x105: {  	_ = 	snop  }
0x106: {  	[tilespmem:s15], [sflag:$0x6] =	stream.indirect.gather [hbm4b:s5+s28], $0x80, s0, s28, $0xb8;
	[tilespmem:$0x1FC80] =	vst v63  }
0x107: {  	_ =	swait.ge [sflag:s9], $0x1800  }
0x108: {  	[sflag:s9] =	ssyncset.done $0x0  }
0x109: {  	[sflag:s9] =	ssyncadd.s32 $0xFFFFE800  }
0x10a: {  	_ =	swait.ge [sflag:s26], $0x30  }
0x10b: {  	[sflag:s26] =	ssyncset.done $0x0  }
0x10c: {  	[sflag:s26] =	ssyncadd.s32 $0xFFFFFFD0  }
0x10d: {  	_ =	swait.ge [sflag:s29], $0x1800  }
0x10e: {  	[sflag:s29] =	ssyncset.done $0x0  }
0x10f: {  	s14 =	simm.s32 $0xE;
	[sflag:s29] =	ssyncadd.s32 $0xFFFFE800  }
0x110: {  	_ =	swait.ge [sflag:s14], $0x30  }
0x111: {  	[sflag:s14] =	ssyncset.done $0x0  }
0x112: {  	s15 =	simm.s32 $0x3;
	[sflag:s14] =	ssyncadd.s32 $0xFFFFFFD0  }
0x113: {  	_ =	swait.ge [sflag:s15], $0x1800  }
0x114: {  	[sflag:s15] =	ssyncset.done $0x0  }
0x115: {  	s19 =	simm.s32 $0xF;
	[sflag:s15] =	ssyncadd.s32 $0xFFFFE800  }
0x116: {  	_ =	swait.ge [sflag:s19], $0x30  }
0x117: {  	[sflag:s19] =	ssyncset.done $0x0  }
0x118: {  	s20 =	simm.s32 $0x4;
	[sflag:s19] =	ssyncadd.s32 $0xFFFFFFD0  }
0x119: {  	_ =	swait.ge [sflag:s20], $0x1800  }
0x11a: {  	[sflag:s20] =	ssyncset.done $0x0  }
0x11b: {  	s21 =	simm.s32 $0x10;
	[sflag:s20] =	ssyncadd.s32 $0xFFFFE800  }
0x11c: {  	_ =	swait.ge [sflag:s21], $0x30  }
0x11d: {  	[sflag:s21] =	ssyncset.done $0x0  }
0x11e: {  	[sflag:s21] =	ssyncadd.s32 $0xFFFFFFD0  }
0x11f: {  	_ =	swait.ge [sflag:s10], $0x1800  }
0x120: {  	[sflag:s10] =	ssyncset.done $0x0  }
0x121: {  	[sflag:s10] =	ssyncadd.s32 $0xFFFFE800  }
0x122: {  	_ =	swait.ge [sflag:s11], $0x30  }
0x123: {  	[sflag:s11] =	ssyncset.done $0x0  }
0x124: {  	s22 =	simm.s32 $0x6;
	[sflag:s11] =	ssyncadd.s32 $0xFFFFFFD0  }
0x125: {  	_ =	swait.ge [sflag:s22], $0x1800  }
0x126: {  	[sflag:s22] =	ssyncset.done $0x0  }
0x127: {  	s23 =	simm.s32 $0x12;
	[sflag:s22] =	ssyncadd.s32 $0xFFFFE800  }
0x128: {  	_ =	swait.ge [sflag:s23], $0x30  }
0x129: {  	[sflag:s23] =	ssyncset.done $0x0  }
0x12a: {  	s24 =	stileid.u32;
	[sflag:s23] =	ssyncadd.s32 $0xFFFFFFD0  }
0x12b: {  	s0 =	sshll.u32 s24, $0x6;
	[bflag:$0x0] =	sbarrier.arrive $0xFFFF  }
0x12c: {  	s0 =	sor.u32 $0x1C13, s0;
	s10 =	rddreg [dreg:$0xb]  }
0x12d: {  	s11 =	simm.s32 $0x13;
	s8 =	rddreg [dreg:$0xa];
	s1 =	sshrl.u32 s10, $0x3  }
0x12e: {  	[hbm:s8], [sflag:s0] =	dma.local [spmem:s1], $0x2800  }
0x12f: {  	_ =	swait.ge [sflag:s11], $0x2800  }
0x130: {  	s13 =	simm.s32 $0x4480;
	s25 =	rddreg [dreg:$0x14]  }
0x131: {  	s7 =	simm.s32 $0x2A80;
	s26 =	rddreg [dreg:$0xc];
	s1 =	sadd.s32 $0x1, s25  }
0x132: {  	s30 =	simm.s32 $0x4;
	s31 =	simm.s32 $0x10;
	p0 =	sne.s32 s1, s26  }
.Ltmp2:
0x133: {  	s12 =	simm.s32 $0x2880;
	s24 =	simm.s32 $0x2;
	(pc) =	sbr.rel @p0 .LBB2_1-.Ltmp2, $4  }
0x134: {  	s29 =	simm.s32 $0xF;
	s14 =	simm.s32 $0x5C80;
	s15 =	simm.s32 $0x2B00  }
0x135: {  	s19 =	simm.s32 $0x8C80;
	s20 =	simm.s32 $0x7480;
	s21 =	simm.s32 $0x2A00  }
0x136: {  	s22 =	simm.s32 $0xA480;
	s23 =	simm.s32 $0xD;
	[sflag:s11] =	ssyncset.done $0x0  }
0x137: {  	[sflag:s11] =	ssyncadd.s32 $0xFFFFD800;
	s25 =	simm.s32 $0xE;
	s26 =	simm.s32 $0x3  }
0x138: {  	_ =	sfence.sel $0x180000  }
0x139: {  	[bflag:$0x0] =	sbarrier.arrive $0xFFFF  }
0x13a: {  	_ =	strace $0x9000004A  }
0x13b: {  	s0 =	stileid.u32;
	[bflag:$0x2] =	sbarrier.arrive $0xFFFF  }
0x13c: {  	p0 =	sne.s32 s0, $0x0;
	s0 =	rddreg [dreg:$0x2]  }
0x13d: {  	s0 =	sadd.s32 @!p0 $0x100000, s0  }
0x13e: {  	[sflag:s0] =	ssyncadd.tile.s32 @!p0 $0x1;
	_ =	shalt  }
.Lfunc_end2:
_tile_overlayer_lowered:
.L_overlay_start_2:
0x13f: {  	(tag) =	ssettag $0x2  }
0x140: {  	s0 =	rddreg [dreg:$0x0];
	s2 =	stileid.u32  }
0x141: {  	s1 =	rddreg [dreg:$0x1];
	p0 =	sne.s32 s2, $0x0  }
0x142: {  	s3 =	rddreg [dreg:$0x2];
	[bflag:$0x3] =	sbarrier.arrive $0xFFFF;
	s2 =	simm.s32 @!p0 $0x1C13  }
0x143: {  	[timem:s3], [sflag:s2] =	dma.local @!p0 [hbm:s0], s1  }
0x144: {  	s0 =	simm.s32 @!p0 $0x13  }
0x145: {  	_ =	swait.ge @!p0 [sflag:s0], s1  }
0x146: {  	s1 =	ssub.s32 @!p0 $0x0, s1;
	[sflag:s0] =	ssyncset.done @!p0 $0x0  }
0x147: {  	[sflag:s0] =	ssyncadd.s32 @!p0 s1  }
0x148: {  	[bflag:$0x3] =	sbarrier.arrive $0xFFFF  }
0x149: {  	_ =	shalt  }

// kernel: kernel.14.cloned.1.call-start
scs
__scs_entry_jumppad:
0x0: {  	(pc) =	sbr.rel $0x88, $3  }
0x1: {  	(tag) =	ssettag $0x0;
	lr =	simm.s32 $0x1  }
0x2: {  	[smem:$0x3F86] =	sst lr;
	_ =	strace $0xD0000000  }
0x3: {  	_ = 	snop  }
0x4: {  	_ = 	snop  }
0x5: {  	_ = 	snop  }
0x6: {  	_ = 	snop  }
0x7: {  	_ = 	snop  }
__scs_overlays_trampoline_lowered:
0x8: {  	[smem:$0x3F95] =	sst s0  }
0x9: {  	[smem:$0x3F96] =	sst s1  }
0xa: {  	[smem:$0x3F97] =	sst s2  }
0xb: {  	[smem:$0x3F98] =	sst s3  }
0xc: {  	[smem:$0x3F99] =	sst s4  }
0xd: {  	[smem:$0x3F9A] =	sst s5  }
0xe: {  	[smem:$0x3F9B] =	sst s6  }
0xf: {  	[smem:$0x3F9C] =	sst s7  }
0x10: {  	[smem:$0x3F9D] =	sst s8  }
0x11: {  	[smem:$0x3F9E] =	sst s9;
	s0 =	simm.s32 @!p0 $0x0  }
0x12: {  	s1 =	sld [smem:$0x3F84];
	s0 =	simm.s32 @p0 $0x1  }
0x13: {  	[smem:$0x3F9F] =	sst s0;
	s0 =	simm.s32 @!p1 $0x0  }
0x14: {  	s2 =	sld [smem:$0x3F83];
	s0 =	simm.s32 @p1 $0x1  }
0x15: {  	[smem:$0x3FA0] =	sst s0;
	s0 =	simm.s32 @!p2 $0x0  }
0x16: {  	s3 =	sld [smem:$0x3FDB];
	s0 =	simm.s32 @p2 $0x1  }
0x17: {  	s4 =	simm.s32 $0x1BF5;
	[smem:$0x3FA2] =	sst s0  }
0x18: {  	s0 =	sld [smem:$0x3F85];
	_ =	swait.ge [sflag:s4], $0x0  }
0x19: {  	s7 =	sld [smem:$0x3F86]  }
0x1a: {  	s8 =	sadd.s32 $0xFFFFE003, lr  }
0x1b: {  	s9 =	sadd.s32 $0xFFFFFEF7, lr;
	s5 =	simm.s32 $0xFFFFFFFF;
	p2 =	slt.u32 s8, $0xFFFFF086  }
0x1c: {  	p1 =	slt.u32 s9, $0xF7A;
	s5 =	simm.s32 @!p2 $0x0  }
0x1d: {  	s5 =	simm.s32 @p1 $0x1;
	p0 =	seq.s32 s7, s2  }
0x1e: {  	s7 =	smul.u32 @!p0 $0xF7A, s2;
	p2 =	seq.s32 @!p0 s5, $0x0  }
0x1f: {  	s9 =	smul.u32 $0xF7A, s1;
	s8 =	simm.s32 @!p0 $0x1BF5;
	p2 =	por !p2, p0  }
0x20: {  	[sflag:s8] =	ssyncset.s32 @!p0 $0xFFFFF086;
	s6 =	sadd.s32 @!p0 s3, s7;
	s7 =	simm.s32 @!p0 $0x108  }
0x21: {  	s3 =	sadd.s32 s3, s9;
	s6 =	sadd.s32 @!p0 $0x88, s6;
	s7 =	simm.s32 @p2 $0x1082  }
0x22: {  	[simem:s7], [sflag:s8] =	dma.local @!p0 [hbm:s6], $0xF7A  }
0x23: {  	s9 =	sor.u32 $0xD0000000, s2;
	s6 =	simm.s32 $0x108;
	_ =	swait.ge @!p0 [sflag:s8], $0x0  }
0x24: {  	s3 =	sadd.s32 $0x88, s3;
	s6 =	simm.s32 @!p1 $0x1082;
	[sflag:s4] =	ssyncset.s32 $0xFFFFF086  }
0x25: {  	[simem:s6], [sflag:s4] =	dma.local [hbm:s3], $0xF7A  }
0x26: {  	[smem:$0x3F86] =	sst s1;
	(tag) =	ssettag s2;
	_ =	strace s9  }
0x27: {  	s1 =	sld [smem:$0x3F96]  }
0x28: {  	s2 =	sld [smem:$0x3F97]  }
0x29: {  	s4 =	sld [smem:$0x3F99]  }
0x2a: {  	p0 =	seq.s32 s5, $0x0;
	s5 =	sld [smem:$0x3F9A]  }
0x2b: {  	s6 =	sld [smem:$0x3F9B]  }
0x2c: {  	s7 =	sld [smem:$0x3F9C]  }
0x2d: {  	s3 =	simm.s32 $0x108;
	s8 =	sld [smem:$0x3F9D]  }
0x2e: {  	s3 =	simm.s32 @!p0 $0x1082;
	s9 =	sld [smem:$0x3F9E]  }
0x2f: {  	lr =	sadd.s32 s0, s3;
	s0 =	sld [smem:$0x3F95]  }
0x30: {  	s3 =	sld [smem:$0x3F98]  }
0x31: {  	[smem:$0x3FA1] =	sst s10  }
0x32: {  	s10 =	sld [smem:$0x3F9F];
	_ =	sdelay $0x3  }
0x33: {  	p0 =	seq.s32 s10, $0x1;
	s10 =	sld [smem:$0x3FA1];
	_ =	sdelay $0x3  }
0x34: {  	[smem:$0x3FA1] =	sst s10  }
0x35: {  	s10 =	sld [smem:$0x3FA0];
	_ =	sdelay $0x3  }
0x36: {  	p1 =	seq.s32 s10, $0x1;
	s10 =	sld [smem:$0x3FA1];
	_ =	sdelay $0x3  }
0x37: {  	[smem:$0x3FA1] =	sst s10  }
0x38: {  	s10 =	sld [smem:$0x3FA2]  }
0x39: {  	_ = 	snop;
	(pc) =	sbr.ind lr, $3  }
0x3a: {  	_ = 	snop  }
0x3b: {  	_ = 	snop  }
0x3c: {  	p2 =	seq.s32 s10, $0x1;
	s10 =	sld [smem:$0x3FA1]  }
0x3d: {  	_ =	shalt  }
0x3e: {  	_ =	shalt  }
0x3f: {  	_ =	shalt  }
0x40: {  	_ =	shalt  }
0x41: {  	_ =	shalt  }
0x42: {  	_ =	shalt  }
0x43: {  	_ =	shalt  }
0x44: {  	_ =	shalt  }
0x45: {  	_ =	shalt  }
0x46: {  	_ =	shalt  }
0x47: {  	_ =	shalt  }
0x48: {  	_ =	shalt  }
0x49: {  	_ =	shalt  }
0x4a: {  	_ =	shalt  }
0x4b: {  	_ =	shalt  }
0x4c: {  	_ =	shalt  }
0x4d: {  	_ =	shalt  }
0x4e: {  	_ =	shalt  }
0x4f: {  	_ =	shalt  }
0x50: {  	_ =	shalt  }
0x51: {  	_ =	shalt  }
0x52: {  	_ =	shalt  }
0x53: {  	_ =	shalt  }
0x54: {  	_ =	shalt  }
0x55: {  	_ =	shalt  }
0x56: {  	_ =	shalt  }
0x57: {  	_ =	shalt  }
0x58: {  	_ =	shalt  }
0x59: {  	_ =	shalt  }
0x5a: {  	_ =	shalt  }
0x5b: {  	_ =	shalt  }
0x5c: {  	_ =	shalt  }
0x5d: {  	_ =	shalt  }
0x5e: {  	_ =	shalt  }
0x5f: {  	_ =	shalt  }
0x60: {  	_ =	shalt  }
0x61: {  	_ =	shalt  }
0x62: {  	_ =	shalt  }
0x63: {  	_ =	shalt  }
0x64: {  	_ =	shalt  }
0x65: {  	_ =	shalt  }
0x66: {  	_ =	shalt  }
0x67: {  	_ =	shalt  }
0x68: {  	_ =	shalt  }
0x69: {  	_ =	shalt  }
0x6a: {  	_ =	shalt  }
0x6b: {  	_ =	shalt  }
0x6c: {  	_ =	shalt  }
0x6d: {  	_ =	shalt  }
0x6e: {  	_ =	shalt  }
0x6f: {  	_ =	shalt  }
0x70: {  	_ =	shalt  }
0x71: {  	_ =	shalt  }
0x72: {  	_ =	shalt  }
0x73: {  	_ =	shalt  }
0x74: {  	_ =	shalt  }
0x75: {  	_ =	shalt  }
0x76: {  	_ =	shalt  }
0x77: {  	_ =	shalt  }
0x78: {  	_ =	shalt  }
0x79: {  	_ =	shalt  }
0x7a: {  	_ =	shalt  }
0x7b: {  	_ =	shalt  }
0x7c: {  	_ =	shalt  }
0x7d: {  	_ =	shalt  }
0x7e: {  	_ =	shalt  }
0x7f: {  	_ =	shalt  }
0x80: {  	_ =	shalt  }
0x81: {  	_ =	shalt  }
0x82: {  	_ =	shalt  }
0x83: {  	_ =	shalt  }
0x84: {  	_ =	shalt  }
0x85: {  	_ =	shalt  }
0x86: {  	_ =	shalt  }
0x87: {  	_ =	shalt  }
.Lfunc_end0:
.L_simem_size_0:
called_computation.2_lowered:
.L_overlay_start_0:
0x88: {  	s2 =	sld [smem:$0x3FD9]  }
0x89: {  	s3 =	sld [smem:$0x3FFE];
	_ =	sdelay $0x1  }
0x8a: {  	s1 =	srdreg.scid  }
0x8b: {  	s0 =	sand.u32 $0x1, s1  }
0x8c: {  	s16 =	sshll.u32 s0, $0xA;
	s2 =	sadd.s32 s3, s2  }
0x8d: {  	s2 =	sadd.s32 s2, s16  }
0x8e: {  	[smem:$0x3FAD] =	sst s2  }
0x8f: {  	_ = 	snop  }
0x90: {  	(tm) =	ssettm $0x1  }
0x91: {  	s17 =	sld [smem:$0x3FFB];
	_ =	sdelay $0x3  }
0x92: {  	_ =	strace s17  }
0x93: {  	s2 =	sld [smem:$0x3FFC];
	_ =	sdelay $0x3  }
0x94: {  	_ =	strace s2  }
0x95: {  	s2 =	sld [smem:$0x3FFD];
	_ =	sdelay $0x3  }
0x96: {  	_ =	strace s2  }
0x97: {  	_ =	strace $0x8FFFFFFF  }
0x98: {  	s18 =	sld [smem:$0x3FDB];
	_ =	sdelay $0x1  }
0x99: {  	s19 =	simm.s32 $_scs_section_size  }
0x9a: {  	s4 =	simm.s32 $_size__tile_overlayer_lowered;
	s5 =	simm.s32 $_tile_overlayer_lowered  }
0x9b: {  	s22 =	simm.s32 $0x1BFF;
	s21 =	sshll.u32 s5, $0x1;
	s2 =	sadd.s32 s19, s18  }
0x9c: {  	s6 =	simm.s32 $0x0;
	s20 =	sshll.u32 s4, $0x1;
	s4 =	sadd.s32 s21, s2  }
0x9d: {  	[timem:s6], [sflag:s22] =	dma.local [hbm:s4], s20  }
0x9e: {  	_ =	swait.ge [sflag:s22], s20  }
0x9f: {  	s3 =	ssub.s32 $0x0, s20;
	[sflag:s22] =	ssyncset.done $0x0  }
0xa0: {  	[sflag:s22] =	ssyncadd.s32 s3;
	_ =	sdelay $0x1  }
0xa1: {  	s23 =	simm.s32 $0x1B8B  }
0xa2: {  	_ =	swait.ge [sflag:s23], $0x1  }
0xa3: {  	[sflag:s23] =	ssyncset.done $0x0  }
0xa4: {  	s25 =	simm.s32 $0x1B8E;
	s24 =	sld [smem:$0x3FFE];
	[sflag:s23] =	ssyncadd.s32 $0xFFFFFFFF  }
0xa5: {  	s26 =	simm.s32 $execute0_lowered;
	[smem:$0x3FD2] =	sst s25  }
0xa6: {  	s4 =	sshll.u32 s26, $0x1;
	_ =	strace $0x8000004C;
	[dreg:$0x1] =	wrdreg $0xFFFFFFFF  }
0xa7: {  	s28 =	simm.s32 $_size_execute0_lowered;
	s2 =	sadd.s32 s2, s4;
	[dreg:$0x0] =	wrdreg $0x0  }
0xa8: {  	s4 =	sshll.u32 s28, $0x1;
	[dreg:$0x2] =	wrdreg s2  }
0xa9: {  	[dreg:$0x3] =	wrdreg s4  }
0xaa: {  	[dreg:$0x4] =	wrdreg $0xC0  }
0xab: {  	_ =	task [dreg:s6], $0x5FFFF  }
0xac: {  	[dreg:$0x1] =	wrdreg $0xFFFFFFFF  }
0xad: {  	[dreg:$0x0] =	wrdreg $0x60  }
0xae: {  	[dreg:$0x2] =	wrdreg s24  }
0xaf: {  	[dreg:$0x3] =	wrdreg $0xBC800  }
0xb0: {  	[dreg:$0x4] =	wrdreg $0x9  }
0xb1: {  	_ =	task.clear_ibuf [dreg:s6], $0x5FFFF;
	_ =	strace $0x9000004C  }
0xb2: {  	s29 =	simm.s32 $0x9;
	_ =	strace $0x8000004E  }
0xb3: {  	_ =	swait.ge [sflag:s29], $0x1  }
0xb4: {  	[sflag:s29] =	ssyncadd.s32 $0xFFFFFFFF  }
0xb5: {  	_ =	strace $0x9000004E  }
0xb6: {  	_ =	sfence  }
0xb7: {  	s30 =	sld [smem:$0x0];
	_ =	sdelay $0x2  }
0xb8: {  	s31 =	sshll.u32 s1, $0xD;
	s1 =	sshrl.u32 s1, $0x2  }
0xb9: {  	s3 =	sand.u32 $0x4000, s31;
	s1 =	sadd.s32 s1, s30  }
0xba: {  	s0 =	sor.u32 s3, s0;
	s1 =	sshll.u32 s1, $0x11  }
0xbb: {  	s0 =	sor.u32 s1, s0  }
0xbc: {  	s0 =	sadd.s32 $0x8F2B, s0  }
0xbd: {  	[sflag:s0] =	ssyncadd.remote.s32 $0x1  }
0xbe: {  	_ =	sfence.sel $0xFFFF  }
0xbf: {  	[dreg:$0x0] =	wrdreg $0xFFFFFFFF;
	(pc) =	sbr.abs _section_cstart, $3  }
0xc0: {  	[dreg:$0x1] =	wrdreg $0xFFFFFFFF  }
0xc1: {  	_ =	task.clear_ibuf [dreg:s6], $0x2FFFF;
	_ =	strace $0x9FFFFFFF  }
0xc2: {  	(tm) =	ssettm $0x7FFFFFFF  }
0xc3: {  	_ =	shalt  }
tec
execute0_lowered:
.L_overlay_start_1:
0x0: {  	(tag) =	ssettag $0x1  }
0x1: {  	s0 =	srdreg.scid  }
0x2: {  	s10 =	stileid.u32;
	s7 =	rddreg [dreg:$0x0]  }
0x3: {  	s2 =	rddreg [dreg:$0x1];
	s4 =	simm.s32 $0x0;
	s11 =	simm.s32 $0x13  }
0x4: {  	s12 =	simm.s32 $0x2880;
	s0 =	sand.u32 $0x1, s0;
	s6 =	smul.u32 $0x14000, s10  }
0x5: {  	[smem:$0x7FF] =	sst s4;
	s1 =	sshll.u32 s0, $0x4;
	s13 =	smul.u32 $0x140000, s0  }
0x6: {  	_ =	strace $0x8000004D;
	s0 =	ssub.s32 $0x2, s0;
	s1 =	sor.u32 s10, s1  }
0x7: {  	s14 =	sshrl.u32 s0, $0x1;
	s3 =	smul.u32 $0x2880, s1;
	s1 =	sadd.s32 s6, s13  }
0x8: {  	s6 =	sadd.s32 $0xF000, s7;
	s0 =	ssub.s32 s0, s14;
	s1 =	sshrl.u32 s1, $0x3  }
0x9: {  	s0 =	smax.u32 s0, $0x1;
	s8 =	sshrl.u32 s3, $0x3;
	s1 =	sadd.s32 s1, s7  }
0xa: {  	[dreg:$0xc] =	wrdreg s0;
	s9 =	sadd.s32 s8, s7;
	s8 =	sadd.s32 s6, s8  }
0xb: {  	s28 =	simm.s32 $0x30;
	s1 =	sadd.s32 $0x40400, s1;
	[dreg:$0x3] =	wrdreg s8  }
0xc: {  	s29 =	simm.s32 $0xF;
	s9 =	sadd.s32 $0x4E00, s9;
	[dreg:$0xa] =	wrdreg s1  }
0xd: {  	s30 =	simm.s32 $0x4;
	s16 =	sadd.s32 $0x6, s8;
	[dreg:$0x4] =	wrdreg s9  }
0xe: {  	s31 =	simm.s32 $0x10;
	s17 =	sadd.s32 $0xC, s8;
	[dreg:$0x5] =	wrdreg s16  }
0xf: {  	s15 =	smul.u32 $0x50000, s10;
	s18 =	sadd.s32 $0x12, s8;
	[dreg:$0x6] =	wrdreg s17  }
0x10: {  	s5 =	sadd.s32 $0x19200, s7;
	s19 =	sadd.s32 $0x18, s8;
	[dreg:$0x7] =	wrdreg s18  }
0x11: {  	s7 =	sshrl.u32 s15, $0x2;
	s8 =	sadd.s32 $0x1E, s8;
	[dreg:$0x8] =	wrdreg s19  }
0x12: {  	s13 =	simm.s32 $0x4480;
	s10 =	sadd.s32 s7, s2;
	[dreg:$0x9] =	wrdreg s8  }
0x13: {  	s14 =	simm.s32 $0x5C80;
	s20 =	sadd.s32 $0x2800, s10;
	[dreg:$0xb] =	wrdreg s10  }
0x14: {  	s15 =	simm.s32 $0x2B00;
	s21 =	sadd.s32 $0x5000, s10;
	[dreg:$0xd] =	wrdreg s20  }
0x15: {  	s7 =	simm.s32 $0x2A80;
	s22 =	sadd.s32 $0x7800, s10;
	[dreg:$0xe] =	wrdreg s21  }
0x16: {  	s1 =	simm.s32 $0x0;
	s23 =	sadd.s32 $0xA000, s10;
	[dreg:$0xf] =	wrdreg s22  }
0x17: {  	s24 =	sadd.s32 $0xC800, s10;
	s25 =	sadd.s32 $0xF000, s10;
	[dreg:$0x10] =	wrdreg s23  }
0x18: {  	s26 =	sadd.s32 $0x11800, s10;
	s18 =	simm.s32 $0x2C80;
	[dreg:$0x11] =	wrdreg s24  }
0x19: {  	s17 =	simm.s32 $0x2900;
	s16 =	simm.s32 $0x2980;
	[dreg:$0x12] =	wrdreg s25  }
0x1a: {  	s19 =	simm.s32 $0x8C80;
	[dreg:$0x13] =	wrdreg s26;
	s21 =	simm.s32 $0x2A00  }
0x1b: {  	s20 =	simm.s32 $0x7480;
	s22 =	simm.s32 $0xA480;
	s23 =	simm.s32 $0xD  }
0x1c: {  	v0 =	vimm.f32 $0.0e+00;
	s24 =	simm.s32 $0x2;
	s25 =	simm.s32 $0xE;
	s26 =	simm.s32 $0x3  }
.LBB2_1:
0x1d: {  	s0 =	sand.u32 $0xFE00, s4  }
0x1e: {  	[dreg:$0x14] =	wrdreg s1;
	s9 =	sand.u32 $0x70, s4;
	s8 =	sshrl.u32 s0, $0x2  }
0x1f: {  	s1 =	simm.s32 $0x0;
	s0 =	simm.s32 $0x40;
	s8 =	sor.u32 s9, s8  }
.LBB2_2:
0x20: {  	p0 =	sne.s32 s0, $0x9FC0  }
0x21: {  	[tilespmem:s8+$0x2C80] =	vst v0;
	s1 =	sadd.s32 $0x10, s1;
	s8 =	smov.u32 s0;
	s0 =	sadd.s32 $0x40, s0  }
.Ltmp0:
0x22: {  	(pc) =	sbr.rel @p0 .LBB2_2-.Ltmp0, $4  }
0x23: {  	_ = 	snop  }
0x24: {  	s8 =	sand.u32 $0xFE00, s8  }
0x25: {  	s9 =	sand.u32 $0x70, s1;
	s8 =	sshrl.u32 s8, $0x2  }
0x26: {  	s8 =	sor.u32 s9, s8  }
0x27: {  	[tilespmem:s8+$0x2C80] =	vst v0  }
0x28: {  	[spmem:s10] =	stream.linear.scatter [tilespmem:s18], [sflag:$0x13], $0x2800, $0x38;
	[tilespmem:$0x1FC80] =	vst v63  }
0x29: {  	_ =	swait.ge [sflag:s11], $0x2800  }
0x2a: {  	[sflag:s11] =	ssyncset.done $0x0  }
0x2b: {  	s0 =	rddreg [dreg:$0xd];
	[sflag:s11] =	ssyncadd.s32 $0xFFFFD800  }
0x2c: {  	[spmem:s0] =	stream.linear.scatter [tilespmem:s18], [sflag:$0x13], $0x2800, $0x38;
	[tilespmem:$0x1FC80] =	vst v63  }
0x2d: {  	_ =	swait.ge [sflag:s11], $0x2800  }
0x2e: {  	[sflag:s11] =	ssyncset.done $0x0  }
0x2f: {  	s8 =	rddreg [dreg:$0xe];
	[sflag:s11] =	ssyncadd.s32 $0xFFFFD800  }
0x30: {  	[spmem:s8] =	stream.linear.scatter [tilespmem:s18], [sflag:$0x13], $0x2800, $0x38;
	[tilespmem:$0x1FC80] =	vst v63  }
0x31: {  	_ =	swait.ge [sflag:s11], $0x2800  }
0x32: {  	[sflag:s11] =	ssyncset.done $0x0  }
0x33: {  	s9 =	rddreg [dreg:$0xf];
	[sflag:s11] =	ssyncadd.s32 $0xFFFFD800  }
0x34: {  	[spmem:s9] =	stream.linear.scatter [tilespmem:s18], [sflag:$0x13], $0x2800, $0x38;
	[tilespmem:$0x1FC80] =	vst v63  }
0x35: {  	_ =	swait.ge [sflag:s11], $0x2800  }
0x36: {  	[sflag:s11] =	ssyncset.done $0x0  }
0x37: {  	s10 =	rddreg [dreg:$0x10];
	[sflag:s11] =	ssyncadd.s32 $0xFFFFD800  }
0x38: {  	[spmem:s10] =	stream.linear.scatter [tilespmem:s18], [sflag:$0x13], $0x2800, $0x38;
	[tilespmem:$0x1FC80] =	vst v63  }
0x39: {  	_ =	swait.ge [sflag:s11], $0x2800  }
0x3a: {  	[sflag:s11] =	ssyncset.done $0x0  }
0x3b: {  	s1 =	rddreg [dreg:$0x11];
	[sflag:s11] =	ssyncadd.s32 $0xFFFFD800  }
0x3c: {  	[spmem:s1] =	stream.linear.scatter [tilespmem:s18], [sflag:$0x13], $0x2800, $0x38;
	[tilespmem:$0x1FC80] =	vst v63  }
0x3d: {  	_ =	swait.ge [sflag:s11], $0x2800  }
0x3e: {  	[sflag:s11] =	ssyncset.done $0x0  }
0x3f: {  	s8 =	rddreg [dreg:$0x12];
	[sflag:s11] =	ssyncadd.s32 $0xFFFFD800  }
0x40: {  	[spmem:s8] =	stream.linear.scatter [tilespmem:s18], [sflag:$0x13], $0x2800, $0x38;
	[tilespmem:$0x1FC80] =	vst v63  }
0x41: {  	_ =	swait.ge [sflag:s11], $0x2800  }
0x42: {  	[sflag:s11] =	ssyncset.done $0x0  }
0x43: {  	s9 =	rddreg [dreg:$0x13];
	[sflag:s11] =	ssyncadd.s32 $0xFFFFD800  }
0x44: {  	[spmem:s9] =	stream.linear.scatter [tilespmem:s18], [sflag:$0x13], $0x2800, $0x38;
	[tilespmem:$0x1FC80] =	vst v63  }
0x45: {  	_ =	swait.ge [sflag:s11], $0x2800  }
0x46: {  	[sflag:s11] =	ssyncset.done $0x0  }
0x47: {  	[sflag:s11] =	ssyncadd.s32 $0xFFFFD800  }
0x48: {  	[bflag:$0x0] =	sbarrier.arrive $0xFFFF  }
0x49: {  	s10 =	rddreg [dreg:$0x4]  }
0x4a: {  	[tilespmem:s4], [sflag:$0x13] =	stream.linear.gather [hbm4b:s10+s4], $0x2880, $0x38;
	[tilespmem:$0x1FC80] =	vst v63  }
0x4b: {  	_ =	swait.ge [sflag:s11], $0x2880  }
0x4c: {  	[sflag:s11] =	ssyncset.done $0x0  }
0x4d: {  	s1 =	rddreg [dreg:$0x3];
	[sflag:s11] =	ssyncadd.s32 $0xFFFFD780  }
0x4e: {  	[tilespmem:s12], [sflag:$0xD] =	stream.linear.gather [hbm4b:s1+s4], $0x30, $0x38;
	[tilespmem:$0x1FC80] =	vst v63  }
0x4f: {  	_ = 	snop  }
0x50: {  	[tilespmem:s18], [sflag:$0x1] =	stream.indirect.gather [hbm4b:s5+s28], $0x80, s4, s28, $0xb8;
	[tilespmem:$0x1FC80] =	vst v63  }
0x51: {  	s8 =	rddreg [dreg:$0x5]  }
0x52: {  	[tilespmem:s17], [sflag:$0xE] =	stream.linear.gather [hbm4b:s8+s4], $0x30, $0x38;
	[tilespmem:$0x1FC80] =	vst v63  }
0x53: {  	_ = 	snop  }
0x54: {  	[tilespmem:s13], [sflag:$0x2] =	stream.indirect.gather [hbm4b:s5+s28], $0x80, s28, s28, $0xb8;
	[tilespmem:$0x1FC80] =	vst v63  }
0x55: {  	s9 =	rddreg [dreg:$0x6]  }
0x56: {  	[tilespmem:s16], [sflag:$0xF] =	stream.linear.gather [hbm4b:s9+s4], $0x30, $0x38;
	[tilespmem:$0x1FC80] =	vst v63  }
0x57: {  	s10 =	simm.s32 $0x60  }
0x58: {  	[tilespmem:s14], [sflag:$0x3] =	stream.indirect.gather [hbm4b:s5+s28], $0x80, s10, s28, $0xb8;
	[tilespmem:$0x1FC80] =	vst v63  }
0x59: {  	s11 =	rddreg [dreg:$0x7]  }
0x5a: {  	[tilespmem:s21], [sflag:$0x10] =	stream.linear.gather [hbm4b:s11+s4], $0x30, $0x38;
	[tilespmem:$0x1FC80] =	vst v63  }
0x5b: {  	s1 =	simm.s32 $0x90  }
0x5c: {  	[tilespmem:s20], [sflag:$0x4] =	stream.indirect.gather [hbm4b:s5+s28], $0x80, s1, s28, $0xb8;
	[tilespmem:$0x1FC80] =	vst v63  }
0x5d: {  	s8 =	rddreg [dreg:$0x8]  }
0x5e: {  	[tilespmem:s7], [sflag:$0x11] =	stream.linear.gather [hbm4b:s8+s4], $0x30, $0x38;
	[tilespmem:$0x1FC80] =	vst v63  }
0x5f: {  	s9 =	simm.s32 $0xC0  }
0x60: {  	[tilespmem:s19], [sflag:$0x5] =	stream.indirect.gather [hbm4b:s5+s28], $0x80, s9, s28, $0xb8;
	[tilespmem:$0x1FC80] =	vst v63  }
0x61: {  	s10 =	rddreg [dreg:$0x9]  }
0x62: {  	[tilespmem:s15], [sflag:$0x12] =	stream.linear.gather [hbm4b:s10+s4], $0x30, $0x38;
	[tilespmem:$0x1FC80] =	vst v63  }
0x63: {  	s11 =	simm.s32 $0xF0;
	s9 =	simm.s32 $0x1  }
0x64: {  	[tilespmem:s22], [sflag:$0x6] =	stream.indirect.gather [hbm4b:s5+s28], $0x80, s11, s28, $0xb8;
	[tilespmem:$0x1FC80] =	vst v63  }
0x65: {  	_ =	swait.ge [sflag:s9], $0x1800  }
0x66: {  	[sflag:s9] =	ssyncset.done $0x0  }
0x67: {  	[sflag:s9] =	ssyncadd.s32 $0xFFFFE800  }
0x68: {  	_ =	swait.ge [sflag:s23], $0x30  }
0x69: {  	[sflag:s23] =	ssyncset.done $0x0  }
0x6a: {  	[sflag:s23] =	ssyncadd.s32 $0xFFFFFFD0  }
0x6b: {  	[spmem:s2] =	stream.indirect.scatter.add.f32 [tilespmem:s18], [sflag:$0x7], $0x80, s12, s28, $0xb8;
	[tilespmem:$0x1FC80] =	vst v63  }
0x6c: {  	_ =	swait.ge [sflag:s24], $0x1800  }
0x6d: {  	[sflag:s24] =	ssyncset.done $0x0  }
0x6e: {  	[sflag:s24] =	ssyncadd.s32 $0xFFFFE800  }
0x6f: {  	_ =	swait.ge [sflag:s25], $0x30  }
0x70: {  	[sflag:s25] =	ssyncset.done $0x0  }
0x71: {  	[sflag:s25] =	ssyncadd.s32 $0xFFFFFFD0  }
0x72: {  	[spmem:s2] =	stream.indirect.scatter.add.f32 [tilespmem:s13], [sflag:$0x8], $0x80, s17, s28, $0xb8;
	[tilespmem:$0x1FC80] =	vst v63  }
0x73: {  	_ =	swait.ge [sflag:s26], $0x1800  }
0x74: {  	[sflag:s26] =	ssyncset.done $0x0  }
0x75: {  	[sflag:s26] =	ssyncadd.s32 $0xFFFFE800  }
0x76: {  	_ =	swait.ge [sflag:s29], $0x30  }
0x77: {  	[sflag:s29] =	ssyncset.done $0x0  }
0x78: {  	[sflag:s29] =	ssyncadd.s32 $0xFFFFFFD0  }
0x79: {  	[spmem:s2] =	stream.indirect.scatter.add.f32 [tilespmem:s14], [sflag:$0x9], $0x80, s16, s28, $0xb8;
	[tilespmem:$0x1FC80] =	vst v63  }
0x7a: {  	_ =	swait.ge [sflag:s30], $0x1800  }
0x7b: {  	[sflag:s30] =	ssyncset.done $0x0  }
0x7c: {  	[sflag:s30] =	ssyncadd.s32 $0xFFFFE800  }
0x7d: {  	_ =	swait.ge [sflag:s31], $0x30  }
0x7e: {  	[sflag:s31] =	ssyncset.done $0x0  }
0x7f: {  	s10 =	simm.s32 $0x5;
	[sflag:s31] =	ssyncadd.s32 $0xFFFFFFD0  }
0x80: {  	[spmem:s2] =	stream.indirect.scatter.add.f32 [tilespmem:s20], [sflag:$0xA], $0x80, s21, s28, $0xb8;
	[tilespmem:$0x1FC80] =	vst v63  }
0x81: {  	_ =	swait.ge [sflag:s10], $0x1800  }
0x82: {  	[sflag:s10] =	ssyncset.done $0x0  }
0x83: {  	s11 =	simm.s32 $0x11;
	[sflag:s10] =	ssyncadd.s32 $0xFFFFE800  }
0x84: {  	_ =	swait.ge [sflag:s11], $0x30  }
0x85: {  	[sflag:s11] =	ssyncset.done $0x0  }
0x86: {  	s25 =	simm.s32 $0x6;
	[sflag:s11] =	ssyncadd.s32 $0xFFFFFFD0  }
0x87: {  	[spmem:s2] =	stream.indirect.scatter.add.f32 [tilespmem:s19], [sflag:$0xB], $0x80, s7, s28, $0xb8;
	[tilespmem:$0x1FC80] =	vst v63  }
0x88: {  	_ =	swait.ge [sflag:s25], $0x1800  }
0x89: {  	[sflag:s25] =	ssyncset.done $0x0  }
0x8a: {  	s1 =	simm.s32 $0x12;
	[sflag:s25] =	ssyncadd.s32 $0xFFFFE800  }
0x8b: {  	_ =	swait.ge [sflag:s1], $0x30  }
0x8c: {  	p0 =	por $0x0, $0x0;
	s0 =	simm.s32 $0x120;
	[sflag:s1] =	ssyncset.done $0x0  }
0x8d: {  	s0 =	simm.s32 @p0 $0x0;
	s31 =	simm.s32 $0x7;
	[sflag:s1] =	ssyncadd.s32 $0xFFFFFFD0  }
0x8e: {  	[spmem:s2] =	stream.indirect.scatter.add.f32 [tilespmem:s22], [sflag:$0xC], $0x80, s15, s28, $0xb8;
	[tilespmem:$0x1FC80] =	vst v63  }
0x8f: {  	s26 =	sadd.s32 s3, s0;
	_ =	swait.ge [sflag:s31], $0x1800  }
0x90: {  	s1 =	sshrl.u32 s26, $0x3;
	[sflag:s31] =	ssyncset.done $0x0  }
0x91: {  	s8 =	simm.s32 $0x150;
	s1 =	sadd.s32 s6, s1;
	[sflag:s31] =	ssyncadd.s32 $0xFFFFE800  }
0x92: {  	[tilespmem:s12], [sflag:$0xD] =	stream.linear.gather [hbm4b:s1+s4], $0x30, $0x38;
	[tilespmem:$0x1FC80] =	vst v63  }
0x93: {  	s8 =	simm.s32 @p0 $0x30;
	s12 =	simm.s32 $0x8  }
0x94: {  	[tilespmem:s18], [sflag:$0x1] =	stream.indirect.gather [hbm4b:s5+s28], $0x80, s0, s28, $0xb8;
	[tilespmem:$0x1FC80] =	vst v63  }
0x95: {  	s7 =	sadd.s32 s3, s8;
	_ =	swait.ge [sflag:s12], $0x1800  }
0x96: {  	s0 =	sshrl.u32 s7, $0x3;
	[sflag:s12] =	ssyncset.done $0x0  }
0x97: {  	s1 =	simm.s32 $0x180;
	s0 =	sadd.s32 s6, s0;
	[sflag:s12] =	ssyncadd.s32 $0xFFFFE800  }
0x98: {  	[tilespmem:s17], [sflag:$0xE] =	stream.linear.gather [hbm4b:s0+s4], $0x30, $0x38;
	[tilespmem:$0x1FC80] =	vst v63  }
0x99: {  	s22 =	simm.s32 $0x9;
	s1 =	simm.s32 @p0 $0x60  }
0x9a: {  	[tilespmem:s13], [sflag:$0x2] =	stream.indirect.gather [hbm4b:s5+s28], $0x80, s8, s28, $0xb8;
	[tilespmem:$0x1FC80] =	vst v63  }
0x9b: {  	s15 =	sadd.s32 s3, s1;
	_ =	swait.ge [sflag:s22], $0x1800  }
0x9c: {  	s0 =	sshrl.u32 s15, $0x3;
	[sflag:s22] =	ssyncset.done $0x0  }
0x9d: {  	s0 =	sadd.s32 s6, s0;
	s8 =	simm.s32 $0x1B0;
	[sflag:s22] =	ssyncadd.s32 $0xFFFFE800  }
0x9e: {  	[tilespmem:s16], [sflag:$0xF] =	stream.linear.gather [hbm4b:s0+s4], $0x30, $0x38;
	[tilespmem:$0x1FC80] =	vst v63  }
0x9f: {  	s24 =	simm.s32 $0xA;
	s8 =	simm.s32 @p0 $0x90  }
0xa0: {  	[tilespmem:s14], [sflag:$0x3] =	stream.indirect.gather [hbm4b:s5+s28], $0x80, s1, s28, $0xb8;
	[tilespmem:$0x1FC80] =	vst v63  }
0xa1: {  	s23 =	sadd.s32 s3, s8;
	_ =	swait.ge [sflag:s24], $0x1800  }
0xa2: {  	s30 =	simm.s32 $0x2A00;
	s0 =	sshrl.u32 s23, $0x3;
	[sflag:s24] =	ssyncset.done $0x0  }
0xa3: {  	s0 =	sadd.s32 s6, s0;
	s1 =	simm.s32 $0x1E0;
	[sflag:s24] =	ssyncadd.s32 $0xFFFFE800  }
0xa4: {  	[tilespmem:s30], [sflag:$0x10] =	stream.linear.gather [hbm4b:s0+s4], $0x30, $0x38;
	[tilespmem:$0x1FC80] =	vst v63  }
0xa5: {  	s21 =	simm.s32 $0x2A80;
	s1 =	simm.s32 @p0 $0xC0;
	s30 =	simm.s32 $0xB  }
0xa6: {  	[tilespmem:s20], [sflag:$0x4] =	stream.indirect.gather [hbm4b:s5+s28], $0x80, s8, s28, $0xb8;
	[tilespmem:$0x1FC80] =	vst v63  }
0xa7: {  	s25 =	sadd.s32 s3, s1;
	s0 =	simm.s32 $0x210;
	_ =	swait.ge [sflag:s30], $0x1800  }
0xa8: {  	s0 =	simm.s32 @p0 $0xF0;
	s8 =	sshrl.u32 s25, $0x3;
	[sflag:s30] =	ssyncset.done $0x0  }
0xa9: {  	s31 =	sadd.s32 s3, s0;
	s8 =	sadd.s32 s6, s8;
	[sflag:s30] =	ssyncadd.s32 $0xFFFFE800  }
0xaa: {  	[tilespmem:s21], [sflag:$0x11] =	stream.linear.gather [hbm4b:s8+s4], $0x30, $0x38;
	[tilespmem:$0x1FC80] =	vst v63  }
0xab: {  	s26 =	simm.s32 $0x8C80;
	s13 =	simm.s32 $0xC;
	s8 =	sshrl.u32 s31, $0x3  }
0xac: {  	[tilespmem:s26], [sflag:$0x5] =	stream.indirect.gather [hbm4b:s5+s28], $0x80, s1, s28, $0xb8;
	[tilespmem:$0x1FC80] =	vst v63  }
0xad: {  	s29 =	simm.s32 $0x2;
	s12 =	sadd.s32 s6, s8;
	_ =	swait.ge [sflag:s13], $0x1800  }
0xae: {  	s1 =	simm.s32 $0x330;
	s26 =	simm.s32 $0xD;
	[sflag:s13] =	ssyncset.done $0x0  }
.LBB2_4:
0xaf: {  	p0 =	sne.s32 s1, $0x2970;
	[sflag:s13] =	ssyncadd.s32 $0xFFFFE800  }
0xb0: {  	s8 =	smov.u32 s1;
	s1 =	sadd.s32 $0x120, s1;
	s23 =	simm.s32 $0x2B00  }
0xb1: {  	[tilespmem:s23], [sflag:$0x12] =	stream.linear.gather [hbm4b:s12+s4], $0x30, $0x38;
	[tilespmem:$0x1FC80] =	vst v63  }
0xb2: {  	s20 =	simm.s32 $0xA480  }
0xb3: {  	[tilespmem:s20], [sflag:$0x6] =	stream.indirect.gather [hbm4b:s5+s28], $0x80, s0, s28, $0xb8;
	[tilespmem:$0x1FC80] =	vst v63  }
0xb4: {  	_ =	swait.ge [sflag:s9], $0x1800  }
0xb5: {  	[sflag:s9] =	ssyncset.done $0x0  }
0xb6: {  	[sflag:s9] =	ssyncadd.s32 $0xFFFFE800  }
0xb7: {  	_ =	swait.ge [sflag:s26], $0x30  }
0xb8: {  	[sflag:s26] =	ssyncset.done $0x0  }
0xb9: {  	s19 =	simm.s32 $0x2880;
	[sflag:s26] =	ssyncadd.s32 $0xFFFFFFD0  }
0xba: {  	[spmem:s2] =	stream.indirect.scatter.add.f32 [tilespmem:s18], [sflag:$0x7], $0x80, s19, s28, $0xb8;
	[tilespmem:$0x1FC80] =	vst v63  }
0xbb: {  	_ =	swait.ge [sflag:s29], $0x1800  }
0xbc: {  	[sflag:s29] =	ssyncset.done $0x0  }
0xbd: {  	s0 =	simm.s32 $0xE;
	[sflag:s29] =	ssyncadd.s32 $0xFFFFE800  }
0xbe: {  	_ =	swait.ge [sflag:s0], $0x30  }
0xbf: {  	s7 =	simm.s32 $0x0;
	[sflag:s0] =	ssyncset.done $0x0  }
0xc0: {  	s4 =	simm.s32 $0x4480;
	[sflag:s0] =	ssyncadd.s32 $0xFFFFFFD0;
	s0 =	simm.s32 $0x3  }
0xc1: {  	[spmem:s2] =	stream.indirect.scatter.add.f32 [tilespmem:s4], [sflag:$0x8], $0x80, s17, s28, $0xb8;
	[tilespmem:$0x1FC80] =	vst v63  }
0xc2: {  	_ =	swait.ge [sflag:s0], $0x1800  }
0xc3: {  	[sflag:s0] =	ssyncset.done $0x0  }
0xc4: {  	[sflag:s0] =	ssyncadd.s32 $0xFFFFE800;
	s0 =	simm.s32 $0xF  }
0xc5: {  	_ =	swait.ge [sflag:s0], $0x30  }
0xc6: {  	[sflag:s0] =	ssyncset.done $0x0  }
0xc7: {  	s25 =	simm.s32 $0x5C80;
	[sflag:s0] =	ssyncadd.s32 $0xFFFFFFD0;
	s0 =	simm.s32 $0x4  }
0xc8: {  	[spmem:s2] =	stream.indirect.scatter.add.f32 [tilespmem:s25], [sflag:$0x9], $0x80, s16, s28, $0xb8;
	[tilespmem:$0x1FC80] =	vst v63  }
0xc9: {  	_ =	swait.ge [sflag:s0], $0x1800  }
0xca: {  	[sflag:s0] =	ssyncset.done $0x0  }
0xcb: {  	[sflag:s0] =	ssyncadd.s32 $0xFFFFE800;
	s0 =	simm.s32 $0x10  }
0xcc: {  	_ =	swait.ge [sflag:s0], $0x30  }
0xcd: {  	[sflag:s0] =	ssyncset.done $0x0  }
0xce: {  	s22 =	simm.s32 $0x7480;
	s30 =	simm.s32 $0x2A00;
	[sflag:s0] =	ssyncadd.s32 $0xFFFFFFD0  }
0xcf: {  	[spmem:s2] =	stream.indirect.scatter.add.f32 [tilespmem:s22], [sflag:$0xA], $0x80, s30, s28, $0xb8;
	[tilespmem:$0x1FC80] =	vst v63  }
0xd0: {  	_ =	swait.ge [sflag:s10], $0x1800  }
0xd1: {  	[sflag:s10] =	ssyncset.done $0x0  }
0xd2: {  	s24 =	simm.s32 $0x8C80;
	[sflag:s10] =	ssyncadd.s32 $0xFFFFE800  }
0xd3: {  	s31 =	simm.s32 $0x2A80;
	s14 =	simm.s32 $0x12;
	_ =	swait.ge [sflag:s11], $0x30  }
0xd4: {  	s21 =	simm.s32 $0x2B00;
	s15 =	simm.s32 $0xA480;
	[sflag:s11] =	ssyncset.done $0x0  }
0xd5: {  	s13 =	sadd.s32 $0xFFFFFF40, s8;
	s0 =	simm.s32 $0x6;
	[sflag:s11] =	ssyncadd.s32 $0xFFFFFFD0  }
0xd6: {  	[spmem:s2] =	stream.indirect.scatter.add.f32 [tilespmem:s24], [sflag:$0xB], $0x80, s31, s28, $0xb8;
	[tilespmem:$0x1FC80] =	vst v63  }
0xd7: {  	p1 =	seq.s32 s8, $0x2970;
	s12 =	sadd.s32 $0xFFFFFF10, s8;
	_ =	swait.ge [sflag:s0], $0x1800  }
0xd8: {  	s12 =	simm.s32 @p1 $0x0;
	s11 =	sadd.s32 $0xFFFFFF70, s8;
	[sflag:s0] =	ssyncset.done $0x0  }
0xd9: {  	s9 =	sadd.s32 $0xFFFFFFD0, s8;
	s10 =	sadd.s32 $0xFFFFFFA0, s8;
	[sflag:s0] =	ssyncadd.s32 $0xFFFFE800  }
0xda: {  	s13 =	simm.s32 @p1 $0x30;
	s0 =	smov.u32 s8;
	_ =	swait.ge [sflag:s14], $0x30  }
0xdb: {  	s9 =	simm.s32 @p1 $0xC0;
	s0 =	simm.s32 @p1 $0xF0;
	[sflag:s14] =	ssyncset.done $0x0  }
0xdc: {  	s18 =	simm.s32 $0x7;
	s8 =	sadd.s32 s3, s12;
	[sflag:s14] =	ssyncadd.s32 $0xFFFFFFD0  }
0xdd: {  	s11 =	simm.s32 @p1 $0x60;
	s8 =	sshrl.u32 s8, $0x3;
	s14 =	sadd.s32 s3, s9  }
0xde: {  	[spmem:s2] =	stream.indirect.scatter.add.f32 [tilespmem:s20], [sflag:$0xC], $0x80, s23, s28, $0xb8;
	[tilespmem:$0x1FC80] =	vst v63  }
0xdf: {  	s16 =	sadd.s32 s3, s11;
	s17 =	sadd.s32 s3, s0;
	_ =	swait.ge [sflag:s18], $0x1800  }
0xe0: {  	s16 =	sshrl.u32 s16, $0x3;
	s8 =	sadd.s32 s6, s8;
	[sflag:s18] =	ssyncset.done $0x0  }
0xe1: {  	s17 =	sshrl.u32 s17, $0x3;
	[sflag:s18] =	ssyncadd.s32 $0xFFFFE800;
	s18 =	sadd.s32 s3, s13  }
0xe2: {  	[tilespmem:s19], [sflag:$0xD] =	stream.linear.gather [hbm4b:s8+s7], $0x30, $0x38;
	[tilespmem:$0x1FC80] =	vst v63  }
0xe3: {  	s23 =	simm.s32 $0x8;
	s8 =	sshrl.u32 s18, $0x3;
	s18 =	simm.s32 $0x2C80  }
0xe4: {  	[tilespmem:s18], [sflag:$0x1] =	stream.indirect.gather [hbm4b:s5+s28], $0x80, s12, s28, $0xb8;
	[tilespmem:$0x1FC80] =	vst v63  }
0xe5: {  	s12 =	sadd.s32 s6, s17;
	s17 =	simm.s32 $0x2900;
	_ =	swait.ge [sflag:s23], $0x1800  }
0xe6: {  	[sflag:s23] =	ssyncset.done $0x0  }
0xe7: {  	s8 =	sadd.s32 s6, s8;
	[sflag:s23] =	ssyncadd.s32 $0xFFFFE800  }
0xe8: {  	[tilespmem:s17], [sflag:$0xE] =	stream.linear.gather [hbm4b:s8+s7], $0x30, $0x38;
	[tilespmem:$0x1FC80] =	vst v63  }
0xe9: {  	_ = 	snop  }
0xea: {  	[tilespmem:s4], [sflag:$0x2] =	stream.indirect.gather [hbm4b:s5+s28], $0x80, s13, s28, $0xb8;
	[tilespmem:$0x1FC80] =	vst v63  }
0xeb: {  	s10 =	simm.s32 @p1 $0x90;
	s7 =	simm.s32 $0x9;
	s4 =	simm.s32 $0x0  }
0xec: {  	s8 =	sadd.s32 s3, s10;
	_ =	swait.ge [sflag:s7], $0x1800  }
0xed: {  	s8 =	sshrl.u32 s8, $0x3;
	[sflag:s7] =	ssyncset.done $0x0  }
0xee: {  	s13 =	sadd.s32 s6, s16;
	s16 =	simm.s32 $0x2980;
	[sflag:s7] =	ssyncadd.s32 $0xFFFFE800  }
0xef: {  	[tilespmem:s16], [sflag:$0xF] =	stream.linear.gather [hbm4b:s13+s4], $0x30, $0x38;
	[tilespmem:$0x1FC80] =	vst v63  }
0xf0: {  	s13 =	simm.s32 $0xC  }
0xf1: {  	s8 =	sadd.s32 s6, s8;
	s7 =	simm.s32 $0xA  }
0xf2: {  	[tilespmem:s25], [sflag:$0x3] =	stream.indirect.gather [hbm4b:s5+s28], $0x80, s11, s28, $0xb8;
	[tilespmem:$0x1FC80] =	vst v63  }
0xf3: {  	_ =	swait.ge [sflag:s7], $0x1800  }
0xf4: {  	[sflag:s7] =	ssyncset.done $0x0  }
0xf5: {  	s11 =	sshrl.u32 s14, $0x3;
	[sflag:s7] =	ssyncadd.s32 $0xFFFFE800  }
0xf6: {  	[tilespmem:s30], [sflag:$0x10] =	stream.linear.gather [hbm4b:s8+s4], $0x30, $0x38;
	[tilespmem:$0x1FC80] =	vst v63  }
0xf7: {  	s8 =	sadd.s32 s6, s11;
	s11 =	simm.s32 $0x11  }
0xf8: {  	[tilespmem:s22], [sflag:$0x4] =	stream.indirect.gather [hbm4b:s5+s28], $0x80, s10, s28, $0xb8;
	[tilespmem:$0x1FC80] =	vst v63  }
0xf9: {  	s7 =	simm.s32 $0xB;
	s10 =	simm.s32 $0x5  }
0xfa: {  	_ =	swait.ge [sflag:s7], $0x1800  }
0xfb: {  	[sflag:s7] =	ssyncset.done $0x0  }
0xfc: {  	[sflag:s7] =	ssyncadd.s32 $0xFFFFE800  }
0xfd: {  	[tilespmem:s31], [sflag:$0x11] =	stream.linear.gather [hbm4b:s8+s4], $0x30, $0x38;
	[tilespmem:$0x1FC80] =	vst v63  }
.Ltmp1:
0xfe: {  	(pc) =	sbr.rel @p0 .LBB2_4-.Ltmp1, $4  }
0xff: {  	[tilespmem:s24], [sflag:$0x5] =	stream.indirect.gather [hbm4b:s5+s28], $0x80, s9, s28, $0xb8;
	[tilespmem:$0x1FC80] =	vst v63  }
0x100: {  	s9 =	simm.s32 $0x1  }
0x101: {  	_ =	swait.ge [sflag:s13], $0x1800  }
0x102: {  	[sflag:s13] =	ssyncset.done $0x0  }
0x103: {  	[sflag:s13] =	ssyncadd.s32 $0xFFFFE800  }
0x104: {  	[tilespmem:s21], [sflag:$0x12] =	stream.linear.gather [hbm4b:s12+s4], $0x30, $0x38;
	[tilespmem:$0x1FC80] =	vst v63  }
0x105: {  	_ = 	snop  }
0x106: {  	[tilespmem:s15], [sflag:$0x6] =	stream.indirect.gather [hbm4b:s5+s28], $0x80, s0, s28, $0xb8;
	[tilespmem:$0x1FC80] =	vst v63  }
0x107: {  	_ =	swait.ge [sflag:s9], $0x1800  }
0x108: {  	[sflag:s9] =	ssyncset.done $0x0  }
0x109: {  	[sflag:s9] =	ssyncadd.s32 $0xFFFFE800  }
0x10a: {  	_ =	swait.ge [sflag:s26], $0x30  }
0x10b: {  	[sflag:s26] =	ssyncset.done $0x0  }
0x10c: {  	[sflag:s26] =	ssyncadd.s32 $0xFFFFFFD0  }
0x10d: {  	_ =	swait.ge [sflag:s29], $0x1800  }
0x10e: {  	[sflag:s29] =	ssyncset.done $0x0  }
0x10f: {  	s14 =	simm.s32 $0xE;
	[sflag:s29] =	ssyncadd.s32 $0xFFFFE800  }
0x110: {  	_ =	swait.ge [sflag:s14], $0x30  }
0x111: {  	[sflag:s14] =	ssyncset.done $0x0  }
0x112: {  	s15 =	simm.s32 $0x3;
	[sflag:s14] =	ssyncadd.s32 $0xFFFFFFD0  }
0x113: {  	_ =	swait.ge [sflag:s15], $0x1800  }
0x114: {  	[sflag:s15] =	ssyncset.done $0x0  }
0x115: {  	s19 =	simm.s32 $0xF;
	[sflag:s15] =	ssyncadd.s32 $0xFFFFE800  }
0x116: {  	_ =	swait.ge [sflag:s19], $0x30  }
0x117: {  	[sflag:s19] =	ssyncset.done $0x0  }
0x118: {  	s20 =	simm.s32 $0x4;
	[sflag:s19] =	ssyncadd.s32 $0xFFFFFFD0  }
0x119: {  	_ =	swait.ge [sflag:s20], $0x1800  }
0x11a: {  	[sflag:s20] =	ssyncset.done $0x0  }
0x11b: {  	s21 =	simm.s32 $0x10;
	[sflag:s20] =	ssyncadd.s32 $0xFFFFE800  }
0x11c: {  	_ =	swait.ge [sflag:s21], $0x30  }
0x11d: {  	[sflag:s21] =	ssyncset.done $0x0  }
0x11e: {  	[sflag:s21] =	ssyncadd.s32 $0xFFFFFFD0  }
0x11f: {  	_ =	swait.ge [sflag:s10], $0x1800  }
0x120: {  	[sflag:s10] =	ssyncset.done $0x0  }
0x121: {  	[sflag:s10] =	ssyncadd.s32 $0xFFFFE800  }
0x122: {  	_ =	swait.ge [sflag:s11], $0x30  }
0x123: {  	[sflag:s11] =	ssyncset.done $0x0  }
0x124: {  	s22 =	simm.s32 $0x6;
	[sflag:s11] =	ssyncadd.s32 $0xFFFFFFD0  }
0x125: {  	_ =	swait.ge [sflag:s22], $0x1800  }
0x126: {  	[sflag:s22] =	ssyncset.done $0x0  }
0x127: {  	s23 =	simm.s32 $0x12;
	[sflag:s22] =	ssyncadd.s32 $0xFFFFE800  }
0x128: {  	_ =	swait.ge [sflag:s23], $0x30  }
0x129: {  	[sflag:s23] =	ssyncset.done $0x0  }
0x12a: {  	s24 =	stileid.u32;
	[sflag:s23] =	ssyncadd.s32 $0xFFFFFFD0  }
0x12b: {  	s0 =	sshll.u32 s24, $0x6;
	[bflag:$0x0] =	sbarrier.arrive $0xFFFF  }
0x12c: {  	s0 =	sor.u32 $0x1C13, s0;
	s10 =	rddreg [dreg:$0xb]  }
0x12d: {  	s11 =	simm.s32 $0x13;
	s8 =	rddreg [dreg:$0xa];
	s1 =	sshrl.u32 s10, $0x3  }
0x12e: {  	[hbm:s8], [sflag:s0] =	dma.local [spmem:s1], $0x2800  }
0x12f: {  	_ =	swait.ge [sflag:s11], $0x2800  }
0x130: {  	s13 =	simm.s32 $0x4480;
	s25 =	rddreg [dreg:$0x14]  }
0x131: {  	s7 =	simm.s32 $0x2A80;
	s26 =	rddreg [dreg:$0xc];
	s1 =	sadd.s32 $0x1, s25  }
0x132: {  	s30 =	simm.s32 $0x4;
	s31 =	simm.s32 $0x10;
	p0 =	sne.s32 s1, s26  }
.Ltmp2:
0x133: {  	s12 =	simm.s32 $0x2880;
	s24 =	simm.s32 $0x2;
	(pc) =	sbr.rel @p0 .LBB2_1-.Ltmp2, $4  }
0x134: {  	s29 =	simm.s32 $0xF;
	s14 =	simm.s32 $0x5C80;
	s15 =	simm.s32 $0x2B00  }
0x135: {  	s19 =	simm.s32 $0x8C80;
	s20 =	simm.s32 $0x7480;
	s21 =	simm.s32 $0x2A00  }
0x136: {  	s22 =	simm.s32 $0xA480;
	s23 =	simm.s32 $0xD;
	[sflag:s11] =	ssyncset.done $0x0  }
0x137: {  	[sflag:s11] =	ssyncadd.s32 $0xFFFFD800;
	s25 =	simm.s32 $0xE;
	s26 =	simm.s32 $0x3  }
0x138: {  	_ =	sfence.sel $0x180000  }
0x139: {  	[bflag:$0x0] =	sbarrier.arrive $0xFFFF  }
0x13a: {  	_ =	strace $0x9000004D  }
0x13b: {  	s0 =	stileid.u32;
	[bflag:$0x2] =	sbarrier.arrive $0xFFFF  }
0x13c: {  	p0 =	sne.s32 s0, $0x0;
	s0 =	rddreg [dreg:$0x2]  }
0x13d: {  	s0 =	sadd.s32 @!p0 $0x100000, s0  }
0x13e: {  	[sflag:s0] =	ssyncadd.tile.s32 @!p0 $0x1;
	_ =	shalt  }
.Lfunc_end2:
_tile_overlayer_lowered:
.L_overlay_start_2:
0x13f: {  	(tag) =	ssettag $0x2  }
0x140: {  	s0 =	rddreg [dreg:$0x0];
	s2 =	stileid.u32  }
0x141: {  	s1 =	rddreg [dreg:$0x1];
	p0 =	sne.s32 s2, $0x0  }
0x142: {  	s3 =	rddreg [dreg:$0x2];
	[bflag:$0x3] =	sbarrier.arrive $0xFFFF;
	s2 =	simm.s32 @!p0 $0x1C13  }
0x143: {  	[timem:s3], [sflag:s2] =	dma.local @!p0 [hbm:s0], s1  }
0x144: {  	s0 =	simm.s32 @!p0 $0x13  }
0x145: {  	_ =	swait.ge @!p0 [sflag:s0], s1  }
0x146: {  	s1 =	ssub.s32 @!p0 $0x0, s1;
	[sflag:s0] =	ssyncset.done @!p0 $0x0  }
0x147: {  	[sflag:s0] =	ssyncadd.s32 @!p0 s1  }
0x148: {  	[bflag:$0x3] =	sbarrier.arrive $0xFFFF  }
0x149: {  	_ =	shalt  }

// kernel: kernel.8.cloned.1.call-start
scs
__scs_entry_jumppad:
0x0: {  	(pc) =	sbr.rel $0x88, $3  }
0x1: {  	(tag) =	ssettag $0x0;
	lr =	simm.s32 $0x1  }
0x2: {  	[smem:$0x3F86] =	sst lr;
	_ =	strace $0xD0000000  }
0x3: {  	_ = 	snop  }
0x4: {  	_ = 	snop  }
0x5: {  	_ = 	snop  }
0x6: {  	_ = 	snop  }
0x7: {  	_ = 	snop  }
__scs_overlays_trampoline_lowered:
0x8: {  	[smem:$0x3F95] =	sst s0  }
0x9: {  	[smem:$0x3F96] =	sst s1  }
0xa: {  	[smem:$0x3F97] =	sst s2  }
0xb: {  	[smem:$0x3F98] =	sst s3  }
0xc: {  	[smem:$0x3F99] =	sst s4  }
0xd: {  	[smem:$0x3F9A] =	sst s5  }
0xe: {  	[smem:$0x3F9B] =	sst s6  }
0xf: {  	[smem:$0x3F9C] =	sst s7  }
0x10: {  	[smem:$0x3F9D] =	sst s8  }
0x11: {  	[smem:$0x3F9E] =	sst s9;
	s0 =	simm.s32 @!p0 $0x0  }
0x12: {  	s1 =	sld [smem:$0x3F84];
	s0 =	simm.s32 @p0 $0x1  }
0x13: {  	[smem:$0x3F9F] =	sst s0;
	s0 =	simm.s32 @!p1 $0x0  }
0x14: {  	s2 =	sld [smem:$0x3F83];
	s0 =	simm.s32 @p1 $0x1  }
0x15: {  	[smem:$0x3FA0] =	sst s0;
	s0 =	simm.s32 @!p2 $0x0  }
0x16: {  	s3 =	sld [smem:$0x3FDB];
	s0 =	simm.s32 @p2 $0x1  }
0x17: {  	s4 =	simm.s32 $0x1BF5;
	[smem:$0x3FA2] =	sst s0  }
0x18: {  	s0 =	sld [smem:$0x3F85];
	_ =	swait.ge [sflag:s4], $0x0  }
0x19: {  	s7 =	sld [smem:$0x3F86]  }
0x1a: {  	s8 =	sadd.s32 $0xFFFFE003, lr  }
0x1b: {  	s9 =	sadd.s32 $0xFFFFFEF7, lr;
	s5 =	simm.s32 $0xFFFFFFFF;
	p2 =	slt.u32 s8, $0xFFFFF086  }
0x1c: {  	p1 =	slt.u32 s9, $0xF7A;
	s5 =	simm.s32 @!p2 $0x0  }
0x1d: {  	s5 =	simm.s32 @p1 $0x1;
	p0 =	seq.s32 s7, s2  }
0x1e: {  	s7 =	smul.u32 @!p0 $0xF7A, s2;
	p2 =	seq.s32 @!p0 s5, $0x0  }
0x1f: {  	s9 =	smul.u32 $0xF7A, s1;
	s8 =	simm.s32 @!p0 $0x1BF5;
	p2 =	por !p2, p0  }
0x20: {  	[sflag:s8] =	ssyncset.s32 @!p0 $0xFFFFF086;
	s6 =	sadd.s32 @!p0 s3, s7;
	s7 =	simm.s32 @!p0 $0x108  }
0x21: {  	s3 =	sadd.s32 s3, s9;
	s6 =	sadd.s32 @!p0 $0x88, s6;
	s7 =	simm.s32 @p2 $0x1082  }
0x22: {  	[simem:s7], [sflag:s8] =	dma.local @!p0 [hbm:s6], $0xF7A  }
0x23: {  	s9 =	sor.u32 $0xD0000000, s2;
	s6 =	simm.s32 $0x108;
	_ =	swait.ge @!p0 [sflag:s8], $0x0  }
0x24: {  	s3 =	sadd.s32 $0x88, s3;
	s6 =	simm.s32 @!p1 $0x1082;
	[sflag:s4] =	ssyncset.s32 $0xFFFFF086  }
0x25: {  	[simem:s6], [sflag:s4] =	dma.local [hbm:s3], $0xF7A  }
0x26: {  	[smem:$0x3F86] =	sst s1;
	(tag) =	ssettag s2;
	_ =	strace s9  }
0x27: {  	s1 =	sld [smem:$0x3F96]  }
0x28: {  	s2 =	sld [smem:$0x3F97]  }
0x29: {  	s4 =	sld [smem:$0x3F99]  }
0x2a: {  	p0 =	seq.s32 s5, $0x0;
	s5 =	sld [smem:$0x3F9A]  }
0x2b: {  	s6 =	sld [smem:$0x3F9B]  }
0x2c: {  	s7 =	sld [smem:$0x3F9C]  }
0x2d: {  	s3 =	simm.s32 $0x108;
	s8 =	sld [smem:$0x3F9D]  }
0x2e: {  	s3 =	simm.s32 @!p0 $0x1082;
	s9 =	sld [smem:$0x3F9E]  }
0x2f: {  	lr =	sadd.s32 s0, s3;
	s0 =	sld [smem:$0x3F95]  }
0x30: {  	s3 =	sld [smem:$0x3F98]  }
0x31: {  	[smem:$0x3FA1] =	sst s10  }
0x32: {  	s10 =	sld [smem:$0x3F9F];
	_ =	sdelay $0x3  }
0x33: {  	p0 =	seq.s32 s10, $0x1;
	s10 =	sld [smem:$0x3FA1];
	_ =	sdelay $0x3  }
0x34: {  	[smem:$0x3FA1] =	sst s10  }
0x35: {  	s10 =	sld [smem:$0x3FA0];
	_ =	sdelay $0x3  }
0x36: {  	p1 =	seq.s32 s10, $0x1;
	s10 =	sld [smem:$0x3FA1];
	_ =	sdelay $0x3  }
0x37: {  	[smem:$0x3FA1] =	sst s10  }
0x38: {  	s10 =	sld [smem:$0x3FA2]  }
0x39: {  	_ = 	snop;
	(pc) =	sbr.ind lr, $3  }
0x3a: {  	_ = 	snop  }
0x3b: {  	_ = 	snop  }
0x3c: {  	p2 =	seq.s32 s10, $0x1;
	s10 =	sld [smem:$0x3FA1]  }
0x3d: {  	_ =	shalt  }
0x3e: {  	_ =	shalt  }
0x3f: {  	_ =	shalt  }
0x40: {  	_ =	shalt  }
0x41: {  	_ =	shalt  }
0x42: {  	_ =	shalt  }
0x43: {  	_ =	shalt  }
0x44: {  	_ =	shalt  }
0x45: {  	_ =	shalt  }
0x46: {  	_ =	shalt  }
0x47: {  	_ =	shalt  }
0x48: {  	_ =	shalt  }
0x49: {  	_ =	shalt  }
0x4a: {  	_ =	shalt  }
0x4b: {  	_ =	shalt  }
0x4c: {  	_ =	shalt  }
0x4d: {  	_ =	shalt  }
0x4e: {  	_ =	shalt  }
0x4f: {  	_ =	shalt  }
0x50: {  	_ =	shalt  }
0x51: {  	_ =	shalt  }
0x52: {  	_ =	shalt  }
0x53: {  	_ =	shalt  }
0x54: {  	_ =	shalt  }
0x55: {  	_ =	shalt  }
0x56: {  	_ =	shalt  }
0x57: {  	_ =	shalt  }
0x58: {  	_ =	shalt  }
0x59: {  	_ =	shalt  }
0x5a: {  	_ =	shalt  }
0x5b: {  	_ =	shalt  }
0x5c: {  	_ =	shalt  }
0x5d: {  	_ =	shalt  }
0x5e: {  	_ =	shalt  }
0x5f: {  	_ =	shalt  }
0x60: {  	_ =	shalt  }
0x61: {  	_ =	shalt  }
0x62: {  	_ =	shalt  }
0x63: {  	_ =	shalt  }
0x64: {  	_ =	shalt  }
0x65: {  	_ =	shalt  }
0x66: {  	_ =	shalt  }
0x67: {  	_ =	shalt  }
0x68: {  	_ =	shalt  }
0x69: {  	_ =	shalt  }
0x6a: {  	_ =	shalt  }
0x6b: {  	_ =	shalt  }
0x6c: {  	_ =	shalt  }
0x6d: {  	_ =	shalt  }
0x6e: {  	_ =	shalt  }
0x6f: {  	_ =	shalt  }
0x70: {  	_ =	shalt  }
0x71: {  	_ =	shalt  }
0x72: {  	_ =	shalt  }
0x73: {  	_ =	shalt  }
0x74: {  	_ =	shalt  }
0x75: {  	_ =	shalt  }
0x76: {  	_ =	shalt  }
0x77: {  	_ =	shalt  }
0x78: {  	_ =	shalt  }
0x79: {  	_ =	shalt  }
0x7a: {  	_ =	shalt  }
0x7b: {  	_ =	shalt  }
0x7c: {  	_ =	shalt  }
0x7d: {  	_ =	shalt  }
0x7e: {  	_ =	shalt  }
0x7f: {  	_ =	shalt  }
0x80: {  	_ =	shalt  }
0x81: {  	_ =	shalt  }
0x82: {  	_ =	shalt  }
0x83: {  	_ =	shalt  }
0x84: {  	_ =	shalt  }
0x85: {  	_ =	shalt  }
0x86: {  	_ =	shalt  }
0x87: {  	_ =	shalt  }
.Lfunc_end0:
.L_simem_size_0:
called_computation_lowered:
.L_overlay_start_0:
0x88: {  	s2 =	sld [smem:$0x3FD9]  }
0x89: {  	s3 =	sld [smem:$0x3FFE];
	_ =	sdelay $0x1  }
0x8a: {  	s1 =	srdreg.scid  }
0x8b: {  	s0 =	sand.u32 $0x1, s1  }
0x8c: {  	s17 =	sshll.u32 s0, $0xA;
	s2 =	sadd.s32 s3, s2  }
0x8d: {  	s2 =	sadd.s32 s2, s17  }
0x8e: {  	[smem:$0x3FAD] =	sst s2  }
0x8f: {  	_ = 	snop  }
0x90: {  	s2 =	sld [smem:$0x3FC9];
	(tm) =	ssettm $0x1  }
0x91: {  	s18 =	sld [smem:$0x3FFB];
	_ =	sdelay $0x3  }
0x92: {  	_ =	strace s18  }
0x93: {  	s3 =	sld [smem:$0x3FFC];
	_ =	sdelay $0x3  }
0x94: {  	_ =	strace s3  }
0x95: {  	s3 =	sld [smem:$0x3FFD];
	_ =	sdelay $0x3  }
0x96: {  	_ =	strace s3  }
0x97: {  	_ =	strace $0x8FFFFFFF  }
0x98: {  	s19 =	sld [smem:$0x3FDB];
	_ =	sdelay $0x1  }
0x99: {  	s4 =	simm.s32 $_scs_section_size  }
0x9a: {  	s5 =	simm.s32 $_size__tile_overlayer_lowered;
	s6 =	simm.s32 $_tile_overlayer_lowered  }
0x9b: {  	s22 =	simm.s32 $0x1BFF;
	s21 =	sshll.u32 s6, $0x1;
	s3 =	sadd.s32 s4, s19  }
0x9c: {  	s7 =	simm.s32 $0x0;
	s20 =	sshll.u32 s5, $0x1;
	s5 =	sadd.s32 s21, s3  }
0x9d: {  	[timem:s7], [sflag:s22] =	dma.local [hbm:s5], s20  }
0x9e: {  	_ =	swait.ge [sflag:s22], s20  }
0x9f: {  	s4 =	ssub.s32 $0x0, s20;
	[sflag:s22] =	ssyncset.done $0x0  }
0xa0: {  	[sflag:s22] =	ssyncadd.s32 s4;
	_ =	sdelay $0x1  }
0xa1: {  	s23 =	simm.s32 $0x1B8B  }
0xa2: {  	_ =	swait.ge [sflag:s23], $0x1  }
0xa3: {  	[sflag:s23] =	ssyncset.done $0x0  }
0xa4: {  	s25 =	simm.s32 $0x1B8E;
	s24 =	sld [smem:$0x3FFE];
	[sflag:s23] =	ssyncadd.s32 $0xFFFFFFFF  }
0xa5: {  	s26 =	simm.s32 $execute0_lowered;
	[smem:$0x3FD2] =	sst s25  }
0xa6: {  	s5 =	sshll.u32 s26, $0x1;
	_ =	strace $0x80000046;
	[dreg:$0x1] =	wrdreg $0xFFFFFFFF  }
0xa7: {  	s28 =	simm.s32 $_size_execute0_lowered;
	s3 =	sadd.s32 s3, s5;
	[dreg:$0x0] =	wrdreg $0x0  }
0xa8: {  	s5 =	sshll.u32 s28, $0x1;
	[dreg:$0x2] =	wrdreg s3  }
0xa9: {  	[dreg:$0x3] =	wrdreg s5  }
0xaa: {  	[dreg:$0x4] =	wrdreg $0xC0  }
0xab: {  	_ =	task [dreg:s7], $0x5FFFF  }
0xac: {  	[dreg:$0x1] =	wrdreg $0xFFFFFFFF  }
0xad: {  	[dreg:$0x0] =	wrdreg $0x60  }
0xae: {  	[dreg:$0x2] =	wrdreg s2  }
0xaf: {  	[dreg:$0x3] =	wrdreg s24  }
0xb0: {  	[dreg:$0x4] =	wrdreg $0xBC800  }
0xb1: {  	[dreg:$0x5] =	wrdreg $0x9  }
0xb2: {  	_ =	task.clear_ibuf [dreg:s7], $0x6FFFF;
	_ =	strace $0x90000046  }
0xb3: {  	s29 =	simm.s32 $0x9;
	_ =	strace $0x80000048  }
0xb4: {  	_ =	swait.ge [sflag:s29], $0x1  }
0xb5: {  	[sflag:s29] =	ssyncadd.s32 $0xFFFFFFFF  }
0xb6: {  	_ =	strace $0x90000048  }
0xb7: {  	_ =	sfence  }
0xb8: {  	s30 =	sld [smem:$0x0];
	_ =	sdelay $0x2  }
0xb9: {  	s31 =	sshll.u32 s1, $0xD;
	s1 =	sshrl.u32 s1, $0x2  }
0xba: {  	s3 =	sand.u32 $0x4000, s31;
	s1 =	sadd.s32 s1, s30  }
0xbb: {  	s0 =	sor.u32 s3, s0;
	s1 =	sshll.u32 s1, $0x11  }
0xbc: {  	s0 =	sor.u32 s1, s0  }
0xbd: {  	s0 =	sadd.s32 $0x8F2B, s0  }
0xbe: {  	[sflag:s0] =	ssyncadd.remote.s32 $0x1  }
0xbf: {  	_ =	sfence.sel $0xFFFF  }
0xc0: {  	[dreg:$0x0] =	wrdreg $0xFFFFFFFF;
	(pc) =	sbr.abs _section_cstart, $3  }
0xc1: {  	[dreg:$0x1] =	wrdreg $0xFFFFFFFF  }
0xc2: {  	_ =	task.clear_ibuf [dreg:s7], $0x2FFFF;
	_ =	strace $0x9FFFFFFF  }
0xc3: {  	(tm) =	ssettm $0x7FFFFFFF  }
tec
execute0_lowered:
.L_overlay_start_1:
0x0: {  	(tag) =	ssettag $0x1  }
0x1: {  	s2 =	rddreg [dreg:$0x0]  }
0x2: {  	s0 =	srdreg.scid;
	s7 =	rddreg [dreg:$0x1]  }
0x3: {  	s10 =	stileid.u32;
	s4 =	rddreg [dreg:$0x2];
	s5 =	simm.s32 $0x0  }
0x4: {  	s11 =	simm.s32 $0x13;
	s0 =	sand.u32 $0x1, s0;
	s6 =	smul.u32 $0x14000, s10  }
0x5: {  	[smem:$0x7FF] =	sst s5;
	s1 =	sshll.u32 s0, $0x4;
	s13 =	smul.u32 $0x140000, s0  }
0x6: {  	_ =	strace $0x80000047;
	s0 =	ssub.s32 $0x2, s0;
	s1 =	sor.u32 s10, s1  }
0x7: {  	s14 =	sshrl.u32 s0, $0x1;
	s3 =	smul.u32 $0x2880, s1;
	s1 =	sadd.s32 s6, s13  }
0x8: {  	s6 =	sadd.s32 $0xF000, s7;
	s0 =	ssub.s32 s0, s14;
	s1 =	sshrl.u32 s1, $0x3  }
0x9: {  	s0 =	smax.u32 s0, $0x1;
	s8 =	sshrl.u32 s3, $0x3;
	s1 =	sadd.s32 s1, s7  }
0xa: {  	[dreg:$0xd] =	wrdreg s0;
	s9 =	sadd.s32 s8, s7;
	s8 =	sadd.s32 s6, s8  }
0xb: {  	s12 =	simm.s32 $0x2880;
	s1 =	sadd.s32 $0x19200, s1;
	[dreg:$0x4] =	wrdreg s8  }
0xc: {  	s28 =	simm.s32 $0x30;
	s9 =	sadd.s32 $0x4E00, s9;
	[dreg:$0xb] =	wrdreg s1  }
0xd: {  	s29 =	simm.s32 $0xF;
	s16 =	sadd.s32 $0x6, s8;
	[dreg:$0x5] =	wrdreg s9  }
0xe: {  	s30 =	simm.s32 $0x4;
	s17 =	sadd.s32 $0xC, s8;
	[dreg:$0x6] =	wrdreg s16  }
0xf: {  	s15 =	smul.u32 $0x50000, s10;
	s18 =	sadd.s32 $0x12, s8;
	[dreg:$0x7] =	wrdreg s17  }
0x10: {  	s31 =	simm.s32 $0x10;
	s19 =	sadd.s32 $0x18, s8;
	[dreg:$0x8] =	wrdreg s18  }
0x11: {  	s7 =	sshrl.u32 s15, $0x2;
	s8 =	sadd.s32 $0x1E, s8;
	[dreg:$0x9] =	wrdreg s19  }
0x12: {  	s13 =	simm.s32 $0x4480;
	s10 =	sadd.s32 s7, s4;
	[dreg:$0xa] =	wrdreg s8  }
0x13: {  	s14 =	simm.s32 $0x5C80;
	s20 =	sadd.s32 $0x2800, s10;
	[dreg:$0xc] =	wrdreg s10  }
0x14: {  	s15 =	simm.s32 $0x2B00;
	s21 =	sadd.s32 $0x5000, s10;
	[dreg:$0xe] =	wrdreg s20  }
0x15: {  	s7 =	simm.s32 $0x2A80;
	s22 =	sadd.s32 $0x7800, s10;
	[dreg:$0xf] =	wrdreg s21  }
0x16: {  	s1 =	simm.s32 $0x0;
	s23 =	sadd.s32 $0xA000, s10;
	[dreg:$0x10] =	wrdreg s22  }
0x17: {  	s24 =	sadd.s32 $0xC800, s10;
	s25 =	sadd.s32 $0xF000, s10;
	[dreg:$0x11] =	wrdreg s23  }
0x18: {  	s26 =	sadd.s32 $0x11800, s10;
	s18 =	simm.s32 $0x2C80;
	[dreg:$0x12] =	wrdreg s24  }
0x19: {  	s17 =	simm.s32 $0x2900;
	s16 =	simm.s32 $0x2980;
	[dreg:$0x13] =	wrdreg s25  }
0x1a: {  	s19 =	simm.s32 $0x8C80;
	[dreg:$0x14] =	wrdreg s26;
	s21 =	simm.s32 $0x2A00  }
0x1b: {  	s20 =	simm.s32 $0x7480;
	s22 =	simm.s32 $0xA480;
	s23 =	simm.s32 $0xD  }
0x1c: {  	v0 =	vimm.f32 $0.0e+00;
	s24 =	simm.s32 $0x2;
	s25 =	simm.s32 $0xE;
	s26 =	simm.s32 $0x3  }
.LBB2_1:
0x1d: {  	s0 =	sand.u32 $0xFE00, s5  }
0x1e: {  	[dreg:$0x15] =	wrdreg s1;
	s9 =	sand.u32 $0x70, s5;
	s8 =	sshrl.u32 s0, $0x2  }
0x1f: {  	s1 =	simm.s32 $0x0;
	s0 =	simm.s32 $0x40;
	s8 =	sor.u32 s9, s8  }
.LBB2_2:
0x20: {  	p0 =	sne.s32 s0, $0x9FC0  }
0x21: {  	[tilespmem:s8+$0x2C80] =	vst v0;
	s1 =	sadd.s32 $0x10, s1;
	s8 =	smov.u32 s0;
	s0 =	sadd.s32 $0x40, s0  }
.Ltmp0:
0x22: {  	(pc) =	sbr.rel @p0 .LBB2_2-.Ltmp0, $4  }
0x23: {  	_ = 	snop  }
0x24: {  	s8 =	sand.u32 $0xFE00, s8  }
0x25: {  	s9 =	sand.u32 $0x70, s1;
	s8 =	sshrl.u32 s8, $0x2  }
0x26: {  	s8 =	sor.u32 s9, s8  }
0x27: {  	[tilespmem:s8+$0x2C80] =	vst v0  }
0x28: {  	[spmem:s10] =	stream.linear.scatter [tilespmem:s18], [sflag:$0x13], $0x2800, $0x38;
	[tilespmem:$0x1FC80] =	vst v63  }
0x29: {  	_ =	swait.ge [sflag:s11], $0x2800  }
0x2a: {  	[sflag:s11] =	ssyncset.done $0x0  }
0x2b: {  	s0 =	rddreg [dreg:$0xe];
	[sflag:s11] =	ssyncadd.s32 $0xFFFFD800  }
0x2c: {  	[spmem:s0] =	stream.linear.scatter [tilespmem:s18], [sflag:$0x13], $0x2800, $0x38;
	[tilespmem:$0x1FC80] =	vst v63  }
0x2d: {  	_ =	swait.ge [sflag:s11], $0x2800  }
0x2e: {  	[sflag:s11] =	ssyncset.done $0x0  }
0x2f: {  	s8 =	rddreg [dreg:$0xf];
	[sflag:s11] =	ssyncadd.s32 $0xFFFFD800  }
0x30: {  	[spmem:s8] =	stream.linear.scatter [tilespmem:s18], [sflag:$0x13], $0x2800, $0x38;
	[tilespmem:$0x1FC80] =	vst v63  }
0x31: {  	_ =	swait.ge [sflag:s11], $0x2800  }
0x32: {  	[sflag:s11] =	ssyncset.done $0x0  }
0x33: {  	s9 =	rddreg [dreg:$0x10];
	[sflag:s11] =	ssyncadd.s32 $0xFFFFD800  }
0x34: {  	[spmem:s9] =	stream.linear.scatter [tilespmem:s18], [sflag:$0x13], $0x2800, $0x38;
	[tilespmem:$0x1FC80] =	vst v63  }
0x35: {  	_ =	swait.ge [sflag:s11], $0x2800  }
0x36: {  	[sflag:s11] =	ssyncset.done $0x0  }
0x37: {  	s10 =	rddreg [dreg:$0x11];
	[sflag:s11] =	ssyncadd.s32 $0xFFFFD800  }
0x38: {  	[spmem:s10] =	stream.linear.scatter [tilespmem:s18], [sflag:$0x13], $0x2800, $0x38;
	[tilespmem:$0x1FC80] =	vst v63  }
0x39: {  	_ =	swait.ge [sflag:s11], $0x2800  }
0x3a: {  	[sflag:s11] =	ssyncset.done $0x0  }
0x3b: {  	s1 =	rddreg [dreg:$0x12];
	[sflag:s11] =	ssyncadd.s32 $0xFFFFD800  }
0x3c: {  	[spmem:s1] =	stream.linear.scatter [tilespmem:s18], [sflag:$0x13], $0x2800, $0x38;
	[tilespmem:$0x1FC80] =	vst v63  }
0x3d: {  	_ =	swait.ge [sflag:s11], $0x2800  }
0x3e: {  	[sflag:s11] =	ssyncset.done $0x0  }
0x3f: {  	s8 =	rddreg [dreg:$0x13];
	[sflag:s11] =	ssyncadd.s32 $0xFFFFD800  }
0x40: {  	[spmem:s8] =	stream.linear.scatter [tilespmem:s18], [sflag:$0x13], $0x2800, $0x38;
	[tilespmem:$0x1FC80] =	vst v63  }
0x41: {  	_ =	swait.ge [sflag:s11], $0x2800  }
0x42: {  	[sflag:s11] =	ssyncset.done $0x0  }
0x43: {  	s9 =	rddreg [dreg:$0x14];
	[sflag:s11] =	ssyncadd.s32 $0xFFFFD800  }
0x44: {  	[spmem:s9] =	stream.linear.scatter [tilespmem:s18], [sflag:$0x13], $0x2800, $0x38;
	[tilespmem:$0x1FC80] =	vst v63  }
0x45: {  	_ =	swait.ge [sflag:s11], $0x2800  }
0x46: {  	[sflag:s11] =	ssyncset.done $0x0  }
0x47: {  	[sflag:s11] =	ssyncadd.s32 $0xFFFFD800  }
0x48: {  	[bflag:$0x0] =	sbarrier.arrive $0xFFFF  }
0x49: {  	s10 =	rddreg [dreg:$0x5]  }
0x4a: {  	[tilespmem:s5], [sflag:$0x13] =	stream.linear.gather [hbm4b:s10+s5], $0x2880, $0x38;
	[tilespmem:$0x1FC80] =	vst v63  }
0x4b: {  	_ =	swait.ge [sflag:s11], $0x2880  }
0x4c: {  	[sflag:s11] =	ssyncset.done $0x0  }
0x4d: {  	s1 =	rddreg [dreg:$0x4];
	[sflag:s11] =	ssyncadd.s32 $0xFFFFD780  }
0x4e: {  	[tilespmem:s12], [sflag:$0xD] =	stream.linear.gather [hbm4b:s1+s5], $0x30, $0x38;
	[tilespmem:$0x1FC80] =	vst v63  }
0x4f: {  	_ = 	snop  }
0x50: {  	[tilespmem:s18], [sflag:$0x1] =	stream.indirect.gather [hbm4b:s2+s28], $0x80, s5, s28, $0xb8;
	[tilespmem:$0x1FC80] =	vst v63  }
0x51: {  	s8 =	rddreg [dreg:$0x6]  }
0x52: {  	[tilespmem:s17], [sflag:$0xE] =	stream.linear.gather [hbm4b:s8+s5], $0x30, $0x38;
	[tilespmem:$0x1FC80] =	vst v63  }
0x53: {  	_ = 	snop  }
0x54: {  	[tilespmem:s13], [sflag:$0x2] =	stream.indirect.gather [hbm4b:s2+s28], $0x80, s28, s28, $0xb8;
	[tilespmem:$0x1FC80] =	vst v63  }
0x55: {  	s9 =	rddreg [dreg:$0x7]  }
0x56: {  	[tilespmem:s16], [sflag:$0xF] =	stream.linear.gather [hbm4b:s9+s5], $0x30, $0x38;
	[tilespmem:$0x1FC80] =	vst v63  }
0x57: {  	s10 =	simm.s32 $0x60  }
0x58: {  	[tilespmem:s14], [sflag:$0x3] =	stream.indirect.gather [hbm4b:s2+s28], $0x80, s10, s28, $0xb8;
	[tilespmem:$0x1FC80] =	vst v63  }
0x59: {  	s11 =	rddreg [dreg:$0x8]  }
0x5a: {  	[tilespmem:s21], [sflag:$0x10] =	stream.linear.gather [hbm4b:s11+s5], $0x30, $0x38;
	[tilespmem:$0x1FC80] =	vst v63  }
0x5b: {  	s1 =	simm.s32 $0x90  }
0x5c: {  	[tilespmem:s20], [sflag:$0x4] =	stream.indirect.gather [hbm4b:s2+s28], $0x80, s1, s28, $0xb8;
	[tilespmem:$0x1FC80] =	vst v63  }
0x5d: {  	s8 =	rddreg [dreg:$0x9]  }
0x5e: {  	[tilespmem:s7], [sflag:$0x11] =	stream.linear.gather [hbm4b:s8+s5], $0x30, $0x38;
	[tilespmem:$0x1FC80] =	vst v63  }
0x5f: {  	s9 =	simm.s32 $0xC0  }
0x60: {  	[tilespmem:s19], [sflag:$0x5] =	stream.indirect.gather [hbm4b:s2+s28], $0x80, s9, s28, $0xb8;
	[tilespmem:$0x1FC80] =	vst v63  }
0x61: {  	s10 =	rddreg [dreg:$0xa]  }
0x62: {  	[tilespmem:s15], [sflag:$0x12] =	stream.linear.gather [hbm4b:s10+s5], $0x30, $0x38;
	[tilespmem:$0x1FC80] =	vst v63  }
0x63: {  	s11 =	simm.s32 $0xF0;
	s9 =	simm.s32 $0x1  }
0x64: {  	[tilespmem:s22], [sflag:$0x6] =	stream.indirect.gather [hbm4b:s2+s28], $0x80, s11, s28, $0xb8;
	[tilespmem:$0x1FC80] =	vst v63  }
0x65: {  	_ =	swait.ge [sflag:s9], $0x1800  }
0x66: {  	[sflag:s9] =	ssyncset.done $0x0  }
0x67: {  	[sflag:s9] =	ssyncadd.s32 $0xFFFFE800  }
0x68: {  	_ =	swait.ge [sflag:s23], $0x30  }
0x69: {  	[sflag:s23] =	ssyncset.done $0x0  }
0x6a: {  	[sflag:s23] =	ssyncadd.s32 $0xFFFFFFD0  }
0x6b: {  	[spmem:s4] =	stream.indirect.scatter.add.f32 [tilespmem:s18], [sflag:$0x7], $0x80, s12, s28, $0xb8;
	[tilespmem:$0x1FC80] =	vst v63  }
0x6c: {  	_ =	swait.ge [sflag:s24], $0x1800  }
0x6d: {  	[sflag:s24] =	ssyncset.done $0x0  }
0x6e: {  	[sflag:s24] =	ssyncadd.s32 $0xFFFFE800  }
0x6f: {  	_ =	swait.ge [sflag:s25], $0x30  }
0x70: {  	[sflag:s25] =	ssyncset.done $0x0  }
0x71: {  	[sflag:s25] =	ssyncadd.s32 $0xFFFFFFD0  }
0x72: {  	[spmem:s4] =	stream.indirect.scatter.add.f32 [tilespmem:s13], [sflag:$0x8], $0x80, s17, s28, $0xb8;
	[tilespmem:$0x1FC80] =	vst v63  }
0x73: {  	_ =	swait.ge [sflag:s26], $0x1800  }
0x74: {  	[sflag:s26] =	ssyncset.done $0x0  }
0x75: {  	[sflag:s26] =	ssyncadd.s32 $0xFFFFE800  }
0x76: {  	_ =	swait.ge [sflag:s29], $0x30  }
0x77: {  	[sflag:s29] =	ssyncset.done $0x0  }
0x78: {  	[sflag:s29] =	ssyncadd.s32 $0xFFFFFFD0  }
0x79: {  	[spmem:s4] =	stream.indirect.scatter.add.f32 [tilespmem:s14], [sflag:$0x9], $0x80, s16, s28, $0xb8;
	[tilespmem:$0x1FC80] =	vst v63  }
0x7a: {  	_ =	swait.ge [sflag:s30], $0x1800  }
0x7b: {  	[sflag:s30] =	ssyncset.done $0x0  }
0x7c: {  	[sflag:s30] =	ssyncadd.s32 $0xFFFFE800  }
0x7d: {  	_ =	swait.ge [sflag:s31], $0x30  }
0x7e: {  	[sflag:s31] =	ssyncset.done $0x0  }
0x7f: {  	s10 =	simm.s32 $0x5;
	[sflag:s31] =	ssyncadd.s32 $0xFFFFFFD0  }
0x80: {  	[spmem:s4] =	stream.indirect.scatter.add.f32 [tilespmem:s20], [sflag:$0xA], $0x80, s21, s28, $0xb8;
	[tilespmem:$0x1FC80] =	vst v63  }
0x81: {  	_ =	swait.ge [sflag:s10], $0x1800  }
0x82: {  	[sflag:s10] =	ssyncset.done $0x0  }
0x83: {  	s11 =	simm.s32 $0x11;
	[sflag:s10] =	ssyncadd.s32 $0xFFFFE800  }
0x84: {  	_ =	swait.ge [sflag:s11], $0x30  }
0x85: {  	[sflag:s11] =	ssyncset.done $0x0  }
0x86: {  	s25 =	simm.s32 $0x6;
	[sflag:s11] =	ssyncadd.s32 $0xFFFFFFD0  }
0x87: {  	[spmem:s4] =	stream.indirect.scatter.add.f32 [tilespmem:s19], [sflag:$0xB], $0x80, s7, s28, $0xb8;
	[tilespmem:$0x1FC80] =	vst v63  }
0x88: {  	_ =	swait.ge [sflag:s25], $0x1800  }
0x89: {  	[sflag:s25] =	ssyncset.done $0x0  }
0x8a: {  	s1 =	simm.s32 $0x12;
	[sflag:s25] =	ssyncadd.s32 $0xFFFFE800  }
0x8b: {  	_ =	swait.ge [sflag:s1], $0x30  }
0x8c: {  	p0 =	por $0x0, $0x0;
	s0 =	simm.s32 $0x120;
	[sflag:s1] =	ssyncset.done $0x0  }
0x8d: {  	s0 =	simm.s32 @p0 $0x0;
	s31 =	simm.s32 $0x7;
	[sflag:s1] =	ssyncadd.s32 $0xFFFFFFD0  }
0x8e: {  	[spmem:s4] =	stream.indirect.scatter.add.f32 [tilespmem:s22], [sflag:$0xC], $0x80, s15, s28, $0xb8;
	[tilespmem:$0x1FC80] =	vst v63  }
0x8f: {  	s26 =	sadd.s32 s3, s0;
	_ =	swait.ge [sflag:s31], $0x1800  }
0x90: {  	s1 =	sshrl.u32 s26, $0x3;
	[sflag:s31] =	ssyncset.done $0x0  }
0x91: {  	s8 =	simm.s32 $0x150;
	s1 =	sadd.s32 s6, s1;
	[sflag:s31] =	ssyncadd.s32 $0xFFFFE800  }
0x92: {  	[tilespmem:s12], [sflag:$0xD] =	stream.linear.gather [hbm4b:s1+s5], $0x30, $0x38;
	[tilespmem:$0x1FC80] =	vst v63  }
0x93: {  	s8 =	simm.s32 @p0 $0x30;
	s12 =	simm.s32 $0x8  }
0x94: {  	[tilespmem:s18], [sflag:$0x1] =	stream.indirect.gather [hbm4b:s2+s28], $0x80, s0, s28, $0xb8;
	[tilespmem:$0x1FC80] =	vst v63  }
0x95: {  	s7 =	sadd.s32 s3, s8;
	_ =	swait.ge [sflag:s12], $0x1800  }
0x96: {  	s0 =	sshrl.u32 s7, $0x3;
	[sflag:s12] =	ssyncset.done $0x0  }
0x97: {  	s1 =	simm.s32 $0x180;
	s0 =	sadd.s32 s6, s0;
	[sflag:s12] =	ssyncadd.s32 $0xFFFFE800  }
0x98: {  	[tilespmem:s17], [sflag:$0xE] =	stream.linear.gather [hbm4b:s0+s5], $0x30, $0x38;
	[tilespmem:$0x1FC80] =	vst v63  }
0x99: {  	s22 =	simm.s32 $0x9;
	s1 =	simm.s32 @p0 $0x60  }
0x9a: {  	[tilespmem:s13], [sflag:$0x2] =	stream.indirect.gather [hbm4b:s2+s28], $0x80, s8, s28, $0xb8;
	[tilespmem:$0x1FC80] =	vst v63  }
0x9b: {  	s15 =	sadd.s32 s3, s1;
	_ =	swait.ge [sflag:s22], $0x1800  }
0x9c: {  	s0 =	sshrl.u32 s15, $0x3;
	[sflag:s22] =	ssyncset.done $0x0  }
0x9d: {  	s0 =	sadd.s32 s6, s0;
	s8 =	simm.s32 $0x1B0;
	[sflag:s22] =	ssyncadd.s32 $0xFFFFE800  }
0x9e: {  	[tilespmem:s16], [sflag:$0xF] =	stream.linear.gather [hbm4b:s0+s5], $0x30, $0x38;
	[tilespmem:$0x1FC80] =	vst v63  }
0x9f: {  	s24 =	simm.s32 $0xA;
	s8 =	simm.s32 @p0 $0x90  }
0xa0: {  	[tilespmem:s14], [sflag:$0x3] =	stream.indirect.gather [hbm4b:s2+s28], $0x80, s1, s28, $0xb8;
	[tilespmem:$0x1FC80] =	vst v63  }
0xa1: {  	s23 =	sadd.s32 s3, s8;
	_ =	swait.ge [sflag:s24], $0x1800  }
0xa2: {  	s30 =	simm.s32 $0x2A00;
	s0 =	sshrl.u32 s23, $0x3;
	[sflag:s24] =	ssyncset.done $0x0  }
0xa3: {  	s0 =	sadd.s32 s6, s0;
	s1 =	simm.s32 $0x1E0;
	[sflag:s24] =	ssyncadd.s32 $0xFFFFE800  }
0xa4: {  	[tilespmem:s30], [sflag:$0x10] =	stream.linear.gather [hbm4b:s0+s5], $0x30, $0x38;
	[tilespmem:$0x1FC80] =	vst v63  }
0xa5: {  	s21 =	simm.s32 $0x2A80;
	s1 =	simm.s32 @p0 $0xC0;
	s30 =	simm.s32 $0xB  }
0xa6: {  	[tilespmem:s20], [sflag:$0x4] =	stream.indirect.gather [hbm4b:s2+s28], $0x80, s8, s28, $0xb8;
	[tilespmem:$0x1FC80] =	vst v63  }
0xa7: {  	s25 =	sadd.s32 s3, s1;
	s0 =	simm.s32 $0x210;
	_ =	swait.ge [sflag:s30], $0x1800  }
0xa8: {  	s0 =	simm.s32 @p0 $0xF0;
	s8 =	sshrl.u32 s25, $0x3;
	[sflag:s30] =	ssyncset.done $0x0  }
0xa9: {  	s31 =	sadd.s32 s3, s0;
	s8 =	sadd.s32 s6, s8;
	[sflag:s30] =	ssyncadd.s32 $0xFFFFE800  }
0xaa: {  	[tilespmem:s21], [sflag:$0x11] =	stream.linear.gather [hbm4b:s8+s5], $0x30, $0x38;
	[tilespmem:$0x1FC80] =	vst v63  }
0xab: {  	s26 =	simm.s32 $0x8C80;
	s13 =	simm.s32 $0xC;
	s8 =	sshrl.u32 s31, $0x3  }
0xac: {  	[tilespmem:s26], [sflag:$0x5] =	stream.indirect.gather [hbm4b:s2+s28], $0x80, s1, s28, $0xb8;
	[tilespmem:$0x1FC80] =	vst v63  }
0xad: {  	s29 =	simm.s32 $0x2;
	s12 =	sadd.s32 s6, s8;
	_ =	swait.ge [sflag:s13], $0x1800  }
0xae: {  	s1 =	simm.s32 $0x330;
	s26 =	simm.s32 $0xD;
	[sflag:s13] =	ssyncset.done $0x0  }
.LBB2_4:
0xaf: {  	p0 =	sne.s32 s1, $0x2970;
	[sflag:s13] =	ssyncadd.s32 $0xFFFFE800  }
0xb0: {  	s8 =	smov.u32 s1;
	s1 =	sadd.s32 $0x120, s1;
	s23 =	simm.s32 $0x2B00  }
0xb1: {  	[tilespmem:s23], [sflag:$0x12] =	stream.linear.gather [hbm4b:s12+s5], $0x30, $0x38;
	[tilespmem:$0x1FC80] =	vst v63  }
0xb2: {  	s20 =	simm.s32 $0xA480  }
0xb3: {  	[tilespmem:s20], [sflag:$0x6] =	stream.indirect.gather [hbm4b:s2+s28], $0x80, s0, s28, $0xb8;
	[tilespmem:$0x1FC80] =	vst v63  }
0xb4: {  	_ =	swait.ge [sflag:s9], $0x1800  }
0xb5: {  	[sflag:s9] =	ssyncset.done $0x0  }
0xb6: {  	[sflag:s9] =	ssyncadd.s32 $0xFFFFE800  }
0xb7: {  	_ =	swait.ge [sflag:s26], $0x30  }
0xb8: {  	[sflag:s26] =	ssyncset.done $0x0  }
0xb9: {  	s19 =	simm.s32 $0x2880;
	[sflag:s26] =	ssyncadd.s32 $0xFFFFFFD0  }
0xba: {  	[spmem:s4] =	stream.indirect.scatter.add.f32 [tilespmem:s18], [sflag:$0x7], $0x80, s19, s28, $0xb8;
	[tilespmem:$0x1FC80] =	vst v63  }
0xbb: {  	_ =	swait.ge [sflag:s29], $0x1800  }
0xbc: {  	[sflag:s29] =	ssyncset.done $0x0  }
0xbd: {  	s0 =	simm.s32 $0xE;
	[sflag:s29] =	ssyncadd.s32 $0xFFFFE800  }
0xbe: {  	_ =	swait.ge [sflag:s0], $0x30  }
0xbf: {  	s7 =	simm.s32 $0x0;
	[sflag:s0] =	ssyncset.done $0x0  }
0xc0: {  	s5 =	simm.s32 $0x4480;
	[sflag:s0] =	ssyncadd.s32 $0xFFFFFFD0;
	s0 =	simm.s32 $0x3  }
0xc1: {  	[spmem:s4] =	stream.indirect.scatter.add.f32 [tilespmem:s5], [sflag:$0x8], $0x80, s17, s28, $0xb8;
	[tilespmem:$0x1FC80] =	vst v63  }
0xc2: {  	_ =	swait.ge [sflag:s0], $0x1800  }
0xc3: {  	[sflag:s0] =	ssyncset.done $0x0  }
0xc4: {  	[sflag:s0] =	ssyncadd.s32 $0xFFFFE800;
	s0 =	simm.s32 $0xF  }
0xc5: {  	_ =	swait.ge [sflag:s0], $0x30  }
0xc6: {  	[sflag:s0] =	ssyncset.done $0x0  }
0xc7: {  	s25 =	simm.s32 $0x5C80;
	[sflag:s0] =	ssyncadd.s32 $0xFFFFFFD0;
	s0 =	simm.s32 $0x4  }
0xc8: {  	[spmem:s4] =	stream.indirect.scatter.add.f32 [tilespmem:s25], [sflag:$0x9], $0x80, s16, s28, $0xb8;
	[tilespmem:$0x1FC80] =	vst v63  }
0xc9: {  	_ =	swait.ge [sflag:s0], $0x1800  }
0xca: {  	[sflag:s0] =	ssyncset.done $0x0  }
0xcb: {  	[sflag:s0] =	ssyncadd.s32 $0xFFFFE800;
	s0 =	simm.s32 $0x10  }
0xcc: {  	_ =	swait.ge [sflag:s0], $0x30  }
0xcd: {  	[sflag:s0] =	ssyncset.done $0x0  }
0xce: {  	s22 =	simm.s32 $0x7480;
	s30 =	simm.s32 $0x2A00;
	[sflag:s0] =	ssyncadd.s32 $0xFFFFFFD0  }
0xcf: {  	[spmem:s4] =	stream.indirect.scatter.add.f32 [tilespmem:s22], [sflag:$0xA], $0x80, s30, s28, $0xb8;
	[tilespmem:$0x1FC80] =	vst v63  }
0xd0: {  	_ =	swait.ge [sflag:s10], $0x1800  }
0xd1: {  	[sflag:s10] =	ssyncset.done $0x0  }
0xd2: {  	s24 =	simm.s32 $0x8C80;
	[sflag:s10] =	ssyncadd.s32 $0xFFFFE800  }
0xd3: {  	s31 =	simm.s32 $0x2A80;
	s14 =	simm.s32 $0x12;
	_ =	swait.ge [sflag:s11], $0x30  }
0xd4: {  	s21 =	simm.s32 $0x2B00;
	s15 =	simm.s32 $0xA480;
	[sflag:s11] =	ssyncset.done $0x0  }
0xd5: {  	s13 =	sadd.s32 $0xFFFFFF40, s8;
	s0 =	simm.s32 $0x6;
	[sflag:s11] =	ssyncadd.s32 $0xFFFFFFD0  }
0xd6: {  	[spmem:s4] =	stream.indirect.scatter.add.f32 [tilespmem:s24], [sflag:$0xB], $0x80, s31, s28, $0xb8;
	[tilespmem:$0x1FC80] =	vst v63  }
0xd7: {  	p1 =	seq.s32 s8, $0x2970;
	s12 =	sadd.s32 $0xFFFFFF10, s8;
	_ =	swait.ge [sflag:s0], $0x1800  }
0xd8: {  	s12 =	simm.s32 @p1 $0x0;
	s11 =	sadd.s32 $0xFFFFFF70, s8;
	[sflag:s0] =	ssyncset.done $0x0  }
0xd9: {  	s9 =	sadd.s32 $0xFFFFFFD0, s8;
	s10 =	sadd.s32 $0xFFFFFFA0, s8;
	[sflag:s0] =	ssyncadd.s32 $0xFFFFE800  }
0xda: {  	s13 =	simm.s32 @p1 $0x30;
	s0 =	smov.u32 s8;
	_ =	swait.ge [sflag:s14], $0x30  }
0xdb: {  	s9 =	simm.s32 @p1 $0xC0;
	s0 =	simm.s32 @p1 $0xF0;
	[sflag:s14] =	ssyncset.done $0x0  }
0xdc: {  	s18 =	simm.s32 $0x7;
	s8 =	sadd.s32 s3, s12;
	[sflag:s14] =	ssyncadd.s32 $0xFFFFFFD0  }
0xdd: {  	s11 =	simm.s32 @p1 $0x60;
	s8 =	sshrl.u32 s8, $0x3;
	s14 =	sadd.s32 s3, s9  }
0xde: {  	[spmem:s4] =	stream.indirect.scatter.add.f32 [tilespmem:s20], [sflag:$0xC], $0x80, s23, s28, $0xb8;
	[tilespmem:$0x1FC80] =	vst v63  }
0xdf: {  	s16 =	sadd.s32 s3, s11;
	s17 =	sadd.s32 s3, s0;
	_ =	swait.ge [sflag:s18], $0x1800  }
0xe0: {  	s16 =	sshrl.u32 s16, $0x3;
	s8 =	sadd.s32 s6, s8;
	[sflag:s18] =	ssyncset.done $0x0  }
0xe1: {  	s17 =	sshrl.u32 s17, $0x3;
	[sflag:s18] =	ssyncadd.s32 $0xFFFFE800;
	s18 =	sadd.s32 s3, s13  }
0xe2: {  	[tilespmem:s19], [sflag:$0xD] =	stream.linear.gather [hbm4b:s8+s7], $0x30, $0x38;
	[tilespmem:$0x1FC80] =	vst v63  }
0xe3: {  	s23 =	simm.s32 $0x8;
	s8 =	sshrl.u32 s18, $0x3;
	s18 =	simm.s32 $0x2C80  }
0xe4: {  	[tilespmem:s18], [sflag:$0x1] =	stream.indirect.gather [hbm4b:s2+s28], $0x80, s12, s28, $0xb8;
	[tilespmem:$0x1FC80] =	vst v63  }
0xe5: {  	s12 =	sadd.s32 s6, s17;
	s17 =	simm.s32 $0x2900;
	_ =	swait.ge [sflag:s23], $0x1800  }
0xe6: {  	[sflag:s23] =	ssyncset.done $0x0  }
0xe7: {  	s8 =	sadd.s32 s6, s8;
	[sflag:s23] =	ssyncadd.s32 $0xFFFFE800  }
0xe8: {  	[tilespmem:s17], [sflag:$0xE] =	stream.linear.gather [hbm4b:s8+s7], $0x30, $0x38;
	[tilespmem:$0x1FC80] =	vst v63  }
0xe9: {  	_ = 	snop  }
0xea: {  	[tilespmem:s5], [sflag:$0x2] =	stream.indirect.gather [hbm4b:s2+s28], $0x80, s13, s28, $0xb8;
	[tilespmem:$0x1FC80] =	vst v63  }
0xeb: {  	s10 =	simm.s32 @p1 $0x90;
	s7 =	simm.s32 $0x9;
	s5 =	simm.s32 $0x0  }
0xec: {  	s8 =	sadd.s32 s3, s10;
	_ =	swait.ge [sflag:s7], $0x1800  }
0xed: {  	s8 =	sshrl.u32 s8, $0x3;
	[sflag:s7] =	ssyncset.done $0x0  }
0xee: {  	s13 =	sadd.s32 s6, s16;
	s16 =	simm.s32 $0x2980;
	[sflag:s7] =	ssyncadd.s32 $0xFFFFE800  }
0xef: {  	[tilespmem:s16], [sflag:$0xF] =	stream.linear.gather [hbm4b:s13+s5], $0x30, $0x38;
	[tilespmem:$0x1FC80] =	vst v63  }
0xf0: {  	s13 =	simm.s32 $0xC  }
0xf1: {  	s8 =	sadd.s32 s6, s8;
	s7 =	simm.s32 $0xA  }
0xf2: {  	[tilespmem:s25], [sflag:$0x3] =	stream.indirect.gather [hbm4b:s2+s28], $0x80, s11, s28, $0xb8;
	[tilespmem:$0x1FC80] =	vst v63  }
0xf3: {  	_ =	swait.ge [sflag:s7], $0x1800  }
0xf4: {  	[sflag:s7] =	ssyncset.done $0x0  }
0xf5: {  	s11 =	sshrl.u32 s14, $0x3;
	[sflag:s7] =	ssyncadd.s32 $0xFFFFE800  }
0xf6: {  	[tilespmem:s30], [sflag:$0x10] =	stream.linear.gather [hbm4b:s8+s5], $0x30, $0x38;
	[tilespmem:$0x1FC80] =	vst v63  }
0xf7: {  	s8 =	sadd.s32 s6, s11;
	s11 =	simm.s32 $0x11  }
0xf8: {  	[tilespmem:s22], [sflag:$0x4] =	stream.indirect.gather [hbm4b:s2+s28], $0x80, s10, s28, $0xb8;
	[tilespmem:$0x1FC80] =	vst v63  }
0xf9: {  	s7 =	simm.s32 $0xB;
	s10 =	simm.s32 $0x5  }
0xfa: {  	_ =	swait.ge [sflag:s7], $0x1800  }
0xfb: {  	[sflag:s7] =	ssyncset.done $0x0  }
0xfc: {  	[sflag:s7] =	ssyncadd.s32 $0xFFFFE800  }
0xfd: {  	[tilespmem:s31], [sflag:$0x11] =	stream.linear.gather [hbm4b:s8+s5], $0x30, $0x38;
	[tilespmem:$0x1FC80] =	vst v63  }
.Ltmp1:
0xfe: {  	(pc) =	sbr.rel @p0 .LBB2_4-.Ltmp1, $4  }
0xff: {  	[tilespmem:s24], [sflag:$0x5] =	stream.indirect.gather [hbm4b:s2+s28], $0x80, s9, s28, $0xb8;
	[tilespmem:$0x1FC80] =	vst v63  }
0x100: {  	s9 =	simm.s32 $0x1  }
0x101: {  	_ =	swait.ge [sflag:s13], $0x1800  }
0x102: {  	[sflag:s13] =	ssyncset.done $0x0  }
0x103: {  	[sflag:s13] =	ssyncadd.s32 $0xFFFFE800  }
0x104: {  	[tilespmem:s21], [sflag:$0x12] =	stream.linear.gather [hbm4b:s12+s5], $0x30, $0x38;
	[tilespmem:$0x1FC80] =	vst v63  }
0x105: {  	_ = 	snop  }
0x106: {  	[tilespmem:s15], [sflag:$0x6] =	stream.indirect.gather [hbm4b:s2+s28], $0x80, s0, s28, $0xb8;
	[tilespmem:$0x1FC80] =	vst v63  }
0x107: {  	_ =	swait.ge [sflag:s9], $0x1800  }
0x108: {  	[sflag:s9] =	ssyncset.done $0x0  }
0x109: {  	[sflag:s9] =	ssyncadd.s32 $0xFFFFE800  }
0x10a: {  	_ =	swait.ge [sflag:s26], $0x30  }
0x10b: {  	[sflag:s26] =	ssyncset.done $0x0  }
0x10c: {  	[sflag:s26] =	ssyncadd.s32 $0xFFFFFFD0  }
0x10d: {  	_ =	swait.ge [sflag:s29], $0x1800  }
0x10e: {  	[sflag:s29] =	ssyncset.done $0x0  }
0x10f: {  	s14 =	simm.s32 $0xE;
	[sflag:s29] =	ssyncadd.s32 $0xFFFFE800  }
0x110: {  	_ =	swait.ge [sflag:s14], $0x30  }
0x111: {  	[sflag:s14] =	ssyncset.done $0x0  }
0x112: {  	s15 =	simm.s32 $0x3;
	[sflag:s14] =	ssyncadd.s32 $0xFFFFFFD0  }
0x113: {  	_ =	swait.ge [sflag:s15], $0x1800  }
0x114: {  	[sflag:s15] =	ssyncset.done $0x0  }
0x115: {  	s19 =	simm.s32 $0xF;
	[sflag:s15] =	ssyncadd.s32 $0xFFFFE800  }
0x116: {  	_ =	swait.ge [sflag:s19], $0x30  }
0x117: {  	[sflag:s19] =	ssyncset.done $0x0  }
0x118: {  	s20 =	simm.s32 $0x4;
	[sflag:s19] =	ssyncadd.s32 $0xFFFFFFD0  }
0x119: {  	_ =	swait.ge [sflag:s20], $0x1800  }
0x11a: {  	[sflag:s20] =	ssyncset.done $0x0  }
0x11b: {  	s21 =	simm.s32 $0x10;
	[sflag:s20] =	ssyncadd.s32 $0xFFFFE800  }
0x11c: {  	_ =	swait.ge [sflag:s21], $0x30  }
0x11d: {  	[sflag:s21] =	ssyncset.done $0x0  }
0x11e: {  	[sflag:s21] =	ssyncadd.s32 $0xFFFFFFD0  }
0x11f: {  	_ =	swait.ge [sflag:s10], $0x1800  }
0x120: {  	[sflag:s10] =	ssyncset.done $0x0  }
0x121: {  	[sflag:s10] =	ssyncadd.s32 $0xFFFFE800  }
0x122: {  	_ =	swait.ge [sflag:s11], $0x30  }
0x123: {  	[sflag:s11] =	ssyncset.done $0x0  }
0x124: {  	s22 =	simm.s32 $0x6;
	[sflag:s11] =	ssyncadd.s32 $0xFFFFFFD0  }
0x125: {  	_ =	swait.ge [sflag:s22], $0x1800  }
0x126: {  	[sflag:s22] =	ssyncset.done $0x0  }
0x127: {  	s23 =	simm.s32 $0x12;
	[sflag:s22] =	ssyncadd.s32 $0xFFFFE800  }
0x128: {  	_ =	swait.ge [sflag:s23], $0x30  }
0x129: {  	[sflag:s23] =	ssyncset.done $0x0  }
0x12a: {  	s24 =	stileid.u32;
	[sflag:s23] =	ssyncadd.s32 $0xFFFFFFD0  }
0x12b: {  	s0 =	sshll.u32 s24, $0x6;
	[bflag:$0x0] =	sbarrier.arrive $0xFFFF  }
0x12c: {  	s0 =	sor.u32 $0x1C13, s0;
	s10 =	rddreg [dreg:$0xc]  }
0x12d: {  	s11 =	simm.s32 $0x13;
	s8 =	rddreg [dreg:$0xb];
	s1 =	sshrl.u32 s10, $0x3  }
0x12e: {  	[hbm:s8], [sflag:s0] =	dma.local [spmem:s1], $0x2800  }
0x12f: {  	_ =	swait.ge [sflag:s11], $0x2800  }
0x130: {  	s13 =	simm.s32 $0x4480;
	s25 =	rddreg [dreg:$0x15]  }
0x131: {  	s7 =	simm.s32 $0x2A80;
	s26 =	rddreg [dreg:$0xd];
	s1 =	sadd.s32 $0x1, s25  }
0x132: {  	s30 =	simm.s32 $0x4;
	s31 =	simm.s32 $0x10;
	p0 =	sne.s32 s1, s26  }
.Ltmp2:
0x133: {  	s12 =	simm.s32 $0x2880;
	s24 =	simm.s32 $0x2;
	(pc) =	sbr.rel @p0 .LBB2_1-.Ltmp2, $4  }
0x134: {  	s29 =	simm.s32 $0xF;
	s14 =	simm.s32 $0x5C80;
	s15 =	simm.s32 $0x2B00  }
0x135: {  	s19 =	simm.s32 $0x8C80;
	s20 =	simm.s32 $0x7480;
	s21 =	simm.s32 $0x2A00  }
0x136: {  	s22 =	simm.s32 $0xA480;
	s23 =	simm.s32 $0xD;
	[sflag:s11] =	ssyncset.done $0x0  }
0x137: {  	[sflag:s11] =	ssyncadd.s32 $0xFFFFD800;
	s25 =	simm.s32 $0xE;
	s26 =	simm.s32 $0x3  }
0x138: {  	_ =	sfence.sel $0x180000  }
0x139: {  	[bflag:$0x0] =	sbarrier.arrive $0xFFFF  }
0x13a: {  	_ =	strace $0x90000047  }
0x13b: {  	s0 =	stileid.u32;
	[bflag:$0x2] =	sbarrier.arrive $0xFFFF  }
0x13c: {  	p0 =	sne.s32 s0, $0x0;
	s0 =	rddreg [dreg:$0x3]  }
0x13d: {  	s0 =	sadd.s32 @!p0 $0x100000, s0  }
0x13e: {  	[sflag:s0] =	ssyncadd.tile.s32 @!p0 $0x1;
	_ =	shalt  }
.Lfunc_end2:
_tile_overlayer_lowered:
.L_overlay_start_2:
0x13f: {  	(tag) =	ssettag $0x2  }
0x140: {  	s0 =	rddreg [dreg:$0x0];
	s2 =	stileid.u32  }
0x141: {  	s1 =	rddreg [dreg:$0x1];
	p0 =	sne.s32 s2, $0x0  }
0x142: {  	s3 =	rddreg [dreg:$0x2];
	[bflag:$0x3] =	sbarrier.arrive $0xFFFF;
	s2 =	simm.s32 @!p0 $0x1C13  }
0x143: {  	[timem:s3], [sflag:s2] =	dma.local @!p0 [hbm:s0], s1  }
0x144: {  	s0 =	simm.s32 @!p0 $0x13  }
0x145: {  	_ =	swait.ge @!p0 [sflag:s0], s1  }
0x146: {  	s1 =	ssub.s32 @!p0 $0x0, s1;
	[sflag:s0] =	ssyncset.done @!p0 $0x0  }
0x147: {  	[sflag:s0] =	ssyncadd.s32 @!p0 s1  }
0x148: {  	[bflag:$0x3] =	sbarrier.arrive $0xFFFF  }
0x149: {  	_ =	shalt  }

</sc_bundles>
